<compile_context>
chip_gen: v7x
topology: tpu7x:2x2x1
jax: 0.10.2.dev20260603
libtpu: 0.0.44.dev20260713+nightly
codegen_flags: <defaults>
</compile_context>

<pallas_src>
import jax
import jax.numpy as jnp
from jax import lax
from jax.experimental import pallas as pl
from jax.experimental.pallas import tpu as pltpu
from jax.experimental.pallas import tpu_sc as plsc

_C = 1.0
_N = 10000
_E = 160000
_DIM = 257
_D = 256
_SCALE = float(_DIM) ** (-0.5)

_NC = 2
_NS = 16
_NW = _NC * _NS
_CH = 128
_NCHUNK = _E // _CH
_CPW = (_NCHUNK + _NW - 1) // _NW
_SC5 = 2
_CH2 = _CH * _SC5
_NSUP = _E // _CH2
_CPW2 = (_NSUP + _NS - 1) // _NS
_RPT = _N // _NS

_HALF = _D // 2



def _tc1_body(x0_ref, xs_ref, wq_ref, wk_ref, wv_ref,
              q_ref, k_ref, vlo_ref, vhi_ref):
    x0 = x0_ref[...]
    xs = xs_ref[...]
    sqrt_c = jnp.float32(_C) ** 0.5
    u2 = jnp.sum(xs * xs, axis=1, keepdims=True)
    un = jnp.sqrt(jnp.maximum(u2, 1e-12))
    alpha = jnp.maximum(sqrt_c * x0, 1.0 + 1e-7)
    dist = jnp.log(alpha + jnp.sqrt(alpha * alpha - 1.0)) / sqrt_c
    xt = (dist / un) * xs

    dn = (((1,), (1,)), ((), ()))
    q = lax.dot_general(xt, wq_ref[...], dn, preferred_element_type=jnp.float32)
    k = lax.dot_general(xt, wk_ref[...], dn, preferred_element_type=jnp.float32)
    v = lax.dot_general(xt, wv_ref[...], dn, preferred_element_type=jnp.float32)
    q_ref[...] = q * _SCALE
    k_ref[...] = k
    vlo_ref[...] = v[:, :_HALF]
    vhi_ref[...] = v[:, _HALF:]


def _tc1(x0, xs, wq, wk, wv):
    blk = 1000
    grid = _N // blk
    return pl.pallas_call(
        _tc1_body,
        grid=(grid,),
        in_specs=[
            pl.BlockSpec((blk, 1), lambda i: (i, 0)),
            pl.BlockSpec((blk, _D), lambda i: (i, 0)),
            pl.BlockSpec((_D, _D), lambda i: (0, 0)),
            pl.BlockSpec((_D, _D), lambda i: (0, 0)),
            pl.BlockSpec((_D, _D), lambda i: (0, 0)),
        ],
        out_specs=[
            pl.BlockSpec((blk, _D), lambda i: (i, 0)),
            pl.BlockSpec((blk, _D), lambda i: (i, 0)),
            pl.BlockSpec((blk, _HALF), lambda i: (i, 0)),
            pl.BlockSpec((blk, _HALF), lambda i: (i, 0)),
        ],
        out_shape=[
            jax.ShapeDtypeStruct((_N, _D), jnp.float32),
            jax.ShapeDtypeStruct((_N, _D), jnp.float32),
            jax.ShapeDtypeStruct((_N, _HALF), jnp.float32),
            jax.ShapeDtypeStruct((_N, _HALF), jnp.float32),
        ],
    )(x0, xs, wq, wk, wv)



def _sc_scores_body(q_hbm, k_hbm, row_hbm, col_hbm,
                    scores_hbm, pmax_hbm,
                    rowi, coli, qs, ks, sv, pmv, sem1, sem2):
    c = lax.axis_index("c")
    s = lax.axis_index("s")
    w = s * _NC + c

    pmv[...] = jnp.full((16,), -1e38, jnp.float32)

    def chunk(j, carry):
        cid = j * _NW + w

        @pl.when(cid < _NCHUNK)
        def _():
            base = cid * _CH
            pltpu.sync_copy(row_hbm.at[pl.ds(base, _CH)], rowi)
            pltpu.sync_copy(col_hbm.at[pl.ds(base, _CH)], coli)
            cps = []
            for h in range(2):
                hs = pl.ds(h * 64, 64)
                cps.append(pltpu.async_copy(k_hbm.at[rowi.at[hs]],
                                            ks.at[hs], sem1))
                cps.append(pltpu.async_copy(q_hbm.at[coli.at[hs]],
                                            qs.at[hs], sem2))
            for cp in cps:
                cp.wait()
            for g in range(_CH // 16):
                eidx = lax.iota(jnp.int32, 16) + g * 16
                acc = jnp.zeros((16,), jnp.float32)

                def dot16(dd, acc):
                    for t in range(16):
                        di = jnp.zeros((16,), jnp.int32) + (dd * 16 + t)
                        qv = plsc.load_gather(qs, [eidx, di])
                        kv = plsc.load_gather(ks, [eidx, di])
                        acc = acc + qv * kv
                    return acc

                acc = lax.fori_loop(0, _D // 16, dot16, acc)
                sv[pl.ds(g * 16, 16)] = acc
                pmv[...] = jnp.maximum(pmv[...], acc)
            pltpu.sync_copy(sv, scores_hbm.at[pl.ds(base, _CH)])

        return carry

    lax.fori_loop(0, _CPW, chunk, 0)
    pltpu.sync_copy(pmv, pmax_hbm.at[w])


def _sc_scores(q, k, row, col):
    mesh = plsc.VectorSubcoreMesh(core_axis_name="c", subcore_axis_name="s",
                                  num_cores=_NC, num_subcores=_NS)
    fn = pl.kernel(
        _sc_scores_body,
        out_type=(
            jax.ShapeDtypeStruct((_E,), jnp.float32),
            jax.ShapeDtypeStruct((_NW, 16), jnp.float32),
        ),
        mesh=mesh,
        scratch_types=[
            pltpu.VMEM((_CH,), jnp.int32),
            pltpu.VMEM((_CH,), jnp.int32),
            pltpu.VMEM((_CH, _D), jnp.float32),
            pltpu.VMEM((_CH, _D), jnp.float32),
            pltpu.VMEM((_CH,), jnp.float32),
            pltpu.VMEM((16,), jnp.float32),
            pltpu.SemaphoreType.DMA,
            pltpu.SemaphoreType.DMA,
        ],
        compiler_params=pltpu.CompilerParams(use_tc_tiling_on_sc=False, needs_layout_passes=False),
    )
    return fn(q, k, row, col)



def _sc_agg_body(scores_hbm, pmax_hbm, row2_hbm, col2_hbm, vall_hbm,
                 agg_hbm, ssum_hbm,
                 rowi2, coli2, sv, exv, vstage, sstage, pmv, accv, accs,
                 semi, semg, sems):
    c = lax.axis_index("c")
    s = lax.axis_index("s")

    pltpu.sync_copy(pmax_hbm, pmv)
    m16 = pmv[0, :]
    for r in range(1, _NW):
        m16 = jnp.maximum(m16, pmv[r, :])
    gm = jnp.max(m16)
    mv = jnp.zeros((16,), jnp.float32) + gm

    z = jnp.zeros((16,), jnp.float32)

    def zrow(i, _):
        for t in range(_HALF // 16):
            vstage[i, pl.ds(t * 16, 16)] = z
        sstage[i, :] = z
        return 0

    lax.fori_loop(0, _CH2, zrow, 0)
    rbase = s * _RPT
    for off in range(0, _RPT - _CH2 + 1, _CH2):
        pltpu.sync_copy(vstage, accv.at[pl.ds(rbase + off, _CH2)])
        pltpu.sync_copy(sstage, accs.at[pl.ds(rbase + off, _CH2)])
    _rem = _RPT % _CH2
    if _rem:
        pltpu.sync_copy(vstage.at[pl.ds(0, _rem)],
                        accv.at[pl.ds(rbase + _RPT - _rem, _rem)])
        pltpu.sync_copy(sstage.at[pl.ds(0, _rem)],
                        accs.at[pl.ds(rbase + _RPT - _rem, _rem)])
    plsc.subcore_barrier()

    def chunk(j, carry):
        cid = j * _NS + s

        @pl.when(cid < _NSUP)
        def do():
            base = cid * _SC5
            cp_r = pltpu.async_copy(row2_hbm.at[pl.ds(base, _SC5)], rowi2, semi)
            cp_c = pltpu.async_copy(col2_hbm.at[pl.ds(base, _SC5)], coli2, semi)
            pltpu.sync_copy(scores_hbm.at[pl.ds(base * _CH, _CH2)], sv)
            cp_r.wait()
            cp_c.wait()
            offv = jnp.zeros((16,), jnp.int32) + c * _N
            for p in range(_SC5):
                for t in range(_CH // 16):
                    sl = pl.ds(t * 16, 16)
                    rowi2[p, sl] = rowi2[p, sl] + offv
            gsets = [
                pltpu.async_copy(vall_hbm.at[rowi2.at[p]],
                                 vstage.at[pl.ds(p * _CH, _CH)], semg)
                for p in range(_SC5)
            ]
            zi = jnp.zeros((16,), jnp.int32)
            for g in range(_CH2 // 16):
                sg = sv[pl.ds(g * 16, 16)]
                ex = jnp.exp(sg - mv)
                exv[pl.ds(g * 16, 16)] = ex
                plsc.store_scatter(sstage,
                                   [lax.iota(jnp.int32, 16) + g * 16, zi], ex)
            for cp in gsets:
                cp.wait()

            def scale(ei, _):
                exb = plsc.load_gather(exv, [jnp.zeros((16,), jnp.int32) + ei])
                for t in range(_HALF // 16):
                    sl = pl.ds(t * 16, 16)
                    vstage[ei, sl] = vstage[ei, sl] * exb
                return 0

            lax.fori_loop(0, _CH2, scale, 0)
            ssets = [
                pltpu.async_copy(vstage.at[pl.ds(p * _CH, _CH)],
                                 accv.at[coli2.at[p]], sems, add=True)
                for p in range(_SC5)
            ]

            @pl.when(c == 0)
            def _():
                sc2 = [
                    pltpu.async_copy(sstage.at[pl.ds(p * _CH, _CH)],
                                     accs.at[coli2.at[p]], sems, add=True)
                    for p in range(_SC5)
                ]
                for cp in sc2:
                    cp.wait()
            for cp in ssets:
                cp.wait()

        return carry

    lax.fori_loop(0, _CPW2, chunk, 0)
    plsc.subcore_barrier()

    pltpu.sync_copy(accv.at[pl.ds(rbase, _RPT)],
                    agg_hbm.at[c, pl.ds(rbase, _RPT)])

    @pl.when(c == 0)
    def _():
        pltpu.sync_copy(accs.at[pl.ds(rbase, _RPT)],
                        ssum_hbm.at[pl.ds(rbase, _RPT)])


def _sc_agg(scores, pmax, row2, col2, vall):
    mesh = plsc.VectorSubcoreMesh(core_axis_name="c", subcore_axis_name="s",
                                  num_cores=_NC, num_subcores=_NS)
    fn = pl.kernel(
        _sc_agg_body,
        out_type=(
            jax.ShapeDtypeStruct((_NC, _N, _HALF), jnp.float32),
            jax.ShapeDtypeStruct((_N, 16), jnp.float32),
        ),
        mesh=mesh,
        scratch_types=[
            pltpu.VMEM((_SC5, _CH), jnp.int32),
            pltpu.VMEM((_SC5, _CH), jnp.int32),
            pltpu.VMEM((_CH2,), jnp.float32),
            pltpu.VMEM((_CH2,), jnp.float32),
            pltpu.VMEM((_CH2, _HALF), jnp.float32),
            pltpu.VMEM((_CH2, 16), jnp.float32),
            pltpu.VMEM((_NW, 16), jnp.float32),
            pltpu.VMEM_SHARED((_N, _HALF), jnp.float32),
            pltpu.VMEM_SHARED((_N, 16), jnp.float32),
            pltpu.SemaphoreType.DMA,
            pltpu.SemaphoreType.DMA,
            pltpu.SemaphoreType.DMA,
        ],
        compiler_params=pltpu.CompilerParams(use_tc_tiling_on_sc=False, needs_layout_passes=False),
    )
    return fn(scores, pmax, row2, col2, vall)



def _tc2_body(agg_ref, ss_ref, wo_ref, bo_ref, o0_ref, os_ref):
    a = agg_ref[...]
    agg = jnp.concatenate([a[0], a[1]], axis=1)
    ssum = ss_ref[...][:, 0:1]
    agg = agg / (ssum + 1e-16)
    dn = (((1,), (1,)), ((), ()))
    out = lax.dot_general(agg, wo_ref[...], dn,
                          preferred_element_type=jnp.float32) + bo_ref[...]
    sqrt_c = jnp.float32(_C) ** 0.5
    vn = jnp.sqrt(jnp.maximum(jnp.sum(out * out, axis=1, keepdims=True), 1e-12))
    theta = sqrt_c * vn
    et = jnp.exp(theta)
    eti = 1.0 / et
    o0_ref[...] = 0.5 * (et + eti) / sqrt_c
    os_ref[...] = 0.5 * (et - eti) * out / (sqrt_c * vn)


def _tc2(agg, ssum, wo, bo2):
    blk = 1000
    grid = _N // blk
    return pl.pallas_call(
        _tc2_body,
        grid=(grid,),
        in_specs=[
            pl.BlockSpec((_NC, blk, _HALF), lambda i: (0, i, 0)),
            pl.BlockSpec((blk, 16), lambda i: (i, 0)),
            pl.BlockSpec((_D, _D), lambda i: (0, 0)),
            pl.BlockSpec((1, _D), lambda i: (0, 0)),
        ],
        out_specs=[
            pl.BlockSpec((blk, 1), lambda i: (i, 0)),
            pl.BlockSpec((blk, _D), lambda i: (i, 0)),
        ],
        out_shape=[
            jax.ShapeDtypeStruct((_N, 1), jnp.float32),
            jax.ShapeDtypeStruct((_N, _D), jnp.float32),
        ],
    )(agg, ssum, wo, bo2)



@jax.jit
def kernel(x, edge_index, Wq, Wk, Wv, Wo, bo):
    x0 = x[:, :1]
    xs = x[:, 1:]
    row = edge_index[0]
    col = edge_index[1]
    q, k, vlo, vhi = _tc1(x0, xs, Wq, Wk, Wv)
    vall = jnp.concatenate([vlo, vhi], axis=0)
    row2 = row.reshape(_NCHUNK, _CH)
    col2 = col.reshape(_NCHUNK, _CH)
    scores, pmax = _sc_scores(q, k, row, col)
    agg, ssum = _sc_agg(scores, pmax, row2, col2, vall)
    o0, os = _tc2(agg, ssum, Wo, bo.reshape(1, _D))
    return jnp.concatenate([o0, os], axis=-1)

# --- scband reference (transcript-rebuilt; emitter-appended) ---
"""Pipeline reference for scband-hyperbolic-attention-10574209483387 (READ-ONLY COPY).

The authoritative reference and input builder live on the scoring server;
editing this copy changes nothing except your own understanding.
"""

import jax, jax.numpy as jnp
import numpy as np

C = 1.0
N = 10000
E = 160000
DIM = 257           # x has DIM = d+1 ambient coordinates
HEADS = 1
SCALE = (DIM // HEADS) ** (-0.5)  # module uses head_dim = dim // heads for the scale
D = DIM - 1         # spatial / tangent dimension used by the Linear layers


def setup_inputs(seed: int = 0) -> dict:
    key = jax.random.key(seed)
    k1, k2, k3, k4, k5, k6 = jax.random.split(key, 6)
    # Lift random spatial features onto the Lorentz hyperboloid <x,x>_L = -1/c
    spatial = 0.1 * jax.random.normal(k1, (N, D), dtype=jnp.float32)
    x0 = jnp.sqrt(1.0 / C + jnp.sum(spatial ** 2, axis=-1, keepdims=True))
    x = jnp.concatenate([x0, spatial], axis=-1)
    edge_index = jax.random.randint(k2, (2, E), 0, N, dtype=jnp.int32)
    s = 1.0 / np.sqrt(D)
    Wq = jax.random.normal(k3, (D, D), dtype=jnp.float32) * s
    Wk = jax.random.normal(k4, (D, D), dtype=jnp.float32) * s
    Wv = jax.random.normal(k5, (D, D), dtype=jnp.float32) * s
    Wo = jax.random.normal(k6, (D, D), dtype=jnp.float32) * s
    bo = jnp.zeros((D,), dtype=jnp.float32)
    return {"x": x, "edge_index": edge_index, "Wq": Wq, "Wk": Wk, "Wv": Wv, "Wo": Wo, "bo": bo}


def _segment_softmax(flat, seg, num_segments):
    smax = jax.ops.segment_max(flat, seg, num_segments=num_segments)
    ex = jnp.exp(flat - smax[seg])
    ssum = jax.ops.segment_sum(ex, seg, num_segments=num_segments)
    return ex / (ssum[seg] + 1e-16)


def reference(x, edge_index, Wq, Wk, Wv, Wo, bo):
    sqrt_c = jnp.sqrt(jnp.asarray(C, dtype=x.dtype))
    n = x.shape[0]
    # --- log map at the origin (Lorentz model), then drop the (zero) time coord ---
    x0 = x[:, :1]
    xs = x[:, 1:]
    u_norm = jnp.sqrt(jnp.clip(jnp.sum(xs ** 2, axis=-1, keepdims=True), 1e-12))
    alpha = jnp.clip(sqrt_c * x0, 1.0 + 1e-7, None)
    dist = jnp.arccosh(alpha) / sqrt_c
    x_tan = dist * xs / u_norm                      # (N, D) tangent, time coord dropped
    # --- multi-head attention over edges ---
    head_dim = D // HEADS
    Q = (x_tan @ Wq.T).reshape(n, HEADS, head_dim)
    K = (x_tan @ Wk.T).reshape(n, HEADS, head_dim)
    V = (x_tan @ Wv.T).reshape(n, HEADS, head_dim)
    row = edge_index[0]
    col = edge_index[1]
    q_e = Q[col]
    k_e = K[row]
    v_e = V[row]
    scores = jnp.sum(q_e * k_e, axis=-1) * SCALE    # (E, HEADS)
    seg = jnp.repeat(col, HEADS)
    att = _segment_softmax(scores.reshape(-1), seg, n)
    att = att.reshape(-1, HEADS, 1)
    weighted = att * v_e                             # (E, HEADS, head_dim)
    agg = jax.ops.segment_sum(weighted, col, num_segments=n)
    agg = agg.reshape(n, -1)
    out = agg @ Wo.T + bo                            # (N, D)
    # --- lift back to tangent (d+1) and exp map at origin ---
    vn = jnp.sqrt(jnp.clip(jnp.sum(out ** 2, axis=-1, keepdims=True), 1e-12))
    theta = sqrt_c * vn
    res0 = jnp.cosh(theta) / sqrt_c
    res_s = jnp.sinh(theta) * out / (sqrt_c * vn)
    return jnp.concatenate([res0, res_s], axis=-1)

if __name__ == "__main__":
    import jax
    _d = setup_inputs()
    print(jax.jit(kernel)(*tuple(_d.values())))

</pallas_src>

<mosaic_0001>
#map = affine_map<(d0, d1) -> (0)>
#map1 = affine_map<(d0, d1) -> (0, 0)>
#map2 = affine_map<(d0, d1) -> (0, 0, 0)>
module attributes {stable_mosaic.version = 14 : i64} {
  func.func @_sc_agg_body(%arg0: i32, %arg1: i32, %arg2: memref<160000xf32, #tpu.memory_space<hbm>>, %arg3: memref<32x16xf32, #tpu.memory_space<hbm>>, %arg4: memref<1250x128xi32, #tpu.memory_space<hbm>>, %arg5: memref<1250x128xi32, #tpu.memory_space<hbm>>, %arg6: memref<20000x128xf32, #tpu.memory_space<hbm>>, %arg7: memref<2x10000x128xf32, #tpu.memory_space<hbm>>, %arg8: memref<10000x16xf32, #tpu.memory_space<hbm>>, %arg9: memref<2x128xi32, #tpu.memory_space<vmem>>, %arg10: memref<2x128xi32, #tpu.memory_space<vmem>>, %arg11: memref<256xf32, #tpu.memory_space<vmem>>, %arg12: memref<256xf32, #tpu.memory_space<vmem>>, %arg13: memref<256x128xf32, #tpu.memory_space<vmem>>, %arg14: memref<256x16xf32, #tpu.memory_space<vmem>>, %arg15: memref<32x16xf32, #tpu.memory_space<vmem>>, %arg16: memref<10000x128xf32, #tpu.memory_space<vmem_shared>>, %arg17: memref<10000x16xf32, #tpu.memory_space<vmem_shared>>, %arg18: memref<!tpu.dma_semaphore, #tpu.memory_space<semaphore_mem>>, %arg19: memref<!tpu.dma_semaphore, #tpu.memory_space<semaphore_mem>>, %arg20: memref<!tpu.dma_semaphore, #tpu.memory_space<semaphore_mem>>) attributes {dimension_semantics = [#tpu.dimension_semantics<core_parallel>, #tpu.dimension_semantics<subcore_parallel>], iteration_bounds = array<i64: 2, 16>, scalar_prefetch = 0 : i64, scratch_operands = 12 : i64, tpu.core_type = #tpu.core_type<sc_vector_subcore>, window_params = [{transform_indices = #map}, {transform_indices = #map1}, {transform_indices = #map1}, {transform_indices = #map1}, {transform_indices = #map1}, {transform_indices = #map2}, {transform_indices = #map1}]} {
    "tpu.region"() ({
      %run_scoped3A = tpu.sem_alloc : memref<!tpu.dma_semaphore, #tpu.memory_space<semaphore_mem>>
      tpu.enqueue_dma source(%arg3 : memref<32x16xf32, #tpu.memory_space<hbm>>) target(%arg15 : memref<32x16xf32, #tpu.memory_space<vmem>>) target_semaphore(%run_scoped3A : memref<!tpu.dma_semaphore, #tpu.memory_space<semaphore_mem>>)
      tpu.wait_dma2 semaphore(%run_scoped3A : memref<!tpu.dma_semaphore, #tpu.memory_space<semaphore_mem>>) src(%arg3 : memref<32x16xf32, #tpu.memory_space<hbm>>) dst(%arg15 : memref<32x16xf32, #tpu.memory_space<vmem>>)
      tpu.yield
    }) : () -> ()
    %get3A = arith.constant 0 : i32
    %get3A_0 = arith.index_cast %get3A : i32 to index
    %get3A_1 = arith.constant 0 : index
    %get3A_2 = tpu.vector_load %arg15[%get3A_0, %get3A_1] {strides = array<i32>} : memref<32x16xf32, #tpu.memory_space<vmem>>, vector<16xf32>,
    %get3A_3 = arith.constant 1 : i32
    %get3A_4 = arith.index_cast %get3A_3 : i32 to index
    %get3A_5 = arith.constant 0 : index
    %get3A_6 = tpu.vector_load %arg15[%get3A_4, %get3A_5] {strides = array<i32>} : memref<32x16xf32, #tpu.memory_space<vmem>>, vector<16xf32>,
    %max3A = arith.maximumf %get3A_2, %get3A_6 : vector<16xf32>
    %get3A_7 = arith.constant 2 : i32
    %get3A_8 = arith.index_cast %get3A_7 : i32 to index
    %get3A_9 = arith.constant 0 : index
    %get3A_10 = tpu.vector_load %arg15[%get3A_8, %get3A_9] {strides = array<i32>} : memref<32x16xf32, #tpu.memory_space<vmem>>, vector<16xf32>,
    %max3A_11 = arith.maximumf %max3A, %get3A_10 : vector<16xf32>
    %get3A_12 = arith.constant 3 : i32
    %get3A_13 = arith.index_cast %get3A_12 : i32 to index
    %get3A_14 = arith.constant 0 : index
    %get3A_15 = tpu.vector_load %arg15[%get3A_13, %get3A_14] {strides = array<i32>} : memref<32x16xf32, #tpu.memory_space<vmem>>, vector<16xf32>,
    %max3A_16 = arith.maximumf %max3A_11, %get3A_15 : vector<16xf32>
    %get3A_17 = arith.constant 4 : i32
    %get3A_18 = arith.index_cast %get3A_17 : i32 to index
    %get3A_19 = arith.constant 0 : index
    %get3A_20 = tpu.vector_load %arg15[%get3A_18, %get3A_19] {strides = array<i32>} : memref<32x16xf32, #tpu.memory_space<vmem>>, vector<16xf32>,
    %max3A_21 = arith.maximumf %max3A_16, %get3A_20 : vector<16xf32>
    %get3A_22 = arith.constant 5 : i32
    %get3A_23 = arith.index_cast %get3A_22 : i32 to index
    %get3A_24 = arith.constant 0 : index
    %get3A_25 = tpu.vector_load %arg15[%get3A_23, %get3A_24] {strides = array<i32>} : memref<32x16xf32, #tpu.memory_space<vmem>>, vector<16xf32>,
    %max3A_26 = arith.maximumf %max3A_21, %get3A_25 : vector<16xf32>
    %get3A_27 = arith.constant 6 : i32
    %get3A_28 = arith.index_cast %get3A_27 : i32 to index
    %get3A_29 = arith.constant 0 : index
    %get3A_30 = tpu.vector_load %arg15[%get3A_28, %get3A_29] {strides = array<i32>} : memref<32x16xf32, #tpu.memory_space<vmem>>, vector<16xf32>,
    %max3A_31 = arith.maximumf %max3A_26, %get3A_30 : vector<16xf32>
    %get3A_32 = arith.constant 7 : i32
    %get3A_33 = arith.index_cast %get3A_32 : i32 to index
    %get3A_34 = arith.constant 0 : index
    %get3A_35 = tpu.vector_load %arg15[%get3A_33, %get3A_34] {strides = array<i32>} : memref<32x16xf32, #tpu.memory_space<vmem>>, vector<16xf32>,
    %max3A_36 = arith.maximumf %max3A_31, %get3A_35 : vector<16xf32>
    %get3A_37 = arith.constant 8 : i32
    %get3A_38 = arith.index_cast %get3A_37 : i32 to index
    %get3A_39 = arith.constant 0 : index
    %get3A_40 = tpu.vector_load %arg15[%get3A_38, %get3A_39] {strides = array<i32>} : memref<32x16xf32, #tpu.memory_space<vmem>>, vector<16xf32>,
    %max3A_41 = arith.maximumf %max3A_36, %get3A_40 : vector<16xf32>
    %get3A_42 = arith.constant 9 : i32
    %get3A_43 = arith.index_cast %get3A_42 : i32 to index
    %get3A_44 = arith.constant 0 : index
    %get3A_45 = tpu.vector_load %arg15[%get3A_43, %get3A_44] {strides = array<i32>} : memref<32x16xf32, #tpu.memory_space<vmem>>, vector<16xf32>,
    %max3A_46 = arith.maximumf %max3A_41, %get3A_45 : vector<16xf32>
    %get3A_47 = arith.constant 10 : i32
    %get3A_48 = arith.index_cast %get3A_47 : i32 to index
    %get3A_49 = arith.constant 0 : index
    %get3A_50 = tpu.vector_load %arg15[%get3A_48, %get3A_49] {strides = array<i32>} : memref<32x16xf32, #tpu.memory_space<vmem>>, vector<16xf32>,
    %max3A_51 = arith.maximumf %max3A_46, %get3A_50 : vector<16xf32>
    %get3A_52 = arith.constant 11 : i32
    %get3A_53 = arith.index_cast %get3A_52 : i32 to index
    %get3A_54 = arith.constant 0 : index
    %get3A_55 = tpu.vector_load %arg15[%get3A_53, %get3A_54] {strides = array<i32>} : memref<32x16xf32, #tpu.memory_space<vmem>>, vector<16xf32>,
    %max3A_56 = arith.maximumf %max3A_51, %get3A_55 : vector<16xf32>
    %get3A_57 = arith.constant 12 : i32
    %get3A_58 = arith.index_cast %get3A_57 : i32 to index
    %get3A_59 = arith.constant 0 : index
    %get3A_60 = tpu.vector_load %arg15[%get3A_58, %get3A_59] {strides = array<i32>} : memref<32x16xf32, #tpu.memory_space<vmem>>, vector<16xf32>,
    %max3A_61 = arith.maximumf %max3A_56, %get3A_60 : vector<16xf32>
    %get3A_62 = arith.constant 13 : i32
    %get3A_63 = arith.index_cast %get3A_62 : i32 to index
    %get3A_64 = arith.constant 0 : index
    %get3A_65 = tpu.vector_load %arg15[%get3A_63, %get3A_64] {strides = array<i32>} : memref<32x16xf32, #tpu.memory_space<vmem>>, vector<16xf32>,
    %max3A_66 = arith.maximumf %max3A_61, %get3A_65 : vector<16xf32>
    %get3A_67 = arith.constant 14 : i32
    %get3A_68 = arith.index_cast %get3A_67 : i32 to index
    %get3A_69 = arith.constant 0 : index
    %get3A_70 = tpu.vector_load %arg15[%get3A_68, %get3A_69] {strides = array<i32>} : memref<32x16xf32, #tpu.memory_space<vmem>>, vector<16xf32>,
    %max3A_71 = arith.maximumf %max3A_66, %get3A_70 : vector<16xf32>
    %get3A_72 = arith.constant 15 : i32
    %get3A_73 = arith.index_cast %get3A_72 : i32 to index
    %get3A_74 = arith.constant 0 : index
    %get3A_75 = tpu.vector_load %arg15[%get3A_73, %get3A_74] {strides = array<i32>} : memref<32x16xf32, #tpu.memory_space<vmem>>, vector<16xf32>,
    %max3A_76 = arith.maximumf %max3A_71, %get3A_75 : vector<16xf32>
    %get3A_77 = arith.constant 16 : i32
    %get3A_78 = arith.index_cast %get3A_77 : i32 to index
    %get3A_79 = arith.constant 0 : index
    %get3A_80 = tpu.vector_load %arg15[%get3A_78, %get3A_79] {strides = array<i32>} : memref<32x16xf32, #tpu.memory_space<vmem>>, vector<16xf32>,
    %max3A_81 = arith.maximumf %max3A_76, %get3A_80 : vector<16xf32>
    %get3A_82 = arith.constant 17 : i32
    %get3A_83 = arith.index_cast %get3A_82 : i32 to index
    %get3A_84 = arith.constant 0 : index
    %get3A_85 = tpu.vector_load %arg15[%get3A_83, %get3A_84] {strides = array<i32>} : memref<32x16xf32, #tpu.memory_space<vmem>>, vector<16xf32>,
    %max3A_86 = arith.maximumf %max3A_81, %get3A_85 : vector<16xf32>
    %get3A_87 = arith.constant 18 : i32
    %get3A_88 = arith.index_cast %get3A_87 : i32 to index
    %get3A_89 = arith.constant 0 : index
    %get3A_90 = tpu.vector_load %arg15[%get3A_88, %get3A_89] {strides = array<i32>} : memref<32x16xf32, #tpu.memory_space<vmem>>, vector<16xf32>,
    %max3A_91 = arith.maximumf %max3A_86, %get3A_90 : vector<16xf32>
    %get3A_92 = arith.constant 19 : i32
    %get3A_93 = arith.index_cast %get3A_92 : i32 to index
    %get3A_94 = arith.constant 0 : index
    %get3A_95 = tpu.vector_load %arg15[%get3A_93, %get3A_94] {strides = array<i32>} : memref<32x16xf32, #tpu.memory_space<vmem>>, vector<16xf32>,
    %max3A_96 = arith.maximumf %max3A_91, %get3A_95 : vector<16xf32>
    %get3A_97 = arith.constant 20 : i32
    %get3A_98 = arith.index_cast %get3A_97 : i32 to index
    %get3A_99 = arith.constant 0 : index
    %get3A_100 = tpu.vector_load %arg15[%get3A_98, %get3A_99] {strides = array<i32>} : memref<32x16xf32, #tpu.memory_space<vmem>>, vector<16xf32>,
    %max3A_101 = arith.maximumf %max3A_96, %get3A_100 : vector<16xf32>
    %get3A_102 = arith.constant 21 : i32
    %get3A_103 = arith.index_cast %get3A_102 : i32 to index
    %get3A_104 = arith.constant 0 : index
    %get3A_105 = tpu.vector_load %arg15[%get3A_103, %get3A_104] {strides = array<i32>} : memref<32x16xf32, #tpu.memory_space<vmem>>, vector<16xf32>,
    %max3A_106 = arith.maximumf %max3A_101, %get3A_105 : vector<16xf32>
    %get3A_107 = arith.constant 22 : i32
    %get3A_108 = arith.index_cast %get3A_107 : i32 to index
    %get3A_109 = arith.constant 0 : index
    %get3A_110 = tpu.vector_load %arg15[%get3A_108, %get3A_109] {strides = array<i32>} : memref<32x16xf32, #tpu.memory_space<vmem>>, vector<16xf32>,
    %max3A_111 = arith.maximumf %max3A_106, %get3A_110 : vector<16xf32>
    %get3A_112 = arith.constant 23 : i32
    %get3A_113 = arith.index_cast %get3A_112 : i32 to index
    %get3A_114 = arith.constant 0 : index
    %get3A_115 = tpu.vector_load %arg15[%get3A_113, %get3A_114] {strides = array<i32>} : memref<32x16xf32, #tpu.memory_space<vmem>>, vector<16xf32>,
    %max3A_116 = arith.maximumf %max3A_111, %get3A_115 : vector<16xf32>
    %get3A_117 = arith.constant 24 : i32
    %get3A_118 = arith.index_cast %get3A_117 : i32 to index
    %get3A_119 = arith.constant 0 : index
    %get3A_120 = tpu.vector_load %arg15[%get3A_118, %get3A_119] {strides = array<i32>} : memref<32x16xf32, #tpu.memory_space<vmem>>, vector<16xf32>,
    %max3A_121 = arith.maximumf %max3A_116, %get3A_120 : vector<16xf32>
    %get3A_122 = arith.constant 25 : i32
    %get3A_123 = arith.index_cast %get3A_122 : i32 to index
    %get3A_124 = arith.constant 0 : index
    %get3A_125 = tpu.vector_load %arg15[%get3A_123, %get3A_124] {strides = array<i32>} : memref<32x16xf32, #tpu.memory_space<vmem>>, vector<16xf32>,
    %max3A_126 = arith.maximumf %max3A_121, %get3A_125 : vector<16xf32>
    %get3A_127 = arith.constant 26 : i32
    %get3A_128 = arith.index_cast %get3A_127 : i32 to index
    %get3A_129 = arith.constant 0 : index
    %get3A_130 = tpu.vector_load %arg15[%get3A_128, %get3A_129] {strides = array<i32>} : memref<32x16xf32, #tpu.memory_space<vmem>>, vector<16xf32>,
    %max3A_131 = arith.maximumf %max3A_126, %get3A_130 : vector<16xf32>
    %get3A_132 = arith.constant 27 : i32
    %get3A_133 = arith.index_cast %get3A_132 : i32 to index
    %get3A_134 = arith.constant 0 : index
    %get3A_135 = tpu.vector_load %arg15[%get3A_133, %get3A_134] {strides = array<i32>} : memref<32x16xf32, #tpu.memory_space<vmem>>, vector<16xf32>,
    %max3A_136 = arith.maximumf %max3A_131, %get3A_135 : vector<16xf32>
    %get3A_137 = arith.constant 28 : i32
    %get3A_138 = arith.index_cast %get3A_137 : i32 to index
    %get3A_139 = arith.constant 0 : index
    %get3A_140 = tpu.vector_load %arg15[%get3A_138, %get3A_139] {strides = array<i32>} : memref<32x16xf32, #tpu.memory_space<vmem>>, vector<16xf32>,
    %max3A_141 = arith.maximumf %max3A_136, %get3A_140 : vector<16xf32>
    %get3A_142 = arith.constant 29 : i32
    %get3A_143 = arith.index_cast %get3A_142 : i32 to index
    %get3A_144 = arith.constant 0 : index
    %get3A_145 = tpu.vector_load %arg15[%get3A_143, %get3A_144] {strides = array<i32>} : memref<32x16xf32, #tpu.memory_space<vmem>>, vector<16xf32>,
    %max3A_146 = arith.maximumf %max3A_141, %get3A_145 : vector<16xf32>
    %get3A_147 = arith.constant 30 : i32
    %get3A_148 = arith.index_cast %get3A_147 : i32 to index
    %get3A_149 = arith.constant 0 : index
    %get3A_150 = tpu.vector_load %arg15[%get3A_148, %get3A_149] {strides = array<i32>} : memref<32x16xf32, #tpu.memory_space<vmem>>, vector<16xf32>,
    %max3A_151 = arith.maximumf %max3A_146, %get3A_150 : vector<16xf32>
    %get3A_152 = arith.constant 31 : i32
    %get3A_153 = arith.index_cast %get3A_152 : i32 to index
    %get3A_154 = arith.constant 0 : index
    %get3A_155 = tpu.vector_load %arg15[%get3A_153, %get3A_154] {strides = array<i32>} : memref<32x16xf32, #tpu.memory_space<vmem>>, vector<16xf32>,
    %max3A_156 = arith.maximumf %max3A_151, %get3A_155 : vector<16xf32>
    %reduce_max3A = arith.constant true
    %reduce_max3A_157 = vector.broadcast %reduce_max3A : i1 to vector<16xi1>
    %reduce_max3A_158 = tpu.scan <max>, %max3A_156 masked %reduce_max3A_157 : vector<16xf32>, vector<16xi1> -> vector<16xf32>
    %reduce_max3A_159 = vector.extract %reduce_max3A_158[15] : f32 from vector<16xf32>
    %broadcast_in_dim3A = arith.constant 0.000000e+00 : f32
    %broadcast_in_dim3A_160 = vector.broadcast %broadcast_in_dim3A : f32 to vector<16xf32>
    %add3A = vector.broadcast %reduce_max3A_159 : f32 to vector<16xf32>
    %add3A_161 = arith.addf %broadcast_in_dim3A_160, %add3A : vector<16xf32>
    %broadcast_in_dim3A_162 = arith.constant 0.000000e+00 : f32
    %broadcast_in_dim3A_163 = vector.broadcast %broadcast_in_dim3A_162 : f32 to vector<16xf32>
    %scan3A = arith.constant 0 : i32
    %scan3A_164 = arith.constant 0 : i32
    %scan3A_165 = arith.constant 256 : i32
    %scan3A_166 = arith.addi %scan3A_164, %scan3A_165 : i32
    %scan3A_167 = arith.constant 1 : i32
    %scan3A_168 = scf.for %scan3A_195 = %scan3A_164 to %scan3A_166 step %scan3A_167 iter_args(%scan3A_196 = %scan3A) -> (i32)  : i32 {
      %swap3A = arith.index_cast %scan3A_195 : i32 to index
      %swap3A_197 = arith.constant 0 : index
      %swap3A_198 = tpu.vector_load %arg13[%swap3A, %swap3A_197] {strides = array<i32>} : memref<256x128xf32, #tpu.memory_space<vmem>>, vector<16xf32>,
      tpu.vector_store %arg13[%swap3A, %swap3A_197], %broadcast_in_dim3A_163 {strides = array<i32>} : memref<256x128xf32, #tpu.memory_space<vmem>>, vector<16xf32>,
      %swap3A_199 = arith.index_cast %scan3A_195 : i32 to index
      %swap3A_200 = arith.constant 16 : index
      %swap3A_201 = tpu.vector_load %arg13[%swap3A_199, %swap3A_200] {strides = array<i32>} : memref<256x128xf32, #tpu.memory_space<vmem>>, vector<16xf32>,
      tpu.vector_store %arg13[%swap3A_199, %swap3A_200], %broadcast_in_dim3A_163 {strides = array<i32>} : memref<256x128xf32, #tpu.memory_space<vmem>>, vector<16xf32>,
      %swap3A_202 = arith.index_cast %scan3A_195 : i32 to index
      %swap3A_203 = arith.constant 32 : index
      %swap3A_204 = tpu.vector_load %arg13[%swap3A_202, %swap3A_203] {strides = array<i32>} : memref<256x128xf32, #tpu.memory_space<vmem>>, vector<16xf32>,
      tpu.vector_store %arg13[%swap3A_202, %swap3A_203], %broadcast_in_dim3A_163 {strides = array<i32>} : memref<256x128xf32, #tpu.memory_space<vmem>>, vector<16xf32>,
      %swap3A_205 = arith.index_cast %scan3A_195 : i32 to index
      %swap3A_206 = arith.constant 48 : index
      %swap3A_207 = tpu.vector_load %arg13[%swap3A_205, %swap3A_206] {strides = array<i32>} : memref<256x128xf32, #tpu.memory_space<vmem>>, vector<16xf32>,
      tpu.vector_store %arg13[%swap3A_205, %swap3A_206], %broadcast_in_dim3A_163 {strides = array<i32>} : memref<256x128xf32, #tpu.memory_space<vmem>>, vector<16xf32>,
      %swap3A_208 = arith.index_cast %scan3A_195 : i32 to index
      %swap3A_209 = arith.constant 64 : index
      %swap3A_210 = tpu.vector_load %arg13[%swap3A_208, %swap3A_209] {strides = array<i32>} : memref<256x128xf32, #tpu.memory_space<vmem>>, vector<16xf32>,
      tpu.vector_store %arg13[%swap3A_208, %swap3A_209], %broadcast_in_dim3A_163 {strides = array<i32>} : memref<256x128xf32, #tpu.memory_space<vmem>>, vector<16xf32>,
      %swap3A_211 = arith.index_cast %scan3A_195 : i32 to index
      %swap3A_212 = arith.constant 80 : index
      %swap3A_213 = tpu.vector_load %arg13[%swap3A_211, %swap3A_212] {strides = array<i32>} : memref<256x128xf32, #tpu.memory_space<vmem>>, vector<16xf32>,
      tpu.vector_store %arg13[%swap3A_211, %swap3A_212], %broadcast_in_dim3A_163 {strides = array<i32>} : memref<256x128xf32, #tpu.memory_space<vmem>>, vector<16xf32>,
      %swap3A_214 = arith.index_cast %scan3A_195 : i32 to index
      %swap3A_215 = arith.constant 96 : index
      %swap3A_216 = tpu.vector_load %arg13[%swap3A_214, %swap3A_215] {strides = array<i32>} : memref<256x128xf32, #tpu.memory_space<vmem>>, vector<16xf32>,
      tpu.vector_store %arg13[%swap3A_214, %swap3A_215], %broadcast_in_dim3A_163 {strides = array<i32>} : memref<256x128xf32, #tpu.memory_space<vmem>>, vector<16xf32>,
      %swap3A_217 = arith.index_cast %scan3A_195 : i32 to index
      %swap3A_218 = arith.constant 112 : index
      %swap3A_219 = tpu.vector_load %arg13[%swap3A_217, %swap3A_218] {strides = array<i32>} : memref<256x128xf32, #tpu.memory_space<vmem>>, vector<16xf32>,
      tpu.vector_store %arg13[%swap3A_217, %swap3A_218], %broadcast_in_dim3A_163 {strides = array<i32>} : memref<256x128xf32, #tpu.memory_space<vmem>>, vector<16xf32>,
      %swap3A_220 = arith.index_cast %scan3A_195 : i32 to index
      %swap3A_221 = arith.constant 0 : index
      %swap3A_222 = tpu.vector_load %arg14[%swap3A_220, %swap3A_221] {strides = array<i32>} : memref<256x16xf32, #tpu.memory_space<vmem>>, vector<16xf32>,
      tpu.vector_store %arg14[%swap3A_220, %swap3A_221], %broadcast_in_dim3A_163 {strides = array<i32>} : memref<256x16xf32, #tpu.memory_space<vmem>>, vector<16xf32>,
      %scan3A_223 = arith.constant 0 : i32
      scf.yield %scan3A_223 : i32
    }
    %scan3A_169 = arith.constant 256 : i32
    %mul3A = arith.constant 625 : i32
    %mul3A_170 = arith.muli %arg1, %mul3A : i32
    %add3A_171 = arith.constant 0 : i32
    %add3A_172 = arith.addi %mul3A_170, %add3A_171 : i32
    "tpu.region"() ({
      %run_scoped3A = tpu.sem_alloc : memref<!tpu.dma_semaphore, #tpu.memory_space<semaphore_mem>>
      %dma_start3A = arith.constant 0 : i32
      %dma_start3A_195 = tpu.memref_slice %arg16[%add3A_172, %dma_start3A] : memref<10000x128xf32, #tpu.memory_space<vmem_shared>> -> memref<256x128xf32, #tpu.memory_space<vmem_shared>>
      %dma_start3A_196 = arith.constant 0 : i32
      %dma_start3A_197 = tpu.memref_slice %arg16[%add3A_172, %dma_start3A_196] : memref<10000x128xf32, #tpu.memory_space<vmem_shared>> -> memref<256x128xf32, #tpu.memory_space<vmem_shared>>
      tpu.enqueue_dma source(%arg13 : memref<256x128xf32, #tpu.memory_space<vmem>>) target(%dma_start3A_197 : memref<256x128xf32, #tpu.memory_space<vmem_shared>>) target_semaphore(%run_scoped3A : memref<!tpu.dma_semaphore, #tpu.memory_space<semaphore_mem>>)
      %dma_wait3A = arith.constant 0 : i32
      %dma_wait3A_198 = tpu.memref_slice %arg16[%add3A_172, %dma_wait3A] : memref<10000x128xf32, #tpu.memory_space<vmem_shared>> -> memref<256x128xf32, #tpu.memory_space<vmem_shared>>
      %dma_wait3A_199 = arith.constant 0 : i32
      %dma_wait3A_200 = tpu.memref_slice %arg16[%add3A_172, %dma_wait3A_199] : memref<10000x128xf32, #tpu.memory_space<vmem_shared>> -> memref<256x128xf32, #tpu.memory_space<vmem_shared>>
      tpu.wait_dma2 semaphore(%run_scoped3A : memref<!tpu.dma_semaphore, #tpu.memory_space<semaphore_mem>>) src(%arg13 : memref<256x128xf32, #tpu.memory_space<vmem>>) dst(%dma_wait3A_200 : memref<256x128xf32, #tpu.memory_space<vmem_shared>>)
      tpu.yield
    }) : () -> ()
    %add3A_173 = arith.constant 0 : i32
    %add3A_174 = arith.addi %mul3A_170, %add3A_173 : i32
    "tpu.region"() ({
      %run_scoped3A = tpu.sem_alloc : memref<!tpu.dma_semaphore, #tpu.memory_space<semaphore_mem>>
      %dma_start3A = arith.constant 0 : i32
      %dma_start3A_195 = tpu.memref_slice %arg17[%add3A_174, %dma_start3A] : memref<10000x16xf32, #tpu.memory_space<vmem_shared>> -> memref<256x16xf32, #tpu.memory_space<vmem_shared>>
      %dma_start3A_196 = arith.constant 0 : i32
      %dma_start3A_197 = tpu.memref_slice %arg17[%add3A_174, %dma_start3A_196] : memref<10000x16xf32, #tpu.memory_space<vmem_shared>> -> memref<256x16xf32, #tpu.memory_space<vmem_shared>>
      tpu.enqueue_dma source(%arg14 : memref<256x16xf32, #tpu.memory_space<vmem>>) target(%dma_start3A_197 : memref<256x16xf32, #tpu.memory_space<vmem_shared>>) target_semaphore(%run_scoped3A : memref<!tpu.dma_semaphore, #tpu.memory_space<semaphore_mem>>)
      %dma_wait3A = arith.constant 0 : i32
      %dma_wait3A_198 = tpu.memref_slice %arg17[%add3A_174, %dma_wait3A] : memref<10000x16xf32, #tpu.memory_space<vmem_shared>> -> memref<256x16xf32, #tpu.memory_space<vmem_shared>>
      %dma_wait3A_199 = arith.constant 0 : i32
      %dma_wait3A_200 = tpu.memref_slice %arg17[%add3A_174, %dma_wait3A_199] : memref<10000x16xf32, #tpu.memory_space<vmem_shared>> -> memref<256x16xf32, #tpu.memory_space<vmem_shared>>
      tpu.wait_dma2 semaphore(%run_scoped3A : memref<!tpu.dma_semaphore, #tpu.memory_space<semaphore_mem>>) src(%arg14 : memref<256x16xf32, #tpu.memory_space<vmem>>) dst(%dma_wait3A_200 : memref<256x16xf32, #tpu.memory_space<vmem_shared>>)
      tpu.yield
    }) : () -> ()
    %add3A_175 = arith.constant 256 : i32
    %add3A_176 = arith.addi %mul3A_170, %add3A_175 : i32
    "tpu.region"() ({
      %run_scoped3A = tpu.sem_alloc : memref<!tpu.dma_semaphore, #tpu.memory_space<semaphore_mem>>
      %dma_start3A = arith.constant 0 : i32
      %dma_start3A_195 = tpu.memref_slice %arg16[%add3A_176, %dma_start3A] : memref<10000x128xf32, #tpu.memory_space<vmem_shared>> -> memref<256x128xf32, #tpu.memory_space<vmem_shared>>
      %dma_start3A_196 = arith.constant 0 : i32
      %dma_start3A_197 = tpu.memref_slice %arg16[%add3A_176, %dma_start3A_196] : memref<10000x128xf32, #tpu.memory_space<vmem_shared>> -> memref<256x128xf32, #tpu.memory_space<vmem_shared>>
      tpu.enqueue_dma source(%arg13 : memref<256x128xf32, #tpu.memory_space<vmem>>) target(%dma_start3A_197 : memref<256x128xf32, #tpu.memory_space<vmem_shared>>) target_semaphore(%run_scoped3A : memref<!tpu.dma_semaphore, #tpu.memory_space<semaphore_mem>>)
      %dma_wait3A = arith.constant 0 : i32
      %dma_wait3A_198 = tpu.memref_slice %arg16[%add3A_176, %dma_wait3A] : memref<10000x128xf32, #tpu.memory_space<vmem_shared>> -> memref<256x128xf32, #tpu.memory_space<vmem_shared>>
      %dma_wait3A_199 = arith.constant 0 : i32
      %dma_wait3A_200 = tpu.memref_slice %arg16[%add3A_176, %dma_wait3A_199] : memref<10000x128xf32, #tpu.memory_space<vmem_shared>> -> memref<256x128xf32, #tpu.memory_space<vmem_shared>>
      tpu.wait_dma2 semaphore(%run_scoped3A : memref<!tpu.dma_semaphore, #tpu.memory_space<semaphore_mem>>) src(%arg13 : memref<256x128xf32, #tpu.memory_space<vmem>>) dst(%dma_wait3A_200 : memref<256x128xf32, #tpu.memory_space<vmem_shared>>)
      tpu.yield
    }) : () -> ()
    %add3A_177 = arith.constant 256 : i32
    %add3A_178 = arith.addi %mul3A_170, %add3A_177 : i32
    "tpu.region"() ({
      %run_scoped3A = tpu.sem_alloc : memref<!tpu.dma_semaphore, #tpu.memory_space<semaphore_mem>>
      %dma_start3A = arith.constant 0 : i32
      %dma_start3A_195 = tpu.memref_slice %arg17[%add3A_178, %dma_start3A] : memref<10000x16xf32, #tpu.memory_space<vmem_shared>> -> memref<256x16xf32, #tpu.memory_space<vmem_shared>>
      %dma_start3A_196 = arith.constant 0 : i32
      %dma_start3A_197 = tpu.memref_slice %arg17[%add3A_178, %dma_start3A_196] : memref<10000x16xf32, #tpu.memory_space<vmem_shared>> -> memref<256x16xf32, #tpu.memory_space<vmem_shared>>
      tpu.enqueue_dma source(%arg14 : memref<256x16xf32, #tpu.memory_space<vmem>>) target(%dma_start3A_197 : memref<256x16xf32, #tpu.memory_space<vmem_shared>>) target_semaphore(%run_scoped3A : memref<!tpu.dma_semaphore, #tpu.memory_space<semaphore_mem>>)
      %dma_wait3A = arith.constant 0 : i32
      %dma_wait3A_198 = tpu.memref_slice %arg17[%add3A_178, %dma_wait3A] : memref<10000x16xf32, #tpu.memory_space<vmem_shared>> -> memref<256x16xf32, #tpu.memory_space<vmem_shared>>
      %dma_wait3A_199 = arith.constant 0 : i32
      %dma_wait3A_200 = tpu.memref_slice %arg17[%add3A_178, %dma_wait3A_199] : memref<10000x16xf32, #tpu.memory_space<vmem_shared>> -> memref<256x16xf32, #tpu.memory_space<vmem_shared>>
      tpu.wait_dma2 semaphore(%run_scoped3A : memref<!tpu.dma_semaphore, #tpu.memory_space<semaphore_mem>>) src(%arg14 : memref<256x16xf32, #tpu.memory_space<vmem>>) dst(%dma_wait3A_200 : memref<256x16xf32, #tpu.memory_space<vmem_shared>>)
      tpu.yield
    }) : () -> ()
    %add3A_179 = arith.constant 625 : i32
    %add3A_180 = arith.addi %mul3A_170, %add3A_179 : i32
    %sub3A = arith.constant 113 : i32
    %sub3A_181 = arith.subi %add3A_180, %sub3A : i32
    "tpu.region"() ({
      %run_scoped3A = tpu.sem_alloc : memref<!tpu.dma_semaphore, #tpu.memory_space<semaphore_mem>>
      %dma_start3A = arith.constant 0 : i32
      %dma_start3A_195 = arith.constant 0 : i32
      %dma_start3A_196 = tpu.memref_slice %arg13[%dma_start3A, %dma_start3A_195] : memref<256x128xf32, #tpu.memory_space<vmem>> -> memref<113x128xf32, #tpu.memory_space<vmem>>
      %dma_start3A_197 = arith.constant 0 : i32
      %dma_start3A_198 = tpu.memref_slice %arg16[%sub3A_181, %dma_start3A_197] : memref<10000x128xf32, #tpu.memory_space<vmem_shared>> -> memref<113x128xf32, #tpu.memory_space<vmem_shared>>
      %dma_start3A_199 = arith.constant 0 : i32
      %dma_start3A_200 = tpu.memref_slice %arg16[%sub3A_181, %dma_start3A_199] : memref<10000x128xf32, #tpu.memory_space<vmem_shared>> -> memref<113x128xf32, #tpu.memory_space<vmem_shared>>
      %dma_start3A_201 = arith.constant 0 : i32
      %dma_start3A_202 = arith.constant 0 : i32
      %dma_start3A_203 = tpu.memref_slice %arg13[%dma_start3A_201, %dma_start3A_202] : memref<256x128xf32, #tpu.memory_space<vmem>> -> memref<113x128xf32, #tpu.memory_space<vmem>>
      tpu.enqueue_dma source(%dma_start3A_203 : memref<113x128xf32, #tpu.memory_space<vmem>>) target(%dma_start3A_200 : memref<113x128xf32, #tpu.memory_space<vmem_shared>>) target_semaphore(%run_scoped3A : memref<!tpu.dma_semaphore, #tpu.memory_space<semaphore_mem>>)
      %dma_wait3A = arith.constant 0 : i32
      %dma_wait3A_204 = arith.constant 0 : i32
      %dma_wait3A_205 = tpu.memref_slice %arg13[%dma_wait3A, %dma_wait3A_204] : memref<256x128xf32, #tpu.memory_space<vmem>> -> memref<113x128xf32, #tpu.memory_space<vmem>>
      %dma_wait3A_206 = arith.constant 0 : i32
      %dma_wait3A_207 = tpu.memref_slice %arg16[%sub3A_181, %dma_wait3A_206] : memref<10000x128xf32, #tpu.memory_space<vmem_shared>> -> memref<113x128xf32, #tpu.memory_space<vmem_shared>>
      %dma_wait3A_208 = arith.constant 0 : i32
      %dma_wait3A_209 = tpu.memref_slice %arg16[%sub3A_181, %dma_wait3A_208] : memref<10000x128xf32, #tpu.memory_space<vmem_shared>> -> memref<113x128xf32, #tpu.memory_space<vmem_shared>>
      %dma_wait3A_210 = arith.constant 0 : i32
      %dma_wait3A_211 = arith.constant 0 : i32
      %dma_wait3A_212 = tpu.memref_slice %arg13[%dma_wait3A_210, %dma_wait3A_211] : memref<256x128xf32, #tpu.memory_space<vmem>> -> memref<113x128xf32, #tpu.memory_space<vmem>>
      tpu.wait_dma2 semaphore(%run_scoped3A : memref<!tpu.dma_semaphore, #tpu.memory_space<semaphore_mem>>) src(%dma_wait3A_212 : memref<113x128xf32, #tpu.memory_space<vmem>>) dst(%dma_wait3A_209 : memref<113x128xf32, #tpu.memory_space<vmem_shared>>)
      tpu.yield
    }) : () -> ()
    %add3A_182 = arith.constant 625 : i32
    %add3A_183 = arith.addi %mul3A_170, %add3A_182 : i32
    %sub3A_184 = arith.constant 113 : i32
    %sub3A_185 = arith.subi %add3A_183, %sub3A_184 : i32
    "tpu.region"() ({
      %run_scoped3A = tpu.sem_alloc : memref<!tpu.dma_semaphore, #tpu.memory_space<semaphore_mem>>
      %dma_start3A = arith.constant 0 : i32
      %dma_start3A_195 = arith.constant 0 : i32
      %dma_start3A_196 = tpu.memref_slice %arg14[%dma_start3A, %dma_start3A_195] : memref<256x16xf32, #tpu.memory_space<vmem>> -> memref<113x16xf32, #tpu.memory_space<vmem>>
      %dma_start3A_197 = arith.constant 0 : i32
      %dma_start3A_198 = tpu.memref_slice %arg17[%sub3A_185, %dma_start3A_197] : memref<10000x16xf32, #tpu.memory_space<vmem_shared>> -> memref<113x16xf32, #tpu.memory_space<vmem_shared>>
      %dma_start3A_199 = arith.constant 0 : i32
      %dma_start3A_200 = tpu.memref_slice %arg17[%sub3A_185, %dma_start3A_199] : memref<10000x16xf32, #tpu.memory_space<vmem_shared>> -> memref<113x16xf32, #tpu.memory_space<vmem_shared>>
      %dma_start3A_201 = arith.constant 0 : i32
      %dma_start3A_202 = arith.constant 0 : i32
      %dma_start3A_203 = tpu.memref_slice %arg14[%dma_start3A_201, %dma_start3A_202] : memref<256x16xf32, #tpu.memory_space<vmem>> -> memref<113x16xf32, #tpu.memory_space<vmem>>
      tpu.enqueue_dma source(%dma_start3A_203 : memref<113x16xf32, #tpu.memory_space<vmem>>) target(%dma_start3A_200 : memref<113x16xf32, #tpu.memory_space<vmem_shared>>) target_semaphore(%run_scoped3A : memref<!tpu.dma_semaphore, #tpu.memory_space<semaphore_mem>>)
      %dma_wait3A = arith.constant 0 : i32
      %dma_wait3A_204 = arith.constant 0 : i32
      %dma_wait3A_205 = tpu.memref_slice %arg14[%dma_wait3A, %dma_wait3A_204] : memref<256x16xf32, #tpu.memory_space<vmem>> -> memref<113x16xf32, #tpu.memory_space<vmem>>
      %dma_wait3A_206 = arith.constant 0 : i32
      %dma_wait3A_207 = tpu.memref_slice %arg17[%sub3A_185, %dma_wait3A_206] : memref<10000x16xf32, #tpu.memory_space<vmem_shared>> -> memref<113x16xf32, #tpu.memory_space<vmem_shared>>
      %dma_wait3A_208 = arith.constant 0 : i32
      %dma_wait3A_209 = tpu.memref_slice %arg17[%sub3A_185, %dma_wait3A_208] : memref<10000x16xf32, #tpu.memory_space<vmem_shared>> -> memref<113x16xf32, #tpu.memory_space<vmem_shared>>
      %dma_wait3A_210 = arith.constant 0 : i32
      %dma_wait3A_211 = arith.constant 0 : i32
      %dma_wait3A_212 = tpu.memref_slice %arg14[%dma_wait3A_210, %dma_wait3A_211] : memref<256x16xf32, #tpu.memory_space<vmem>> -> memref<113x16xf32, #tpu.memory_space<vmem>>
      tpu.wait_dma2 semaphore(%run_scoped3A : memref<!tpu.dma_semaphore, #tpu.memory_space<semaphore_mem>>) src(%dma_wait3A_212 : memref<113x16xf32, #tpu.memory_space<vmem>>) dst(%dma_wait3A_209 : memref<113x16xf32, #tpu.memory_space<vmem_shared>>)
      tpu.yield
    }) : () -> ()
    %barrier3A = arith.constant 0 : index
    tpu.barrier barrier_id(%barrier3A)
    %scan3A_186 = arith.constant 0 : i32
    %scan3A_187 = arith.constant 0 : i32
    %scan3A_188 = arith.constant 40 : i32
    %scan3A_189 = arith.addi %scan3A_187, %scan3A_188 : i32
    %scan3A_190 = arith.constant 1 : i32
    scf.for %scan3A_195 = %scan3A_187 to %scan3A_189 step %scan3A_190  : i32 {
      %mul3A_196 = arith.constant 16 : i32
      %mul3A_197 = arith.muli %scan3A_195, %mul3A_196 : i32
      %add3A_198 = arith.addi %mul3A_197, %arg1 : i32
      %lt3A = arith.constant 625 : i32
      %lt3A_199 = arith.cmpi slt, %add3A_198, %lt3A : i32
      %convert_element_type3A_200 = arith.extui %lt3A_199 : i1 to i32
      %cond3A_201 = arith.constant 0 : i32
      %cond3A_202 = arith.cmpi ne, %convert_element_type3A_200, %cond3A_201 : i32
      scf.if %cond3A_202 {
        %mul3A_203 = arith.constant 2 : i32
        %mul3A_204 = arith.muli %add3A_198, %mul3A_203 : i32
        %dma_start3A = arith.constant 0 : i32
        %dma_start3A_205 = tpu.memref_slice %arg4[%mul3A_204, %dma_start3A] : memref<1250x128xi32, #tpu.memory_space<hbm>> -> memref<2x128xi32, #tpu.memory_space<hbm>>
        %dma_start3A_206 = arith.constant 0 : i32
        %dma_start3A_207 = tpu.memref_slice %arg4[%mul3A_204, %dma_start3A_206] : memref<1250x128xi32, #tpu.memory_space<hbm>> -> memref<2x128xi32, #tpu.memory_space<hbm>>
        tpu.enqueue_dma source(%dma_start3A_207 : memref<2x128xi32, #tpu.memory_space<hbm>>) target(%arg9 : memref<2x128xi32, #tpu.memory_space<vmem>>) target_semaphore(%arg18 : memref<!tpu.dma_semaphore, #tpu.memory_space<semaphore_mem>>)
        %dma_start3A_208 = arith.constant 0 : i32
        %dma_start3A_209 = tpu.memref_slice %arg5[%mul3A_204, %dma_start3A_208] : memref<1250x128xi32, #tpu.memory_space<hbm>> -> memref<2x128xi32, #tpu.memory_space<hbm>>
        %dma_start3A_210 = arith.constant 0 : i32
        %dma_start3A_211 = tpu.memref_slice %arg5[%mul3A_204, %dma_start3A_210] : memref<1250x128xi32, #tpu.memory_space<hbm>> -> memref<2x128xi32, #tpu.memory_space<hbm>>
        tpu.enqueue_dma source(%dma_start3A_211 : memref<2x128xi32, #tpu.memory_space<hbm>>) target(%arg10 : memref<2x128xi32, #tpu.memory_space<vmem>>) target_semaphore(%arg18 : memref<!tpu.dma_semaphore, #tpu.memory_space<semaphore_mem>>)
        %mul3A_212 = arith.constant 128 : i32
        %mul3A_213 = arith.muli %mul3A_204, %mul3A_212 : i32
        "tpu.region"() ({
          %run_scoped3A = tpu.sem_alloc : memref<!tpu.dma_semaphore, #tpu.memory_space<semaphore_mem>>
          %dma_start3A_622 = tpu.memref_slice %arg2[%mul3A_213] : memref<160000xf32, #tpu.memory_space<hbm>> -> memref<256xf32, #tpu.memory_space<hbm>>
          %dma_start3A_623 = tpu.memref_slice %arg2[%mul3A_213] : memref<160000xf32, #tpu.memory_space<hbm>> -> memref<256xf32, #tpu.memory_space<hbm>>
          tpu.enqueue_dma source(%dma_start3A_623 : memref<256xf32, #tpu.memory_space<hbm>>) target(%arg11 : memref<256xf32, #tpu.memory_space<vmem>>) target_semaphore(%run_scoped3A : memref<!tpu.dma_semaphore, #tpu.memory_space<semaphore_mem>>)
          %dma_wait3A_624 = tpu.memref_slice %arg2[%mul3A_213] : memref<160000xf32, #tpu.memory_space<hbm>> -> memref<256xf32, #tpu.memory_space<hbm>>
          %dma_wait3A_625 = tpu.memref_slice %arg2[%mul3A_213] : memref<160000xf32, #tpu.memory_space<hbm>> -> memref<256xf32, #tpu.memory_space<hbm>>
          tpu.wait_dma2 semaphore(%run_scoped3A : memref<!tpu.dma_semaphore, #tpu.memory_space<semaphore_mem>>) src(%dma_wait3A_625 : memref<256xf32, #tpu.memory_space<hbm>>) dst(%arg11 : memref<256xf32, #tpu.memory_space<vmem>>)
          tpu.yield
        }) : () -> ()
        %dma_wait3A = arith.constant 0 : i32
        %dma_wait3A_214 = tpu.memref_slice %arg4[%mul3A_204, %dma_wait3A] : memref<1250x128xi32, #tpu.memory_space<hbm>> -> memref<2x128xi32, #tpu.memory_space<hbm>>
        %dma_wait3A_215 = arith.constant 0 : i32
        %dma_wait3A_216 = tpu.memref_slice %arg4[%mul3A_204, %dma_wait3A_215] : memref<1250x128xi32, #tpu.memory_space<hbm>> -> memref<2x128xi32, #tpu.memory_space<hbm>>
        tpu.wait_dma2 semaphore(%arg18 : memref<!tpu.dma_semaphore, #tpu.memory_space<semaphore_mem>>) src(%dma_wait3A_216 : memref<2x128xi32, #tpu.memory_space<hbm>>) dst(%arg9 : memref<2x128xi32, #tpu.memory_space<vmem>>)
        %dma_wait3A_217 = arith.constant 0 : i32
        %dma_wait3A_218 = tpu.memref_slice %arg5[%mul3A_204, %dma_wait3A_217] : memref<1250x128xi32, #tpu.memory_space<hbm>> -> memref<2x128xi32, #tpu.memory_space<hbm>>
        %dma_wait3A_219 = arith.constant 0 : i32
        %dma_wait3A_220 = tpu.memref_slice %arg5[%mul3A_204, %dma_wait3A_219] : memref<1250x128xi32, #tpu.memory_space<hbm>> -> memref<2x128xi32, #tpu.memory_space<hbm>>
        tpu.wait_dma2 semaphore(%arg18 : memref<!tpu.dma_semaphore, #tpu.memory_space<semaphore_mem>>) src(%dma_wait3A_220 : memref<2x128xi32, #tpu.memory_space<hbm>>) dst(%arg10 : memref<2x128xi32, #tpu.memory_space<vmem>>)
        %broadcast_in_dim3A_221 = arith.constant 0 : i32
        %broadcast_in_dim3A_222 = vector.broadcast %broadcast_in_dim3A_221 : i32 to vector<16xi32>
        %mul3A_223 = arith.constant 10000 : i32
        %mul3A_224 = arith.muli %arg0, %mul3A_223 : i32
        %add3A_225 = vector.broadcast %mul3A_224 : i32 to vector<16xi32>
        %add3A_226 = arith.addi %broadcast_in_dim3A_222, %add3A_225 : vector<16xi32>
        %get3A_227 = arith.constant 0 : i32
        %get3A_228 = arith.index_cast %get3A_227 : i32 to index
        %get3A_229 = arith.constant 0 : index
        %get3A_230 = tpu.vector_load %arg9[%get3A_228, %get3A_229] {strides = array<i32>} : memref<2x128xi32, #tpu.memory_space<vmem>>, vector<16xi32>,
        %add3A_231 = arith.addi %get3A_230, %add3A_226 : vector<16xi32>
        %swap3A = arith.constant 0 : i32
        %swap3A_232 = arith.index_cast %swap3A : i32 to index
        %swap3A_233 = arith.constant 0 : index
        %swap3A_234 = tpu.vector_load %arg9[%swap3A_232, %swap3A_233] {strides = array<i32>} : memref<2x128xi32, #tpu.memory_space<vmem>>, vector<16xi32>,
        tpu.vector_store %arg9[%swap3A_232, %swap3A_233], %add3A_231 {strides = array<i32>} : memref<2x128xi32, #tpu.memory_space<vmem>>, vector<16xi32>,
        %get3A_235 = arith.constant 0 : i32
        %get3A_236 = arith.index_cast %get3A_235 : i32 to index
        %get3A_237 = arith.constant 16 : index
        %get3A_238 = tpu.vector_load %arg9[%get3A_236, %get3A_237] {strides = array<i32>} : memref<2x128xi32, #tpu.memory_space<vmem>>, vector<16xi32>,
        %add3A_239 = arith.addi %get3A_238, %add3A_226 : vector<16xi32>
        %swap3A_240 = arith.constant 0 : i32
        %swap3A_241 = arith.index_cast %swap3A_240 : i32 to index
        %swap3A_242 = arith.constant 16 : index
        %swap3A_243 = tpu.vector_load %arg9[%swap3A_241, %swap3A_242] {strides = array<i32>} : memref<2x128xi32, #tpu.memory_space<vmem>>, vector<16xi32>,
        tpu.vector_store %arg9[%swap3A_241, %swap3A_242], %add3A_239 {strides = array<i32>} : memref<2x128xi32, #tpu.memory_space<vmem>>, vector<16xi32>,
        %get3A_244 = arith.constant 0 : i32
        %get3A_245 = arith.index_cast %get3A_244 : i32 to index
        %get3A_246 = arith.constant 32 : index
        %get3A_247 = tpu.vector_load %arg9[%get3A_245, %get3A_246] {strides = array<i32>} : memref<2x128xi32, #tpu.memory_space<vmem>>, vector<16xi32>,
        %add3A_248 = arith.addi %get3A_247, %add3A_226 : vector<16xi32>
        %swap3A_249 = arith.constant 0 : i32
        %swap3A_250 = arith.index_cast %swap3A_249 : i32 to index
        %swap3A_251 = arith.constant 32 : index
        %swap3A_252 = tpu.vector_load %arg9[%swap3A_250, %swap3A_251] {strides = array<i32>} : memref<2x128xi32, #tpu.memory_space<vmem>>, vector<16xi32>,
        tpu.vector_store %arg9[%swap3A_250, %swap3A_251], %add3A_248 {strides = array<i32>} : memref<2x128xi32, #tpu.memory_space<vmem>>, vector<16xi32>,
        %get3A_253 = arith.constant 0 : i32
        %get3A_254 = arith.index_cast %get3A_253 : i32 to index
        %get3A_255 = arith.constant 48 : index
        %get3A_256 = tpu.vector_load %arg9[%get3A_254, %get3A_255] {strides = array<i32>} : memref<2x128xi32, #tpu.memory_space<vmem>>, vector<16xi32>,
        %add3A_257 = arith.addi %get3A_256, %add3A_226 : vector<16xi32>
        %swap3A_258 = arith.constant 0 : i32
        %swap3A_259 = arith.index_cast %swap3A_258 : i32 to index
        %swap3A_260 = arith.constant 48 : index
        %swap3A_261 = tpu.vector_load %arg9[%swap3A_259, %swap3A_260] {strides = array<i32>} : memref<2x128xi32, #tpu.memory_space<vmem>>, vector<16xi32>,
        tpu.vector_store %arg9[%swap3A_259, %swap3A_260], %add3A_257 {strides = array<i32>} : memref<2x128xi32, #tpu.memory_space<vmem>>, vector<16xi32>,
        %get3A_262 = arith.constant 0 : i32
        %get3A_263 = arith.index_cast %get3A_262 : i32 to index
        %get3A_264 = arith.constant 64 : index
        %get3A_265 = tpu.vector_load %arg9[%get3A_263, %get3A_264] {strides = array<i32>} : memref<2x128xi32, #tpu.memory_space<vmem>>, vector<16xi32>,
        %add3A_266 = arith.addi %get3A_265, %add3A_226 : vector<16xi32>
        %swap3A_267 = arith.constant 0 : i32
        %swap3A_268 = arith.index_cast %swap3A_267 : i32 to index
        %swap3A_269 = arith.constant 64 : index
        %swap3A_270 = tpu.vector_load %arg9[%swap3A_268, %swap3A_269] {strides = array<i32>} : memref<2x128xi32, #tpu.memory_space<vmem>>, vector<16xi32>,
        tpu.vector_store %arg9[%swap3A_268, %swap3A_269], %add3A_266 {strides = array<i32>} : memref<2x128xi32, #tpu.memory_space<vmem>>, vector<16xi32>,
        %get3A_271 = arith.constant 0 : i32
        %get3A_272 = arith.index_cast %get3A_271 : i32 to index
        %get3A_273 = arith.constant 80 : index
        %get3A_274 = tpu.vector_load %arg9[%get3A_272, %get3A_273] {strides = array<i32>} : memref<2x128xi32, #tpu.memory_space<vmem>>, vector<16xi32>,
        %add3A_275 = arith.addi %get3A_274, %add3A_226 : vector<16xi32>
        %swap3A_276 = arith.constant 0 : i32
        %swap3A_277 = arith.index_cast %swap3A_276 : i32 to index
        %swap3A_278 = arith.constant 80 : index
        %swap3A_279 = tpu.vector_load %arg9[%swap3A_277, %swap3A_278] {strides = array<i32>} : memref<2x128xi32, #tpu.memory_space<vmem>>, vector<16xi32>,
        tpu.vector_store %arg9[%swap3A_277, %swap3A_278], %add3A_275 {strides = array<i32>} : memref<2x128xi32, #tpu.memory_space<vmem>>, vector<16xi32>,
        %get3A_280 = arith.constant 0 : i32
        %get3A_281 = arith.index_cast %get3A_280 : i32 to index
        %get3A_282 = arith.constant 96 : index
        %get3A_283 = tpu.vector_load %arg9[%get3A_281, %get3A_282] {strides = array<i32>} : memref<2x128xi32, #tpu.memory_space<vmem>>, vector<16xi32>,
        %add3A_284 = arith.addi %get3A_283, %add3A_226 : vector<16xi32>
        %swap3A_285 = arith.constant 0 : i32
        %swap3A_286 = arith.index_cast %swap3A_285 : i32 to index
        %swap3A_287 = arith.constant 96 : index
        %swap3A_288 = tpu.vector_load %arg9[%swap3A_286, %swap3A_287] {strides = array<i32>} : memref<2x128xi32, #tpu.memory_space<vmem>>, vector<16xi32>,
        tpu.vector_store %arg9[%swap3A_286, %swap3A_287], %add3A_284 {strides = array<i32>} : memref<2x128xi32, #tpu.memory_space<vmem>>, vector<16xi32>,
        %get3A_289 = arith.constant 0 : i32
        %get3A_290 = arith.index_cast %get3A_289 : i32 to index
        %get3A_291 = arith.constant 112 : index
        %get3A_292 = tpu.vector_load %arg9[%get3A_290, %get3A_291] {strides = array<i32>} : memref<2x128xi32, #tpu.memory_space<vmem>>, vector<16xi32>,
        %add3A_293 = arith.addi %get3A_292, %add3A_226 : vector<16xi32>
        %swap3A_294 = arith.constant 0 : i32
        %swap3A_295 = arith.index_cast %swap3A_294 : i32 to index
        %swap3A_296 = arith.constant 112 : index
        %swap3A_297 = tpu.vector_load %arg9[%swap3A_295, %swap3A_296] {strides = array<i32>} : memref<2x128xi32, #tpu.memory_space<vmem>>, vector<16xi32>,
        tpu.vector_store %arg9[%swap3A_295, %swap3A_296], %add3A_293 {strides = array<i32>} : memref<2x128xi32, #tpu.memory_space<vmem>>, vector<16xi32>,
        %get3A_298 = arith.constant 1 : i32
        %get3A_299 = arith.index_cast %get3A_298 : i32 to index
        %get3A_300 = arith.constant 0 : index
        %get3A_301 = tpu.vector_load %arg9[%get3A_299, %get3A_300] {strides = array<i32>} : memref<2x128xi32, #tpu.memory_space<vmem>>, vector<16xi32>,
        %add3A_302 = arith.addi %get3A_301, %add3A_226 : vector<16xi32>
        %swap3A_303 = arith.constant 1 : i32
        %swap3A_304 = arith.index_cast %swap3A_303 : i32 to index
        %swap3A_305 = arith.constant 0 : index
        %swap3A_306 = tpu.vector_load %arg9[%swap3A_304, %swap3A_305] {strides = array<i32>} : memref<2x128xi32, #tpu.memory_space<vmem>>, vector<16xi32>,
        tpu.vector_store %arg9[%swap3A_304, %swap3A_305], %add3A_302 {strides = array<i32>} : memref<2x128xi32, #tpu.memory_space<vmem>>, vector<16xi32>,
        %get3A_307 = arith.constant 1 : i32
        %get3A_308 = arith.index_cast %get3A_307 : i32 to index
        %get3A_309 = arith.constant 16 : index
        %get3A_310 = tpu.vector_load %arg9[%get3A_308, %get3A_309] {strides = array<i32>} : memref<2x128xi32, #tpu.memory_space<vmem>>, vector<16xi32>,
        %add3A_311 = arith.addi %get3A_310, %add3A_226 : vector<16xi32>
        %swap3A_312 = arith.constant 1 : i32
        %swap3A_313 = arith.index_cast %swap3A_312 : i32 to index
        %swap3A_314 = arith.constant 16 : index
        %swap3A_315 = tpu.vector_load %arg9[%swap3A_313, %swap3A_314] {strides = array<i32>} : memref<2x128xi32, #tpu.memory_space<vmem>>, vector<16xi32>,
        tpu.vector_store %arg9[%swap3A_313, %swap3A_314], %add3A_311 {strides = array<i32>} : memref<2x128xi32, #tpu.memory_space<vmem>>, vector<16xi32>,
        %get3A_316 = arith.constant 1 : i32
        %get3A_317 = arith.index_cast %get3A_316 : i32 to index
        %get3A_318 = arith.constant 32 : index
        %get3A_319 = tpu.vector_load %arg9[%get3A_317, %get3A_318] {strides = array<i32>} : memref<2x128xi32, #tpu.memory_space<vmem>>, vector<16xi32>,
        %add3A_320 = arith.addi %get3A_319, %add3A_226 : vector<16xi32>
        %swap3A_321 = arith.constant 1 : i32
        %swap3A_322 = arith.index_cast %swap3A_321 : i32 to index
        %swap3A_323 = arith.constant 32 : index
        %swap3A_324 = tpu.vector_load %arg9[%swap3A_322, %swap3A_323] {strides = array<i32>} : memref<2x128xi32, #tpu.memory_space<vmem>>, vector<16xi32>,
        tpu.vector_store %arg9[%swap3A_322, %swap3A_323], %add3A_320 {strides = array<i32>} : memref<2x128xi32, #tpu.memory_space<vmem>>, vector<16xi32>,
        %get3A_325 = arith.constant 1 : i32
        %get3A_326 = arith.index_cast %get3A_325 : i32 to index
        %get3A_327 = arith.constant 48 : index
        %get3A_328 = tpu.vector_load %arg9[%get3A_326, %get3A_327] {strides = array<i32>} : memref<2x128xi32, #tpu.memory_space<vmem>>, vector<16xi32>,
        %add3A_329 = arith.addi %get3A_328, %add3A_226 : vector<16xi32>
        %swap3A_330 = arith.constant 1 : i32
        %swap3A_331 = arith.index_cast %swap3A_330 : i32 to index
        %swap3A_332 = arith.constant 48 : index
        %swap3A_333 = tpu.vector_load %arg9[%swap3A_331, %swap3A_332] {strides = array<i32>} : memref<2x128xi32, #tpu.memory_space<vmem>>, vector<16xi32>,
        tpu.vector_store %arg9[%swap3A_331, %swap3A_332], %add3A_329 {strides = array<i32>} : memref<2x128xi32, #tpu.memory_space<vmem>>, vector<16xi32>,
        %get3A_334 = arith.constant 1 : i32
        %get3A_335 = arith.index_cast %get3A_334 : i32 to index
        %get3A_336 = arith.constant 64 : index
        %get3A_337 = tpu.vector_load %arg9[%get3A_335, %get3A_336] {strides = array<i32>} : memref<2x128xi32, #tpu.memory_space<vmem>>, vector<16xi32>,
        %add3A_338 = arith.addi %get3A_337, %add3A_226 : vector<16xi32>
        %swap3A_339 = arith.constant 1 : i32
        %swap3A_340 = arith.index_cast %swap3A_339 : i32 to index
        %swap3A_341 = arith.constant 64 : index
        %swap3A_342 = tpu.vector_load %arg9[%swap3A_340, %swap3A_341] {strides = array<i32>} : memref<2x128xi32, #tpu.memory_space<vmem>>, vector<16xi32>,
        tpu.vector_store %arg9[%swap3A_340, %swap3A_341], %add3A_338 {strides = array<i32>} : memref<2x128xi32, #tpu.memory_space<vmem>>, vector<16xi32>,
        %get3A_343 = arith.constant 1 : i32
        %get3A_344 = arith.index_cast %get3A_343 : i32 to index
        %get3A_345 = arith.constant 80 : index
        %get3A_346 = tpu.vector_load %arg9[%get3A_344, %get3A_345] {strides = array<i32>} : memref<2x128xi32, #tpu.memory_space<vmem>>, vector<16xi32>,
        %add3A_347 = arith.addi %get3A_346, %add3A_226 : vector<16xi32>
        %swap3A_348 = arith.constant 1 : i32
        %swap3A_349 = arith.index_cast %swap3A_348 : i32 to index
        %swap3A_350 = arith.constant 80 : index
        %swap3A_351 = tpu.vector_load %arg9[%swap3A_349, %swap3A_350] {strides = array<i32>} : memref<2x128xi32, #tpu.memory_space<vmem>>, vector<16xi32>,
        tpu.vector_store %arg9[%swap3A_349, %swap3A_350], %add3A_347 {strides = array<i32>} : memref<2x128xi32, #tpu.memory_space<vmem>>, vector<16xi32>,
        %get3A_352 = arith.constant 1 : i32
        %get3A_353 = arith.index_cast %get3A_352 : i32 to index
        %get3A_354 = arith.constant 96 : index
        %get3A_355 = tpu.vector_load %arg9[%get3A_353, %get3A_354] {strides = array<i32>} : memref<2x128xi32, #tpu.memory_space<vmem>>, vector<16xi32>,
        %add3A_356 = arith.addi %get3A_355, %add3A_226 : vector<16xi32>
        %swap3A_357 = arith.constant 1 : i32
        %swap3A_358 = arith.index_cast %swap3A_357 : i32 to index
        %swap3A_359 = arith.constant 96 : index
        %swap3A_360 = tpu.vector_load %arg9[%swap3A_358, %swap3A_359] {strides = array<i32>} : memref<2x128xi32, #tpu.memory_space<vmem>>, vector<16xi32>,
        tpu.vector_store %arg9[%swap3A_358, %swap3A_359], %add3A_356 {strides = array<i32>} : memref<2x128xi32, #tpu.memory_space<vmem>>, vector<16xi32>,
        %get3A_361 = arith.constant 1 : i32
        %get3A_362 = arith.index_cast %get3A_361 : i32 to index
        %get3A_363 = arith.constant 112 : index
        %get3A_364 = tpu.vector_load %arg9[%get3A_362, %get3A_363] {strides = array<i32>} : memref<2x128xi32, #tpu.memory_space<vmem>>, vector<16xi32>,
        %add3A_365 = arith.addi %get3A_364, %add3A_226 : vector<16xi32>
        %swap3A_366 = arith.constant 1 : i32
        %swap3A_367 = arith.index_cast %swap3A_366 : i32 to index
        %swap3A_368 = arith.constant 112 : index
        %swap3A_369 = tpu.vector_load %arg9[%swap3A_367, %swap3A_368] {strides = array<i32>} : memref<2x128xi32, #tpu.memory_space<vmem>>, vector<16xi32>,
        tpu.vector_store %arg9[%swap3A_367, %swap3A_368], %add3A_365 {strides = array<i32>} : memref<2x128xi32, #tpu.memory_space<vmem>>, vector<16xi32>,
        %dma_start3A_370 = arith.constant 0 : i32
        %dma_start3A_371 = arith.constant 0 : i32
        %dma_start3A_372 = arith.constant 0 : i32
        %dma_start3A_373 = tpu.memref_slice %arg13[%dma_start3A_371, %dma_start3A_372] : memref<256x128xf32, #tpu.memory_space<vmem>> -> memref<128x128xf32, #tpu.memory_space<vmem>>
        %dma_start3A_374 = arith.constant 0 : i32
        %dma_start3A_375 = tpu.memref_slice %arg9[%dma_start3A_370, %dma_start3A_374] : memref<2x128xi32, #tpu.memory_space<vmem>> -> memref<1x128xi32, #tpu.memory_space<vmem>>
        %dma_start3A_376 = tpu.memref_squeeze %dma_start3A_375 : memref<1x128xi32, #tpu.memory_space<vmem>> -> memref<128xi32, #tpu.memory_space<vmem>>
        %dma_start3A_377 = arith.constant 0 : i32
        %dma_start3A_378 = arith.constant 0 : i32
        %dma_start3A_379 = tpu.memref_slice %arg6[%dma_start3A_377, %dma_start3A_378] : memref<20000x128xf32, #tpu.memory_space<hbm>> -> memref<20000x128xf32, #tpu.memory_space<hbm>>
        tpu.enqueue_indirect_dma source(%dma_start3A_379 : memref<20000x128xf32, #tpu.memory_space<hbm>>) target(%dma_start3A_373 : memref<128x128xf32, #tpu.memory_space<vmem>>) offsets(%dma_start3A_376 : memref<128xi32, #tpu.memory_space<vmem>>) semaphore(%arg19 : memref<!tpu.dma_semaphore, #tpu.memory_space<semaphore_mem>>)
        %dma_start3A_380 = arith.constant 1 : i32
        %dma_start3A_381 = arith.constant 128 : i32
        %dma_start3A_382 = arith.constant 0 : i32
        %dma_start3A_383 = tpu.memref_slice %arg13[%dma_start3A_381, %dma_start3A_382] : memref<256x128xf32, #tpu.memory_space<vmem>> -> memref<128x128xf32, #tpu.memory_space<vmem>>
        %dma_start3A_384 = arith.constant 0 : i32
        %dma_start3A_385 = tpu.memref_slice %arg9[%dma_start3A_380, %dma_start3A_384] : memref<2x128xi32, #tpu.memory_space<vmem>> -> memref<1x128xi32, #tpu.memory_space<vmem>>
        %dma_start3A_386 = tpu.memref_squeeze %dma_start3A_385 : memref<1x128xi32, #tpu.memory_space<vmem>> -> memref<128xi32, #tpu.memory_space<vmem>>
        %dma_start3A_387 = arith.constant 0 : i32
        %dma_start3A_388 = arith.constant 0 : i32
        %dma_start3A_389 = tpu.memref_slice %arg6[%dma_start3A_387, %dma_start3A_388] : memref<20000x128xf32, #tpu.memory_space<hbm>> -> memref<20000x128xf32, #tpu.memory_space<hbm>>
        tpu.enqueue_indirect_dma source(%dma_start3A_389 : memref<20000x128xf32, #tpu.memory_space<hbm>>) target(%dma_start3A_383 : memref<128x128xf32, #tpu.memory_space<vmem>>) offsets(%dma_start3A_386 : memref<128xi32, #tpu.memory_space<vmem>>) semaphore(%arg19 : memref<!tpu.dma_semaphore, #tpu.memory_space<semaphore_mem>>)
        %broadcast_in_dim3A_390 = arith.constant 0 : i32
        %broadcast_in_dim3A_391 = vector.broadcast %broadcast_in_dim3A_390 : i32 to vector<16xi32>
        %get3A_392 = arith.constant 0 : index
        %get3A_393 = tpu.vector_load %arg11[%get3A_392] {strides = array<i32>} : memref<256xf32, #tpu.memory_space<vmem>>, vector<16xf32>,
        %sub3A_394 = arith.subf %get3A_393, %add3A_161 : vector<16xf32>
        %exp3A = math.exp %sub3A_394 : vector<16xf32>
        %swap3A_395 = arith.constant 0 : index
        %swap3A_396 = tpu.vector_load %arg12[%swap3A_395] {strides = array<i32>} : memref<256xf32, #tpu.memory_space<vmem>>, vector<16xf32>,
        tpu.vector_store %arg12[%swap3A_395], %exp3A {strides = array<i32>} : memref<256xf32, #tpu.memory_space<vmem>>, vector<16xf32>,
        %iota3A = tpu.iota {dimensions = array<i32: 0>} : vector<16xi32>
        %add3A_397 = arith.constant 0 : i32
        %add3A_398 = vector.broadcast %add3A_397 : i32 to vector<16xi32>
        %add3A_399 = arith.addi %iota3A, %add3A_398 : vector<16xi32>
        tpu.vector_store_idx %arg14[%add3A_399, %broadcast_in_dim3A_391], %exp3A : memref<256x16xf32, #tpu.memory_space<vmem>>[vector<16xi32>, vector<16xi32>], vector<16xf32>,
        %get3A_400 = arith.constant 16 : index
        %get3A_401 = tpu.vector_load %arg11[%get3A_400] {strides = array<i32>} : memref<256xf32, #tpu.memory_space<vmem>>, vector<16xf32>,
        %sub3A_402 = arith.subf %get3A_401, %add3A_161 : vector<16xf32>
        %exp3A_403 = math.exp %sub3A_402 : vector<16xf32>
        %swap3A_404 = arith.constant 16 : index
        %swap3A_405 = tpu.vector_load %arg12[%swap3A_404] {strides = array<i32>} : memref<256xf32, #tpu.memory_space<vmem>>, vector<16xf32>,
        tpu.vector_store %arg12[%swap3A_404], %exp3A_403 {strides = array<i32>} : memref<256xf32, #tpu.memory_space<vmem>>, vector<16xf32>,
        %iota3A_406 = tpu.iota {dimensions = array<i32: 0>} : vector<16xi32>
        %add3A_407 = arith.constant 16 : i32
        %add3A_408 = vector.broadcast %add3A_407 : i32 to vector<16xi32>
        %add3A_409 = arith.addi %iota3A_406, %add3A_408 : vector<16xi32>
        tpu.vector_store_idx %arg14[%add3A_409, %broadcast_in_dim3A_391], %exp3A_403 : memref<256x16xf32, #tpu.memory_space<vmem>>[vector<16xi32>, vector<16xi32>], vector<16xf32>,
        %get3A_410 = arith.constant 32 : index
        %get3A_411 = tpu.vector_load %arg11[%get3A_410] {strides = array<i32>} : memref<256xf32, #tpu.memory_space<vmem>>, vector<16xf32>,
        %sub3A_412 = arith.subf %get3A_411, %add3A_161 : vector<16xf32>
        %exp3A_413 = math.exp %sub3A_412 : vector<16xf32>
        %swap3A_414 = arith.constant 32 : index
        %swap3A_415 = tpu.vector_load %arg12[%swap3A_414] {strides = array<i32>} : memref<256xf32, #tpu.memory_space<vmem>>, vector<16xf32>,
        tpu.vector_store %arg12[%swap3A_414], %exp3A_413 {strides = array<i32>} : memref<256xf32, #tpu.memory_space<vmem>>, vector<16xf32>,
        %iota3A_416 = tpu.iota {dimensions = array<i32: 0>} : vector<16xi32>
        %add3A_417 = arith.constant 32 : i32
        %add3A_418 = vector.broadcast %add3A_417 : i32 to vector<16xi32>
        %add3A_419 = arith.addi %iota3A_416, %add3A_418 : vector<16xi32>
        tpu.vector_store_idx %arg14[%add3A_419, %broadcast_in_dim3A_391], %exp3A_413 : memref<256x16xf32, #tpu.memory_space<vmem>>[vector<16xi32>, vector<16xi32>], vector<16xf32>,
        %get3A_420 = arith.constant 48 : index
        %get3A_421 = tpu.vector_load %arg11[%get3A_420] {strides = array<i32>} : memref<256xf32, #tpu.memory_space<vmem>>, vector<16xf32>,
        %sub3A_422 = arith.subf %get3A_421, %add3A_161 : vector<16xf32>
        %exp3A_423 = math.exp %sub3A_422 : vector<16xf32>
        %swap3A_424 = arith.constant 48 : index
        %swap3A_425 = tpu.vector_load %arg12[%swap3A_424] {strides = array<i32>} : memref<256xf32, #tpu.memory_space<vmem>>, vector<16xf32>,
        tpu.vector_store %arg12[%swap3A_424], %exp3A_423 {strides = array<i32>} : memref<256xf32, #tpu.memory_space<vmem>>, vector<16xf32>,
        %iota3A_426 = tpu.iota {dimensions = array<i32: 0>} : vector<16xi32>
        %add3A_427 = arith.constant 48 : i32
        %add3A_428 = vector.broadcast %add3A_427 : i32 to vector<16xi32>
        %add3A_429 = arith.addi %iota3A_426, %add3A_428 : vector<16xi32>
        tpu.vector_store_idx %arg14[%add3A_429, %broadcast_in_dim3A_391], %exp3A_423 : memref<256x16xf32, #tpu.memory_space<vmem>>[vector<16xi32>, vector<16xi32>], vector<16xf32>,
        %get3A_430 = arith.constant 64 : index
        %get3A_431 = tpu.vector_load %arg11[%get3A_430] {strides = array<i32>} : memref<256xf32, #tpu.memory_space<vmem>>, vector<16xf32>,
        %sub3A_432 = arith.subf %get3A_431, %add3A_161 : vector<16xf32>
        %exp3A_433 = math.exp %sub3A_432 : vector<16xf32>
        %swap3A_434 = arith.constant 64 : index
        %swap3A_435 = tpu.vector_load %arg12[%swap3A_434] {strides = array<i32>} : memref<256xf32, #tpu.memory_space<vmem>>, vector<16xf32>,
        tpu.vector_store %arg12[%swap3A_434], %exp3A_433 {strides = array<i32>} : memref<256xf32, #tpu.memory_space<vmem>>, vector<16xf32>,
        %iota3A_436 = tpu.iota {dimensions = array<i32: 0>} : vector<16xi32>
        %add3A_437 = arith.constant 64 : i32
        %add3A_438 = vector.broadcast %add3A_437 : i32 to vector<16xi32>
        %add3A_439 = arith.addi %iota3A_436, %add3A_438 : vector<16xi32>
        tpu.vector_store_idx %arg14[%add3A_439, %broadcast_in_dim3A_391], %exp3A_433 : memref<256x16xf32, #tpu.memory_space<vmem>>[vector<16xi32>, vector<16xi32>], vector<16xf32>,
        %get3A_440 = arith.constant 80 : index
        %get3A_441 = tpu.vector_load %arg11[%get3A_440] {strides = array<i32>} : memref<256xf32, #tpu.memory_space<vmem>>, vector<16xf32>,
        %sub3A_442 = arith.subf %get3A_441, %add3A_161 : vector<16xf32>
        %exp3A_443 = math.exp %sub3A_442 : vector<16xf32>
        %swap3A_444 = arith.constant 80 : index
        %swap3A_445 = tpu.vector_load %arg12[%swap3A_444] {strides = array<i32>} : memref<256xf32, #tpu.memory_space<vmem>>, vector<16xf32>,
        tpu.vector_store %arg12[%swap3A_444], %exp3A_443 {strides = array<i32>} : memref<256xf32, #tpu.memory_space<vmem>>, vector<16xf32>,
        %iota3A_446 = tpu.iota {dimensions = array<i32: 0>} : vector<16xi32>
        %add3A_447 = arith.constant 80 : i32
        %add3A_448 = vector.broadcast %add3A_447 : i32 to vector<16xi32>
        %add3A_449 = arith.addi %iota3A_446, %add3A_448 : vector<16xi32>
        tpu.vector_store_idx %arg14[%add3A_449, %broadcast_in_dim3A_391], %exp3A_443 : memref<256x16xf32, #tpu.memory_space<vmem>>[vector<16xi32>, vector<16xi32>], vector<16xf32>,
        %get3A_450 = arith.constant 96 : index
        %get3A_451 = tpu.vector_load %arg11[%get3A_450] {strides = array<i32>} : memref<256xf32, #tpu.memory_space<vmem>>, vector<16xf32>,
        %sub3A_452 = arith.subf %get3A_451, %add3A_161 : vector<16xf32>
        %exp3A_453 = math.exp %sub3A_452 : vector<16xf32>
        %swap3A_454 = arith.constant 96 : index
        %swap3A_455 = tpu.vector_load %arg12[%swap3A_454] {strides = array<i32>} : memref<256xf32, #tpu.memory_space<vmem>>, vector<16xf32>,
        tpu.vector_store %arg12[%swap3A_454], %exp3A_453 {strides = array<i32>} : memref<256xf32, #tpu.memory_space<vmem>>, vector<16xf32>,
        %iota3A_456 = tpu.iota {dimensions = array<i32: 0>} : vector<16xi32>
        %add3A_457 = arith.constant 96 : i32
        %add3A_458 = vector.broadcast %add3A_457 : i32 to vector<16xi32>
        %add3A_459 = arith.addi %iota3A_456, %add3A_458 : vector<16xi32>
        tpu.vector_store_idx %arg14[%add3A_459, %broadcast_in_dim3A_391], %exp3A_453 : memref<256x16xf32, #tpu.memory_space<vmem>>[vector<16xi32>, vector<16xi32>], vector<16xf32>,
        %get3A_460 = arith.constant 112 : index
        %get3A_461 = tpu.vector_load %arg11[%get3A_460] {strides = array<i32>} : memref<256xf32, #tpu.memory_space<vmem>>, vector<16xf32>,
        %sub3A_462 = arith.subf %get3A_461, %add3A_161 : vector<16xf32>
        %exp3A_463 = math.exp %sub3A_462 : vector<16xf32>
        %swap3A_464 = arith.constant 112 : index
        %swap3A_465 = tpu.vector_load %arg12[%swap3A_464] {strides = array<i32>} : memref<256xf32, #tpu.memory_space<vmem>>, vector<16xf32>,
        tpu.vector_store %arg12[%swap3A_464], %exp3A_463 {strides = array<i32>} : memref<256xf32, #tpu.memory_space<vmem>>, vector<16xf32>,
        %iota3A_466 = tpu.iota {dimensions = array<i32: 0>} : vector<16xi32>
        %add3A_467 = arith.constant 112 : i32
        %add3A_468 = vector.broadcast %add3A_467 : i32 to vector<16xi32>
        %add3A_469 = arith.addi %iota3A_466, %add3A_468 : vector<16xi32>
        tpu.vector_store_idx %arg14[%add3A_469, %broadcast_in_dim3A_391], %exp3A_463 : memref<256x16xf32, #tpu.memory_space<vmem>>[vector<16xi32>, vector<16xi32>], vector<16xf32>,
        %get3A_470 = arith.constant 128 : index
        %get3A_471 = tpu.vector_load %arg11[%get3A_470] {strides = array<i32>} : memref<256xf32, #tpu.memory_space<vmem>>, vector<16xf32>,
        %sub3A_472 = arith.subf %get3A_471, %add3A_161 : vector<16xf32>
        %exp3A_473 = math.exp %sub3A_472 : vector<16xf32>
        %swap3A_474 = arith.constant 128 : index
        %swap3A_475 = tpu.vector_load %arg12[%swap3A_474] {strides = array<i32>} : memref<256xf32, #tpu.memory_space<vmem>>, vector<16xf32>,
        tpu.vector_store %arg12[%swap3A_474], %exp3A_473 {strides = array<i32>} : memref<256xf32, #tpu.memory_space<vmem>>, vector<16xf32>,
        %iota3A_476 = tpu.iota {dimensions = array<i32: 0>} : vector<16xi32>
        %add3A_477 = arith.constant 128 : i32
        %add3A_478 = vector.broadcast %add3A_477 : i32 to vector<16xi32>
        %add3A_479 = arith.addi %iota3A_476, %add3A_478 : vector<16xi32>
        tpu.vector_store_idx %arg14[%add3A_479, %broadcast_in_dim3A_391], %exp3A_473 : memref<256x16xf32, #tpu.memory_space<vmem>>[vector<16xi32>, vector<16xi32>], vector<16xf32>,
        %get3A_480 = arith.constant 144 : index
        %get3A_481 = tpu.vector_load %arg11[%get3A_480] {strides = array<i32>} : memref<256xf32, #tpu.memory_space<vmem>>, vector<16xf32>,
        %sub3A_482 = arith.subf %get3A_481, %add3A_161 : vector<16xf32>
        %exp3A_483 = math.exp %sub3A_482 : vector<16xf32>
        %swap3A_484 = arith.constant 144 : index
        %swap3A_485 = tpu.vector_load %arg12[%swap3A_484] {strides = array<i32>} : memref<256xf32, #tpu.memory_space<vmem>>, vector<16xf32>,
        tpu.vector_store %arg12[%swap3A_484], %exp3A_483 {strides = array<i32>} : memref<256xf32, #tpu.memory_space<vmem>>, vector<16xf32>,
        %iota3A_486 = tpu.iota {dimensions = array<i32: 0>} : vector<16xi32>
        %add3A_487 = arith.constant 144 : i32
        %add3A_488 = vector.broadcast %add3A_487 : i32 to vector<16xi32>
        %add3A_489 = arith.addi %iota3A_486, %add3A_488 : vector<16xi32>
        tpu.vector_store_idx %arg14[%add3A_489, %broadcast_in_dim3A_391], %exp3A_483 : memref<256x16xf32, #tpu.memory_space<vmem>>[vector<16xi32>, vector<16xi32>], vector<16xf32>,
        %get3A_490 = arith.constant 160 : index
        %get3A_491 = tpu.vector_load %arg11[%get3A_490] {strides = array<i32>} : memref<256xf32, #tpu.memory_space<vmem>>, vector<16xf32>,
        %sub3A_492 = arith.subf %get3A_491, %add3A_161 : vector<16xf32>
        %exp3A_493 = math.exp %sub3A_492 : vector<16xf32>
        %swap3A_494 = arith.constant 160 : index
        %swap3A_495 = tpu.vector_load %arg12[%swap3A_494] {strides = array<i32>} : memref<256xf32, #tpu.memory_space<vmem>>, vector<16xf32>,
        tpu.vector_store %arg12[%swap3A_494], %exp3A_493 {strides = array<i32>} : memref<256xf32, #tpu.memory_space<vmem>>, vector<16xf32>,
        %iota3A_496 = tpu.iota {dimensions = array<i32: 0>} : vector<16xi32>
        %add3A_497 = arith.constant 160 : i32
        %add3A_498 = vector.broadcast %add3A_497 : i32 to vector<16xi32>
        %add3A_499 = arith.addi %iota3A_496, %add3A_498 : vector<16xi32>
        tpu.vector_store_idx %arg14[%add3A_499, %broadcast_in_dim3A_391], %exp3A_493 : memref<256x16xf32, #tpu.memory_space<vmem>>[vector<16xi32>, vector<16xi32>], vector<16xf32>,
        %get3A_500 = arith.constant 176 : index
        %get3A_501 = tpu.vector_load %arg11[%get3A_500] {strides = array<i32>} : memref<256xf32, #tpu.memory_space<vmem>>, vector<16xf32>,
        %sub3A_502 = arith.subf %get3A_501, %add3A_161 : vector<16xf32>
        %exp3A_503 = math.exp %sub3A_502 : vector<16xf32>
        %swap3A_504 = arith.constant 176 : index
        %swap3A_505 = tpu.vector_load %arg12[%swap3A_504] {strides = array<i32>} : memref<256xf32, #tpu.memory_space<vmem>>, vector<16xf32>,
        tpu.vector_store %arg12[%swap3A_504], %exp3A_503 {strides = array<i32>} : memref<256xf32, #tpu.memory_space<vmem>>, vector<16xf32>,
        %iota3A_506 = tpu.iota {dimensions = array<i32: 0>} : vector<16xi32>
        %add3A_507 = arith.constant 176 : i32
        %add3A_508 = vector.broadcast %add3A_507 : i32 to vector<16xi32>
        %add3A_509 = arith.addi %iota3A_506, %add3A_508 : vector<16xi32>
        tpu.vector_store_idx %arg14[%add3A_509, %broadcast_in_dim3A_391], %exp3A_503 : memref<256x16xf32, #tpu.memory_space<vmem>>[vector<16xi32>, vector<16xi32>], vector<16xf32>,
        %get3A_510 = arith.constant 192 : index
        %get3A_511 = tpu.vector_load %arg11[%get3A_510] {strides = array<i32>} : memref<256xf32, #tpu.memory_space<vmem>>, vector<16xf32>,
        %sub3A_512 = arith.subf %get3A_511, %add3A_161 : vector<16xf32>
        %exp3A_513 = math.exp %sub3A_512 : vector<16xf32>
        %swap3A_514 = arith.constant 192 : index
        %swap3A_515 = tpu.vector_load %arg12[%swap3A_514] {strides = array<i32>} : memref<256xf32, #tpu.memory_space<vmem>>, vector<16xf32>,
        tpu.vector_store %arg12[%swap3A_514], %exp3A_513 {strides = array<i32>} : memref<256xf32, #tpu.memory_space<vmem>>, vector<16xf32>,
        %iota3A_516 = tpu.iota {dimensions = array<i32: 0>} : vector<16xi32>
        %add3A_517 = arith.constant 192 : i32
        %add3A_518 = vector.broadcast %add3A_517 : i32 to vector<16xi32>
        %add3A_519 = arith.addi %iota3A_516, %add3A_518 : vector<16xi32>
        tpu.vector_store_idx %arg14[%add3A_519, %broadcast_in_dim3A_391], %exp3A_513 : memref<256x16xf32, #tpu.memory_space<vmem>>[vector<16xi32>, vector<16xi32>], vector<16xf32>,
        %get3A_520 = arith.constant 208 : index
        %get3A_521 = tpu.vector_load %arg11[%get3A_520] {strides = array<i32>} : memref<256xf32, #tpu.memory_space<vmem>>, vector<16xf32>,
        %sub3A_522 = arith.subf %get3A_521, %add3A_161 : vector<16xf32>
        %exp3A_523 = math.exp %sub3A_522 : vector<16xf32>
        %swap3A_524 = arith.constant 208 : index
        %swap3A_525 = tpu.vector_load %arg12[%swap3A_524] {strides = array<i32>} : memref<256xf32, #tpu.memory_space<vmem>>, vector<16xf32>,
        tpu.vector_store %arg12[%swap3A_524], %exp3A_523 {strides = array<i32>} : memref<256xf32, #tpu.memory_space<vmem>>, vector<16xf32>,
        %iota3A_526 = tpu.iota {dimensions = array<i32: 0>} : vector<16xi32>
        %add3A_527 = arith.constant 208 : i32
        %add3A_528 = vector.broadcast %add3A_527 : i32 to vector<16xi32>
        %add3A_529 = arith.addi %iota3A_526, %add3A_528 : vector<16xi32>
        tpu.vector_store_idx %arg14[%add3A_529, %broadcast_in_dim3A_391], %exp3A_523 : memref<256x16xf32, #tpu.memory_space<vmem>>[vector<16xi32>, vector<16xi32>], vector<16xf32>,
        %get3A_530 = arith.constant 224 : index
        %get3A_531 = tpu.vector_load %arg11[%get3A_530] {strides = array<i32>} : memref<256xf32, #tpu.memory_space<vmem>>, vector<16xf32>,
        %sub3A_532 = arith.subf %get3A_531, %add3A_161 : vector<16xf32>
        %exp3A_533 = math.exp %sub3A_532 : vector<16xf32>
        %swap3A_534 = arith.constant 224 : index
        %swap3A_535 = tpu.vector_load %arg12[%swap3A_534] {strides = array<i32>} : memref<256xf32, #tpu.memory_space<vmem>>, vector<16xf32>,
        tpu.vector_store %arg12[%swap3A_534], %exp3A_533 {strides = array<i32>} : memref<256xf32, #tpu.memory_space<vmem>>, vector<16xf32>,
        %iota3A_536 = tpu.iota {dimensions = array<i32: 0>} : vector<16xi32>
        %add3A_537 = arith.constant 224 : i32
        %add3A_538 = vector.broadcast %add3A_537 : i32 to vector<16xi32>
        %add3A_539 = arith.addi %iota3A_536, %add3A_538 : vector<16xi32>
        tpu.vector_store_idx %arg14[%add3A_539, %broadcast_in_dim3A_391], %exp3A_533 : memref<256x16xf32, #tpu.memory_space<vmem>>[vector<16xi32>, vector<16xi32>], vector<16xf32>,
        %get3A_540 = arith.constant 240 : index
        %get3A_541 = tpu.vector_load %arg11[%get3A_540] {strides = array<i32>} : memref<256xf32, #tpu.memory_space<vmem>>, vector<16xf32>,
        %sub3A_542 = arith.subf %get3A_541, %add3A_161 : vector<16xf32>
        %exp3A_543 = math.exp %sub3A_542 : vector<16xf32>
        %swap3A_544 = arith.constant 240 : index
        %swap3A_545 = tpu.vector_load %arg12[%swap3A_544] {strides = array<i32>} : memref<256xf32, #tpu.memory_space<vmem>>, vector<16xf32>,
        tpu.vector_store %arg12[%swap3A_544], %exp3A_543 {strides = array<i32>} : memref<256xf32, #tpu.memory_space<vmem>>, vector<16xf32>,
        %iota3A_546 = tpu.iota {dimensions = array<i32: 0>} : vector<16xi32>
        %add3A_547 = arith.constant 240 : i32
        %add3A_548 = vector.broadcast %add3A_547 : i32 to vector<16xi32>
        %add3A_549 = arith.addi %iota3A_546, %add3A_548 : vector<16xi32>
        tpu.vector_store_idx %arg14[%add3A_549, %broadcast_in_dim3A_391], %exp3A_543 : memref<256x16xf32, #tpu.memory_space<vmem>>[vector<16xi32>, vector<16xi32>], vector<16xf32>,
        %dma_wait3A_550 = arith.constant 0 : i32
        %dma_wait3A_551 = arith.constant 0 : i32
        %dma_wait3A_552 = arith.constant 0 : i32
        %dma_wait3A_553 = tpu.memref_slice %arg13[%dma_wait3A_551, %dma_wait3A_552] : memref<256x128xf32, #tpu.memory_space<vmem>> -> memref<128x128xf32, #tpu.memory_space<vmem>>
        %dma_wait3A_554 = arith.constant 0 : i32
        %dma_wait3A_555 = tpu.memref_slice %arg9[%dma_wait3A_550, %dma_wait3A_554] : memref<2x128xi32, #tpu.memory_space<vmem>> -> memref<1x128xi32, #tpu.memory_space<vmem>>
        %dma_wait3A_556 = tpu.memref_squeeze %dma_wait3A_555 : memref<1x128xi32, #tpu.memory_space<vmem>> -> memref<128xi32, #tpu.memory_space<vmem>>
        %dma_wait3A_557 = arith.constant 0 : i32
        %dma_wait3A_558 = arith.constant 0 : i32
        %dma_wait3A_559 = tpu.memref_slice %arg6[%dma_wait3A_557, %dma_wait3A_558] : memref<20000x128xf32, #tpu.memory_space<hbm>> -> memref<20000x128xf32, #tpu.memory_space<hbm>>
        tpu.wait_indirect_dma semaphore(%arg19 : memref<!tpu.dma_semaphore, #tpu.memory_space<semaphore_mem>>) src(%dma_wait3A_559 : memref<20000x128xf32, #tpu.memory_space<hbm>>) dst(%dma_wait3A_553 : memref<128x128xf32, #tpu.memory_space<vmem>>)
        %dma_wait3A_560 = arith.constant 1 : i32
        %dma_wait3A_561 = arith.constant 128 : i32
        %dma_wait3A_562 = arith.constant 0 : i32
        %dma_wait3A_563 = tpu.memref_slice %arg13[%dma_wait3A_561, %dma_wait3A_562] : memref<256x128xf32, #tpu.memory_space<vmem>> -> memref<128x128xf32, #tpu.memory_space<vmem>>
        %dma_wait3A_564 = arith.constant 0 : i32
        %dma_wait3A_565 = tpu.memref_slice %arg9[%dma_wait3A_560, %dma_wait3A_564] : memref<2x128xi32, #tpu.memory_space<vmem>> -> memref<1x128xi32, #tpu.memory_space<vmem>>
        %dma_wait3A_566 = tpu.memref_squeeze %dma_wait3A_565 : memref<1x128xi32, #tpu.memory_space<vmem>> -> memref<128xi32, #tpu.memory_space<vmem>>
        %dma_wait3A_567 = arith.constant 0 : i32
        %dma_wait3A_568 = arith.constant 0 : i32
        %dma_wait3A_569 = tpu.memref_slice %arg6[%dma_wait3A_567, %dma_wait3A_568] : memref<20000x128xf32, #tpu.memory_space<hbm>> -> memref<20000x128xf32, #tpu.memory_space<hbm>>
        tpu.wait_indirect_dma semaphore(%arg19 : memref<!tpu.dma_semaphore, #tpu.memory_space<semaphore_mem>>) src(%dma_wait3A_569 : memref<20000x128xf32, #tpu.memory_space<hbm>>) dst(%dma_wait3A_563 : memref<128x128xf32, #tpu.memory_space<vmem>>)
        %scan3A_570 = arith.constant 0 : i32
        %scan3A_571 = arith.constant 0 : i32
        %scan3A_572 = arith.constant 256 : i32
        %scan3A_573 = arith.addi %scan3A_571, %scan3A_572 : i32
        %scan3A_574 = arith.constant 1 : i32
        %scan3A_575 = scf.for %scan3A_622 = %scan3A_571 to %scan3A_573 step %scan3A_574 iter_args(%scan3A_623 = %scan3A_570) -> (i32)  : i32 {
          %broadcast_in_dim3A_624 = arith.constant 0 : i32
          %broadcast_in_dim3A_625 = vector.broadcast %broadcast_in_dim3A_624 : i32 to vector<16xi32>
          %add3A_626 = vector.broadcast %scan3A_622 : i32 to vector<16xi32>
          %add3A_627 = arith.addi %broadcast_in_dim3A_625, %add3A_626 : vector<16xi32>
          %gather3A = tpu.vector_load_idx %arg12[%add3A_627] : memref<256xf32, #tpu.memory_space<vmem>>[vector<16xi32>], vector<16xf32>,
          %get3A_628 = arith.index_cast %scan3A_622 : i32 to index
          %get3A_629 = arith.constant 0 : index
          %get3A_630 = tpu.vector_load %arg13[%get3A_628, %get3A_629] {strides = array<i32>} : memref<256x128xf32, #tpu.memory_space<vmem>>, vector<16xf32>,
          %mul3A_631 = arith.mulf %get3A_630, %gather3A : vector<16xf32>
          %swap3A_632 = arith.index_cast %scan3A_622 : i32 to index
          %swap3A_633 = arith.constant 0 : index
          %swap3A_634 = tpu.vector_load %arg13[%swap3A_632, %swap3A_633] {strides = array<i32>} : memref<256x128xf32, #tpu.memory_space<vmem>>, vector<16xf32>,
          tpu.vector_store %arg13[%swap3A_632, %swap3A_633], %mul3A_631 {strides = array<i32>} : memref<256x128xf32, #tpu.memory_space<vmem>>, vector<16xf32>,
          %get3A_635 = arith.index_cast %scan3A_622 : i32 to index
          %get3A_636 = arith.constant 16 : index
          %get3A_637 = tpu.vector_load %arg13[%get3A_635, %get3A_636] {strides = array<i32>} : memref<256x128xf32, #tpu.memory_space<vmem>>, vector<16xf32>,
          %mul3A_638 = arith.mulf %get3A_637, %gather3A : vector<16xf32>
          %swap3A_639 = arith.index_cast %scan3A_622 : i32 to index
          %swap3A_640 = arith.constant 16 : index
          %swap3A_641 = tpu.vector_load %arg13[%swap3A_639, %swap3A_640] {strides = array<i32>} : memref<256x128xf32, #tpu.memory_space<vmem>>, vector<16xf32>,
          tpu.vector_store %arg13[%swap3A_639, %swap3A_640], %mul3A_638 {strides = array<i32>} : memref<256x128xf32, #tpu.memory_space<vmem>>, vector<16xf32>,
          %get3A_642 = arith.index_cast %scan3A_622 : i32 to index
          %get3A_643 = arith.constant 32 : index
          %get3A_644 = tpu.vector_load %arg13[%get3A_642, %get3A_643] {strides = array<i32>} : memref<256x128xf32, #tpu.memory_space<vmem>>, vector<16xf32>,
          %mul3A_645 = arith.mulf %get3A_644, %gather3A : vector<16xf32>
          %swap3A_646 = arith.index_cast %scan3A_622 : i32 to index
          %swap3A_647 = arith.constant 32 : index
          %swap3A_648 = tpu.vector_load %arg13[%swap3A_646, %swap3A_647] {strides = array<i32>} : memref<256x128xf32, #tpu.memory_space<vmem>>, vector<16xf32>,
          tpu.vector_store %arg13[%swap3A_646, %swap3A_647], %mul3A_645 {strides = array<i32>} : memref<256x128xf32, #tpu.memory_space<vmem>>, vector<16xf32>,
          %get3A_649 = arith.index_cast %scan3A_622 : i32 to index
          %get3A_650 = arith.constant 48 : index
          %get3A_651 = tpu.vector_load %arg13[%get3A_649, %get3A_650] {strides = array<i32>} : memref<256x128xf32, #tpu.memory_space<vmem>>, vector<16xf32>,
          %mul3A_652 = arith.mulf %get3A_651, %gather3A : vector<16xf32>
          %swap3A_653 = arith.index_cast %scan3A_622 : i32 to index
          %swap3A_654 = arith.constant 48 : index
          %swap3A_655 = tpu.vector_load %arg13[%swap3A_653, %swap3A_654] {strides = array<i32>} : memref<256x128xf32, #tpu.memory_space<vmem>>, vector<16xf32>,
          tpu.vector_store %arg13[%swap3A_653, %swap3A_654], %mul3A_652 {strides = array<i32>} : memref<256x128xf32, #tpu.memory_space<vmem>>, vector<16xf32>,
          %get3A_656 = arith.index_cast %scan3A_622 : i32 to index
          %get3A_657 = arith.constant 64 : index
          %get3A_658 = tpu.vector_load %arg13[%get3A_656, %get3A_657] {strides = array<i32>} : memref<256x128xf32, #tpu.memory_space<vmem>>, vector<16xf32>,
          %mul3A_659 = arith.mulf %get3A_658, %gather3A : vector<16xf32>
          %swap3A_660 = arith.index_cast %scan3A_622 : i32 to index
          %swap3A_661 = arith.constant 64 : index
          %swap3A_662 = tpu.vector_load %arg13[%swap3A_660, %swap3A_661] {strides = array<i32>} : memref<256x128xf32, #tpu.memory_space<vmem>>, vector<16xf32>,
          tpu.vector_store %arg13[%swap3A_660, %swap3A_661], %mul3A_659 {strides = array<i32>} : memref<256x128xf32, #tpu.memory_space<vmem>>, vector<16xf32>,
          %get3A_663 = arith.index_cast %scan3A_622 : i32 to index
          %get3A_664 = arith.constant 80 : index
          %get3A_665 = tpu.vector_load %arg13[%get3A_663, %get3A_664] {strides = array<i32>} : memref<256x128xf32, #tpu.memory_space<vmem>>, vector<16xf32>,
          %mul3A_666 = arith.mulf %get3A_665, %gather3A : vector<16xf32>
          %swap3A_667 = arith.index_cast %scan3A_622 : i32 to index
          %swap3A_668 = arith.constant 80 : index
          %swap3A_669 = tpu.vector_load %arg13[%swap3A_667, %swap3A_668] {strides = array<i32>} : memref<256x128xf32, #tpu.memory_space<vmem>>, vector<16xf32>,
          tpu.vector_store %arg13[%swap3A_667, %swap3A_668], %mul3A_666 {strides = array<i32>} : memref<256x128xf32, #tpu.memory_space<vmem>>, vector<16xf32>,
          %get3A_670 = arith.index_cast %scan3A_622 : i32 to index
          %get3A_671 = arith.constant 96 : index
          %get3A_672 = tpu.vector_load %arg13[%get3A_670, %get3A_671] {strides = array<i32>} : memref<256x128xf32, #tpu.memory_space<vmem>>, vector<16xf32>,
          %mul3A_673 = arith.mulf %get3A_672, %gather3A : vector<16xf32>
          %swap3A_674 = arith.index_cast %scan3A_622 : i32 to index
          %swap3A_675 = arith.constant 96 : index
          %swap3A_676 = tpu.vector_load %arg13[%swap3A_674, %swap3A_675] {strides = array<i32>} : memref<256x128xf32, #tpu.memory_space<vmem>>, vector<16xf32>,
          tpu.vector_store %arg13[%swap3A_674, %swap3A_675], %mul3A_673 {strides = array<i32>} : memref<256x128xf32, #tpu.memory_space<vmem>>, vector<16xf32>,
          %get3A_677 = arith.index_cast %scan3A_622 : i32 to index
          %get3A_678 = arith.constant 112 : index
          %get3A_679 = tpu.vector_load %arg13[%get3A_677, %get3A_678] {strides = array<i32>} : memref<256x128xf32, #tpu.memory_space<vmem>>, vector<16xf32>,
          %mul3A_680 = arith.mulf %get3A_679, %gather3A : vector<16xf32>
          %swap3A_681 = arith.index_cast %scan3A_622 : i32 to index
          %swap3A_682 = arith.constant 112 : index
          %swap3A_683 = tpu.vector_load %arg13[%swap3A_681, %swap3A_682] {strides = array<i32>} : memref<256x128xf32, #tpu.memory_space<vmem>>, vector<16xf32>,
          tpu.vector_store %arg13[%swap3A_681, %swap3A_682], %mul3A_680 {strides = array<i32>} : memref<256x128xf32, #tpu.memory_space<vmem>>, vector<16xf32>,
          %scan3A_684 = arith.constant 0 : i32
          scf.yield %scan3A_684 : i32
        }
        %scan3A_576 = arith.constant 256 : i32
        %dma_start3A_577 = arith.constant 0 : i32
        %dma_start3A_578 = arith.constant 0 : i32
        %dma_start3A_579 = arith.constant 0 : i32
        %dma_start3A_580 = tpu.memref_slice %arg13[%dma_start3A_578, %dma_start3A_579] : memref<256x128xf32, #tpu.memory_space<vmem>> -> memref<128x128xf32, #tpu.memory_space<vmem>>
        %dma_start3A_581 = arith.constant 0 : i32
        %dma_start3A_582 = tpu.memref_slice %arg10[%dma_start3A_577, %dma_start3A_581] : memref<2x128xi32, #tpu.memory_space<vmem>> -> memref<1x128xi32, #tpu.memory_space<vmem>>
        %dma_start3A_583 = tpu.memref_squeeze %dma_start3A_582 : memref<1x128xi32, #tpu.memory_space<vmem>> -> memref<128xi32, #tpu.memory_space<vmem>>
        %dma_start3A_584 = arith.constant 0 : i32
        %dma_start3A_585 = arith.constant 0 : i32
        %dma_start3A_586 = tpu.memref_slice %arg16[%dma_start3A_584, %dma_start3A_585] : memref<10000x128xf32, #tpu.memory_space<vmem_shared>> -> memref<10000x128xf32, #tpu.memory_space<vmem_shared>>
        tpu.enqueue_indirect_dma source(%dma_start3A_580 : memref<128x128xf32, #tpu.memory_space<vmem>>) target(%dma_start3A_586 : memref<10000x128xf32, #tpu.memory_space<vmem_shared>>) offsets(%dma_start3A_583 : memref<128xi32, #tpu.memory_space<vmem>>) semaphore(%arg20 : memref<!tpu.dma_semaphore, #tpu.memory_space<semaphore_mem>>) {add = true}
        %dma_start3A_587 = arith.constant 1 : i32
        %dma_start3A_588 = arith.constant 128 : i32
        %dma_start3A_589 = arith.constant 0 : i32
        %dma_start3A_590 = tpu.memref_slice %arg13[%dma_start3A_588, %dma_start3A_589] : memref<256x128xf32, #tpu.memory_space<vmem>> -> memref<128x128xf32, #tpu.memory_space<vmem>>
        %dma_start3A_591 = arith.constant 0 : i32
        %dma_start3A_592 = tpu.memref_slice %arg10[%dma_start3A_587, %dma_start3A_591] : memref<2x128xi32, #tpu.memory_space<vmem>> -> memref<1x128xi32, #tpu.memory_space<vmem>>
        %dma_start3A_593 = tpu.memref_squeeze %dma_start3A_592 : memref<1x128xi32, #tpu.memory_space<vmem>> -> memref<128xi32, #tpu.memory_space<vmem>>
        %dma_start3A_594 = arith.constant 0 : i32
        %dma_start3A_595 = arith.constant 0 : i32
        %dma_start3A_596 = tpu.memref_slice %arg16[%dma_start3A_594, %dma_start3A_595] : memref<10000x128xf32, #tpu.memory_space<vmem_shared>> -> memref<10000x128xf32, #tpu.memory_space<vmem_shared>>
        tpu.enqueue_indirect_dma source(%dma_start3A_590 : memref<128x128xf32, #tpu.memory_space<vmem>>) target(%dma_start3A_596 : memref<10000x128xf32, #tpu.memory_space<vmem_shared>>) offsets(%dma_start3A_593 : memref<128xi32, #tpu.memory_space<vmem>>) semaphore(%arg20 : memref<!tpu.dma_semaphore, #tpu.memory_space<semaphore_mem>>) {add = true}
        %eq3A_597 = arith.constant 0 : i32
        %eq3A_598 = arith.cmpi eq, %arg0, %eq3A_597 : i32
        %convert_element_type3A_599 = arith.extui %eq3A_598 : i1 to i32
        %cond3A_600 = arith.constant 0 : i32
        %cond3A_601 = arith.cmpi ne, %convert_element_type3A_599, %cond3A_600 : i32
        scf.if %cond3A_601 {
          %dma_start3A_622 = arith.constant 0 : i32
          %dma_start3A_623 = arith.constant 0 : i32
          %dma_start3A_624 = arith.constant 0 : i32
          %dma_start3A_625 = tpu.memref_slice %arg14[%dma_start3A_623, %dma_start3A_624] : memref<256x16xf32, #tpu.memory_space<vmem>> -> memref<128x16xf32, #tpu.memory_space<vmem>>
          %dma_start3A_626 = arith.constant 0 : i32
          %dma_start3A_627 = tpu.memref_slice %arg10[%dma_start3A_622, %dma_start3A_626] : memref<2x128xi32, #tpu.memory_space<vmem>> -> memref<1x128xi32, #tpu.memory_space<vmem>>
          %dma_start3A_628 = tpu.memref_squeeze %dma_start3A_627 : memref<1x128xi32, #tpu.memory_space<vmem>> -> memref<128xi32, #tpu.memory_space<vmem>>
          %dma_start3A_629 = arith.constant 0 : i32
          %dma_start3A_630 = arith.constant 0 : i32
          %dma_start3A_631 = tpu.memref_slice %arg17[%dma_start3A_629, %dma_start3A_630] : memref<10000x16xf32, #tpu.memory_space<vmem_shared>> -> memref<10000x16xf32, #tpu.memory_space<vmem_shared>>
          tpu.enqueue_indirect_dma source(%dma_start3A_625 : memref<128x16xf32, #tpu.memory_space<vmem>>) target(%dma_start3A_631 : memref<10000x16xf32, #tpu.memory_space<vmem_shared>>) offsets(%dma_start3A_628 : memref<128xi32, #tpu.memory_space<vmem>>) semaphore(%arg20 : memref<!tpu.dma_semaphore, #tpu.memory_space<semaphore_mem>>) {add = true}
          %dma_start3A_632 = arith.constant 1 : i32
          %dma_start3A_633 = arith.constant 128 : i32
          %dma_start3A_634 = arith.constant 0 : i32
          %dma_start3A_635 = tpu.memref_slice %arg14[%dma_start3A_633, %dma_start3A_634] : memref<256x16xf32, #tpu.memory_space<vmem>> -> memref<128x16xf32, #tpu.memory_space<vmem>>
          %dma_start3A_636 = arith.constant 0 : i32
          %dma_start3A_637 = tpu.memref_slice %arg10[%dma_start3A_632, %dma_start3A_636] : memref<2x128xi32, #tpu.memory_space<vmem>> -> memref<1x128xi32, #tpu.memory_space<vmem>>
          %dma_start3A_638 = tpu.memref_squeeze %dma_start3A_637 : memref<1x128xi32, #tpu.memory_space<vmem>> -> memref<128xi32, #tpu.memory_space<vmem>>
          %dma_start3A_639 = arith.constant 0 : i32
          %dma_start3A_640 = arith.constant 0 : i32
          %dma_start3A_641 = tpu.memref_slice %arg17[%dma_start3A_639, %dma_start3A_640] : memref<10000x16xf32, #tpu.memory_space<vmem_shared>> -> memref<10000x16xf32, #tpu.memory_space<vmem_shared>>
          tpu.enqueue_indirect_dma source(%dma_start3A_635 : memref<128x16xf32, #tpu.memory_space<vmem>>) target(%dma_start3A_641 : memref<10000x16xf32, #tpu.memory_space<vmem_shared>>) offsets(%dma_start3A_638 : memref<128xi32, #tpu.memory_space<vmem>>) semaphore(%arg20 : memref<!tpu.dma_semaphore, #tpu.memory_space<semaphore_mem>>) {add = true}
          %dma_wait3A_642 = arith.constant 0 : i32
          %dma_wait3A_643 = arith.constant 0 : i32
          %dma_wait3A_644 = arith.constant 0 : i32
          %dma_wait3A_645 = tpu.memref_slice %arg14[%dma_wait3A_643, %dma_wait3A_644] : memref<256x16xf32, #tpu.memory_space<vmem>> -> memref<128x16xf32, #tpu.memory_space<vmem>>
          %dma_wait3A_646 = arith.constant 0 : i32
          %dma_wait3A_647 = tpu.memref_slice %arg10[%dma_wait3A_642, %dma_wait3A_646] : memref<2x128xi32, #tpu.memory_space<vmem>> -> memref<1x128xi32, #tpu.memory_space<vmem>>
          %dma_wait3A_648 = tpu.memref_squeeze %dma_wait3A_647 : memref<1x128xi32, #tpu.memory_space<vmem>> -> memref<128xi32, #tpu.memory_space<vmem>>
          %dma_wait3A_649 = arith.constant 0 : i32
          %dma_wait3A_650 = arith.constant 0 : i32
          %dma_wait3A_651 = tpu.memref_slice %arg17[%dma_wait3A_649, %dma_wait3A_650] : memref<10000x16xf32, #tpu.memory_space<vmem_shared>> -> memref<10000x16xf32, #tpu.memory_space<vmem_shared>>
          tpu.wait_indirect_dma semaphore(%arg20 : memref<!tpu.dma_semaphore, #tpu.memory_space<semaphore_mem>>) src(%dma_wait3A_645 : memref<128x16xf32, #tpu.memory_space<vmem>>) dst(%dma_wait3A_651 : memref<10000x16xf32, #tpu.memory_space<vmem_shared>>)
          %dma_wait3A_652 = arith.constant 1 : i32
          %dma_wait3A_653 = arith.constant 128 : i32
          %dma_wait3A_654 = arith.constant 0 : i32
          %dma_wait3A_655 = tpu.memref_slice %arg14[%dma_wait3A_653, %dma_wait3A_654] : memref<256x16xf32, #tpu.memory_space<vmem>> -> memref<128x16xf32, #tpu.memory_space<vmem>>
          %dma_wait3A_656 = arith.constant 0 : i32
          %dma_wait3A_657 = tpu.memref_slice %arg10[%dma_wait3A_652, %dma_wait3A_656] : memref<2x128xi32, #tpu.memory_space<vmem>> -> memref<1x128xi32, #tpu.memory_space<vmem>>
          %dma_wait3A_658 = tpu.memref_squeeze %dma_wait3A_657 : memref<1x128xi32, #tpu.memory_space<vmem>> -> memref<128xi32, #tpu.memory_space<vmem>>
          %dma_wait3A_659 = arith.constant 0 : i32
          %dma_wait3A_660 = arith.constant 0 : i32
          %dma_wait3A_661 = tpu.memref_slice %arg17[%dma_wait3A_659, %dma_wait3A_660] : memref<10000x16xf32, #tpu.memory_space<vmem_shared>> -> memref<10000x16xf32, #tpu.memory_space<vmem_shared>>
          tpu.wait_indirect_dma semaphore(%arg20 : memref<!tpu.dma_semaphore, #tpu.memory_space<semaphore_mem>>) src(%dma_wait3A_655 : memref<128x16xf32, #tpu.memory_space<vmem>>) dst(%dma_wait3A_661 : memref<10000x16xf32, #tpu.memory_space<vmem_shared>>)
        } else {
        }
        %dma_wait3A_602 = arith.constant 0 : i32
        %dma_wait3A_603 = arith.constant 0 : i32
        %dma_wait3A_604 = arith.constant 0 : i32
        %dma_wait3A_605 = tpu.memref_slice %arg13[%dma_wait3A_603, %dma_wait3A_604] : memref<256x128xf32, #tpu.memory_space<vmem>> -> memref<128x128xf32, #tpu.memory_space<vmem>>
        %dma_wait3A_606 = arith.constant 0 : i32
        %dma_wait3A_607 = tpu.memref_slice %arg10[%dma_wait3A_602, %dma_wait3A_606] : memref<2x128xi32, #tpu.memory_space<vmem>> -> memref<1x128xi32, #tpu.memory_space<vmem>>
        %dma_wait3A_608 = tpu.memref_squeeze %dma_wait3A_607 : memref<1x128xi32, #tpu.memory_space<vmem>> -> memref<128xi32, #tpu.memory_space<vmem>>
        %dma_wait3A_609 = arith.constant 0 : i32
        %dma_wait3A_610 = arith.constant 0 : i32
        %dma_wait3A_611 = tpu.memref_slice %arg16[%dma_wait3A_609, %dma_wait3A_610] : memref<10000x128xf32, #tpu.memory_space<vmem_shared>> -> memref<10000x128xf32, #tpu.memory_space<vmem_shared>>
        tpu.wait_indirect_dma semaphore(%arg20 : memref<!tpu.dma_semaphore, #tpu.memory_space<semaphore_mem>>) src(%dma_wait3A_605 : memref<128x128xf32, #tpu.memory_space<vmem>>) dst(%dma_wait3A_611 : memref<10000x128xf32, #tpu.memory_space<vmem_shared>>)
        %dma_wait3A_612 = arith.constant 1 : i32
        %dma_wait3A_613 = arith.constant 128 : i32
        %dma_wait3A_614 = arith.constant 0 : i32
        %dma_wait3A_615 = tpu.memref_slice %arg13[%dma_wait3A_613, %dma_wait3A_614] : memref<256x128xf32, #tpu.memory_space<vmem>> -> memref<128x128xf32, #tpu.memory_space<vmem>>
        %dma_wait3A_616 = arith.constant 0 : i32
        %dma_wait3A_617 = tpu.memref_slice %arg10[%dma_wait3A_612, %dma_wait3A_616] : memref<2x128xi32, #tpu.memory_space<vmem>> -> memref<1x128xi32, #tpu.memory_space<vmem>>
        %dma_wait3A_618 = tpu.memref_squeeze %dma_wait3A_617 : memref<1x128xi32, #tpu.memory_space<vmem>> -> memref<128xi32, #tpu.memory_space<vmem>>
        %dma_wait3A_619 = arith.constant 0 : i32
        %dma_wait3A_620 = arith.constant 0 : i32
        %dma_wait3A_621 = tpu.memref_slice %arg16[%dma_wait3A_619, %dma_wait3A_620] : memref<10000x128xf32, #tpu.memory_space<vmem_shared>> -> memref<10000x128xf32, #tpu.memory_space<vmem_shared>>
        tpu.wait_indirect_dma semaphore(%arg20 : memref<!tpu.dma_semaphore, #tpu.memory_space<semaphore_mem>>) src(%dma_wait3A_615 : memref<128x128xf32, #tpu.memory_space<vmem>>) dst(%dma_wait3A_621 : memref<10000x128xf32, #tpu.memory_space<vmem_shared>>)
      } else {
      }
    }
    %scan3A_191 = arith.constant 40 : i32
    %barrier3A_192 = arith.constant 0 : index
    tpu.barrier barrier_id(%barrier3A_192)
    "tpu.region"() ({
      %run_scoped3A = tpu.sem_alloc : memref<!tpu.dma_semaphore, #tpu.memory_space<semaphore_mem>>
      %dma_start3A = arith.constant 0 : i32
      %dma_start3A_195 = tpu.memref_slice %arg7[%arg0, %mul3A_170, %dma_start3A] : memref<2x10000x128xf32, #tpu.memory_space<hbm>> -> memref<1x625x128xf32, #tpu.memory_space<hbm>>
      %dma_start3A_196 = tpu.memref_squeeze %dma_start3A_195 : memref<1x625x128xf32, #tpu.memory_space<hbm>> -> memref<625x128xf32, #tpu.memory_space<hbm>>
      %dma_start3A_197 = arith.constant 0 : i32
      %dma_start3A_198 = tpu.memref_slice %arg16[%mul3A_170, %dma_start3A_197] : memref<10000x128xf32, #tpu.memory_space<vmem_shared>> -> memref<625x128xf32, #tpu.memory_space<vmem_shared>>
      tpu.enqueue_dma source(%dma_start3A_198 : memref<625x128xf32, #tpu.memory_space<vmem_shared>>) target(%dma_start3A_196 : memref<625x128xf32, #tpu.memory_space<hbm>>) target_semaphore(%run_scoped3A : memref<!tpu.dma_semaphore, #tpu.memory_space<semaphore_mem>>)
      %dma_wait3A = arith.constant 0 : i32
      %dma_wait3A_199 = tpu.memref_slice %arg7[%arg0, %mul3A_170, %dma_wait3A] : memref<2x10000x128xf32, #tpu.memory_space<hbm>> -> memref<1x625x128xf32, #tpu.memory_space<hbm>>
      %dma_wait3A_200 = tpu.memref_squeeze %dma_wait3A_199 : memref<1x625x128xf32, #tpu.memory_space<hbm>> -> memref<625x128xf32, #tpu.memory_space<hbm>>
      %dma_wait3A_201 = arith.constant 0 : i32
      %dma_wait3A_202 = tpu.memref_slice %arg16[%mul3A_170, %dma_wait3A_201] : memref<10000x128xf32, #tpu.memory_space<vmem_shared>> -> memref<625x128xf32, #tpu.memory_space<vmem_shared>>
      tpu.wait_dma2 semaphore(%run_scoped3A : memref<!tpu.dma_semaphore, #tpu.memory_space<semaphore_mem>>) src(%dma_wait3A_202 : memref<625x128xf32, #tpu.memory_space<vmem_shared>>) dst(%dma_wait3A_200 : memref<625x128xf32, #tpu.memory_space<hbm>>)
      tpu.yield
    }) : () -> ()
    %eq3A = arith.constant 0 : i32
    %eq3A_193 = arith.cmpi eq, %arg0, %eq3A : i32
    %convert_element_type3A = arith.extui %eq3A_193 : i1 to i32
    %cond3A = arith.constant 0 : i32
    %cond3A_194 = arith.cmpi ne, %convert_element_type3A, %cond3A : i32
    scf.if %cond3A_194 {
      "tpu.region"() ({
        %run_scoped3A = tpu.sem_alloc : memref<!tpu.dma_semaphore, #tpu.memory_space<semaphore_mem>>
        %dma_start3A = arith.constant 0 : i32
        %dma_start3A_195 = tpu.memref_slice %arg8[%mul3A_170, %dma_start3A] : memref<10000x16xf32, #tpu.memory_space<hbm>> -> memref<625x16xf32, #tpu.memory_space<hbm>>
        %dma_start3A_196 = arith.constant 0 : i32
        %dma_start3A_197 = tpu.memref_slice %arg17[%mul3A_170, %dma_start3A_196] : memref<10000x16xf32, #tpu.memory_space<vmem_shared>> -> memref<625x16xf32, #tpu.memory_space<vmem_shared>>
        tpu.enqueue_dma source(%dma_start3A_197 : memref<625x16xf32, #tpu.memory_space<vmem_shared>>) target(%dma_start3A_195 : memref<625x16xf32, #tpu.memory_space<hbm>>) target_semaphore(%run_scoped3A : memref<!tpu.dma_semaphore, #tpu.memory_space<semaphore_mem>>)
        %dma_wait3A = arith.constant 0 : i32
        %dma_wait3A_198 = tpu.memref_slice %arg8[%mul3A_170, %dma_wait3A] : memref<10000x16xf32, #tpu.memory_space<hbm>> -> memref<625x16xf32, #tpu.memory_space<hbm>>
        %dma_wait3A_199 = arith.constant 0 : i32
        %dma_wait3A_200 = tpu.memref_slice %arg17[%mul3A_170, %dma_wait3A_199] : memref<10000x16xf32, #tpu.memory_space<vmem_shared>> -> memref<625x16xf32, #tpu.memory_space<vmem_shared>>
        tpu.wait_dma2 semaphore(%run_scoped3A : memref<!tpu.dma_semaphore, #tpu.memory_space<semaphore_mem>>) src(%dma_wait3A_200 : memref<625x16xf32, #tpu.memory_space<vmem_shared>>) dst(%dma_wait3A_198 : memref<625x16xf32, #tpu.memory_space<hbm>>)
        tpu.yield
      }) : () -> ()
    } else {
    }
    return
  }
}

#map = affine_map<(d0, d1) -> (0, 0)>
#map1 = affine_map<(d0, d1) -> (0)>
module attributes {stable_mosaic.version = 14 : i64} {
  func.func @_sc_scores_body(%arg0: i32, %arg1: i32, %arg2: memref<10000x256xf32, #tpu.memory_space<hbm>>, %arg3: memref<10000x256xf32, #tpu.memory_space<hbm>>, %arg4: memref<160000xi32, #tpu.memory_space<hbm>>, %arg5: memref<160000xi32, #tpu.memory_space<hbm>>, %arg6: memref<160000xf32, #tpu.memory_space<hbm>>, %arg7: memref<32x16xf32, #tpu.memory_space<hbm>>, %arg8: memref<128xi32, #tpu.memory_space<vmem>>, %arg9: memref<128xi32, #tpu.memory_space<vmem>>, %arg10: memref<128x256xf32, #tpu.memory_space<vmem>>, %arg11: memref<128x256xf32, #tpu.memory_space<vmem>>, %arg12: memref<128xf32, #tpu.memory_space<vmem>>, %arg13: memref<16xf32, #tpu.memory_space<vmem>>, %arg14: memref<!tpu.dma_semaphore, #tpu.memory_space<semaphore_mem>>, %arg15: memref<!tpu.dma_semaphore, #tpu.memory_space<semaphore_mem>>) attributes {dimension_semantics = [#tpu.dimension_semantics<core_parallel>, #tpu.dimension_semantics<subcore_parallel>], iteration_bounds = array<i64: 2, 16>, scalar_prefetch = 0 : i64, scratch_operands = 8 : i64, tpu.core_type = #tpu.core_type<sc_vector_subcore>, window_params = [{transform_indices = #map}, {transform_indices = #map}, {transform_indices = #map1}, {transform_indices = #map1}, {transform_indices = #map1}, {transform_indices = #map}]} {
    %mul3A = arith.constant 2 : i32
    %mul3A_0 = arith.muli %arg1, %mul3A : i32
    %add3A = arith.addi %mul3A_0, %arg0 : i32
    %broadcast_in_dim3A = arith.constant -9.99999968E+37 : f32
    %broadcast_in_dim3A_1 = vector.broadcast %broadcast_in_dim3A : f32 to vector<16xf32>
    %swap3A = arith.constant 0 : index
    %swap3A_2 = tpu.vector_load %arg13[%swap3A] {strides = array<i32>} : memref<16xf32, #tpu.memory_space<vmem>>, vector<16xf32>,
    tpu.vector_store %arg13[%swap3A], %broadcast_in_dim3A_1 {strides = array<i32>} : memref<16xf32, #tpu.memory_space<vmem>>, vector<16xf32>,
    %scan3A = arith.constant 0 : i32
    %scan3A_3 = arith.constant 0 : i32
    %scan3A_4 = arith.constant 40 : i32
    %scan3A_5 = arith.addi %scan3A_3, %scan3A_4 : i32
    %scan3A_6 = arith.constant 1 : i32
    scf.for %scan3A_8 = %scan3A_3 to %scan3A_5 step %scan3A_6  : i32 {
      %mul3A_9 = arith.constant 32 : i32
      %mul3A_10 = arith.muli %scan3A_8, %mul3A_9 : i32
      %add3A_11 = arith.addi %mul3A_10, %add3A : i32
      %lt3A = arith.constant 1250 : i32
      %lt3A_12 = arith.cmpi slt, %add3A_11, %lt3A : i32
      %convert_element_type3A = arith.extui %lt3A_12 : i1 to i32
      %cond3A = arith.constant 0 : i32
      %cond3A_13 = arith.cmpi ne, %convert_element_type3A, %cond3A : i32
      scf.if %cond3A_13 {
        %mul3A_14 = arith.constant 128 : i32
        %mul3A_15 = arith.muli %add3A_11, %mul3A_14 : i32
        "tpu.region"() ({
          %run_scoped3A = tpu.sem_alloc : memref<!tpu.dma_semaphore, #tpu.memory_space<semaphore_mem>>
          %dma_start3A_227 = tpu.memref_slice %arg4[%mul3A_15] : memref<160000xi32, #tpu.memory_space<hbm>> -> memref<128xi32, #tpu.memory_space<hbm>>
          %dma_start3A_228 = tpu.memref_slice %arg4[%mul3A_15] : memref<160000xi32, #tpu.memory_space<hbm>> -> memref<128xi32, #tpu.memory_space<hbm>>
          tpu.enqueue_dma source(%dma_start3A_228 : memref<128xi32, #tpu.memory_space<hbm>>) target(%arg8 : memref<128xi32, #tpu.memory_space<vmem>>) target_semaphore(%run_scoped3A : memref<!tpu.dma_semaphore, #tpu.memory_space<semaphore_mem>>)
          %dma_wait3A_229 = tpu.memref_slice %arg4[%mul3A_15] : memref<160000xi32, #tpu.memory_space<hbm>> -> memref<128xi32, #tpu.memory_space<hbm>>
          %dma_wait3A_230 = tpu.memref_slice %arg4[%mul3A_15] : memref<160000xi32, #tpu.memory_space<hbm>> -> memref<128xi32, #tpu.memory_space<hbm>>
          tpu.wait_dma2 semaphore(%run_scoped3A : memref<!tpu.dma_semaphore, #tpu.memory_space<semaphore_mem>>) src(%dma_wait3A_230 : memref<128xi32, #tpu.memory_space<hbm>>) dst(%arg8 : memref<128xi32, #tpu.memory_space<vmem>>)
          tpu.yield
        }) : () -> ()
        "tpu.region"() ({
          %run_scoped3A = tpu.sem_alloc : memref<!tpu.dma_semaphore, #tpu.memory_space<semaphore_mem>>
          %dma_start3A_227 = tpu.memref_slice %arg5[%mul3A_15] : memref<160000xi32, #tpu.memory_space<hbm>> -> memref<128xi32, #tpu.memory_space<hbm>>
          %dma_start3A_228 = tpu.memref_slice %arg5[%mul3A_15] : memref<160000xi32, #tpu.memory_space<hbm>> -> memref<128xi32, #tpu.memory_space<hbm>>
          tpu.enqueue_dma source(%dma_start3A_228 : memref<128xi32, #tpu.memory_space<hbm>>) target(%arg9 : memref<128xi32, #tpu.memory_space<vmem>>) target_semaphore(%run_scoped3A : memref<!tpu.dma_semaphore, #tpu.memory_space<semaphore_mem>>)
          %dma_wait3A_229 = tpu.memref_slice %arg5[%mul3A_15] : memref<160000xi32, #tpu.memory_space<hbm>> -> memref<128xi32, #tpu.memory_space<hbm>>
          %dma_wait3A_230 = tpu.memref_slice %arg5[%mul3A_15] : memref<160000xi32, #tpu.memory_space<hbm>> -> memref<128xi32, #tpu.memory_space<hbm>>
          tpu.wait_dma2 semaphore(%run_scoped3A : memref<!tpu.dma_semaphore, #tpu.memory_space<semaphore_mem>>) src(%dma_wait3A_230 : memref<128xi32, #tpu.memory_space<hbm>>) dst(%arg9 : memref<128xi32, #tpu.memory_space<vmem>>)
          tpu.yield
        }) : () -> ()
        %dma_start3A = arith.constant 0 : i32
        %dma_start3A_16 = arith.constant 0 : i32
        %dma_start3A_17 = tpu.memref_slice %arg11[%dma_start3A, %dma_start3A_16] : memref<128x256xf32, #tpu.memory_space<vmem>> -> memref<64x256xf32, #tpu.memory_space<vmem>>
        %dma_start3A_18 = arith.constant 0 : i32
        %dma_start3A_19 = tpu.memref_slice %arg8[%dma_start3A_18] : memref<128xi32, #tpu.memory_space<vmem>> -> memref<64xi32, #tpu.memory_space<vmem>>
        %dma_start3A_20 = arith.constant 0 : i32
        %dma_start3A_21 = arith.constant 0 : i32
        %dma_start3A_22 = tpu.memref_slice %arg3[%dma_start3A_20, %dma_start3A_21] : memref<10000x256xf32, #tpu.memory_space<hbm>> -> memref<10000x256xf32, #tpu.memory_space<hbm>>
        tpu.enqueue_indirect_dma source(%dma_start3A_22 : memref<10000x256xf32, #tpu.memory_space<hbm>>) target(%dma_start3A_17 : memref<64x256xf32, #tpu.memory_space<vmem>>) offsets(%dma_start3A_19 : memref<64xi32, #tpu.memory_space<vmem>>) semaphore(%arg14 : memref<!tpu.dma_semaphore, #tpu.memory_space<semaphore_mem>>)
        %dma_start3A_23 = arith.constant 0 : i32
        %dma_start3A_24 = arith.constant 0 : i32
        %dma_start3A_25 = tpu.memref_slice %arg10[%dma_start3A_23, %dma_start3A_24] : memref<128x256xf32, #tpu.memory_space<vmem>> -> memref<64x256xf32, #tpu.memory_space<vmem>>
        %dma_start3A_26 = arith.constant 0 : i32
        %dma_start3A_27 = tpu.memref_slice %arg9[%dma_start3A_26] : memref<128xi32, #tpu.memory_space<vmem>> -> memref<64xi32, #tpu.memory_space<vmem>>
        %dma_start3A_28 = arith.constant 0 : i32
        %dma_start3A_29 = arith.constant 0 : i32
        %dma_start3A_30 = tpu.memref_slice %arg2[%dma_start3A_28, %dma_start3A_29] : memref<10000x256xf32, #tpu.memory_space<hbm>> -> memref<10000x256xf32, #tpu.memory_space<hbm>>
        tpu.enqueue_indirect_dma source(%dma_start3A_30 : memref<10000x256xf32, #tpu.memory_space<hbm>>) target(%dma_start3A_25 : memref<64x256xf32, #tpu.memory_space<vmem>>) offsets(%dma_start3A_27 : memref<64xi32, #tpu.memory_space<vmem>>) semaphore(%arg15 : memref<!tpu.dma_semaphore, #tpu.memory_space<semaphore_mem>>)
        %dma_start3A_31 = arith.constant 64 : i32
        %dma_start3A_32 = arith.constant 0 : i32
        %dma_start3A_33 = tpu.memref_slice %arg11[%dma_start3A_31, %dma_start3A_32] : memref<128x256xf32, #tpu.memory_space<vmem>> -> memref<64x256xf32, #tpu.memory_space<vmem>>
        %dma_start3A_34 = arith.constant 64 : i32
        %dma_start3A_35 = tpu.memref_slice %arg8[%dma_start3A_34] : memref<128xi32, #tpu.memory_space<vmem>> -> memref<64xi32, #tpu.memory_space<vmem>>
        %dma_start3A_36 = arith.constant 0 : i32
        %dma_start3A_37 = arith.constant 0 : i32
        %dma_start3A_38 = tpu.memref_slice %arg3[%dma_start3A_36, %dma_start3A_37] : memref<10000x256xf32, #tpu.memory_space<hbm>> -> memref<10000x256xf32, #tpu.memory_space<hbm>>
        tpu.enqueue_indirect_dma source(%dma_start3A_38 : memref<10000x256xf32, #tpu.memory_space<hbm>>) target(%dma_start3A_33 : memref<64x256xf32, #tpu.memory_space<vmem>>) offsets(%dma_start3A_35 : memref<64xi32, #tpu.memory_space<vmem>>) semaphore(%arg14 : memref<!tpu.dma_semaphore, #tpu.memory_space<semaphore_mem>>)
        %dma_start3A_39 = arith.constant 64 : i32
        %dma_start3A_40 = arith.constant 0 : i32
        %dma_start3A_41 = tpu.memref_slice %arg10[%dma_start3A_39, %dma_start3A_40] : memref<128x256xf32, #tpu.memory_space<vmem>> -> memref<64x256xf32, #tpu.memory_space<vmem>>
        %dma_start3A_42 = arith.constant 64 : i32
        %dma_start3A_43 = tpu.memref_slice %arg9[%dma_start3A_42] : memref<128xi32, #tpu.memory_space<vmem>> -> memref<64xi32, #tpu.memory_space<vmem>>
        %dma_start3A_44 = arith.constant 0 : i32
        %dma_start3A_45 = arith.constant 0 : i32
        %dma_start3A_46 = tpu.memref_slice %arg2[%dma_start3A_44, %dma_start3A_45] : memref<10000x256xf32, #tpu.memory_space<hbm>> -> memref<10000x256xf32, #tpu.memory_space<hbm>>
        tpu.enqueue_indirect_dma source(%dma_start3A_46 : memref<10000x256xf32, #tpu.memory_space<hbm>>) target(%dma_start3A_41 : memref<64x256xf32, #tpu.memory_space<vmem>>) offsets(%dma_start3A_43 : memref<64xi32, #tpu.memory_space<vmem>>) semaphore(%arg15 : memref<!tpu.dma_semaphore, #tpu.memory_space<semaphore_mem>>)
        %dma_wait3A = arith.constant 0 : i32
        %dma_wait3A_47 = arith.constant 0 : i32
        %dma_wait3A_48 = tpu.memref_slice %arg11[%dma_wait3A, %dma_wait3A_47] : memref<128x256xf32, #tpu.memory_space<vmem>> -> memref<64x256xf32, #tpu.memory_space<vmem>>
        %dma_wait3A_49 = arith.constant 0 : i32
        %dma_wait3A_50 = tpu.memref_slice %arg8[%dma_wait3A_49] : memref<128xi32, #tpu.memory_space<vmem>> -> memref<64xi32, #tpu.memory_space<vmem>>
        %dma_wait3A_51 = arith.constant 0 : i32
        %dma_wait3A_52 = arith.constant 0 : i32
        %dma_wait3A_53 = tpu.memref_slice %arg3[%dma_wait3A_51, %dma_wait3A_52] : memref<10000x256xf32, #tpu.memory_space<hbm>> -> memref<10000x256xf32, #tpu.memory_space<hbm>>
        tpu.wait_indirect_dma semaphore(%arg14 : memref<!tpu.dma_semaphore, #tpu.memory_space<semaphore_mem>>) src(%dma_wait3A_53 : memref<10000x256xf32, #tpu.memory_space<hbm>>) dst(%dma_wait3A_48 : memref<64x256xf32, #tpu.memory_space<vmem>>)
        %dma_wait3A_54 = arith.constant 0 : i32
        %dma_wait3A_55 = arith.constant 0 : i32
        %dma_wait3A_56 = tpu.memref_slice %arg10[%dma_wait3A_54, %dma_wait3A_55] : memref<128x256xf32, #tpu.memory_space<vmem>> -> memref<64x256xf32, #tpu.memory_space<vmem>>
        %dma_wait3A_57 = arith.constant 0 : i32
        %dma_wait3A_58 = tpu.memref_slice %arg9[%dma_wait3A_57] : memref<128xi32, #tpu.memory_space<vmem>> -> memref<64xi32, #tpu.memory_space<vmem>>
        %dma_wait3A_59 = arith.constant 0 : i32
        %dma_wait3A_60 = arith.constant 0 : i32
        %dma_wait3A_61 = tpu.memref_slice %arg2[%dma_wait3A_59, %dma_wait3A_60] : memref<10000x256xf32, #tpu.memory_space<hbm>> -> memref<10000x256xf32, #tpu.memory_space<hbm>>
        tpu.wait_indirect_dma semaphore(%arg15 : memref<!tpu.dma_semaphore, #tpu.memory_space<semaphore_mem>>) src(%dma_wait3A_61 : memref<10000x256xf32, #tpu.memory_space<hbm>>) dst(%dma_wait3A_56 : memref<64x256xf32, #tpu.memory_space<vmem>>)
        %dma_wait3A_62 = arith.constant 64 : i32
        %dma_wait3A_63 = arith.constant 0 : i32
        %dma_wait3A_64 = tpu.memref_slice %arg11[%dma_wait3A_62, %dma_wait3A_63] : memref<128x256xf32, #tpu.memory_space<vmem>> -> memref<64x256xf32, #tpu.memory_space<vmem>>
        %dma_wait3A_65 = arith.constant 64 : i32
        %dma_wait3A_66 = tpu.memref_slice %arg8[%dma_wait3A_65] : memref<128xi32, #tpu.memory_space<vmem>> -> memref<64xi32, #tpu.memory_space<vmem>>
        %dma_wait3A_67 = arith.constant 0 : i32
        %dma_wait3A_68 = arith.constant 0 : i32
        %dma_wait3A_69 = tpu.memref_slice %arg3[%dma_wait3A_67, %dma_wait3A_68] : memref<10000x256xf32, #tpu.memory_space<hbm>> -> memref<10000x256xf32, #tpu.memory_space<hbm>>
        tpu.wait_indirect_dma semaphore(%arg14 : memref<!tpu.dma_semaphore, #tpu.memory_space<semaphore_mem>>) src(%dma_wait3A_69 : memref<10000x256xf32, #tpu.memory_space<hbm>>) dst(%dma_wait3A_64 : memref<64x256xf32, #tpu.memory_space<vmem>>)
        %dma_wait3A_70 = arith.constant 64 : i32
        %dma_wait3A_71 = arith.constant 0 : i32
        %dma_wait3A_72 = tpu.memref_slice %arg10[%dma_wait3A_70, %dma_wait3A_71] : memref<128x256xf32, #tpu.memory_space<vmem>> -> memref<64x256xf32, #tpu.memory_space<vmem>>
        %dma_wait3A_73 = arith.constant 64 : i32
        %dma_wait3A_74 = tpu.memref_slice %arg9[%dma_wait3A_73] : memref<128xi32, #tpu.memory_space<vmem>> -> memref<64xi32, #tpu.memory_space<vmem>>
        %dma_wait3A_75 = arith.constant 0 : i32
        %dma_wait3A_76 = arith.constant 0 : i32
        %dma_wait3A_77 = tpu.memref_slice %arg2[%dma_wait3A_75, %dma_wait3A_76] : memref<10000x256xf32, #tpu.memory_space<hbm>> -> memref<10000x256xf32, #tpu.memory_space<hbm>>
        tpu.wait_indirect_dma semaphore(%arg15 : memref<!tpu.dma_semaphore, #tpu.memory_space<semaphore_mem>>) src(%dma_wait3A_77 : memref<10000x256xf32, #tpu.memory_space<hbm>>) dst(%dma_wait3A_72 : memref<64x256xf32, #tpu.memory_space<vmem>>)
        %iota3A = tpu.iota {dimensions = array<i32: 0>} : vector<16xi32>
        %add3A_78 = arith.constant 0 : i32
        %add3A_79 = vector.broadcast %add3A_78 : i32 to vector<16xi32>
        %add3A_80 = arith.addi %iota3A, %add3A_79 : vector<16xi32>
        %broadcast_in_dim3A_81 = arith.constant 0.000000e+00 : f32
        %broadcast_in_dim3A_82 = vector.broadcast %broadcast_in_dim3A_81 : f32 to vector<16xf32>
        %scan3A_83 = arith.constant 0 : i32
        %scan3A_84 = arith.constant 16 : i32
        %scan3A_85 = arith.addi %scan3A_83, %scan3A_84 : i32
        %scan3A_86 = arith.constant 1 : i32
        %scan3A_87 = scf.for %scan3A_227 = %scan3A_83 to %scan3A_85 step %scan3A_86 iter_args(%scan3A_228 = %broadcast_in_dim3A_82) -> (vector<16xf32>)  : i32 {
          %broadcast_in_dim3A_229 = arith.constant 0 : i32
          %broadcast_in_dim3A_230 = vector.broadcast %broadcast_in_dim3A_229 : i32 to vector<16xi32>
          %mul3A_231 = arith.constant 16 : i32
          %mul3A_232 = arith.muli %scan3A_227, %mul3A_231 : i32
          %add3A_233 = arith.constant 0 : i32
          %add3A_234 = arith.addi %mul3A_232, %add3A_233 : i32
          %add3A_235 = vector.broadcast %add3A_234 : i32 to vector<16xi32>
          %add3A_236 = arith.addi %broadcast_in_dim3A_230, %add3A_235 : vector<16xi32>
          %gather3A = tpu.vector_load_idx %arg10[%add3A_80, %add3A_236] : memref<128x256xf32, #tpu.memory_space<vmem>>[vector<16xi32>, vector<16xi32>], vector<16xf32>,
          %gather3A_237 = tpu.vector_load_idx %arg11[%add3A_80, %add3A_236] : memref<128x256xf32, #tpu.memory_space<vmem>>[vector<16xi32>, vector<16xi32>], vector<16xf32>,
          %mul3A_238 = arith.mulf %gather3A, %gather3A_237 : vector<16xf32>
          %add3A_239 = arith.addf %scan3A_228, %mul3A_238 : vector<16xf32>
          %broadcast_in_dim3A_240 = arith.constant 0 : i32
          %broadcast_in_dim3A_241 = vector.broadcast %broadcast_in_dim3A_240 : i32 to vector<16xi32>
          %mul3A_242 = arith.constant 16 : i32
          %mul3A_243 = arith.muli %scan3A_227, %mul3A_242 : i32
          %add3A_244 = arith.constant 1 : i32
          %add3A_245 = arith.addi %mul3A_243, %add3A_244 : i32
          %add3A_246 = vector.broadcast %add3A_245 : i32 to vector<16xi32>
          %add3A_247 = arith.addi %broadcast_in_dim3A_241, %add3A_246 : vector<16xi32>
          %gather3A_248 = tpu.vector_load_idx %arg10[%add3A_80, %add3A_247] : memref<128x256xf32, #tpu.memory_space<vmem>>[vector<16xi32>, vector<16xi32>], vector<16xf32>,
          %gather3A_249 = tpu.vector_load_idx %arg11[%add3A_80, %add3A_247] : memref<128x256xf32, #tpu.memory_space<vmem>>[vector<16xi32>, vector<16xi32>], vector<16xf32>,
          %mul3A_250 = arith.mulf %gather3A_248, %gather3A_249 : vector<16xf32>
          %add3A_251 = arith.addf %add3A_239, %mul3A_250 : vector<16xf32>
          %broadcast_in_dim3A_252 = arith.constant 0 : i32
          %broadcast_in_dim3A_253 = vector.broadcast %broadcast_in_dim3A_252 : i32 to vector<16xi32>
          %mul3A_254 = arith.constant 16 : i32
          %mul3A_255 = arith.muli %scan3A_227, %mul3A_254 : i32
          %add3A_256 = arith.constant 2 : i32
          %add3A_257 = arith.addi %mul3A_255, %add3A_256 : i32
          %add3A_258 = vector.broadcast %add3A_257 : i32 to vector<16xi32>
          %add3A_259 = arith.addi %broadcast_in_dim3A_253, %add3A_258 : vector<16xi32>
          %gather3A_260 = tpu.vector_load_idx %arg10[%add3A_80, %add3A_259] : memref<128x256xf32, #tpu.memory_space<vmem>>[vector<16xi32>, vector<16xi32>], vector<16xf32>,
          %gather3A_261 = tpu.vector_load_idx %arg11[%add3A_80, %add3A_259] : memref<128x256xf32, #tpu.memory_space<vmem>>[vector<16xi32>, vector<16xi32>], vector<16xf32>,
          %mul3A_262 = arith.mulf %gather3A_260, %gather3A_261 : vector<16xf32>
          %add3A_263 = arith.addf %add3A_251, %mul3A_262 : vector<16xf32>
          %broadcast_in_dim3A_264 = arith.constant 0 : i32
          %broadcast_in_dim3A_265 = vector.broadcast %broadcast_in_dim3A_264 : i32 to vector<16xi32>
          %mul3A_266 = arith.constant 16 : i32
          %mul3A_267 = arith.muli %scan3A_227, %mul3A_266 : i32
          %add3A_268 = arith.constant 3 : i32
          %add3A_269 = arith.addi %mul3A_267, %add3A_268 : i32
          %add3A_270 = vector.broadcast %add3A_269 : i32 to vector<16xi32>
          %add3A_271 = arith.addi %broadcast_in_dim3A_265, %add3A_270 : vector<16xi32>
          %gather3A_272 = tpu.vector_load_idx %arg10[%add3A_80, %add3A_271] : memref<128x256xf32, #tpu.memory_space<vmem>>[vector<16xi32>, vector<16xi32>], vector<16xf32>,
          %gather3A_273 = tpu.vector_load_idx %arg11[%add3A_80, %add3A_271] : memref<128x256xf32, #tpu.memory_space<vmem>>[vector<16xi32>, vector<16xi32>], vector<16xf32>,
          %mul3A_274 = arith.mulf %gather3A_272, %gather3A_273 : vector<16xf32>
          %add3A_275 = arith.addf %add3A_263, %mul3A_274 : vector<16xf32>
          %broadcast_in_dim3A_276 = arith.constant 0 : i32
          %broadcast_in_dim3A_277 = vector.broadcast %broadcast_in_dim3A_276 : i32 to vector<16xi32>
          %mul3A_278 = arith.constant 16 : i32
          %mul3A_279 = arith.muli %scan3A_227, %mul3A_278 : i32
          %add3A_280 = arith.constant 4 : i32
          %add3A_281 = arith.addi %mul3A_279, %add3A_280 : i32
          %add3A_282 = vector.broadcast %add3A_281 : i32 to vector<16xi32>
          %add3A_283 = arith.addi %broadcast_in_dim3A_277, %add3A_282 : vector<16xi32>
          %gather3A_284 = tpu.vector_load_idx %arg10[%add3A_80, %add3A_283] : memref<128x256xf32, #tpu.memory_space<vmem>>[vector<16xi32>, vector<16xi32>], vector<16xf32>,
          %gather3A_285 = tpu.vector_load_idx %arg11[%add3A_80, %add3A_283] : memref<128x256xf32, #tpu.memory_space<vmem>>[vector<16xi32>, vector<16xi32>], vector<16xf32>,
          %mul3A_286 = arith.mulf %gather3A_284, %gather3A_285 : vector<16xf32>
          %add3A_287 = arith.addf %add3A_275, %mul3A_286 : vector<16xf32>
          %broadcast_in_dim3A_288 = arith.constant 0 : i32
          %broadcast_in_dim3A_289 = vector.broadcast %broadcast_in_dim3A_288 : i32 to vector<16xi32>
          %mul3A_290 = arith.constant 16 : i32
          %mul3A_291 = arith.muli %scan3A_227, %mul3A_290 : i32
          %add3A_292 = arith.constant 5 : i32
          %add3A_293 = arith.addi %mul3A_291, %add3A_292 : i32
          %add3A_294 = vector.broadcast %add3A_293 : i32 to vector<16xi32>
          %add3A_295 = arith.addi %broadcast_in_dim3A_289, %add3A_294 : vector<16xi32>
          %gather3A_296 = tpu.vector_load_idx %arg10[%add3A_80, %add3A_295] : memref<128x256xf32, #tpu.memory_space<vmem>>[vector<16xi32>, vector<16xi32>], vector<16xf32>,
          %gather3A_297 = tpu.vector_load_idx %arg11[%add3A_80, %add3A_295] : memref<128x256xf32, #tpu.memory_space<vmem>>[vector<16xi32>, vector<16xi32>], vector<16xf32>,
          %mul3A_298 = arith.mulf %gather3A_296, %gather3A_297 : vector<16xf32>
          %add3A_299 = arith.addf %add3A_287, %mul3A_298 : vector<16xf32>
          %broadcast_in_dim3A_300 = arith.constant 0 : i32
          %broadcast_in_dim3A_301 = vector.broadcast %broadcast_in_dim3A_300 : i32 to vector<16xi32>
          %mul3A_302 = arith.constant 16 : i32
          %mul3A_303 = arith.muli %scan3A_227, %mul3A_302 : i32
          %add3A_304 = arith.constant 6 : i32
          %add3A_305 = arith.addi %mul3A_303, %add3A_304 : i32
          %add3A_306 = vector.broadcast %add3A_305 : i32 to vector<16xi32>
          %add3A_307 = arith.addi %broadcast_in_dim3A_301, %add3A_306 : vector<16xi32>
          %gather3A_308 = tpu.vector_load_idx %arg10[%add3A_80, %add3A_307] : memref<128x256xf32, #tpu.memory_space<vmem>>[vector<16xi32>, vector<16xi32>], vector<16xf32>,
          %gather3A_309 = tpu.vector_load_idx %arg11[%add3A_80, %add3A_307] : memref<128x256xf32, #tpu.memory_space<vmem>>[vector<16xi32>, vector<16xi32>], vector<16xf32>,
          %mul3A_310 = arith.mulf %gather3A_308, %gather3A_309 : vector<16xf32>
          %add3A_311 = arith.addf %add3A_299, %mul3A_310 : vector<16xf32>
          %broadcast_in_dim3A_312 = arith.constant 0 : i32
          %broadcast_in_dim3A_313 = vector.broadcast %broadcast_in_dim3A_312 : i32 to vector<16xi32>
          %mul3A_314 = arith.constant 16 : i32
          %mul3A_315 = arith.muli %scan3A_227, %mul3A_314 : i32
          %add3A_316 = arith.constant 7 : i32
          %add3A_317 = arith.addi %mul3A_315, %add3A_316 : i32
          %add3A_318 = vector.broadcast %add3A_317 : i32 to vector<16xi32>
          %add3A_319 = arith.addi %broadcast_in_dim3A_313, %add3A_318 : vector<16xi32>
          %gather3A_320 = tpu.vector_load_idx %arg10[%add3A_80, %add3A_319] : memref<128x256xf32, #tpu.memory_space<vmem>>[vector<16xi32>, vector<16xi32>], vector<16xf32>,
          %gather3A_321 = tpu.vector_load_idx %arg11[%add3A_80, %add3A_319] : memref<128x256xf32, #tpu.memory_space<vmem>>[vector<16xi32>, vector<16xi32>], vector<16xf32>,
          %mul3A_322 = arith.mulf %gather3A_320, %gather3A_321 : vector<16xf32>
          %add3A_323 = arith.addf %add3A_311, %mul3A_322 : vector<16xf32>
          %broadcast_in_dim3A_324 = arith.constant 0 : i32
          %broadcast_in_dim3A_325 = vector.broadcast %broadcast_in_dim3A_324 : i32 to vector<16xi32>
          %mul3A_326 = arith.constant 16 : i32
          %mul3A_327 = arith.muli %scan3A_227, %mul3A_326 : i32
          %add3A_328 = arith.constant 8 : i32
          %add3A_329 = arith.addi %mul3A_327, %add3A_328 : i32
          %add3A_330 = vector.broadcast %add3A_329 : i32 to vector<16xi32>
          %add3A_331 = arith.addi %broadcast_in_dim3A_325, %add3A_330 : vector<16xi32>
          %gather3A_332 = tpu.vector_load_idx %arg10[%add3A_80, %add3A_331] : memref<128x256xf32, #tpu.memory_space<vmem>>[vector<16xi32>, vector<16xi32>], vector<16xf32>,
          %gather3A_333 = tpu.vector_load_idx %arg11[%add3A_80, %add3A_331] : memref<128x256xf32, #tpu.memory_space<vmem>>[vector<16xi32>, vector<16xi32>], vector<16xf32>,
          %mul3A_334 = arith.mulf %gather3A_332, %gather3A_333 : vector<16xf32>
          %add3A_335 = arith.addf %add3A_323, %mul3A_334 : vector<16xf32>
          %broadcast_in_dim3A_336 = arith.constant 0 : i32
          %broadcast_in_dim3A_337 = vector.broadcast %broadcast_in_dim3A_336 : i32 to vector<16xi32>
          %mul3A_338 = arith.constant 16 : i32
          %mul3A_339 = arith.muli %scan3A_227, %mul3A_338 : i32
          %add3A_340 = arith.constant 9 : i32
          %add3A_341 = arith.addi %mul3A_339, %add3A_340 : i32
          %add3A_342 = vector.broadcast %add3A_341 : i32 to vector<16xi32>
          %add3A_343 = arith.addi %broadcast_in_dim3A_337, %add3A_342 : vector<16xi32>
          %gather3A_344 = tpu.vector_load_idx %arg10[%add3A_80, %add3A_343] : memref<128x256xf32, #tpu.memory_space<vmem>>[vector<16xi32>, vector<16xi32>], vector<16xf32>,
          %gather3A_345 = tpu.vector_load_idx %arg11[%add3A_80, %add3A_343] : memref<128x256xf32, #tpu.memory_space<vmem>>[vector<16xi32>, vector<16xi32>], vector<16xf32>,
          %mul3A_346 = arith.mulf %gather3A_344, %gather3A_345 : vector<16xf32>
          %add3A_347 = arith.addf %add3A_335, %mul3A_346 : vector<16xf32>
          %broadcast_in_dim3A_348 = arith.constant 0 : i32
          %broadcast_in_dim3A_349 = vector.broadcast %broadcast_in_dim3A_348 : i32 to vector<16xi32>
          %mul3A_350 = arith.constant 16 : i32
          %mul3A_351 = arith.muli %scan3A_227, %mul3A_350 : i32
          %add3A_352 = arith.constant 10 : i32
          %add3A_353 = arith.addi %mul3A_351, %add3A_352 : i32
          %add3A_354 = vector.broadcast %add3A_353 : i32 to vector<16xi32>
          %add3A_355 = arith.addi %broadcast_in_dim3A_349, %add3A_354 : vector<16xi32>
          %gather3A_356 = tpu.vector_load_idx %arg10[%add3A_80, %add3A_355] : memref<128x256xf32, #tpu.memory_space<vmem>>[vector<16xi32>, vector<16xi32>], vector<16xf32>,
          %gather3A_357 = tpu.vector_load_idx %arg11[%add3A_80, %add3A_355] : memref<128x256xf32, #tpu.memory_space<vmem>>[vector<16xi32>, vector<16xi32>], vector<16xf32>,
          %mul3A_358 = arith.mulf %gather3A_356, %gather3A_357 : vector<16xf32>
          %add3A_359 = arith.addf %add3A_347, %mul3A_358 : vector<16xf32>
          %broadcast_in_dim3A_360 = arith.constant 0 : i32
          %broadcast_in_dim3A_361 = vector.broadcast %broadcast_in_dim3A_360 : i32 to vector<16xi32>
          %mul3A_362 = arith.constant 16 : i32
          %mul3A_363 = arith.muli %scan3A_227, %mul3A_362 : i32
          %add3A_364 = arith.constant 11 : i32
          %add3A_365 = arith.addi %mul3A_363, %add3A_364 : i32
          %add3A_366 = vector.broadcast %add3A_365 : i32 to vector<16xi32>
          %add3A_367 = arith.addi %broadcast_in_dim3A_361, %add3A_366 : vector<16xi32>
          %gather3A_368 = tpu.vector_load_idx %arg10[%add3A_80, %add3A_367] : memref<128x256xf32, #tpu.memory_space<vmem>>[vector<16xi32>, vector<16xi32>], vector<16xf32>,
          %gather3A_369 = tpu.vector_load_idx %arg11[%add3A_80, %add3A_367] : memref<128x256xf32, #tpu.memory_space<vmem>>[vector<16xi32>, vector<16xi32>], vector<16xf32>,
          %mul3A_370 = arith.mulf %gather3A_368, %gather3A_369 : vector<16xf32>
          %add3A_371 = arith.addf %add3A_359, %mul3A_370 : vector<16xf32>
          %broadcast_in_dim3A_372 = arith.constant 0 : i32
          %broadcast_in_dim3A_373 = vector.broadcast %broadcast_in_dim3A_372 : i32 to vector<16xi32>
          %mul3A_374 = arith.constant 16 : i32
          %mul3A_375 = arith.muli %scan3A_227, %mul3A_374 : i32
          %add3A_376 = arith.constant 12 : i32
          %add3A_377 = arith.addi %mul3A_375, %add3A_376 : i32
          %add3A_378 = vector.broadcast %add3A_377 : i32 to vector<16xi32>
          %add3A_379 = arith.addi %broadcast_in_dim3A_373, %add3A_378 : vector<16xi32>
          %gather3A_380 = tpu.vector_load_idx %arg10[%add3A_80, %add3A_379] : memref<128x256xf32, #tpu.memory_space<vmem>>[vector<16xi32>, vector<16xi32>], vector<16xf32>,
          %gather3A_381 = tpu.vector_load_idx %arg11[%add3A_80, %add3A_379] : memref<128x256xf32, #tpu.memory_space<vmem>>[vector<16xi32>, vector<16xi32>], vector<16xf32>,
          %mul3A_382 = arith.mulf %gather3A_380, %gather3A_381 : vector<16xf32>
          %add3A_383 = arith.addf %add3A_371, %mul3A_382 : vector<16xf32>
          %broadcast_in_dim3A_384 = arith.constant 0 : i32
          %broadcast_in_dim3A_385 = vector.broadcast %broadcast_in_dim3A_384 : i32 to vector<16xi32>
          %mul3A_386 = arith.constant 16 : i32
          %mul3A_387 = arith.muli %scan3A_227, %mul3A_386 : i32
          %add3A_388 = arith.constant 13 : i32
          %add3A_389 = arith.addi %mul3A_387, %add3A_388 : i32
          %add3A_390 = vector.broadcast %add3A_389 : i32 to vector<16xi32>
          %add3A_391 = arith.addi %broadcast_in_dim3A_385, %add3A_390 : vector<16xi32>
          %gather3A_392 = tpu.vector_load_idx %arg10[%add3A_80, %add3A_391] : memref<128x256xf32, #tpu.memory_space<vmem>>[vector<16xi32>, vector<16xi32>], vector<16xf32>,
          %gather3A_393 = tpu.vector_load_idx %arg11[%add3A_80, %add3A_391] : memref<128x256xf32, #tpu.memory_space<vmem>>[vector<16xi32>, vector<16xi32>], vector<16xf32>,
          %mul3A_394 = arith.mulf %gather3A_392, %gather3A_393 : vector<16xf32>
          %add3A_395 = arith.addf %add3A_383, %mul3A_394 : vector<16xf32>
          %broadcast_in_dim3A_396 = arith.constant 0 : i32
          %broadcast_in_dim3A_397 = vector.broadcast %broadcast_in_dim3A_396 : i32 to vector<16xi32>
          %mul3A_398 = arith.constant 16 : i32
          %mul3A_399 = arith.muli %scan3A_227, %mul3A_398 : i32
          %add3A_400 = arith.constant 14 : i32
          %add3A_401 = arith.addi %mul3A_399, %add3A_400 : i32
          %add3A_402 = vector.broadcast %add3A_401 : i32 to vector<16xi32>
          %add3A_403 = arith.addi %broadcast_in_dim3A_397, %add3A_402 : vector<16xi32>
          %gather3A_404 = tpu.vector_load_idx %arg10[%add3A_80, %add3A_403] : memref<128x256xf32, #tpu.memory_space<vmem>>[vector<16xi32>, vector<16xi32>], vector<16xf32>,
          %gather3A_405 = tpu.vector_load_idx %arg11[%add3A_80, %add3A_403] : memref<128x256xf32, #tpu.memory_space<vmem>>[vector<16xi32>, vector<16xi32>], vector<16xf32>,
          %mul3A_406 = arith.mulf %gather3A_404, %gather3A_405 : vector<16xf32>
          %add3A_407 = arith.addf %add3A_395, %mul3A_406 : vector<16xf32>
          %broadcast_in_dim3A_408 = arith.constant 0 : i32
          %broadcast_in_dim3A_409 = vector.broadcast %broadcast_in_dim3A_408 : i32 to vector<16xi32>
          %mul3A_410 = arith.constant 16 : i32
          %mul3A_411 = arith.muli %scan3A_227, %mul3A_410 : i32
          %add3A_412 = arith.constant 15 : i32
          %add3A_413 = arith.addi %mul3A_411, %add3A_412 : i32
          %add3A_414 = vector.broadcast %add3A_413 : i32 to vector<16xi32>
          %add3A_415 = arith.addi %broadcast_in_dim3A_409, %add3A_414 : vector<16xi32>
          %gather3A_416 = tpu.vector_load_idx %arg10[%add3A_80, %add3A_415] : memref<128x256xf32, #tpu.memory_space<vmem>>[vector<16xi32>, vector<16xi32>], vector<16xf32>,
          %gather3A_417 = tpu.vector_load_idx %arg11[%add3A_80, %add3A_415] : memref<128x256xf32, #tpu.memory_space<vmem>>[vector<16xi32>, vector<16xi32>], vector<16xf32>,
          %mul3A_418 = arith.mulf %gather3A_416, %gather3A_417 : vector<16xf32>
          %add3A_419 = arith.addf %add3A_407, %mul3A_418 : vector<16xf32>
          scf.yield %add3A_419 : vector<16xf32>
        }
        %scan3A_88 = arith.constant 16 : i32
        %swap3A_89 = arith.constant 0 : index
        %swap3A_90 = tpu.vector_load %arg12[%swap3A_89] {strides = array<i32>} : memref<128xf32, #tpu.memory_space<vmem>>, vector<16xf32>,
        tpu.vector_store %arg12[%swap3A_89], %scan3A_87 {strides = array<i32>} : memref<128xf32, #tpu.memory_space<vmem>>, vector<16xf32>,
        %get3A = arith.constant 0 : index
        %get3A_91 = tpu.vector_load %arg13[%get3A] {strides = array<i32>} : memref<16xf32, #tpu.memory_space<vmem>>, vector<16xf32>,
        %max3A = arith.maximumf %get3A_91, %scan3A_87 : vector<16xf32>
        %swap3A_92 = arith.constant 0 : index
        %swap3A_93 = tpu.vector_load %arg13[%swap3A_92] {strides = array<i32>} : memref<16xf32, #tpu.memory_space<vmem>>, vector<16xf32>,
        tpu.vector_store %arg13[%swap3A_92], %max3A {strides = array<i32>} : memref<16xf32, #tpu.memory_space<vmem>>, vector<16xf32>,
        %iota3A_94 = tpu.iota {dimensions = array<i32: 0>} : vector<16xi32>
        %add3A_95 = arith.constant 16 : i32
        %add3A_96 = vector.broadcast %add3A_95 : i32 to vector<16xi32>
        %add3A_97 = arith.addi %iota3A_94, %add3A_96 : vector<16xi32>
        %broadcast_in_dim3A_98 = arith.constant 0.000000e+00 : f32
        %broadcast_in_dim3A_99 = vector.broadcast %broadcast_in_dim3A_98 : f32 to vector<16xf32>
        %scan3A_100 = arith.constant 0 : i32
        %scan3A_101 = arith.constant 16 : i32
        %scan3A_102 = arith.addi %scan3A_100, %scan3A_101 : i32
        %scan3A_103 = arith.constant 1 : i32
        %scan3A_104 = scf.for %scan3A_227 = %scan3A_100 to %scan3A_102 step %scan3A_103 iter_args(%scan3A_228 = %broadcast_in_dim3A_99) -> (vector<16xf32>)  : i32 {
          %broadcast_in_dim3A_229 = arith.constant 0 : i32
          %broadcast_in_dim3A_230 = vector.broadcast %broadcast_in_dim3A_229 : i32 to vector<16xi32>
          %mul3A_231 = arith.constant 16 : i32
          %mul3A_232 = arith.muli %scan3A_227, %mul3A_231 : i32
          %add3A_233 = arith.constant 0 : i32
          %add3A_234 = arith.addi %mul3A_232, %add3A_233 : i32
          %add3A_235 = vector.broadcast %add3A_234 : i32 to vector<16xi32>
          %add3A_236 = arith.addi %broadcast_in_dim3A_230, %add3A_235 : vector<16xi32>
          %gather3A = tpu.vector_load_idx %arg10[%add3A_97, %add3A_236] : memref<128x256xf32, #tpu.memory_space<vmem>>[vector<16xi32>, vector<16xi32>], vector<16xf32>,
          %gather3A_237 = tpu.vector_load_idx %arg11[%add3A_97, %add3A_236] : memref<128x256xf32, #tpu.memory_space<vmem>>[vector<16xi32>, vector<16xi32>], vector<16xf32>,
          %mul3A_238 = arith.mulf %gather3A, %gather3A_237 : vector<16xf32>
          %add3A_239 = arith.addf %scan3A_228, %mul3A_238 : vector<16xf32>
          %broadcast_in_dim3A_240 = arith.constant 0 : i32
          %broadcast_in_dim3A_241 = vector.broadcast %broadcast_in_dim3A_240 : i32 to vector<16xi32>
          %mul3A_242 = arith.constant 16 : i32
          %mul3A_243 = arith.muli %scan3A_227, %mul3A_242 : i32
          %add3A_244 = arith.constant 1 : i32
          %add3A_245 = arith.addi %mul3A_243, %add3A_244 : i32
          %add3A_246 = vector.broadcast %add3A_245 : i32 to vector<16xi32>
          %add3A_247 = arith.addi %broadcast_in_dim3A_241, %add3A_246 : vector<16xi32>
          %gather3A_248 = tpu.vector_load_idx %arg10[%add3A_97, %add3A_247] : memref<128x256xf32, #tpu.memory_space<vmem>>[vector<16xi32>, vector<16xi32>], vector<16xf32>,
          %gather3A_249 = tpu.vector_load_idx %arg11[%add3A_97, %add3A_247] : memref<128x256xf32, #tpu.memory_space<vmem>>[vector<16xi32>, vector<16xi32>], vector<16xf32>,
          %mul3A_250 = arith.mulf %gather3A_248, %gather3A_249 : vector<16xf32>
          %add3A_251 = arith.addf %add3A_239, %mul3A_250 : vector<16xf32>
          %broadcast_in_dim3A_252 = arith.constant 0 : i32
          %broadcast_in_dim3A_253 = vector.broadcast %broadcast_in_dim3A_252 : i32 to vector<16xi32>
          %mul3A_254 = arith.constant 16 : i32
          %mul3A_255 = arith.muli %scan3A_227, %mul3A_254 : i32
          %add3A_256 = arith.constant 2 : i32
          %add3A_257 = arith.addi %mul3A_255, %add3A_256 : i32
          %add3A_258 = vector.broadcast %add3A_257 : i32 to vector<16xi32>
          %add3A_259 = arith.addi %broadcast_in_dim3A_253, %add3A_258 : vector<16xi32>
          %gather3A_260 = tpu.vector_load_idx %arg10[%add3A_97, %add3A_259] : memref<128x256xf32, #tpu.memory_space<vmem>>[vector<16xi32>, vector<16xi32>], vector<16xf32>,
          %gather3A_261 = tpu.vector_load_idx %arg11[%add3A_97, %add3A_259] : memref<128x256xf32, #tpu.memory_space<vmem>>[vector<16xi32>, vector<16xi32>], vector<16xf32>,
          %mul3A_262 = arith.mulf %gather3A_260, %gather3A_261 : vector<16xf32>
          %add3A_263 = arith.addf %add3A_251, %mul3A_262 : vector<16xf32>
          %broadcast_in_dim3A_264 = arith.constant 0 : i32
          %broadcast_in_dim3A_265 = vector.broadcast %broadcast_in_dim3A_264 : i32 to vector<16xi32>
          %mul3A_266 = arith.constant 16 : i32
          %mul3A_267 = arith.muli %scan3A_227, %mul3A_266 : i32
          %add3A_268 = arith.constant 3 : i32
          %add3A_269 = arith.addi %mul3A_267, %add3A_268 : i32
          %add3A_270 = vector.broadcast %add3A_269 : i32 to vector<16xi32>
          %add3A_271 = arith.addi %broadcast_in_dim3A_265, %add3A_270 : vector<16xi32>
          %gather3A_272 = tpu.vector_load_idx %arg10[%add3A_97, %add3A_271] : memref<128x256xf32, #tpu.memory_space<vmem>>[vector<16xi32>, vector<16xi32>], vector<16xf32>,
          %gather3A_273 = tpu.vector_load_idx %arg11[%add3A_97, %add3A_271] : memref<128x256xf32, #tpu.memory_space<vmem>>[vector<16xi32>, vector<16xi32>], vector<16xf32>,
          %mul3A_274 = arith.mulf %gather3A_272, %gather3A_273 : vector<16xf32>
          %add3A_275 = arith.addf %add3A_263, %mul3A_274 : vector<16xf32>
          %broadcast_in_dim3A_276 = arith.constant 0 : i32
          %broadcast_in_dim3A_277 = vector.broadcast %broadcast_in_dim3A_276 : i32 to vector<16xi32>
          %mul3A_278 = arith.constant 16 : i32
          %mul3A_279 = arith.muli %scan3A_227, %mul3A_278 : i32
          %add3A_280 = arith.constant 4 : i32
          %add3A_281 = arith.addi %mul3A_279, %add3A_280 : i32
          %add3A_282 = vector.broadcast %add3A_281 : i32 to vector<16xi32>
          %add3A_283 = arith.addi %broadcast_in_dim3A_277, %add3A_282 : vector<16xi32>
          %gather3A_284 = tpu.vector_load_idx %arg10[%add3A_97, %add3A_283] : memref<128x256xf32, #tpu.memory_space<vmem>>[vector<16xi32>, vector<16xi32>], vector<16xf32>,
          %gather3A_285 = tpu.vector_load_idx %arg11[%add3A_97, %add3A_283] : memref<128x256xf32, #tpu.memory_space<vmem>>[vector<16xi32>, vector<16xi32>], vector<16xf32>,
          %mul3A_286 = arith.mulf %gather3A_284, %gather3A_285 : vector<16xf32>
          %add3A_287 = arith.addf %add3A_275, %mul3A_286 : vector<16xf32>
          %broadcast_in_dim3A_288 = arith.constant 0 : i32
          %broadcast_in_dim3A_289 = vector.broadcast %broadcast_in_dim3A_288 : i32 to vector<16xi32>
          %mul3A_290 = arith.constant 16 : i32
          %mul3A_291 = arith.muli %scan3A_227, %mul3A_290 : i32
          %add3A_292 = arith.constant 5 : i32
          %add3A_293 = arith.addi %mul3A_291, %add3A_292 : i32
          %add3A_294 = vector.broadcast %add3A_293 : i32 to vector<16xi32>
          %add3A_295 = arith.addi %broadcast_in_dim3A_289, %add3A_294 : vector<16xi32>
          %gather3A_296 = tpu.vector_load_idx %arg10[%add3A_97, %add3A_295] : memref<128x256xf32, #tpu.memory_space<vmem>>[vector<16xi32>, vector<16xi32>], vector<16xf32>,
          %gather3A_297 = tpu.vector_load_idx %arg11[%add3A_97, %add3A_295] : memref<128x256xf32, #tpu.memory_space<vmem>>[vector<16xi32>, vector<16xi32>], vector<16xf32>,
          %mul3A_298 = arith.mulf %gather3A_296, %gather3A_297 : vector<16xf32>
          %add3A_299 = arith.addf %add3A_287, %mul3A_298 : vector<16xf32>
          %broadcast_in_dim3A_300 = arith.constant 0 : i32
          %broadcast_in_dim3A_301 = vector.broadcast %broadcast_in_dim3A_300 : i32 to vector<16xi32>
          %mul3A_302 = arith.constant 16 : i32
          %mul3A_303 = arith.muli %scan3A_227, %mul3A_302 : i32
          %add3A_304 = arith.constant 6 : i32
          %add3A_305 = arith.addi %mul3A_303, %add3A_304 : i32
          %add3A_306 = vector.broadcast %add3A_305 : i32 to vector<16xi32>
          %add3A_307 = arith.addi %broadcast_in_dim3A_301, %add3A_306 : vector<16xi32>
          %gather3A_308 = tpu.vector_load_idx %arg10[%add3A_97, %add3A_307] : memref<128x256xf32, #tpu.memory_space<vmem>>[vector<16xi32>, vector<16xi32>], vector<16xf32>,
          %gather3A_309 = tpu.vector_load_idx %arg11[%add3A_97, %add3A_307] : memref<128x256xf32, #tpu.memory_space<vmem>>[vector<16xi32>, vector<16xi32>], vector<16xf32>,
          %mul3A_310 = arith.mulf %gather3A_308, %gather3A_309 : vector<16xf32>
          %add3A_311 = arith.addf %add3A_299, %mul3A_310 : vector<16xf32>
          %broadcast_in_dim3A_312 = arith.constant 0 : i32
          %broadcast_in_dim3A_313 = vector.broadcast %broadcast_in_dim3A_312 : i32 to vector<16xi32>
          %mul3A_314 = arith.constant 16 : i32
          %mul3A_315 = arith.muli %scan3A_227, %mul3A_314 : i32
          %add3A_316 = arith.constant 7 : i32
          %add3A_317 = arith.addi %mul3A_315, %add3A_316 : i32
          %add3A_318 = vector.broadcast %add3A_317 : i32 to vector<16xi32>
          %add3A_319 = arith.addi %broadcast_in_dim3A_313, %add3A_318 : vector<16xi32>
          %gather3A_320 = tpu.vector_load_idx %arg10[%add3A_97, %add3A_319] : memref<128x256xf32, #tpu.memory_space<vmem>>[vector<16xi32>, vector<16xi32>], vector<16xf32>,
          %gather3A_321 = tpu.vector_load_idx %arg11[%add3A_97, %add3A_319] : memref<128x256xf32, #tpu.memory_space<vmem>>[vector<16xi32>, vector<16xi32>], vector<16xf32>,
          %mul3A_322 = arith.mulf %gather3A_320, %gather3A_321 : vector<16xf32>
          %add3A_323 = arith.addf %add3A_311, %mul3A_322 : vector<16xf32>
          %broadcast_in_dim3A_324 = arith.constant 0 : i32
          %broadcast_in_dim3A_325 = vector.broadcast %broadcast_in_dim3A_324 : i32 to vector<16xi32>
          %mul3A_326 = arith.constant 16 : i32
          %mul3A_327 = arith.muli %scan3A_227, %mul3A_326 : i32
          %add3A_328 = arith.constant 8 : i32
          %add3A_329 = arith.addi %mul3A_327, %add3A_328 : i32
          %add3A_330 = vector.broadcast %add3A_329 : i32 to vector<16xi32>
          %add3A_331 = arith.addi %broadcast_in_dim3A_325, %add3A_330 : vector<16xi32>
          %gather3A_332 = tpu.vector_load_idx %arg10[%add3A_97, %add3A_331] : memref<128x256xf32, #tpu.memory_space<vmem>>[vector<16xi32>, vector<16xi32>], vector<16xf32>,
          %gather3A_333 = tpu.vector_load_idx %arg11[%add3A_97, %add3A_331] : memref<128x256xf32, #tpu.memory_space<vmem>>[vector<16xi32>, vector<16xi32>], vector<16xf32>,
          %mul3A_334 = arith.mulf %gather3A_332, %gather3A_333 : vector<16xf32>
          %add3A_335 = arith.addf %add3A_323, %mul3A_334 : vector<16xf32>
          %broadcast_in_dim3A_336 = arith.constant 0 : i32
          %broadcast_in_dim3A_337 = vector.broadcast %broadcast_in_dim3A_336 : i32 to vector<16xi32>
          %mul3A_338 = arith.constant 16 : i32
          %mul3A_339 = arith.muli %scan3A_227, %mul3A_338 : i32
          %add3A_340 = arith.constant 9 : i32
          %add3A_341 = arith.addi %mul3A_339, %add3A_340 : i32
          %add3A_342 = vector.broadcast %add3A_341 : i32 to vector<16xi32>
          %add3A_343 = arith.addi %broadcast_in_dim3A_337, %add3A_342 : vector<16xi32>
          %gather3A_344 = tpu.vector_load_idx %arg10[%add3A_97, %add3A_343] : memref<128x256xf32, #tpu.memory_space<vmem>>[vector<16xi32>, vector<16xi32>], vector<16xf32>,
          %gather3A_345 = tpu.vector_load_idx %arg11[%add3A_97, %add3A_343] : memref<128x256xf32, #tpu.memory_space<vmem>>[vector<16xi32>, vector<16xi32>], vector<16xf32>,
          %mul3A_346 = arith.mulf %gather3A_344, %gather3A_345 : vector<16xf32>
          %add3A_347 = arith.addf %add3A_335, %mul3A_346 : vector<16xf32>
          %broadcast_in_dim3A_348 = arith.constant 0 : i32
          %broadcast_in_dim3A_349 = vector.broadcast %broadcast_in_dim3A_348 : i32 to vector<16xi32>
          %mul3A_350 = arith.constant 16 : i32
          %mul3A_351 = arith.muli %scan3A_227, %mul3A_350 : i32
          %add3A_352 = arith.constant 10 : i32
          %add3A_353 = arith.addi %mul3A_351, %add3A_352 : i32
          %add3A_354 = vector.broadcast %add3A_353 : i32 to vector<16xi32>
          %add3A_355 = arith.addi %broadcast_in_dim3A_349, %add3A_354 : vector<16xi32>
          %gather3A_356 = tpu.vector_load_idx %arg10[%add3A_97, %add3A_355] : memref<128x256xf32, #tpu.memory_space<vmem>>[vector<16xi32>, vector<16xi32>], vector<16xf32>,
          %gather3A_357 = tpu.vector_load_idx %arg11[%add3A_97, %add3A_355] : memref<128x256xf32, #tpu.memory_space<vmem>>[vector<16xi32>, vector<16xi32>], vector<16xf32>,
          %mul3A_358 = arith.mulf %gather3A_356, %gather3A_357 : vector<16xf32>
          %add3A_359 = arith.addf %add3A_347, %mul3A_358 : vector<16xf32>
          %broadcast_in_dim3A_360 = arith.constant 0 : i32
          %broadcast_in_dim3A_361 = vector.broadcast %broadcast_in_dim3A_360 : i32 to vector<16xi32>
          %mul3A_362 = arith.constant 16 : i32
          %mul3A_363 = arith.muli %scan3A_227, %mul3A_362 : i32
          %add3A_364 = arith.constant 11 : i32
          %add3A_365 = arith.addi %mul3A_363, %add3A_364 : i32
          %add3A_366 = vector.broadcast %add3A_365 : i32 to vector<16xi32>
          %add3A_367 = arith.addi %broadcast_in_dim3A_361, %add3A_366 : vector<16xi32>
          %gather3A_368 = tpu.vector_load_idx %arg10[%add3A_97, %add3A_367] : memref<128x256xf32, #tpu.memory_space<vmem>>[vector<16xi32>, vector<16xi32>], vector<16xf32>,
          %gather3A_369 = tpu.vector_load_idx %arg11[%add3A_97, %add3A_367] : memref<128x256xf32, #tpu.memory_space<vmem>>[vector<16xi32>, vector<16xi32>], vector<16xf32>,
          %mul3A_370 = arith.mulf %gather3A_368, %gather3A_369 : vector<16xf32>
          %add3A_371 = arith.addf %add3A_359, %mul3A_370 : vector<16xf32>
          %broadcast_in_dim3A_372 = arith.constant 0 : i32
          %broadcast_in_dim3A_373 = vector.broadcast %broadcast_in_dim3A_372 : i32 to vector<16xi32>
          %mul3A_374 = arith.constant 16 : i32
          %mul3A_375 = arith.muli %scan3A_227, %mul3A_374 : i32
          %add3A_376 = arith.constant 12 : i32
          %add3A_377 = arith.addi %mul3A_375, %add3A_376 : i32
          %add3A_378 = vector.broadcast %add3A_377 : i32 to vector<16xi32>
          %add3A_379 = arith.addi %broadcast_in_dim3A_373, %add3A_378 : vector<16xi32>
          %gather3A_380 = tpu.vector_load_idx %arg10[%add3A_97, %add3A_379] : memref<128x256xf32, #tpu.memory_space<vmem>>[vector<16xi32>, vector<16xi32>], vector<16xf32>,
          %gather3A_381 = tpu.vector_load_idx %arg11[%add3A_97, %add3A_379] : memref<128x256xf32, #tpu.memory_space<vmem>>[vector<16xi32>, vector<16xi32>], vector<16xf32>,
          %mul3A_382 = arith.mulf %gather3A_380, %gather3A_381 : vector<16xf32>
          %add3A_383 = arith.addf %add3A_371, %mul3A_382 : vector<16xf32>
          %broadcast_in_dim3A_384 = arith.constant 0 : i32
          %broadcast_in_dim3A_385 = vector.broadcast %broadcast_in_dim3A_384 : i32 to vector<16xi32>
          %mul3A_386 = arith.constant 16 : i32
          %mul3A_387 = arith.muli %scan3A_227, %mul3A_386 : i32
          %add3A_388 = arith.constant 13 : i32
          %add3A_389 = arith.addi %mul3A_387, %add3A_388 : i32
          %add3A_390 = vector.broadcast %add3A_389 : i32 to vector<16xi32>
          %add3A_391 = arith.addi %broadcast_in_dim3A_385, %add3A_390 : vector<16xi32>
          %gather3A_392 = tpu.vector_load_idx %arg10[%add3A_97, %add3A_391] : memref<128x256xf32, #tpu.memory_space<vmem>>[vector<16xi32>, vector<16xi32>], vector<16xf32>,
          %gather3A_393 = tpu.vector_load_idx %arg11[%add3A_97, %add3A_391] : memref<128x256xf32, #tpu.memory_space<vmem>>[vector<16xi32>, vector<16xi32>], vector<16xf32>,
          %mul3A_394 = arith.mulf %gather3A_392, %gather3A_393 : vector<16xf32>
          %add3A_395 = arith.addf %add3A_383, %mul3A_394 : vector<16xf32>
          %broadcast_in_dim3A_396 = arith.constant 0 : i32
          %broadcast_in_dim3A_397 = vector.broadcast %broadcast_in_dim3A_396 : i32 to vector<16xi32>
          %mul3A_398 = arith.constant 16 : i32
          %mul3A_399 = arith.muli %scan3A_227, %mul3A_398 : i32
          %add3A_400 = arith.constant 14 : i32
          %add3A_401 = arith.addi %mul3A_399, %add3A_400 : i32
          %add3A_402 = vector.broadcast %add3A_401 : i32 to vector<16xi32>
          %add3A_403 = arith.addi %broadcast_in_dim3A_397, %add3A_402 : vector<16xi32>
          %gather3A_404 = tpu.vector_load_idx %arg10[%add3A_97, %add3A_403] : memref<128x256xf32, #tpu.memory_space<vmem>>[vector<16xi32>, vector<16xi32>], vector<16xf32>,
          %gather3A_405 = tpu.vector_load_idx %arg11[%add3A_97, %add3A_403] : memref<128x256xf32, #tpu.memory_space<vmem>>[vector<16xi32>, vector<16xi32>], vector<16xf32>,
          %mul3A_406 = arith.mulf %gather3A_404, %gather3A_405 : vector<16xf32>
          %add3A_407 = arith.addf %add3A_395, %mul3A_406 : vector<16xf32>
          %broadcast_in_dim3A_408 = arith.constant 0 : i32
          %broadcast_in_dim3A_409 = vector.broadcast %broadcast_in_dim3A_408 : i32 to vector<16xi32>
          %mul3A_410 = arith.constant 16 : i32
          %mul3A_411 = arith.muli %scan3A_227, %mul3A_410 : i32
          %add3A_412 = arith.constant 15 : i32
          %add3A_413 = arith.addi %mul3A_411, %add3A_412 : i32
          %add3A_414 = vector.broadcast %add3A_413 : i32 to vector<16xi32>
          %add3A_415 = arith.addi %broadcast_in_dim3A_409, %add3A_414 : vector<16xi32>
          %gather3A_416 = tpu.vector_load_idx %arg10[%add3A_97, %add3A_415] : memref<128x256xf32, #tpu.memory_space<vmem>>[vector<16xi32>, vector<16xi32>], vector<16xf32>,
          %gather3A_417 = tpu.vector_load_idx %arg11[%add3A_97, %add3A_415] : memref<128x256xf32, #tpu.memory_space<vmem>>[vector<16xi32>, vector<16xi32>], vector<16xf32>,
          %mul3A_418 = arith.mulf %gather3A_416, %gather3A_417 : vector<16xf32>
          %add3A_419 = arith.addf %add3A_407, %mul3A_418 : vector<16xf32>
          scf.yield %add3A_419 : vector<16xf32>
        }
        %scan3A_105 = arith.constant 16 : i32
        %swap3A_106 = arith.constant 16 : index
        %swap3A_107 = tpu.vector_load %arg12[%swap3A_106] {strides = array<i32>} : memref<128xf32, #tpu.memory_space<vmem>>, vector<16xf32>,
        tpu.vector_store %arg12[%swap3A_106], %scan3A_104 {strides = array<i32>} : memref<128xf32, #tpu.memory_space<vmem>>, vector<16xf32>,
        %get3A_108 = arith.constant 0 : index
        %get3A_109 = tpu.vector_load %arg13[%get3A_108] {strides = array<i32>} : memref<16xf32, #tpu.memory_space<vmem>>, vector<16xf32>,
        %max3A_110 = arith.maximumf %get3A_109, %scan3A_104 : vector<16xf32>
        %swap3A_111 = arith.constant 0 : index
        %swap3A_112 = tpu.vector_load %arg13[%swap3A_111] {strides = array<i32>} : memref<16xf32, #tpu.memory_space<vmem>>, vector<16xf32>,
        tpu.vector_store %arg13[%swap3A_111], %max3A_110 {strides = array<i32>} : memref<16xf32, #tpu.memory_space<vmem>>, vector<16xf32>,
        %iota3A_113 = tpu.iota {dimensions = array<i32: 0>} : vector<16xi32>
        %add3A_114 = arith.constant 32 : i32
        %add3A_115 = vector.broadcast %add3A_114 : i32 to vector<16xi32>
        %add3A_116 = arith.addi %iota3A_113, %add3A_115 : vector<16xi32>
        %broadcast_in_dim3A_117 = arith.constant 0.000000e+00 : f32
        %broadcast_in_dim3A_118 = vector.broadcast %broadcast_in_dim3A_117 : f32 to vector<16xf32>
        %scan3A_119 = arith.constant 0 : i32
        %scan3A_120 = arith.constant 16 : i32
        %scan3A_121 = arith.addi %scan3A_119, %scan3A_120 : i32
        %scan3A_122 = arith.constant 1 : i32
        %scan3A_123 = scf.for %scan3A_227 = %scan3A_119 to %scan3A_121 step %scan3A_122 iter_args(%scan3A_228 = %broadcast_in_dim3A_118) -> (vector<16xf32>)  : i32 {
          %broadcast_in_dim3A_229 = arith.constant 0 : i32
          %broadcast_in_dim3A_230 = vector.broadcast %broadcast_in_dim3A_229 : i32 to vector<16xi32>
          %mul3A_231 = arith.constant 16 : i32
          %mul3A_232 = arith.muli %scan3A_227, %mul3A_231 : i32
          %add3A_233 = arith.constant 0 : i32
          %add3A_234 = arith.addi %mul3A_232, %add3A_233 : i32
          %add3A_235 = vector.broadcast %add3A_234 : i32 to vector<16xi32>
          %add3A_236 = arith.addi %broadcast_in_dim3A_230, %add3A_235 : vector<16xi32>
          %gather3A = tpu.vector_load_idx %arg10[%add3A_116, %add3A_236] : memref<128x256xf32, #tpu.memory_space<vmem>>[vector<16xi32>, vector<16xi32>], vector<16xf32>,
          %gather3A_237 = tpu.vector_load_idx %arg11[%add3A_116, %add3A_236] : memref<128x256xf32, #tpu.memory_space<vmem>>[vector<16xi32>, vector<16xi32>], vector<16xf32>,
          %mul3A_238 = arith.mulf %gather3A, %gather3A_237 : vector<16xf32>
          %add3A_239 = arith.addf %scan3A_228, %mul3A_238 : vector<16xf32>
          %broadcast_in_dim3A_240 = arith.constant 0 : i32
          %broadcast_in_dim3A_241 = vector.broadcast %broadcast_in_dim3A_240 : i32 to vector<16xi32>
          %mul3A_242 = arith.constant 16 : i32
          %mul3A_243 = arith.muli %scan3A_227, %mul3A_242 : i32
          %add3A_244 = arith.constant 1 : i32
          %add3A_245 = arith.addi %mul3A_243, %add3A_244 : i32
          %add3A_246 = vector.broadcast %add3A_245 : i32 to vector<16xi32>
          %add3A_247 = arith.addi %broadcast_in_dim3A_241, %add3A_246 : vector<16xi32>
          %gather3A_248 = tpu.vector_load_idx %arg10[%add3A_116, %add3A_247] : memref<128x256xf32, #tpu.memory_space<vmem>>[vector<16xi32>, vector<16xi32>], vector<16xf32>,
          %gather3A_249 = tpu.vector_load_idx %arg11[%add3A_116, %add3A_247] : memref<128x256xf32, #tpu.memory_space<vmem>>[vector<16xi32>, vector<16xi32>], vector<16xf32>,
          %mul3A_250 = arith.mulf %gather3A_248, %gather3A_249 : vector<16xf32>
          %add3A_251 = arith.addf %add3A_239, %mul3A_250 : vector<16xf32>
          %broadcast_in_dim3A_252 = arith.constant 0 : i32
          %broadcast_in_dim3A_253 = vector.broadcast %broadcast_in_dim3A_252 : i32 to vector<16xi32>
          %mul3A_254 = arith.constant 16 : i32
          %mul3A_255 = arith.muli %scan3A_227, %mul3A_254 : i32
          %add3A_256 = arith.constant 2 : i32
          %add3A_257 = arith.addi %mul3A_255, %add3A_256 : i32
          %add3A_258 = vector.broadcast %add3A_257 : i32 to vector<16xi32>
          %add3A_259 = arith.addi %broadcast_in_dim3A_253, %add3A_258 : vector<16xi32>
          %gather3A_260 = tpu.vector_load_idx %arg10[%add3A_116, %add3A_259] : memref<128x256xf32, #tpu.memory_space<vmem>>[vector<16xi32>, vector<16xi32>], vector<16xf32>,
          %gather3A_261 = tpu.vector_load_idx %arg11[%add3A_116, %add3A_259] : memref<128x256xf32, #tpu.memory_space<vmem>>[vector<16xi32>, vector<16xi32>], vector<16xf32>,
          %mul3A_262 = arith.mulf %gather3A_260, %gather3A_261 : vector<16xf32>
          %add3A_263 = arith.addf %add3A_251, %mul3A_262 : vector<16xf32>
          %broadcast_in_dim3A_264 = arith.constant 0 : i32
          %broadcast_in_dim3A_265 = vector.broadcast %broadcast_in_dim3A_264 : i32 to vector<16xi32>
          %mul3A_266 = arith.constant 16 : i32
          %mul3A_267 = arith.muli %scan3A_227, %mul3A_266 : i32
          %add3A_268 = arith.constant 3 : i32
          %add3A_269 = arith.addi %mul3A_267, %add3A_268 : i32
          %add3A_270 = vector.broadcast %add3A_269 : i32 to vector<16xi32>
          %add3A_271 = arith.addi %broadcast_in_dim3A_265, %add3A_270 : vector<16xi32>
          %gather3A_272 = tpu.vector_load_idx %arg10[%add3A_116, %add3A_271] : memref<128x256xf32, #tpu.memory_space<vmem>>[vector<16xi32>, vector<16xi32>], vector<16xf32>,
          %gather3A_273 = tpu.vector_load_idx %arg11[%add3A_116, %add3A_271] : memref<128x256xf32, #tpu.memory_space<vmem>>[vector<16xi32>, vector<16xi32>], vector<16xf32>,
          %mul3A_274 = arith.mulf %gather3A_272, %gather3A_273 : vector<16xf32>
          %add3A_275 = arith.addf %add3A_263, %mul3A_274 : vector<16xf32>
          %broadcast_in_dim3A_276 = arith.constant 0 : i32
          %broadcast_in_dim3A_277 = vector.broadcast %broadcast_in_dim3A_276 : i32 to vector<16xi32>
          %mul3A_278 = arith.constant 16 : i32
          %mul3A_279 = arith.muli %scan3A_227, %mul3A_278 : i32
          %add3A_280 = arith.constant 4 : i32
          %add3A_281 = arith.addi %mul3A_279, %add3A_280 : i32
          %add3A_282 = vector.broadcast %add3A_281 : i32 to vector<16xi32>
          %add3A_283 = arith.addi %broadcast_in_dim3A_277, %add3A_282 : vector<16xi32>
          %gather3A_284 = tpu.vector_load_idx %arg10[%add3A_116, %add3A_283] : memref<128x256xf32, #tpu.memory_space<vmem>>[vector<16xi32>, vector<16xi32>], vector<16xf32>,
          %gather3A_285 = tpu.vector_load_idx %arg11[%add3A_116, %add3A_283] : memref<128x256xf32, #tpu.memory_space<vmem>>[vector<16xi32>, vector<16xi32>], vector<16xf32>,
          %mul3A_286 = arith.mulf %gather3A_284, %gather3A_285 : vector<16xf32>
          %add3A_287 = arith.addf %add3A_275, %mul3A_286 : vector<16xf32>
          %broadcast_in_dim3A_288 = arith.constant 0 : i32
          %broadcast_in_dim3A_289 = vector.broadcast %broadcast_in_dim3A_288 : i32 to vector<16xi32>
          %mul3A_290 = arith.constant 16 : i32
          %mul3A_291 = arith.muli %scan3A_227, %mul3A_290 : i32
          %add3A_292 = arith.constant 5 : i32
          %add3A_293 = arith.addi %mul3A_291, %add3A_292 : i32
          %add3A_294 = vector.broadcast %add3A_293 : i32 to vector<16xi32>
          %add3A_295 = arith.addi %broadcast_in_dim3A_289, %add3A_294 : vector<16xi32>
          %gather3A_296 = tpu.vector_load_idx %arg10[%add3A_116, %add3A_295] : memref<128x256xf32, #tpu.memory_space<vmem>>[vector<16xi32>, vector<16xi32>], vector<16xf32>,
          %gather3A_297 = tpu.vector_load_idx %arg11[%add3A_116, %add3A_295] : memref<128x256xf32, #tpu.memory_space<vmem>>[vector<16xi32>, vector<16xi32>], vector<16xf32>,
          %mul3A_298 = arith.mulf %gather3A_296, %gather3A_297 : vector<16xf32>
          %add3A_299 = arith.addf %add3A_287, %mul3A_298 : vector<16xf32>
          %broadcast_in_dim3A_300 = arith.constant 0 : i32
          %broadcast_in_dim3A_301 = vector.broadcast %broadcast_in_dim3A_300 : i32 to vector<16xi32>
          %mul3A_302 = arith.constant 16 : i32
          %mul3A_303 = arith.muli %scan3A_227, %mul3A_302 : i32
          %add3A_304 = arith.constant 6 : i32
          %add3A_305 = arith.addi %mul3A_303, %add3A_304 : i32
          %add3A_306 = vector.broadcast %add3A_305 : i32 to vector<16xi32>
          %add3A_307 = arith.addi %broadcast_in_dim3A_301, %add3A_306 : vector<16xi32>
          %gather3A_308 = tpu.vector_load_idx %arg10[%add3A_116, %add3A_307] : memref<128x256xf32, #tpu.memory_space<vmem>>[vector<16xi32>, vector<16xi32>], vector<16xf32>,
          %gather3A_309 = tpu.vector_load_idx %arg11[%add3A_116, %add3A_307] : memref<128x256xf32, #tpu.memory_space<vmem>>[vector<16xi32>, vector<16xi32>], vector<16xf32>,
          %mul3A_310 = arith.mulf %gather3A_308, %gather3A_309 : vector<16xf32>
          %add3A_311 = arith.addf %add3A_299, %mul3A_310 : vector<16xf32>
          %broadcast_in_dim3A_312 = arith.constant 0 : i32
          %broadcast_in_dim3A_313 = vector.broadcast %broadcast_in_dim3A_312 : i32 to vector<16xi32>
          %mul3A_314 = arith.constant 16 : i32
          %mul3A_315 = arith.muli %scan3A_227, %mul3A_314 : i32
          %add3A_316 = arith.constant 7 : i32
          %add3A_317 = arith.addi %mul3A_315, %add3A_316 : i32
          %add3A_318 = vector.broadcast %add3A_317 : i32 to vector<16xi32>
          %add3A_319 = arith.addi %broadcast_in_dim3A_313, %add3A_318 : vector<16xi32>
          %gather3A_320 = tpu.vector_load_idx %arg10[%add3A_116, %add3A_319] : memref<128x256xf32, #tpu.memory_space<vmem>>[vector<16xi32>, vector<16xi32>], vector<16xf32>,
          %gather3A_321 = tpu.vector_load_idx %arg11[%add3A_116, %add3A_319] : memref<128x256xf32, #tpu.memory_space<vmem>>[vector<16xi32>, vector<16xi32>], vector<16xf32>,
          %mul3A_322 = arith.mulf %gather3A_320, %gather3A_321 : vector<16xf32>
          %add3A_323 = arith.addf %add3A_311, %mul3A_322 : vector<16xf32>
          %broadcast_in_dim3A_324 = arith.constant 0 : i32
          %broadcast_in_dim3A_325 = vector.broadcast %broadcast_in_dim3A_324 : i32 to vector<16xi32>
          %mul3A_326 = arith.constant 16 : i32
          %mul3A_327 = arith.muli %scan3A_227, %mul3A_326 : i32
          %add3A_328 = arith.constant 8 : i32
          %add3A_329 = arith.addi %mul3A_327, %add3A_328 : i32
          %add3A_330 = vector.broadcast %add3A_329 : i32 to vector<16xi32>
          %add3A_331 = arith.addi %broadcast_in_dim3A_325, %add3A_330 : vector<16xi32>
          %gather3A_332 = tpu.vector_load_idx %arg10[%add3A_116, %add3A_331] : memref<128x256xf32, #tpu.memory_space<vmem>>[vector<16xi32>, vector<16xi32>], vector<16xf32>,
          %gather3A_333 = tpu.vector_load_idx %arg11[%add3A_116, %add3A_331] : memref<128x256xf32, #tpu.memory_space<vmem>>[vector<16xi32>, vector<16xi32>], vector<16xf32>,
          %mul3A_334 = arith.mulf %gather3A_332, %gather3A_333 : vector<16xf32>
          %add3A_335 = arith.addf %add3A_323, %mul3A_334 : vector<16xf32>
          %broadcast_in_dim3A_336 = arith.constant 0 : i32
          %broadcast_in_dim3A_337 = vector.broadcast %broadcast_in_dim3A_336 : i32 to vector<16xi32>
          %mul3A_338 = arith.constant 16 : i32
          %mul3A_339 = arith.muli %scan3A_227, %mul3A_338 : i32
          %add3A_340 = arith.constant 9 : i32
          %add3A_341 = arith.addi %mul3A_339, %add3A_340 : i32
          %add3A_342 = vector.broadcast %add3A_341 : i32 to vector<16xi32>
          %add3A_343 = arith.addi %broadcast_in_dim3A_337, %add3A_342 : vector<16xi32>
          %gather3A_344 = tpu.vector_load_idx %arg10[%add3A_116, %add3A_343] : memref<128x256xf32, #tpu.memory_space<vmem>>[vector<16xi32>, vector<16xi32>], vector<16xf32>,
          %gather3A_345 = tpu.vector_load_idx %arg11[%add3A_116, %add3A_343] : memref<128x256xf32, #tpu.memory_space<vmem>>[vector<16xi32>, vector<16xi32>], vector<16xf32>,
          %mul3A_346 = arith.mulf %gather3A_344, %gather3A_345 : vector<16xf32>
          %add3A_347 = arith.addf %add3A_335, %mul3A_346 : vector<16xf32>
          %broadcast_in_dim3A_348 = arith.constant 0 : i32
          %broadcast_in_dim3A_349 = vector.broadcast %broadcast_in_dim3A_348 : i32 to vector<16xi32>
          %mul3A_350 = arith.constant 16 : i32
          %mul3A_351 = arith.muli %scan3A_227, %mul3A_350 : i32
          %add3A_352 = arith.constant 10 : i32
          %add3A_353 = arith.addi %mul3A_351, %add3A_352 : i32
          %add3A_354 = vector.broadcast %add3A_353 : i32 to vector<16xi32>
          %add3A_355 = arith.addi %broadcast_in_dim3A_349, %add3A_354 : vector<16xi32>
          %gather3A_356 = tpu.vector_load_idx %arg10[%add3A_116, %add3A_355] : memref<128x256xf32, #tpu.memory_space<vmem>>[vector<16xi32>, vector<16xi32>], vector<16xf32>,
          %gather3A_357 = tpu.vector_load_idx %arg11[%add3A_116, %add3A_355] : memref<128x256xf32, #tpu.memory_space<vmem>>[vector<16xi32>, vector<16xi32>], vector<16xf32>,
          %mul3A_358 = arith.mulf %gather3A_356, %gather3A_357 : vector<16xf32>
          %add3A_359 = arith.addf %add3A_347, %mul3A_358 : vector<16xf32>
          %broadcast_in_dim3A_360 = arith.constant 0 : i32
          %broadcast_in_dim3A_361 = vector.broadcast %broadcast_in_dim3A_360 : i32 to vector<16xi32>
          %mul3A_362 = arith.constant 16 : i32
          %mul3A_363 = arith.muli %scan3A_227, %mul3A_362 : i32
          %add3A_364 = arith.constant 11 : i32
          %add3A_365 = arith.addi %mul3A_363, %add3A_364 : i32
          %add3A_366 = vector.broadcast %add3A_365 : i32 to vector<16xi32>
          %add3A_367 = arith.addi %broadcast_in_dim3A_361, %add3A_366 : vector<16xi32>
          %gather3A_368 = tpu.vector_load_idx %arg10[%add3A_116, %add3A_367] : memref<128x256xf32, #tpu.memory_space<vmem>>[vector<16xi32>, vector<16xi32>], vector<16xf32>,
          %gather3A_369 = tpu.vector_load_idx %arg11[%add3A_116, %add3A_367] : memref<128x256xf32, #tpu.memory_space<vmem>>[vector<16xi32>, vector<16xi32>], vector<16xf32>,
          %mul3A_370 = arith.mulf %gather3A_368, %gather3A_369 : vector<16xf32>
          %add3A_371 = arith.addf %add3A_359, %mul3A_370 : vector<16xf32>
          %broadcast_in_dim3A_372 = arith.constant 0 : i32
          %broadcast_in_dim3A_373 = vector.broadcast %broadcast_in_dim3A_372 : i32 to vector<16xi32>
          %mul3A_374 = arith.constant 16 : i32
          %mul3A_375 = arith.muli %scan3A_227, %mul3A_374 : i32
          %add3A_376 = arith.constant 12 : i32
          %add3A_377 = arith.addi %mul3A_375, %add3A_376 : i32
          %add3A_378 = vector.broadcast %add3A_377 : i32 to vector<16xi32>
          %add3A_379 = arith.addi %broadcast_in_dim3A_373, %add3A_378 : vector<16xi32>
          %gather3A_380 = tpu.vector_load_idx %arg10[%add3A_116, %add3A_379] : memref<128x256xf32, #tpu.memory_space<vmem>>[vector<16xi32>, vector<16xi32>], vector<16xf32>,
          %gather3A_381 = tpu.vector_load_idx %arg11[%add3A_116, %add3A_379] : memref<128x256xf32, #tpu.memory_space<vmem>>[vector<16xi32>, vector<16xi32>], vector<16xf32>,
          %mul3A_382 = arith.mulf %gather3A_380, %gather3A_381 : vector<16xf32>
          %add3A_383 = arith.addf %add3A_371, %mul3A_382 : vector<16xf32>
          %broadcast_in_dim3A_384 = arith.constant 0 : i32
          %broadcast_in_dim3A_385 = vector.broadcast %broadcast_in_dim3A_384 : i32 to vector<16xi32>
          %mul3A_386 = arith.constant 16 : i32
          %mul3A_387 = arith.muli %scan3A_227, %mul3A_386 : i32
          %add3A_388 = arith.constant 13 : i32
          %add3A_389 = arith.addi %mul3A_387, %add3A_388 : i32
          %add3A_390 = vector.broadcast %add3A_389 : i32 to vector<16xi32>
          %add3A_391 = arith.addi %broadcast_in_dim3A_385, %add3A_390 : vector<16xi32>
          %gather3A_392 = tpu.vector_load_idx %arg10[%add3A_116, %add3A_391] : memref<128x256xf32, #tpu.memory_space<vmem>>[vector<16xi32>, vector<16xi32>], vector<16xf32>,
          %gather3A_393 = tpu.vector_load_idx %arg11[%add3A_116, %add3A_391] : memref<128x256xf32, #tpu.memory_space<vmem>>[vector<16xi32>, vector<16xi32>], vector<16xf32>,
          %mul3A_394 = arith.mulf %gather3A_392, %gather3A_393 : vector<16xf32>
          %add3A_395 = arith.addf %add3A_383, %mul3A_394 : vector<16xf32>
          %broadcast_in_dim3A_396 = arith.constant 0 : i32
          %broadcast_in_dim3A_397 = vector.broadcast %broadcast_in_dim3A_396 : i32 to vector<16xi32>
          %mul3A_398 = arith.constant 16 : i32
          %mul3A_399 = arith.muli %scan3A_227, %mul3A_398 : i32
          %add3A_400 = arith.constant 14 : i32
          %add3A_401 = arith.addi %mul3A_399, %add3A_400 : i32
          %add3A_402 = vector.broadcast %add3A_401 : i32 to vector<16xi32>
          %add3A_403 = arith.addi %broadcast_in_dim3A_397, %add3A_402 : vector<16xi32>
          %gather3A_404 = tpu.vector_load_idx %arg10[%add3A_116, %add3A_403] : memref<128x256xf32, #tpu.memory_space<vmem>>[vector<16xi32>, vector<16xi32>], vector<16xf32>,
          %gather3A_405 = tpu.vector_load_idx %arg11[%add3A_116, %add3A_403] : memref<128x256xf32, #tpu.memory_space<vmem>>[vector<16xi32>, vector<16xi32>], vector<16xf32>,
          %mul3A_406 = arith.mulf %gather3A_404, %gather3A_405 : vector<16xf32>
          %add3A_407 = arith.addf %add3A_395, %mul3A_406 : vector<16xf32>
          %broadcast_in_dim3A_408 = arith.constant 0 : i32
          %broadcast_in_dim3A_409 = vector.broadcast %broadcast_in_dim3A_408 : i32 to vector<16xi32>
          %mul3A_410 = arith.constant 16 : i32
          %mul3A_411 = arith.muli %scan3A_227, %mul3A_410 : i32
          %add3A_412 = arith.constant 15 : i32
          %add3A_413 = arith.addi %mul3A_411, %add3A_412 : i32
          %add3A_414 = vector.broadcast %add3A_413 : i32 to vector<16xi32>
          %add3A_415 = arith.addi %broadcast_in_dim3A_409, %add3A_414 : vector<16xi32>
          %gather3A_416 = tpu.vector_load_idx %arg10[%add3A_116, %add3A_415] : memref<128x256xf32, #tpu.memory_space<vmem>>[vector<16xi32>, vector<16xi32>], vector<16xf32>,
          %gather3A_417 = tpu.vector_load_idx %arg11[%add3A_116, %add3A_415] : memref<128x256xf32, #tpu.memory_space<vmem>>[vector<16xi32>, vector<16xi32>], vector<16xf32>,
          %mul3A_418 = arith.mulf %gather3A_416, %gather3A_417 : vector<16xf32>
          %add3A_419 = arith.addf %add3A_407, %mul3A_418 : vector<16xf32>
          scf.yield %add3A_419 : vector<16xf32>
        }
        %scan3A_124 = arith.constant 16 : i32
        %swap3A_125 = arith.constant 32 : index
        %swap3A_126 = tpu.vector_load %arg12[%swap3A_125] {strides = array<i32>} : memref<128xf32, #tpu.memory_space<vmem>>, vector<16xf32>,
        tpu.vector_store %arg12[%swap3A_125], %scan3A_123 {strides = array<i32>} : memref<128xf32, #tpu.memory_space<vmem>>, vector<16xf32>,
        %get3A_127 = arith.constant 0 : index
        %get3A_128 = tpu.vector_load %arg13[%get3A_127] {strides = array<i32>} : memref<16xf32, #tpu.memory_space<vmem>>, vector<16xf32>,
        %max3A_129 = arith.maximumf %get3A_128, %scan3A_123 : vector<16xf32>
        %swap3A_130 = arith.constant 0 : index
        %swap3A_131 = tpu.vector_load %arg13[%swap3A_130] {strides = array<i32>} : memref<16xf32, #tpu.memory_space<vmem>>, vector<16xf32>,
        tpu.vector_store %arg13[%swap3A_130], %max3A_129 {strides = array<i32>} : memref<16xf32, #tpu.memory_space<vmem>>, vector<16xf32>,
        %iota3A_132 = tpu.iota {dimensions = array<i32: 0>} : vector<16xi32>
        %add3A_133 = arith.constant 48 : i32
        %add3A_134 = vector.broadcast %add3A_133 : i32 to vector<16xi32>
        %add3A_135 = arith.addi %iota3A_132, %add3A_134 : vector<16xi32>
        %broadcast_in_dim3A_136 = arith.constant 0.000000e+00 : f32
        %broadcast_in_dim3A_137 = vector.broadcast %broadcast_in_dim3A_136 : f32 to vector<16xf32>
        %scan3A_138 = arith.constant 0 : i32
        %scan3A_139 = arith.constant 16 : i32
        %scan3A_140 = arith.addi %scan3A_138, %scan3A_139 : i32
        %scan3A_141 = arith.constant 1 : i32
        %scan3A_142 = scf.for %scan3A_227 = %scan3A_138 to %scan3A_140 step %scan3A_141 iter_args(%scan3A_228 = %broadcast_in_dim3A_137) -> (vector<16xf32>)  : i32 {
          %broadcast_in_dim3A_229 = arith.constant 0 : i32
          %broadcast_in_dim3A_230 = vector.broadcast %broadcast_in_dim3A_229 : i32 to vector<16xi32>
          %mul3A_231 = arith.constant 16 : i32
          %mul3A_232 = arith.muli %scan3A_227, %mul3A_231 : i32
          %add3A_233 = arith.constant 0 : i32
          %add3A_234 = arith.addi %mul3A_232, %add3A_233 : i32
          %add3A_235 = vector.broadcast %add3A_234 : i32 to vector<16xi32>
          %add3A_236 = arith.addi %broadcast_in_dim3A_230, %add3A_235 : vector<16xi32>
          %gather3A = tpu.vector_load_idx %arg10[%add3A_135, %add3A_236] : memref<128x256xf32, #tpu.memory_space<vmem>>[vector<16xi32>, vector<16xi32>], vector<16xf32>,
          %gather3A_237 = tpu.vector_load_idx %arg11[%add3A_135, %add3A_236] : memref<128x256xf32, #tpu.memory_space<vmem>>[vector<16xi32>, vector<16xi32>], vector<16xf32>,
          %mul3A_238 = arith.mulf %gather3A, %gather3A_237 : vector<16xf32>
          %add3A_239 = arith.addf %scan3A_228, %mul3A_238 : vector<16xf32>
          %broadcast_in_dim3A_240 = arith.constant 0 : i32
          %broadcast_in_dim3A_241 = vector.broadcast %broadcast_in_dim3A_240 : i32 to vector<16xi32>
          %mul3A_242 = arith.constant 16 : i32
          %mul3A_243 = arith.muli %scan3A_227, %mul3A_242 : i32
          %add3A_244 = arith.constant 1 : i32
          %add3A_245 = arith.addi %mul3A_243, %add3A_244 : i32
          %add3A_246 = vector.broadcast %add3A_245 : i32 to vector<16xi32>
          %add3A_247 = arith.addi %broadcast_in_dim3A_241, %add3A_246 : vector<16xi32>
          %gather3A_248 = tpu.vector_load_idx %arg10[%add3A_135, %add3A_247] : memref<128x256xf32, #tpu.memory_space<vmem>>[vector<16xi32>, vector<16xi32>], vector<16xf32>,
          %gather3A_249 = tpu.vector_load_idx %arg11[%add3A_135, %add3A_247] : memref<128x256xf32, #tpu.memory_space<vmem>>[vector<16xi32>, vector<16xi32>], vector<16xf32>,
          %mul3A_250 = arith.mulf %gather3A_248, %gather3A_249 : vector<16xf32>
          %add3A_251 = arith.addf %add3A_239, %mul3A_250 : vector<16xf32>
          %broadcast_in_dim3A_252 = arith.constant 0 : i32
          %broadcast_in_dim3A_253 = vector.broadcast %broadcast_in_dim3A_252 : i32 to vector<16xi32>
          %mul3A_254 = arith.constant 16 : i32
          %mul3A_255 = arith.muli %scan3A_227, %mul3A_254 : i32
          %add3A_256 = arith.constant 2 : i32
          %add3A_257 = arith.addi %mul3A_255, %add3A_256 : i32
          %add3A_258 = vector.broadcast %add3A_257 : i32 to vector<16xi32>
          %add3A_259 = arith.addi %broadcast_in_dim3A_253, %add3A_258 : vector<16xi32>
          %gather3A_260 = tpu.vector_load_idx %arg10[%add3A_135, %add3A_259] : memref<128x256xf32, #tpu.memory_space<vmem>>[vector<16xi32>, vector<16xi32>], vector<16xf32>,
          %gather3A_261 = tpu.vector_load_idx %arg11[%add3A_135, %add3A_259] : memref<128x256xf32, #tpu.memory_space<vmem>>[vector<16xi32>, vector<16xi32>], vector<16xf32>,
          %mul3A_262 = arith.mulf %gather3A_260, %gather3A_261 : vector<16xf32>
          %add3A_263 = arith.addf %add3A_251, %mul3A_262 : vector<16xf32>
          %broadcast_in_dim3A_264 = arith.constant 0 : i32
          %broadcast_in_dim3A_265 = vector.broadcast %broadcast_in_dim3A_264 : i32 to vector<16xi32>
          %mul3A_266 = arith.constant 16 : i32
          %mul3A_267 = arith.muli %scan3A_227, %mul3A_266 : i32
          %add3A_268 = arith.constant 3 : i32
          %add3A_269 = arith.addi %mul3A_267, %add3A_268 : i32
          %add3A_270 = vector.broadcast %add3A_269 : i32 to vector<16xi32>
          %add3A_271 = arith.addi %broadcast_in_dim3A_265, %add3A_270 : vector<16xi32>
          %gather3A_272 = tpu.vector_load_idx %arg10[%add3A_135, %add3A_271] : memref<128x256xf32, #tpu.memory_space<vmem>>[vector<16xi32>, vector<16xi32>], vector<16xf32>,
          %gather3A_273 = tpu.vector_load_idx %arg11[%add3A_135, %add3A_271] : memref<128x256xf32, #tpu.memory_space<vmem>>[vector<16xi32>, vector<16xi32>], vector<16xf32>,
          %mul3A_274 = arith.mulf %gather3A_272, %gather3A_273 : vector<16xf32>
          %add3A_275 = arith.addf %add3A_263, %mul3A_274 : vector<16xf32>
          %broadcast_in_dim3A_276 = arith.constant 0 : i32
          %broadcast_in_dim3A_277 = vector.broadcast %broadcast_in_dim3A_276 : i32 to vector<16xi32>
          %mul3A_278 = arith.constant 16 : i32
          %mul3A_279 = arith.muli %scan3A_227, %mul3A_278 : i32
          %add3A_280 = arith.constant 4 : i32
          %add3A_281 = arith.addi %mul3A_279, %add3A_280 : i32
          %add3A_282 = vector.broadcast %add3A_281 : i32 to vector<16xi32>
          %add3A_283 = arith.addi %broadcast_in_dim3A_277, %add3A_282 : vector<16xi32>
          %gather3A_284 = tpu.vector_load_idx %arg10[%add3A_135, %add3A_283] : memref<128x256xf32, #tpu.memory_space<vmem>>[vector<16xi32>, vector<16xi32>], vector<16xf32>,
          %gather3A_285 = tpu.vector_load_idx %arg11[%add3A_135, %add3A_283] : memref<128x256xf32, #tpu.memory_space<vmem>>[vector<16xi32>, vector<16xi32>], vector<16xf32>,
          %mul3A_286 = arith.mulf %gather3A_284, %gather3A_285 : vector<16xf32>
          %add3A_287 = arith.addf %add3A_275, %mul3A_286 : vector<16xf32>
          %broadcast_in_dim3A_288 = arith.constant 0 : i32
          %broadcast_in_dim3A_289 = vector.broadcast %broadcast_in_dim3A_288 : i32 to vector<16xi32>
          %mul3A_290 = arith.constant 16 : i32
          %mul3A_291 = arith.muli %scan3A_227, %mul3A_290 : i32
          %add3A_292 = arith.constant 5 : i32
          %add3A_293 = arith.addi %mul3A_291, %add3A_292 : i32
          %add3A_294 = vector.broadcast %add3A_293 : i32 to vector<16xi32>
          %add3A_295 = arith.addi %broadcast_in_dim3A_289, %add3A_294 : vector<16xi32>
          %gather3A_296 = tpu.vector_load_idx %arg10[%add3A_135, %add3A_295] : memref<128x256xf32, #tpu.memory_space<vmem>>[vector<16xi32>, vector<16xi32>], vector<16xf32>,
          %gather3A_297 = tpu.vector_load_idx %arg11[%add3A_135, %add3A_295] : memref<128x256xf32, #tpu.memory_space<vmem>>[vector<16xi32>, vector<16xi32>], vector<16xf32>,
          %mul3A_298 = arith.mulf %gather3A_296, %gather3A_297 : vector<16xf32>
          %add3A_299 = arith.addf %add3A_287, %mul3A_298 : vector<16xf32>
          %broadcast_in_dim3A_300 = arith.constant 0 : i32
          %broadcast_in_dim3A_301 = vector.broadcast %broadcast_in_dim3A_300 : i32 to vector<16xi32>
          %mul3A_302 = arith.constant 16 : i32
          %mul3A_303 = arith.muli %scan3A_227, %mul3A_302 : i32
          %add3A_304 = arith.constant 6 : i32
          %add3A_305 = arith.addi %mul3A_303, %add3A_304 : i32
          %add3A_306 = vector.broadcast %add3A_305 : i32 to vector<16xi32>
          %add3A_307 = arith.addi %broadcast_in_dim3A_301, %add3A_306 : vector<16xi32>
          %gather3A_308 = tpu.vector_load_idx %arg10[%add3A_135, %add3A_307] : memref<128x256xf32, #tpu.memory_space<vmem>>[vector<16xi32>, vector<16xi32>], vector<16xf32>,
          %gather3A_309 = tpu.vector_load_idx %arg11[%add3A_135, %add3A_307] : memref<128x256xf32, #tpu.memory_space<vmem>>[vector<16xi32>, vector<16xi32>], vector<16xf32>,
          %mul3A_310 = arith.mulf %gather3A_308, %gather3A_309 : vector<16xf32>
          %add3A_311 = arith.addf %add3A_299, %mul3A_310 : vector<16xf32>
          %broadcast_in_dim3A_312 = arith.constant 0 : i32
          %broadcast_in_dim3A_313 = vector.broadcast %broadcast_in_dim3A_312 : i32 to vector<16xi32>
          %mul3A_314 = arith.constant 16 : i32
          %mul3A_315 = arith.muli %scan3A_227, %mul3A_314 : i32
          %add3A_316 = arith.constant 7 : i32
          %add3A_317 = arith.addi %mul3A_315, %add3A_316 : i32
          %add3A_318 = vector.broadcast %add3A_317 : i32 to vector<16xi32>
          %add3A_319 = arith.addi %broadcast_in_dim3A_313, %add3A_318 : vector<16xi32>
          %gather3A_320 = tpu.vector_load_idx %arg10[%add3A_135, %add3A_319] : memref<128x256xf32, #tpu.memory_space<vmem>>[vector<16xi32>, vector<16xi32>], vector<16xf32>,
          %gather3A_321 = tpu.vector_load_idx %arg11[%add3A_135, %add3A_319] : memref<128x256xf32, #tpu.memory_space<vmem>>[vector<16xi32>, vector<16xi32>], vector<16xf32>,
          %mul3A_322 = arith.mulf %gather3A_320, %gather3A_321 : vector<16xf32>
          %add3A_323 = arith.addf %add3A_311, %mul3A_322 : vector<16xf32>
          %broadcast_in_dim3A_324 = arith.constant 0 : i32
          %broadcast_in_dim3A_325 = vector.broadcast %broadcast_in_dim3A_324 : i32 to vector<16xi32>
          %mul3A_326 = arith.constant 16 : i32
          %mul3A_327 = arith.muli %scan3A_227, %mul3A_326 : i32
          %add3A_328 = arith.constant 8 : i32
          %add3A_329 = arith.addi %mul3A_327, %add3A_328 : i32
          %add3A_330 = vector.broadcast %add3A_329 : i32 to vector<16xi32>
          %add3A_331 = arith.addi %broadcast_in_dim3A_325, %add3A_330 : vector<16xi32>
          %gather3A_332 = tpu.vector_load_idx %arg10[%add3A_135, %add3A_331] : memref<128x256xf32, #tpu.memory_space<vmem>>[vector<16xi32>, vector<16xi32>], vector<16xf32>,
          %gather3A_333 = tpu.vector_load_idx %arg11[%add3A_135, %add3A_331] : memref<128x256xf32, #tpu.memory_space<vmem>>[vector<16xi32>, vector<16xi32>], vector<16xf32>,
          %mul3A_334 = arith.mulf %gather3A_332, %gather3A_333 : vector<16xf32>
          %add3A_335 = arith.addf %add3A_323, %mul3A_334 : vector<16xf32>
          %broadcast_in_dim3A_336 = arith.constant 0 : i32
          %broadcast_in_dim3A_337 = vector.broadcast %broadcast_in_dim3A_336 : i32 to vector<16xi32>
          %mul3A_338 = arith.constant 16 : i32
          %mul3A_339 = arith.muli %scan3A_227, %mul3A_338 : i32
          %add3A_340 = arith.constant 9 : i32
          %add3A_341 = arith.addi %mul3A_339, %add3A_340 : i32
          %add3A_342 = vector.broadcast %add3A_341 : i32 to vector<16xi32>
          %add3A_343 = arith.addi %broadcast_in_dim3A_337, %add3A_342 : vector<16xi32>
          %gather3A_344 = tpu.vector_load_idx %arg10[%add3A_135, %add3A_343] : memref<128x256xf32, #tpu.memory_space<vmem>>[vector<16xi32>, vector<16xi32>], vector<16xf32>,
          %gather3A_345 = tpu.vector_load_idx %arg11[%add3A_135, %add3A_343] : memref<128x256xf32, #tpu.memory_space<vmem>>[vector<16xi32>, vector<16xi32>], vector<16xf32>,
          %mul3A_346 = arith.mulf %gather3A_344, %gather3A_345 : vector<16xf32>
          %add3A_347 = arith.addf %add3A_335, %mul3A_346 : vector<16xf32>
          %broadcast_in_dim3A_348 = arith.constant 0 : i32
          %broadcast_in_dim3A_349 = vector.broadcast %broadcast_in_dim3A_348 : i32 to vector<16xi32>
          %mul3A_350 = arith.constant 16 : i32
          %mul3A_351 = arith.muli %scan3A_227, %mul3A_350 : i32
          %add3A_352 = arith.constant 10 : i32
          %add3A_353 = arith.addi %mul3A_351, %add3A_352 : i32
          %add3A_354 = vector.broadcast %add3A_353 : i32 to vector<16xi32>
          %add3A_355 = arith.addi %broadcast_in_dim3A_349, %add3A_354 : vector<16xi32>
          %gather3A_356 = tpu.vector_load_idx %arg10[%add3A_135, %add3A_355] : memref<128x256xf32, #tpu.memory_space<vmem>>[vector<16xi32>, vector<16xi32>], vector<16xf32>,
          %gather3A_357 = tpu.vector_load_idx %arg11[%add3A_135, %add3A_355] : memref<128x256xf32, #tpu.memory_space<vmem>>[vector<16xi32>, vector<16xi32>], vector<16xf32>,
          %mul3A_358 = arith.mulf %gather3A_356, %gather3A_357 : vector<16xf32>
          %add3A_359 = arith.addf %add3A_347, %mul3A_358 : vector<16xf32>
          %broadcast_in_dim3A_360 = arith.constant 0 : i32
          %broadcast_in_dim3A_361 = vector.broadcast %broadcast_in_dim3A_360 : i32 to vector<16xi32>
          %mul3A_362 = arith.constant 16 : i32
          %mul3A_363 = arith.muli %scan3A_227, %mul3A_362 : i32
          %add3A_364 = arith.constant 11 : i32
          %add3A_365 = arith.addi %mul3A_363, %add3A_364 : i32
          %add3A_366 = vector.broadcast %add3A_365 : i32 to vector<16xi32>
          %add3A_367 = arith.addi %broadcast_in_dim3A_361, %add3A_366 : vector<16xi32>
          %gather3A_368 = tpu.vector_load_idx %arg10[%add3A_135, %add3A_367] : memref<128x256xf32, #tpu.memory_space<vmem>>[vector<16xi32>, vector<16xi32>], vector<16xf32>,
          %gather3A_369 = tpu.vector_load_idx %arg11[%add3A_135, %add3A_367] : memref<128x256xf32, #tpu.memory_space<vmem>>[vector<16xi32>, vector<16xi32>], vector<16xf32>,
          %mul3A_370 = arith.mulf %gather3A_368, %gather3A_369 : vector<16xf32>
          %add3A_371 = arith.addf %add3A_359, %mul3A_370 : vector<16xf32>
          %broadcast_in_dim3A_372 = arith.constant 0 : i32
          %broadcast_in_dim3A_373 = vector.broadcast %broadcast_in_dim3A_372 : i32 to vector<16xi32>
          %mul3A_374 = arith.constant 16 : i32
          %mul3A_375 = arith.muli %scan3A_227, %mul3A_374 : i32
          %add3A_376 = arith.constant 12 : i32
          %add3A_377 = arith.addi %mul3A_375, %add3A_376 : i32
          %add3A_378 = vector.broadcast %add3A_377 : i32 to vector<16xi32>
          %add3A_379 = arith.addi %broadcast_in_dim3A_373, %add3A_378 : vector<16xi32>
          %gather3A_380 = tpu.vector_load_idx %arg10[%add3A_135, %add3A_379] : memref<128x256xf32, #tpu.memory_space<vmem>>[vector<16xi32>, vector<16xi32>], vector<16xf32>,
          %gather3A_381 = tpu.vector_load_idx %arg11[%add3A_135, %add3A_379] : memref<128x256xf32, #tpu.memory_space<vmem>>[vector<16xi32>, vector<16xi32>], vector<16xf32>,
          %mul3A_382 = arith.mulf %gather3A_380, %gather3A_381 : vector<16xf32>
          %add3A_383 = arith.addf %add3A_371, %mul3A_382 : vector<16xf32>
          %broadcast_in_dim3A_384 = arith.constant 0 : i32
          %broadcast_in_dim3A_385 = vector.broadcast %broadcast_in_dim3A_384 : i32 to vector<16xi32>
          %mul3A_386 = arith.constant 16 : i32
          %mul3A_387 = arith.muli %scan3A_227, %mul3A_386 : i32
          %add3A_388 = arith.constant 13 : i32
          %add3A_389 = arith.addi %mul3A_387, %add3A_388 : i32
          %add3A_390 = vector.broadcast %add3A_389 : i32 to vector<16xi32>
          %add3A_391 = arith.addi %broadcast_in_dim3A_385, %add3A_390 : vector<16xi32>
          %gather3A_392 = tpu.vector_load_idx %arg10[%add3A_135, %add3A_391] : memref<128x256xf32, #tpu.memory_space<vmem>>[vector<16xi32>, vector<16xi32>], vector<16xf32>,
          %gather3A_393 = tpu.vector_load_idx %arg11[%add3A_135, %add3A_391] : memref<128x256xf32, #tpu.memory_space<vmem>>[vector<16xi32>, vector<16xi32>], vector<16xf32>,
          %mul3A_394 = arith.mulf %gather3A_392, %gather3A_393 : vector<16xf32>
          %add3A_395 = arith.addf %add3A_383, %mul3A_394 : vector<16xf32>
          %broadcast_in_dim3A_396 = arith.constant 0 : i32
          %broadcast_in_dim3A_397 = vector.broadcast %broadcast_in_dim3A_396 : i32 to vector<16xi32>
          %mul3A_398 = arith.constant 16 : i32
          %mul3A_399 = arith.muli %scan3A_227, %mul3A_398 : i32
          %add3A_400 = arith.constant 14 : i32
          %add3A_401 = arith.addi %mul3A_399, %add3A_400 : i32
          %add3A_402 = vector.broadcast %add3A_401 : i32 to vector<16xi32>
          %add3A_403 = arith.addi %broadcast_in_dim3A_397, %add3A_402 : vector<16xi32>
          %gather3A_404 = tpu.vector_load_idx %arg10[%add3A_135, %add3A_403] : memref<128x256xf32, #tpu.memory_space<vmem>>[vector<16xi32>, vector<16xi32>], vector<16xf32>,
          %gather3A_405 = tpu.vector_load_idx %arg11[%add3A_135, %add3A_403] : memref<128x256xf32, #tpu.memory_space<vmem>>[vector<16xi32>, vector<16xi32>], vector<16xf32>,
          %mul3A_406 = arith.mulf %gather3A_404, %gather3A_405 : vector<16xf32>
          %add3A_407 = arith.addf %add3A_395, %mul3A_406 : vector<16xf32>
          %broadcast_in_dim3A_408 = arith.constant 0 : i32
          %broadcast_in_dim3A_409 = vector.broadcast %broadcast_in_dim3A_408 : i32 to vector<16xi32>
          %mul3A_410 = arith.constant 16 : i32
          %mul3A_411 = arith.muli %scan3A_227, %mul3A_410 : i32
          %add3A_412 = arith.constant 15 : i32
          %add3A_413 = arith.addi %mul3A_411, %add3A_412 : i32
          %add3A_414 = vector.broadcast %add3A_413 : i32 to vector<16xi32>
          %add3A_415 = arith.addi %broadcast_in_dim3A_409, %add3A_414 : vector<16xi32>
          %gather3A_416 = tpu.vector_load_idx %arg10[%add3A_135, %add3A_415] : memref<128x256xf32, #tpu.memory_space<vmem>>[vector<16xi32>, vector<16xi32>], vector<16xf32>,
          %gather3A_417 = tpu.vector_load_idx %arg11[%add3A_135, %add3A_415] : memref<128x256xf32, #tpu.memory_space<vmem>>[vector<16xi32>, vector<16xi32>], vector<16xf32>,
          %mul3A_418 = arith.mulf %gather3A_416, %gather3A_417 : vector<16xf32>
          %add3A_419 = arith.addf %add3A_407, %mul3A_418 : vector<16xf32>
          scf.yield %add3A_419 : vector<16xf32>
        }
        %scan3A_143 = arith.constant 16 : i32
        %swap3A_144 = arith.constant 48 : index
        %swap3A_145 = tpu.vector_load %arg12[%swap3A_144] {strides = array<i32>} : memref<128xf32, #tpu.memory_space<vmem>>, vector<16xf32>,
        tpu.vector_store %arg12[%swap3A_144], %scan3A_142 {strides = array<i32>} : memref<128xf32, #tpu.memory_space<vmem>>, vector<16xf32>,
        %get3A_146 = arith.constant 0 : index
        %get3A_147 = tpu.vector_load %arg13[%get3A_146] {strides = array<i32>} : memref<16xf32, #tpu.memory_space<vmem>>, vector<16xf32>,
        %max3A_148 = arith.maximumf %get3A_147, %scan3A_142 : vector<16xf32>
        %swap3A_149 = arith.constant 0 : index
        %swap3A_150 = tpu.vector_load %arg13[%swap3A_149] {strides = array<i32>} : memref<16xf32, #tpu.memory_space<vmem>>, vector<16xf32>,
        tpu.vector_store %arg13[%swap3A_149], %max3A_148 {strides = array<i32>} : memref<16xf32, #tpu.memory_space<vmem>>, vector<16xf32>,
        %iota3A_151 = tpu.iota {dimensions = array<i32: 0>} : vector<16xi32>
        %add3A_152 = arith.constant 64 : i32
        %add3A_153 = vector.broadcast %add3A_152 : i32 to vector<16xi32>
        %add3A_154 = arith.addi %iota3A_151, %add3A_153 : vector<16xi32>
        %broadcast_in_dim3A_155 = arith.constant 0.000000e+00 : f32
        %broadcast_in_dim3A_156 = vector.broadcast %broadcast_in_dim3A_155 : f32 to vector<16xf32>
        %scan3A_157 = arith.constant 0 : i32
        %scan3A_158 = arith.constant 16 : i32
        %scan3A_159 = arith.addi %scan3A_157, %scan3A_158 : i32
        %scan3A_160 = arith.constant 1 : i32
        %scan3A_161 = scf.for %scan3A_227 = %scan3A_157 to %scan3A_159 step %scan3A_160 iter_args(%scan3A_228 = %broadcast_in_dim3A_156) -> (vector<16xf32>)  : i32 {
          %broadcast_in_dim3A_229 = arith.constant 0 : i32
          %broadcast_in_dim3A_230 = vector.broadcast %broadcast_in_dim3A_229 : i32 to vector<16xi32>
          %mul3A_231 = arith.constant 16 : i32
          %mul3A_232 = arith.muli %scan3A_227, %mul3A_231 : i32
          %add3A_233 = arith.constant 0 : i32
          %add3A_234 = arith.addi %mul3A_232, %add3A_233 : i32
          %add3A_235 = vector.broadcast %add3A_234 : i32 to vector<16xi32>
          %add3A_236 = arith.addi %broadcast_in_dim3A_230, %add3A_235 : vector<16xi32>
          %gather3A = tpu.vector_load_idx %arg10[%add3A_154, %add3A_236] : memref<128x256xf32, #tpu.memory_space<vmem>>[vector<16xi32>, vector<16xi32>], vector<16xf32>,
          %gather3A_237 = tpu.vector_load_idx %arg11[%add3A_154, %add3A_236] : memref<128x256xf32, #tpu.memory_space<vmem>>[vector<16xi32>, vector<16xi32>], vector<16xf32>,
          %mul3A_238 = arith.mulf %gather3A, %gather3A_237 : vector<16xf32>
          %add3A_239 = arith.addf %scan3A_228, %mul3A_238 : vector<16xf32>
          %broadcast_in_dim3A_240 = arith.constant 0 : i32
          %broadcast_in_dim3A_241 = vector.broadcast %broadcast_in_dim3A_240 : i32 to vector<16xi32>
          %mul3A_242 = arith.constant 16 : i32
          %mul3A_243 = arith.muli %scan3A_227, %mul3A_242 : i32
          %add3A_244 = arith.constant 1 : i32
          %add3A_245 = arith.addi %mul3A_243, %add3A_244 : i32
          %add3A_246 = vector.broadcast %add3A_245 : i32 to vector<16xi32>
          %add3A_247 = arith.addi %broadcast_in_dim3A_241, %add3A_246 : vector<16xi32>
          %gather3A_248 = tpu.vector_load_idx %arg10[%add3A_154, %add3A_247] : memref<128x256xf32, #tpu.memory_space<vmem>>[vector<16xi32>, vector<16xi32>], vector<16xf32>,
          %gather3A_249 = tpu.vector_load_idx %arg11[%add3A_154, %add3A_247] : memref<128x256xf32, #tpu.memory_space<vmem>>[vector<16xi32>, vector<16xi32>], vector<16xf32>,
          %mul3A_250 = arith.mulf %gather3A_248, %gather3A_249 : vector<16xf32>
          %add3A_251 = arith.addf %add3A_239, %mul3A_250 : vector<16xf32>
          %broadcast_in_dim3A_252 = arith.constant 0 : i32
          %broadcast_in_dim3A_253 = vector.broadcast %broadcast_in_dim3A_252 : i32 to vector<16xi32>
          %mul3A_254 = arith.constant 16 : i32
          %mul3A_255 = arith.muli %scan3A_227, %mul3A_254 : i32
          %add3A_256 = arith.constant 2 : i32
          %add3A_257 = arith.addi %mul3A_255, %add3A_256 : i32
          %add3A_258 = vector.broadcast %add3A_257 : i32 to vector<16xi32>
          %add3A_259 = arith.addi %broadcast_in_dim3A_253, %add3A_258 : vector<16xi32>
          %gather3A_260 = tpu.vector_load_idx %arg10[%add3A_154, %add3A_259] : memref<128x256xf32, #tpu.memory_space<vmem>>[vector<16xi32>, vector<16xi32>], vector<16xf32>,
          %gather3A_261 = tpu.vector_load_idx %arg11[%add3A_154, %add3A_259] : memref<128x256xf32, #tpu.memory_space<vmem>>[vector<16xi32>, vector<16xi32>], vector<16xf32>,
          %mul3A_262 = arith.mulf %gather3A_260, %gather3A_261 : vector<16xf32>
          %add3A_263 = arith.addf %add3A_251, %mul3A_262 : vector<16xf32>
          %broadcast_in_dim3A_264 = arith.constant 0 : i32
          %broadcast_in_dim3A_265 = vector.broadcast %broadcast_in_dim3A_264 : i32 to vector<16xi32>
          %mul3A_266 = arith.constant 16 : i32
          %mul3A_267 = arith.muli %scan3A_227, %mul3A_266 : i32
          %add3A_268 = arith.constant 3 : i32
          %add3A_269 = arith.addi %mul3A_267, %add3A_268 : i32
          %add3A_270 = vector.broadcast %add3A_269 : i32 to vector<16xi32>
          %add3A_271 = arith.addi %broadcast_in_dim3A_265, %add3A_270 : vector<16xi32>
          %gather3A_272 = tpu.vector_load_idx %arg10[%add3A_154, %add3A_271] : memref<128x256xf32, #tpu.memory_space<vmem>>[vector<16xi32>, vector<16xi32>], vector<16xf32>,
          %gather3A_273 = tpu.vector_load_idx %arg11[%add3A_154, %add3A_271] : memref<128x256xf32, #tpu.memory_space<vmem>>[vector<16xi32>, vector<16xi32>], vector<16xf32>,
          %mul3A_274 = arith.mulf %gather3A_272, %gather3A_273 : vector<16xf32>
          %add3A_275 = arith.addf %add3A_263, %mul3A_274 : vector<16xf32>
          %broadcast_in_dim3A_276 = arith.constant 0 : i32
          %broadcast_in_dim3A_277 = vector.broadcast %broadcast_in_dim3A_276 : i32 to vector<16xi32>
          %mul3A_278 = arith.constant 16 : i32
          %mul3A_279 = arith.muli %scan3A_227, %mul3A_278 : i32
          %add3A_280 = arith.constant 4 : i32
          %add3A_281 = arith.addi %mul3A_279, %add3A_280 : i32
          %add3A_282 = vector.broadcast %add3A_281 : i32 to vector<16xi32>
          %add3A_283 = arith.addi %broadcast_in_dim3A_277, %add3A_282 : vector<16xi32>
          %gather3A_284 = tpu.vector_load_idx %arg10[%add3A_154, %add3A_283] : memref<128x256xf32, #tpu.memory_space<vmem>>[vector<16xi32>, vector<16xi32>], vector<16xf32>,
          %gather3A_285 = tpu.vector_load_idx %arg11[%add3A_154, %add3A_283] : memref<128x256xf32, #tpu.memory_space<vmem>>[vector<16xi32>, vector<16xi32>], vector<16xf32>,
          %mul3A_286 = arith.mulf %gather3A_284, %gather3A_285 : vector<16xf32>
          %add3A_287 = arith.addf %add3A_275, %mul3A_286 : vector<16xf32>
          %broadcast_in_dim3A_288 = arith.constant 0 : i32
          %broadcast_in_dim3A_289 = vector.broadcast %broadcast_in_dim3A_288 : i32 to vector<16xi32>
          %mul3A_290 = arith.constant 16 : i32
          %mul3A_291 = arith.muli %scan3A_227, %mul3A_290 : i32
          %add3A_292 = arith.constant 5 : i32
          %add3A_293 = arith.addi %mul3A_291, %add3A_292 : i32
          %add3A_294 = vector.broadcast %add3A_293 : i32 to vector<16xi32>
          %add3A_295 = arith.addi %broadcast_in_dim3A_289, %add3A_294 : vector<16xi32>
          %gather3A_296 = tpu.vector_load_idx %arg10[%add3A_154, %add3A_295] : memref<128x256xf32, #tpu.memory_space<vmem>>[vector<16xi32>, vector<16xi32>], vector<16xf32>,
          %gather3A_297 = tpu.vector_load_idx %arg11[%add3A_154, %add3A_295] : memref<128x256xf32, #tpu.memory_space<vmem>>[vector<16xi32>, vector<16xi32>], vector<16xf32>,
          %mul3A_298 = arith.mulf %gather3A_296, %gather3A_297 : vector<16xf32>
          %add3A_299 = arith.addf %add3A_287, %mul3A_298 : vector<16xf32>
          %broadcast_in_dim3A_300 = arith.constant 0 : i32
          %broadcast_in_dim3A_301 = vector.broadcast %broadcast_in_dim3A_300 : i32 to vector<16xi32>
          %mul3A_302 = arith.constant 16 : i32
          %mul3A_303 = arith.muli %scan3A_227, %mul3A_302 : i32
          %add3A_304 = arith.constant 6 : i32
          %add3A_305 = arith.addi %mul3A_303, %add3A_304 : i32
          %add3A_306 = vector.broadcast %add3A_305 : i32 to vector<16xi32>
          %add3A_307 = arith.addi %broadcast_in_dim3A_301, %add3A_306 : vector<16xi32>
          %gather3A_308 = tpu.vector_load_idx %arg10[%add3A_154, %add3A_307] : memref<128x256xf32, #tpu.memory_space<vmem>>[vector<16xi32>, vector<16xi32>], vector<16xf32>,
          %gather3A_309 = tpu.vector_load_idx %arg11[%add3A_154, %add3A_307] : memref<128x256xf32, #tpu.memory_space<vmem>>[vector<16xi32>, vector<16xi32>], vector<16xf32>,
          %mul3A_310 = arith.mulf %gather3A_308, %gather3A_309 : vector<16xf32>
          %add3A_311 = arith.addf %add3A_299, %mul3A_310 : vector<16xf32>
          %broadcast_in_dim3A_312 = arith.constant 0 : i32
          %broadcast_in_dim3A_313 = vector.broadcast %broadcast_in_dim3A_312 : i32 to vector<16xi32>
          %mul3A_314 = arith.constant 16 : i32
          %mul3A_315 = arith.muli %scan3A_227, %mul3A_314 : i32
          %add3A_316 = arith.constant 7 : i32
          %add3A_317 = arith.addi %mul3A_315, %add3A_316 : i32
          %add3A_318 = vector.broadcast %add3A_317 : i32 to vector<16xi32>
          %add3A_319 = arith.addi %broadcast_in_dim3A_313, %add3A_318 : vector<16xi32>
          %gather3A_320 = tpu.vector_load_idx %arg10[%add3A_154, %add3A_319] : memref<128x256xf32, #tpu.memory_space<vmem>>[vector<16xi32>, vector<16xi32>], vector<16xf32>,
          %gather3A_321 = tpu.vector_load_idx %arg11[%add3A_154, %add3A_319] : memref<128x256xf32, #tpu.memory_space<vmem>>[vector<16xi32>, vector<16xi32>], vector<16xf32>,
          %mul3A_322 = arith.mulf %gather3A_320, %gather3A_321 : vector<16xf32>
          %add3A_323 = arith.addf %add3A_311, %mul3A_322 : vector<16xf32>
          %broadcast_in_dim3A_324 = arith.constant 0 : i32
          %broadcast_in_dim3A_325 = vector.broadcast %broadcast_in_dim3A_324 : i32 to vector<16xi32>
          %mul3A_326 = arith.constant 16 : i32
          %mul3A_327 = arith.muli %scan3A_227, %mul3A_326 : i32
          %add3A_328 = arith.constant 8 : i32
          %add3A_329 = arith.addi %mul3A_327, %add3A_328 : i32
          %add3A_330 = vector.broadcast %add3A_329 : i32 to vector<16xi32>
          %add3A_331 = arith.addi %broadcast_in_dim3A_325, %add3A_330 : vector<16xi32>
          %gather3A_332 = tpu.vector_load_idx %arg10[%add3A_154, %add3A_331] : memref<128x256xf32, #tpu.memory_space<vmem>>[vector<16xi32>, vector<16xi32>], vector<16xf32>,
          %gather3A_333 = tpu.vector_load_idx %arg11[%add3A_154, %add3A_331] : memref<128x256xf32, #tpu.memory_space<vmem>>[vector<16xi32>, vector<16xi32>], vector<16xf32>,
          %mul3A_334 = arith.mulf %gather3A_332, %gather3A_333 : vector<16xf32>
          %add3A_335 = arith.addf %add3A_323, %mul3A_334 : vector<16xf32>
          %broadcast_in_dim3A_336 = arith.constant 0 : i32
          %broadcast_in_dim3A_337 = vector.broadcast %broadcast_in_dim3A_336 : i32 to vector<16xi32>
          %mul3A_338 = arith.constant 16 : i32
          %mul3A_339 = arith.muli %scan3A_227, %mul3A_338 : i32
          %add3A_340 = arith.constant 9 : i32
          %add3A_341 = arith.addi %mul3A_339, %add3A_340 : i32
          %add3A_342 = vector.broadcast %add3A_341 : i32 to vector<16xi32>
          %add3A_343 = arith.addi %broadcast_in_dim3A_337, %add3A_342 : vector<16xi32>
          %gather3A_344 = tpu.vector_load_idx %arg10[%add3A_154, %add3A_343] : memref<128x256xf32, #tpu.memory_space<vmem>>[vector<16xi32>, vector<16xi32>], vector<16xf32>,
          %gather3A_345 = tpu.vector_load_idx %arg11[%add3A_154, %add3A_343] : memref<128x256xf32, #tpu.memory_space<vmem>>[vector<16xi32>, vector<16xi32>], vector<16xf32>,
          %mul3A_346 = arith.mulf %gather3A_344, %gather3A_345 : vector<16xf32>
          %add3A_347 = arith.addf %add3A_335, %mul3A_346 : vector<16xf32>
          %broadcast_in_dim3A_348 = arith.constant 0 : i32
          %broadcast_in_dim3A_349 = vector.broadcast %broadcast_in_dim3A_348 : i32 to vector<16xi32>
          %mul3A_350 = arith.constant 16 : i32
          %mul3A_351 = arith.muli %scan3A_227, %mul3A_350 : i32
          %add3A_352 = arith.constant 10 : i32
          %add3A_353 = arith.addi %mul3A_351, %add3A_352 : i32
          %add3A_354 = vector.broadcast %add3A_353 : i32 to vector<16xi32>
          %add3A_355 = arith.addi %broadcast_in_dim3A_349, %add3A_354 : vector<16xi32>
          %gather3A_356 = tpu.vector_load_idx %arg10[%add3A_154, %add3A_355] : memref<128x256xf32, #tpu.memory_space<vmem>>[vector<16xi32>, vector<16xi32>], vector<16xf32>,
          %gather3A_357 = tpu.vector_load_idx %arg11[%add3A_154, %add3A_355] : memref<128x256xf32, #tpu.memory_space<vmem>>[vector<16xi32>, vector<16xi32>], vector<16xf32>,
          %mul3A_358 = arith.mulf %gather3A_356, %gather3A_357 : vector<16xf32>
          %add3A_359 = arith.addf %add3A_347, %mul3A_358 : vector<16xf32>
          %broadcast_in_dim3A_360 = arith.constant 0 : i32
          %broadcast_in_dim3A_361 = vector.broadcast %broadcast_in_dim3A_360 : i32 to vector<16xi32>
          %mul3A_362 = arith.constant 16 : i32
          %mul3A_363 = arith.muli %scan3A_227, %mul3A_362 : i32
          %add3A_364 = arith.constant 11 : i32
          %add3A_365 = arith.addi %mul3A_363, %add3A_364 : i32
          %add3A_366 = vector.broadcast %add3A_365 : i32 to vector<16xi32>
          %add3A_367 = arith.addi %broadcast_in_dim3A_361, %add3A_366 : vector<16xi32>
          %gather3A_368 = tpu.vector_load_idx %arg10[%add3A_154, %add3A_367] : memref<128x256xf32, #tpu.memory_space<vmem>>[vector<16xi32>, vector<16xi32>], vector<16xf32>,
          %gather3A_369 = tpu.vector_load_idx %arg11[%add3A_154, %add3A_367] : memref<128x256xf32, #tpu.memory_space<vmem>>[vector<16xi32>, vector<16xi32>], vector<16xf32>,
          %mul3A_370 = arith.mulf %gather3A_368, %gather3A_369 : vector<16xf32>
          %add3A_371 = arith.addf %add3A_359, %mul3A_370 : vector<16xf32>
          %broadcast_in_dim3A_372 = arith.constant 0 : i32
          %broadcast_in_dim3A_373 = vector.broadcast %broadcast_in_dim3A_372 : i32 to vector<16xi32>
          %mul3A_374 = arith.constant 16 : i32
          %mul3A_375 = arith.muli %scan3A_227, %mul3A_374 : i32
          %add3A_376 = arith.constant 12 : i32
          %add3A_377 = arith.addi %mul3A_375, %add3A_376 : i32
          %add3A_378 = vector.broadcast %add3A_377 : i32 to vector<16xi32>
          %add3A_379 = arith.addi %broadcast_in_dim3A_373, %add3A_378 : vector<16xi32>
          %gather3A_380 = tpu.vector_load_idx %arg10[%add3A_154, %add3A_379] : memref<128x256xf32, #tpu.memory_space<vmem>>[vector<16xi32>, vector<16xi32>], vector<16xf32>,
          %gather3A_381 = tpu.vector_load_idx %arg11[%add3A_154, %add3A_379] : memref<128x256xf32, #tpu.memory_space<vmem>>[vector<16xi32>, vector<16xi32>], vector<16xf32>,
          %mul3A_382 = arith.mulf %gather3A_380, %gather3A_381 : vector<16xf32>
          %add3A_383 = arith.addf %add3A_371, %mul3A_382 : vector<16xf32>
          %broadcast_in_dim3A_384 = arith.constant 0 : i32
          %broadcast_in_dim3A_385 = vector.broadcast %broadcast_in_dim3A_384 : i32 to vector<16xi32>
          %mul3A_386 = arith.constant 16 : i32
          %mul3A_387 = arith.muli %scan3A_227, %mul3A_386 : i32
          %add3A_388 = arith.constant 13 : i32
          %add3A_389 = arith.addi %mul3A_387, %add3A_388 : i32
          %add3A_390 = vector.broadcast %add3A_389 : i32 to vector<16xi32>
          %add3A_391 = arith.addi %broadcast_in_dim3A_385, %add3A_390 : vector<16xi32>
          %gather3A_392 = tpu.vector_load_idx %arg10[%add3A_154, %add3A_391] : memref<128x256xf32, #tpu.memory_space<vmem>>[vector<16xi32>, vector<16xi32>], vector<16xf32>,
          %gather3A_393 = tpu.vector_load_idx %arg11[%add3A_154, %add3A_391] : memref<128x256xf32, #tpu.memory_space<vmem>>[vector<16xi32>, vector<16xi32>], vector<16xf32>,
          %mul3A_394 = arith.mulf %gather3A_392, %gather3A_393 : vector<16xf32>
          %add3A_395 = arith.addf %add3A_383, %mul3A_394 : vector<16xf32>
          %broadcast_in_dim3A_396 = arith.constant 0 : i32
          %broadcast_in_dim3A_397 = vector.broadcast %broadcast_in_dim3A_396 : i32 to vector<16xi32>
          %mul3A_398 = arith.constant 16 : i32
          %mul3A_399 = arith.muli %scan3A_227, %mul3A_398 : i32
          %add3A_400 = arith.constant 14 : i32
          %add3A_401 = arith.addi %mul3A_399, %add3A_400 : i32
          %add3A_402 = vector.broadcast %add3A_401 : i32 to vector<16xi32>
          %add3A_403 = arith.addi %broadcast_in_dim3A_397, %add3A_402 : vector<16xi32>
          %gather3A_404 = tpu.vector_load_idx %arg10[%add3A_154, %add3A_403] : memref<128x256xf32, #tpu.memory_space<vmem>>[vector<16xi32>, vector<16xi32>], vector<16xf32>,
          %gather3A_405 = tpu.vector_load_idx %arg11[%add3A_154, %add3A_403] : memref<128x256xf32, #tpu.memory_space<vmem>>[vector<16xi32>, vector<16xi32>], vector<16xf32>,
          %mul3A_406 = arith.mulf %gather3A_404, %gather3A_405 : vector<16xf32>
          %add3A_407 = arith.addf %add3A_395, %mul3A_406 : vector<16xf32>
          %broadcast_in_dim3A_408 = arith.constant 0 : i32
          %broadcast_in_dim3A_409 = vector.broadcast %broadcast_in_dim3A_408 : i32 to vector<16xi32>
          %mul3A_410 = arith.constant 16 : i32
          %mul3A_411 = arith.muli %scan3A_227, %mul3A_410 : i32
          %add3A_412 = arith.constant 15 : i32
          %add3A_413 = arith.addi %mul3A_411, %add3A_412 : i32
          %add3A_414 = vector.broadcast %add3A_413 : i32 to vector<16xi32>
          %add3A_415 = arith.addi %broadcast_in_dim3A_409, %add3A_414 : vector<16xi32>
          %gather3A_416 = tpu.vector_load_idx %arg10[%add3A_154, %add3A_415] : memref<128x256xf32, #tpu.memory_space<vmem>>[vector<16xi32>, vector<16xi32>], vector<16xf32>,
          %gather3A_417 = tpu.vector_load_idx %arg11[%add3A_154, %add3A_415] : memref<128x256xf32, #tpu.memory_space<vmem>>[vector<16xi32>, vector<16xi32>], vector<16xf32>,
          %mul3A_418 = arith.mulf %gather3A_416, %gather3A_417 : vector<16xf32>
          %add3A_419 = arith.addf %add3A_407, %mul3A_418 : vector<16xf32>
          scf.yield %add3A_419 : vector<16xf32>
        }
        %scan3A_162 = arith.constant 16 : i32
        %swap3A_163 = arith.constant 64 : index
        %swap3A_164 = tpu.vector_load %arg12[%swap3A_163] {strides = array<i32>} : memref<128xf32, #tpu.memory_space<vmem>>, vector<16xf32>,
        tpu.vector_store %arg12[%swap3A_163], %scan3A_161 {strides = array<i32>} : memref<128xf32, #tpu.memory_space<vmem>>, vector<16xf32>,
        %get3A_165 = arith.constant 0 : index
        %get3A_166 = tpu.vector_load %arg13[%get3A_165] {strides = array<i32>} : memref<16xf32, #tpu.memory_space<vmem>>, vector<16xf32>,
        %max3A_167 = arith.maximumf %get3A_166, %scan3A_161 : vector<16xf32>
        %swap3A_168 = arith.constant 0 : index
        %swap3A_169 = tpu.vector_load %arg13[%swap3A_168] {strides = array<i32>} : memref<16xf32, #tpu.memory_space<vmem>>, vector<16xf32>,
        tpu.vector_store %arg13[%swap3A_168], %max3A_167 {strides = array<i32>} : memref<16xf32, #tpu.memory_space<vmem>>, vector<16xf32>,
        %iota3A_170 = tpu.iota {dimensions = array<i32: 0>} : vector<16xi32>
        %add3A_171 = arith.constant 80 : i32
        %add3A_172 = vector.broadcast %add3A_171 : i32 to vector<16xi32>
        %add3A_173 = arith.addi %iota3A_170, %add3A_172 : vector<16xi32>
        %broadcast_in_dim3A_174 = arith.constant 0.000000e+00 : f32
        %broadcast_in_dim3A_175 = vector.broadcast %broadcast_in_dim3A_174 : f32 to vector<16xf32>
        %scan3A_176 = arith.constant 0 : i32
        %scan3A_177 = arith.constant 16 : i32
        %scan3A_178 = arith.addi %scan3A_176, %scan3A_177 : i32
        %scan3A_179 = arith.constant 1 : i32
        %scan3A_180 = scf.for %scan3A_227 = %scan3A_176 to %scan3A_178 step %scan3A_179 iter_args(%scan3A_228 = %broadcast_in_dim3A_175) -> (vector<16xf32>)  : i32 {
          %broadcast_in_dim3A_229 = arith.constant 0 : i32
          %broadcast_in_dim3A_230 = vector.broadcast %broadcast_in_dim3A_229 : i32 to vector<16xi32>
          %mul3A_231 = arith.constant 16 : i32
          %mul3A_232 = arith.muli %scan3A_227, %mul3A_231 : i32
          %add3A_233 = arith.constant 0 : i32
          %add3A_234 = arith.addi %mul3A_232, %add3A_233 : i32
          %add3A_235 = vector.broadcast %add3A_234 : i32 to vector<16xi32>
          %add3A_236 = arith.addi %broadcast_in_dim3A_230, %add3A_235 : vector<16xi32>
          %gather3A = tpu.vector_load_idx %arg10[%add3A_173, %add3A_236] : memref<128x256xf32, #tpu.memory_space<vmem>>[vector<16xi32>, vector<16xi32>], vector<16xf32>,
          %gather3A_237 = tpu.vector_load_idx %arg11[%add3A_173, %add3A_236] : memref<128x256xf32, #tpu.memory_space<vmem>>[vector<16xi32>, vector<16xi32>], vector<16xf32>,
          %mul3A_238 = arith.mulf %gather3A, %gather3A_237 : vector<16xf32>
          %add3A_239 = arith.addf %scan3A_228, %mul3A_238 : vector<16xf32>
          %broadcast_in_dim3A_240 = arith.constant 0 : i32
          %broadcast_in_dim3A_241 = vector.broadcast %broadcast_in_dim3A_240 : i32 to vector<16xi32>
          %mul3A_242 = arith.constant 16 : i32
          %mul3A_243 = arith.muli %scan3A_227, %mul3A_242 : i32
          %add3A_244 = arith.constant 1 : i32
          %add3A_245 = arith.addi %mul3A_243, %add3A_244 : i32
          %add3A_246 = vector.broadcast %add3A_245 : i32 to vector<16xi32>
          %add3A_247 = arith.addi %broadcast_in_dim3A_241, %add3A_246 : vector<16xi32>
          %gather3A_248 = tpu.vector_load_idx %arg10[%add3A_173, %add3A_247] : memref<128x256xf32, #tpu.memory_space<vmem>>[vector<16xi32>, vector<16xi32>], vector<16xf32>,
          %gather3A_249 = tpu.vector_load_idx %arg11[%add3A_173, %add3A_247] : memref<128x256xf32, #tpu.memory_space<vmem>>[vector<16xi32>, vector<16xi32>], vector<16xf32>,
          %mul3A_250 = arith.mulf %gather3A_248, %gather3A_249 : vector<16xf32>
          %add3A_251 = arith.addf %add3A_239, %mul3A_250 : vector<16xf32>
          %broadcast_in_dim3A_252 = arith.constant 0 : i32
          %broadcast_in_dim3A_253 = vector.broadcast %broadcast_in_dim3A_252 : i32 to vector<16xi32>
          %mul3A_254 = arith.constant 16 : i32
          %mul3A_255 = arith.muli %scan3A_227, %mul3A_254 : i32
          %add3A_256 = arith.constant 2 : i32
          %add3A_257 = arith.addi %mul3A_255, %add3A_256 : i32
          %add3A_258 = vector.broadcast %add3A_257 : i32 to vector<16xi32>
          %add3A_259 = arith.addi %broadcast_in_dim3A_253, %add3A_258 : vector<16xi32>
          %gather3A_260 = tpu.vector_load_idx %arg10[%add3A_173, %add3A_259] : memref<128x256xf32, #tpu.memory_space<vmem>>[vector<16xi32>, vector<16xi32>], vector<16xf32>,
          %gather3A_261 = tpu.vector_load_idx %arg11[%add3A_173, %add3A_259] : memref<128x256xf32, #tpu.memory_space<vmem>>[vector<16xi32>, vector<16xi32>], vector<16xf32>,
          %mul3A_262 = arith.mulf %gather3A_260, %gather3A_261 : vector<16xf32>
          %add3A_263 = arith.addf %add3A_251, %mul3A_262 : vector<16xf32>
          %broadcast_in_dim3A_264 = arith.constant 0 : i32
          %broadcast_in_dim3A_265 = vector.broadcast %broadcast_in_dim3A_264 : i32 to vector<16xi32>
          %mul3A_266 = arith.constant 16 : i32
          %mul3A_267 = arith.muli %scan3A_227, %mul3A_266 : i32
          %add3A_268 = arith.constant 3 : i32
          %add3A_269 = arith.addi %mul3A_267, %add3A_268 : i32
          %add3A_270 = vector.broadcast %add3A_269 : i32 to vector<16xi32>
          %add3A_271 = arith.addi %broadcast_in_dim3A_265, %add3A_270 : vector<16xi32>
          %gather3A_272 = tpu.vector_load_idx %arg10[%add3A_173, %add3A_271] : memref<128x256xf32, #tpu.memory_space<vmem>>[vector<16xi32>, vector<16xi32>], vector<16xf32>,
          %gather3A_273 = tpu.vector_load_idx %arg11[%add3A_173, %add3A_271] : memref<128x256xf32, #tpu.memory_space<vmem>>[vector<16xi32>, vector<16xi32>], vector<16xf32>,
          %mul3A_274 = arith.mulf %gather3A_272, %gather3A_273 : vector<16xf32>
          %add3A_275 = arith.addf %add3A_263, %mul3A_274 : vector<16xf32>
          %broadcast_in_dim3A_276 = arith.constant 0 : i32
          %broadcast_in_dim3A_277 = vector.broadcast %broadcast_in_dim3A_276 : i32 to vector<16xi32>
          %mul3A_278 = arith.constant 16 : i32
          %mul3A_279 = arith.muli %scan3A_227, %mul3A_278 : i32
          %add3A_280 = arith.constant 4 : i32
          %add3A_281 = arith.addi %mul3A_279, %add3A_280 : i32
          %add3A_282 = vector.broadcast %add3A_281 : i32 to vector<16xi32>
          %add3A_283 = arith.addi %broadcast_in_dim3A_277, %add3A_282 : vector<16xi32>
          %gather3A_284 = tpu.vector_load_idx %arg10[%add3A_173, %add3A_283] : memref<128x256xf32, #tpu.memory_space<vmem>>[vector<16xi32>, vector<16xi32>], vector<16xf32>,
          %gather3A_285 = tpu.vector_load_idx %arg11[%add3A_173, %add3A_283] : memref<128x256xf32, #tpu.memory_space<vmem>>[vector<16xi32>, vector<16xi32>], vector<16xf32>,
          %mul3A_286 = arith.mulf %gather3A_284, %gather3A_285 : vector<16xf32>
          %add3A_287 = arith.addf %add3A_275, %mul3A_286 : vector<16xf32>
          %broadcast_in_dim3A_288 = arith.constant 0 : i32
          %broadcast_in_dim3A_289 = vector.broadcast %broadcast_in_dim3A_288 : i32 to vector<16xi32>
          %mul3A_290 = arith.constant 16 : i32
          %mul3A_291 = arith.muli %scan3A_227, %mul3A_290 : i32
          %add3A_292 = arith.constant 5 : i32
          %add3A_293 = arith.addi %mul3A_291, %add3A_292 : i32
          %add3A_294 = vector.broadcast %add3A_293 : i32 to vector<16xi32>
          %add3A_295 = arith.addi %broadcast_in_dim3A_289, %add3A_294 : vector<16xi32>
          %gather3A_296 = tpu.vector_load_idx %arg10[%add3A_173, %add3A_295] : memref<128x256xf32, #tpu.memory_space<vmem>>[vector<16xi32>, vector<16xi32>], vector<16xf32>,
          %gather3A_297 = tpu.vector_load_idx %arg11[%add3A_173, %add3A_295] : memref<128x256xf32, #tpu.memory_space<vmem>>[vector<16xi32>, vector<16xi32>], vector<16xf32>,
          %mul3A_298 = arith.mulf %gather3A_296, %gather3A_297 : vector<16xf32>
          %add3A_299 = arith.addf %add3A_287, %mul3A_298 : vector<16xf32>
          %broadcast_in_dim3A_300 = arith.constant 0 : i32
          %broadcast_in_dim3A_301 = vector.broadcast %broadcast_in_dim3A_300 : i32 to vector<16xi32>
          %mul3A_302 = arith.constant 16 : i32
          %mul3A_303 = arith.muli %scan3A_227, %mul3A_302 : i32
          %add3A_304 = arith.constant 6 : i32
          %add3A_305 = arith.addi %mul3A_303, %add3A_304 : i32
          %add3A_306 = vector.broadcast %add3A_305 : i32 to vector<16xi32>
          %add3A_307 = arith.addi %broadcast_in_dim3A_301, %add3A_306 : vector<16xi32>
          %gather3A_308 = tpu.vector_load_idx %arg10[%add3A_173, %add3A_307] : memref<128x256xf32, #tpu.memory_space<vmem>>[vector<16xi32>, vector<16xi32>], vector<16xf32>,
          %gather3A_309 = tpu.vector_load_idx %arg11[%add3A_173, %add3A_307] : memref<128x256xf32, #tpu.memory_space<vmem>>[vector<16xi32>, vector<16xi32>], vector<16xf32>,
          %mul3A_310 = arith.mulf %gather3A_308, %gather3A_309 : vector<16xf32>
          %add3A_311 = arith.addf %add3A_299, %mul3A_310 : vector<16xf32>
          %broadcast_in_dim3A_312 = arith.constant 0 : i32
          %broadcast_in_dim3A_313 = vector.broadcast %broadcast_in_dim3A_312 : i32 to vector<16xi32>
          %mul3A_314 = arith.constant 16 : i32
          %mul3A_315 = arith.muli %scan3A_227, %mul3A_314 : i32
          %add3A_316 = arith.constant 7 : i32
          %add3A_317 = arith.addi %mul3A_315, %add3A_316 : i32
          %add3A_318 = vector.broadcast %add3A_317 : i32 to vector<16xi32>
          %add3A_319 = arith.addi %broadcast_in_dim3A_313, %add3A_318 : vector<16xi32>
          %gather3A_320 = tpu.vector_load_idx %arg10[%add3A_173, %add3A_319] : memref<128x256xf32, #tpu.memory_space<vmem>>[vector<16xi32>, vector<16xi32>], vector<16xf32>,
          %gather3A_321 = tpu.vector_load_idx %arg11[%add3A_173, %add3A_319] : memref<128x256xf32, #tpu.memory_space<vmem>>[vector<16xi32>, vector<16xi32>], vector<16xf32>,
          %mul3A_322 = arith.mulf %gather3A_320, %gather3A_321 : vector<16xf32>
          %add3A_323 = arith.addf %add3A_311, %mul3A_322 : vector<16xf32>
          %broadcast_in_dim3A_324 = arith.constant 0 : i32
          %broadcast_in_dim3A_325 = vector.broadcast %broadcast_in_dim3A_324 : i32 to vector<16xi32>
          %mul3A_326 = arith.constant 16 : i32
          %mul3A_327 = arith.muli %scan3A_227, %mul3A_326 : i32
          %add3A_328 = arith.constant 8 : i32
          %add3A_329 = arith.addi %mul3A_327, %add3A_328 : i32
          %add3A_330 = vector.broadcast %add3A_329 : i32 to vector<16xi32>
          %add3A_331 = arith.addi %broadcast_in_dim3A_325, %add3A_330 : vector<16xi32>
          %gather3A_332 = tpu.vector_load_idx %arg10[%add3A_173, %add3A_331] : memref<128x256xf32, #tpu.memory_space<vmem>>[vector<16xi32>, vector<16xi32>], vector<16xf32>,
          %gather3A_333 = tpu.vector_load_idx %arg11[%add3A_173, %add3A_331] : memref<128x256xf32, #tpu.memory_space<vmem>>[vector<16xi32>, vector<16xi32>], vector<16xf32>,
          %mul3A_334 = arith.mulf %gather3A_332, %gather3A_333 : vector<16xf32>
          %add3A_335 = arith.addf %add3A_323, %mul3A_334 : vector<16xf32>
          %broadcast_in_dim3A_336 = arith.constant 0 : i32
          %broadcast_in_dim3A_337 = vector.broadcast %broadcast_in_dim3A_336 : i32 to vector<16xi32>
          %mul3A_338 = arith.constant 16 : i32
          %mul3A_339 = arith.muli %scan3A_227, %mul3A_338 : i32
          %add3A_340 = arith.constant 9 : i32
          %add3A_341 = arith.addi %mul3A_339, %add3A_340 : i32
          %add3A_342 = vector.broadcast %add3A_341 : i32 to vector<16xi32>
          %add3A_343 = arith.addi %broadcast_in_dim3A_337, %add3A_342 : vector<16xi32>
          %gather3A_344 = tpu.vector_load_idx %arg10[%add3A_173, %add3A_343] : memref<128x256xf32, #tpu.memory_space<vmem>>[vector<16xi32>, vector<16xi32>], vector<16xf32>,
          %gather3A_345 = tpu.vector_load_idx %arg11[%add3A_173, %add3A_343] : memref<128x256xf32, #tpu.memory_space<vmem>>[vector<16xi32>, vector<16xi32>], vector<16xf32>,
          %mul3A_346 = arith.mulf %gather3A_344, %gather3A_345 : vector<16xf32>
          %add3A_347 = arith.addf %add3A_335, %mul3A_346 : vector<16xf32>
          %broadcast_in_dim3A_348 = arith.constant 0 : i32
          %broadcast_in_dim3A_349 = vector.broadcast %broadcast_in_dim3A_348 : i32 to vector<16xi32>
          %mul3A_350 = arith.constant 16 : i32
          %mul3A_351 = arith.muli %scan3A_227, %mul3A_350 : i32
          %add3A_352 = arith.constant 10 : i32
          %add3A_353 = arith.addi %mul3A_351, %add3A_352 : i32
          %add3A_354 = vector.broadcast %add3A_353 : i32 to vector<16xi32>
          %add3A_355 = arith.addi %broadcast_in_dim3A_349, %add3A_354 : vector<16xi32>
          %gather3A_356 = tpu.vector_load_idx %arg10[%add3A_173, %add3A_355] : memref<128x256xf32, #tpu.memory_space<vmem>>[vector<16xi32>, vector<16xi32>], vector<16xf32>,
          %gather3A_357 = tpu.vector_load_idx %arg11[%add3A_173, %add3A_355] : memref<128x256xf32, #tpu.memory_space<vmem>>[vector<16xi32>, vector<16xi32>], vector<16xf32>,
          %mul3A_358 = arith.mulf %gather3A_356, %gather3A_357 : vector<16xf32>
          %add3A_359 = arith.addf %add3A_347, %mul3A_358 : vector<16xf32>
          %broadcast_in_dim3A_360 = arith.constant 0 : i32
          %broadcast_in_dim3A_361 = vector.broadcast %broadcast_in_dim3A_360 : i32 to vector<16xi32>
          %mul3A_362 = arith.constant 16 : i32
          %mul3A_363 = arith.muli %scan3A_227, %mul3A_362 : i32
          %add3A_364 = arith.constant 11 : i32
          %add3A_365 = arith.addi %mul3A_363, %add3A_364 : i32
          %add3A_366 = vector.broadcast %add3A_365 : i32 to vector<16xi32>
          %add3A_367 = arith.addi %broadcast_in_dim3A_361, %add3A_366 : vector<16xi32>
          %gather3A_368 = tpu.vector_load_idx %arg10[%add3A_173, %add3A_367] : memref<128x256xf32, #tpu.memory_space<vmem>>[vector<16xi32>, vector<16xi32>], vector<16xf32>,
          %gather3A_369 = tpu.vector_load_idx %arg11[%add3A_173, %add3A_367] : memref<128x256xf32, #tpu.memory_space<vmem>>[vector<16xi32>, vector<16xi32>], vector<16xf32>,
          %mul3A_370 = arith.mulf %gather3A_368, %gather3A_369 : vector<16xf32>
          %add3A_371 = arith.addf %add3A_359, %mul3A_370 : vector<16xf32>
          %broadcast_in_dim3A_372 = arith.constant 0 : i32
          %broadcast_in_dim3A_373 = vector.broadcast %broadcast_in_dim3A_372 : i32 to vector<16xi32>
          %mul3A_374 = arith.constant 16 : i32
          %mul3A_375 = arith.muli %scan3A_227, %mul3A_374 : i32
          %add3A_376 = arith.constant 12 : i32
          %add3A_377 = arith.addi %mul3A_375, %add3A_376 : i32
          %add3A_378 = vector.broadcast %add3A_377 : i32 to vector<16xi32>
          %add3A_379 = arith.addi %broadcast_in_dim3A_373, %add3A_378 : vector<16xi32>
          %gather3A_380 = tpu.vector_load_idx %arg10[%add3A_173, %add3A_379] : memref<128x256xf32, #tpu.memory_space<vmem>>[vector<16xi32>, vector<16xi32>], vector<16xf32>,
          %gather3A_381 = tpu.vector_load_idx %arg11[%add3A_173, %add3A_379] : memref<128x256xf32, #tpu.memory_space<vmem>>[vector<16xi32>, vector<16xi32>], vector<16xf32>,
          %mul3A_382 = arith.mulf %gather3A_380, %gather3A_381 : vector<16xf32>
          %add3A_383 = arith.addf %add3A_371, %mul3A_382 : vector<16xf32>
          %broadcast_in_dim3A_384 = arith.constant 0 : i32
          %broadcast_in_dim3A_385 = vector.broadcast %broadcast_in_dim3A_384 : i32 to vector<16xi32>
          %mul3A_386 = arith.constant 16 : i32
          %mul3A_387 = arith.muli %scan3A_227, %mul3A_386 : i32
          %add3A_388 = arith.constant 13 : i32
          %add3A_389 = arith.addi %mul3A_387, %add3A_388 : i32
          %add3A_390 = vector.broadcast %add3A_389 : i32 to vector<16xi32>
          %add3A_391 = arith.addi %broadcast_in_dim3A_385, %add3A_390 : vector<16xi32>
          %gather3A_392 = tpu.vector_load_idx %arg10[%add3A_173, %add3A_391] : memref<128x256xf32, #tpu.memory_space<vmem>>[vector<16xi32>, vector<16xi32>], vector<16xf32>,
          %gather3A_393 = tpu.vector_load_idx %arg11[%add3A_173, %add3A_391] : memref<128x256xf32, #tpu.memory_space<vmem>>[vector<16xi32>, vector<16xi32>], vector<16xf32>,
          %mul3A_394 = arith.mulf %gather3A_392, %gather3A_393 : vector<16xf32>
          %add3A_395 = arith.addf %add3A_383, %mul3A_394 : vector<16xf32>
          %broadcast_in_dim3A_396 = arith.constant 0 : i32
          %broadcast_in_dim3A_397 = vector.broadcast %broadcast_in_dim3A_396 : i32 to vector<16xi32>
          %mul3A_398 = arith.constant 16 : i32
          %mul3A_399 = arith.muli %scan3A_227, %mul3A_398 : i32
          %add3A_400 = arith.constant 14 : i32
          %add3A_401 = arith.addi %mul3A_399, %add3A_400 : i32
          %add3A_402 = vector.broadcast %add3A_401 : i32 to vector<16xi32>
          %add3A_403 = arith.addi %broadcast_in_dim3A_397, %add3A_402 : vector<16xi32>
          %gather3A_404 = tpu.vector_load_idx %arg10[%add3A_173, %add3A_403] : memref<128x256xf32, #tpu.memory_space<vmem>>[vector<16xi32>, vector<16xi32>], vector<16xf32>,
          %gather3A_405 = tpu.vector_load_idx %arg11[%add3A_173, %add3A_403] : memref<128x256xf32, #tpu.memory_space<vmem>>[vector<16xi32>, vector<16xi32>], vector<16xf32>,
          %mul3A_406 = arith.mulf %gather3A_404, %gather3A_405 : vector<16xf32>
          %add3A_407 = arith.addf %add3A_395, %mul3A_406 : vector<16xf32>
          %broadcast_in_dim3A_408 = arith.constant 0 : i32
          %broadcast_in_dim3A_409 = vector.broadcast %broadcast_in_dim3A_408 : i32 to vector<16xi32>
          %mul3A_410 = arith.constant 16 : i32
          %mul3A_411 = arith.muli %scan3A_227, %mul3A_410 : i32
          %add3A_412 = arith.constant 15 : i32
          %add3A_413 = arith.addi %mul3A_411, %add3A_412 : i32
          %add3A_414 = vector.broadcast %add3A_413 : i32 to vector<16xi32>
          %add3A_415 = arith.addi %broadcast_in_dim3A_409, %add3A_414 : vector<16xi32>
          %gather3A_416 = tpu.vector_load_idx %arg10[%add3A_173, %add3A_415] : memref<128x256xf32, #tpu.memory_space<vmem>>[vector<16xi32>, vector<16xi32>], vector<16xf32>,
          %gather3A_417 = tpu.vector_load_idx %arg11[%add3A_173, %add3A_415] : memref<128x256xf32, #tpu.memory_space<vmem>>[vector<16xi32>, vector<16xi32>], vector<16xf32>,
          %mul3A_418 = arith.mulf %gather3A_416, %gather3A_417 : vector<16xf32>
          %add3A_419 = arith.addf %add3A_407, %mul3A_418 : vector<16xf32>
          scf.yield %add3A_419 : vector<16xf32>
        }
        %scan3A_181 = arith.constant 16 : i32
        %swap3A_182 = arith.constant 80 : index
        %swap3A_183 = tpu.vector_load %arg12[%swap3A_182] {strides = array<i32>} : memref<128xf32, #tpu.memory_space<vmem>>, vector<16xf32>,
        tpu.vector_store %arg12[%swap3A_182], %scan3A_180 {strides = array<i32>} : memref<128xf32, #tpu.memory_space<vmem>>, vector<16xf32>,
        %get3A_184 = arith.constant 0 : index
        %get3A_185 = tpu.vector_load %arg13[%get3A_184] {strides = array<i32>} : memref<16xf32, #tpu.memory_space<vmem>>, vector<16xf32>,
        %max3A_186 = arith.maximumf %get3A_185, %scan3A_180 : vector<16xf32>
        %swap3A_187 = arith.constant 0 : index
        %swap3A_188 = tpu.vector_load %arg13[%swap3A_187] {strides = array<i32>} : memref<16xf32, #tpu.memory_space<vmem>>, vector<16xf32>,
        tpu.vector_store %arg13[%swap3A_187], %max3A_186 {strides = array<i32>} : memref<16xf32, #tpu.memory_space<vmem>>, vector<16xf32>,
        %iota3A_189 = tpu.iota {dimensions = array<i32: 0>} : vector<16xi32>
        %add3A_190 = arith.constant 96 : i32
        %add3A_191 = vector.broadcast %add3A_190 : i32 to vector<16xi32>
        %add3A_192 = arith.addi %iota3A_189, %add3A_191 : vector<16xi32>
        %broadcast_in_dim3A_193 = arith.constant 0.000000e+00 : f32
        %broadcast_in_dim3A_194 = vector.broadcast %broadcast_in_dim3A_193 : f32 to vector<16xf32>
        %scan3A_195 = arith.constant 0 : i32
        %scan3A_196 = arith.constant 16 : i32
        %scan3A_197 = arith.addi %scan3A_195, %scan3A_196 : i32
        %scan3A_198 = arith.constant 1 : i32
        %scan3A_199 = scf.for %scan3A_227 = %scan3A_195 to %scan3A_197 step %scan3A_198 iter_args(%scan3A_228 = %broadcast_in_dim3A_194) -> (vector<16xf32>)  : i32 {
          %broadcast_in_dim3A_229 = arith.constant 0 : i32
          %broadcast_in_dim3A_230 = vector.broadcast %broadcast_in_dim3A_229 : i32 to vector<16xi32>
          %mul3A_231 = arith.constant 16 : i32
          %mul3A_232 = arith.muli %scan3A_227, %mul3A_231 : i32
          %add3A_233 = arith.constant 0 : i32
          %add3A_234 = arith.addi %mul3A_232, %add3A_233 : i32
          %add3A_235 = vector.broadcast %add3A_234 : i32 to vector<16xi32>
          %add3A_236 = arith.addi %broadcast_in_dim3A_230, %add3A_235 : vector<16xi32>
          %gather3A = tpu.vector_load_idx %arg10[%add3A_192, %add3A_236] : memref<128x256xf32, #tpu.memory_space<vmem>>[vector<16xi32>, vector<16xi32>], vector<16xf32>,
          %gather3A_237 = tpu.vector_load_idx %arg11[%add3A_192, %add3A_236] : memref<128x256xf32, #tpu.memory_space<vmem>>[vector<16xi32>, vector<16xi32>], vector<16xf32>,
          %mul3A_238 = arith.mulf %gather3A, %gather3A_237 : vector<16xf32>
          %add3A_239 = arith.addf %scan3A_228, %mul3A_238 : vector<16xf32>
          %broadcast_in_dim3A_240 = arith.constant 0 : i32
          %broadcast_in_dim3A_241 = vector.broadcast %broadcast_in_dim3A_240 : i32 to vector<16xi32>
          %mul3A_242 = arith.constant 16 : i32
          %mul3A_243 = arith.muli %scan3A_227, %mul3A_242 : i32
          %add3A_244 = arith.constant 1 : i32
          %add3A_245 = arith.addi %mul3A_243, %add3A_244 : i32
          %add3A_246 = vector.broadcast %add3A_245 : i32 to vector<16xi32>
          %add3A_247 = arith.addi %broadcast_in_dim3A_241, %add3A_246 : vector<16xi32>
          %gather3A_248 = tpu.vector_load_idx %arg10[%add3A_192, %add3A_247] : memref<128x256xf32, #tpu.memory_space<vmem>>[vector<16xi32>, vector<16xi32>], vector<16xf32>,
          %gather3A_249 = tpu.vector_load_idx %arg11[%add3A_192, %add3A_247] : memref<128x256xf32, #tpu.memory_space<vmem>>[vector<16xi32>, vector<16xi32>], vector<16xf32>,
          %mul3A_250 = arith.mulf %gather3A_248, %gather3A_249 : vector<16xf32>
          %add3A_251 = arith.addf %add3A_239, %mul3A_250 : vector<16xf32>
          %broadcast_in_dim3A_252 = arith.constant 0 : i32
          %broadcast_in_dim3A_253 = vector.broadcast %broadcast_in_dim3A_252 : i32 to vector<16xi32>
          %mul3A_254 = arith.constant 16 : i32
          %mul3A_255 = arith.muli %scan3A_227, %mul3A_254 : i32
          %add3A_256 = arith.constant 2 : i32
          %add3A_257 = arith.addi %mul3A_255, %add3A_256 : i32
          %add3A_258 = vector.broadcast %add3A_257 : i32 to vector<16xi32>
          %add3A_259 = arith.addi %broadcast_in_dim3A_253, %add3A_258 : vector<16xi32>
          %gather3A_260 = tpu.vector_load_idx %arg10[%add3A_192, %add3A_259] : memref<128x256xf32, #tpu.memory_space<vmem>>[vector<16xi32>, vector<16xi32>], vector<16xf32>,
          %gather3A_261 = tpu.vector_load_idx %arg11[%add3A_192, %add3A_259] : memref<128x256xf32, #tpu.memory_space<vmem>>[vector<16xi32>, vector<16xi32>], vector<16xf32>,
          %mul3A_262 = arith.mulf %gather3A_260, %gather3A_261 : vector<16xf32>
          %add3A_263 = arith.addf %add3A_251, %mul3A_262 : vector<16xf32>
          %broadcast_in_dim3A_264 = arith.constant 0 : i32
          %broadcast_in_dim3A_265 = vector.broadcast %broadcast_in_dim3A_264 : i32 to vector<16xi32>
          %mul3A_266 = arith.constant 16 : i32
          %mul3A_267 = arith.muli %scan3A_227, %mul3A_266 : i32
          %add3A_268 = arith.constant 3 : i32
          %add3A_269 = arith.addi %mul3A_267, %add3A_268 : i32
          %add3A_270 = vector.broadcast %add3A_269 : i32 to vector<16xi32>
          %add3A_271 = arith.addi %broadcast_in_dim3A_265, %add3A_270 : vector<16xi32>
          %gather3A_272 = tpu.vector_load_idx %arg10[%add3A_192, %add3A_271] : memref<128x256xf32, #tpu.memory_space<vmem>>[vector<16xi32>, vector<16xi32>], vector<16xf32>,
          %gather3A_273 = tpu.vector_load_idx %arg11[%add3A_192, %add3A_271] : memref<128x256xf32, #tpu.memory_space<vmem>>[vector<16xi32>, vector<16xi32>], vector<16xf32>,
          %mul3A_274 = arith.mulf %gather3A_272, %gather3A_273 : vector<16xf32>
          %add3A_275 = arith.addf %add3A_263, %mul3A_274 : vector<16xf32>
          %broadcast_in_dim3A_276 = arith.constant 0 : i32
          %broadcast_in_dim3A_277 = vector.broadcast %broadcast_in_dim3A_276 : i32 to vector<16xi32>
          %mul3A_278 = arith.constant 16 : i32
          %mul3A_279 = arith.muli %scan3A_227, %mul3A_278 : i32
          %add3A_280 = arith.constant 4 : i32
          %add3A_281 = arith.addi %mul3A_279, %add3A_280 : i32
          %add3A_282 = vector.broadcast %add3A_281 : i32 to vector<16xi32>
          %add3A_283 = arith.addi %broadcast_in_dim3A_277, %add3A_282 : vector<16xi32>
          %gather3A_284 = tpu.vector_load_idx %arg10[%add3A_192, %add3A_283] : memref<128x256xf32, #tpu.memory_space<vmem>>[vector<16xi32>, vector<16xi32>], vector<16xf32>,
          %gather3A_285 = tpu.vector_load_idx %arg11[%add3A_192, %add3A_283] : memref<128x256xf32, #tpu.memory_space<vmem>>[vector<16xi32>, vector<16xi32>], vector<16xf32>,
          %mul3A_286 = arith.mulf %gather3A_284, %gather3A_285 : vector<16xf32>
          %add3A_287 = arith.addf %add3A_275, %mul3A_286 : vector<16xf32>
          %broadcast_in_dim3A_288 = arith.constant 0 : i32
          %broadcast_in_dim3A_289 = vector.broadcast %broadcast_in_dim3A_288 : i32 to vector<16xi32>
          %mul3A_290 = arith.constant 16 : i32
          %mul3A_291 = arith.muli %scan3A_227, %mul3A_290 : i32
          %add3A_292 = arith.constant 5 : i32
          %add3A_293 = arith.addi %mul3A_291, %add3A_292 : i32
          %add3A_294 = vector.broadcast %add3A_293 : i32 to vector<16xi32>
          %add3A_295 = arith.addi %broadcast_in_dim3A_289, %add3A_294 : vector<16xi32>
          %gather3A_296 = tpu.vector_load_idx %arg10[%add3A_192, %add3A_295] : memref<128x256xf32, #tpu.memory_space<vmem>>[vector<16xi32>, vector<16xi32>], vector<16xf32>,
          %gather3A_297 = tpu.vector_load_idx %arg11[%add3A_192, %add3A_295] : memref<128x256xf32, #tpu.memory_space<vmem>>[vector<16xi32>, vector<16xi32>], vector<16xf32>,
          %mul3A_298 = arith.mulf %gather3A_296, %gather3A_297 : vector<16xf32>
          %add3A_299 = arith.addf %add3A_287, %mul3A_298 : vector<16xf32>
          %broadcast_in_dim3A_300 = arith.constant 0 : i32
          %broadcast_in_dim3A_301 = vector.broadcast %broadcast_in_dim3A_300 : i32 to vector<16xi32>
          %mul3A_302 = arith.constant 16 : i32
          %mul3A_303 = arith.muli %scan3A_227, %mul3A_302 : i32
          %add3A_304 = arith.constant 6 : i32
          %add3A_305 = arith.addi %mul3A_303, %add3A_304 : i32
          %add3A_306 = vector.broadcast %add3A_305 : i32 to vector<16xi32>
          %add3A_307 = arith.addi %broadcast_in_dim3A_301, %add3A_306 : vector<16xi32>
          %gather3A_308 = tpu.vector_load_idx %arg10[%add3A_192, %add3A_307] : memref<128x256xf32, #tpu.memory_space<vmem>>[vector<16xi32>, vector<16xi32>], vector<16xf32>,
          %gather3A_309 = tpu.vector_load_idx %arg11[%add3A_192, %add3A_307] : memref<128x256xf32, #tpu.memory_space<vmem>>[vector<16xi32>, vector<16xi32>], vector<16xf32>,
          %mul3A_310 = arith.mulf %gather3A_308, %gather3A_309 : vector<16xf32>
          %add3A_311 = arith.addf %add3A_299, %mul3A_310 : vector<16xf32>
          %broadcast_in_dim3A_312 = arith.constant 0 : i32
          %broadcast_in_dim3A_313 = vector.broadcast %broadcast_in_dim3A_312 : i32 to vector<16xi32>
          %mul3A_314 = arith.constant 16 : i32
          %mul3A_315 = arith.muli %scan3A_227, %mul3A_314 : i32
          %add3A_316 = arith.constant 7 : i32
          %add3A_317 = arith.addi %mul3A_315, %add3A_316 : i32
          %add3A_318 = vector.broadcast %add3A_317 : i32 to vector<16xi32>
          %add3A_319 = arith.addi %broadcast_in_dim3A_313, %add3A_318 : vector<16xi32>
          %gather3A_320 = tpu.vector_load_idx %arg10[%add3A_192, %add3A_319] : memref<128x256xf32, #tpu.memory_space<vmem>>[vector<16xi32>, vector<16xi32>], vector<16xf32>,
          %gather3A_321 = tpu.vector_load_idx %arg11[%add3A_192, %add3A_319] : memref<128x256xf32, #tpu.memory_space<vmem>>[vector<16xi32>, vector<16xi32>], vector<16xf32>,
          %mul3A_322 = arith.mulf %gather3A_320, %gather3A_321 : vector<16xf32>
          %add3A_323 = arith.addf %add3A_311, %mul3A_322 : vector<16xf32>
          %broadcast_in_dim3A_324 = arith.constant 0 : i32
          %broadcast_in_dim3A_325 = vector.broadcast %broadcast_in_dim3A_324 : i32 to vector<16xi32>
          %mul3A_326 = arith.constant 16 : i32
          %mul3A_327 = arith.muli %scan3A_227, %mul3A_326 : i32
          %add3A_328 = arith.constant 8 : i32
          %add3A_329 = arith.addi %mul3A_327, %add3A_328 : i32
          %add3A_330 = vector.broadcast %add3A_329 : i32 to vector<16xi32>
          %add3A_331 = arith.addi %broadcast_in_dim3A_325, %add3A_330 : vector<16xi32>
          %gather3A_332 = tpu.vector_load_idx %arg10[%add3A_192, %add3A_331] : memref<128x256xf32, #tpu.memory_space<vmem>>[vector<16xi32>, vector<16xi32>], vector<16xf32>,
          %gather3A_333 = tpu.vector_load_idx %arg11[%add3A_192, %add3A_331] : memref<128x256xf32, #tpu.memory_space<vmem>>[vector<16xi32>, vector<16xi32>], vector<16xf32>,
          %mul3A_334 = arith.mulf %gather3A_332, %gather3A_333 : vector<16xf32>
          %add3A_335 = arith.addf %add3A_323, %mul3A_334 : vector<16xf32>
          %broadcast_in_dim3A_336 = arith.constant 0 : i32
          %broadcast_in_dim3A_337 = vector.broadcast %broadcast_in_dim3A_336 : i32 to vector<16xi32>
          %mul3A_338 = arith.constant 16 : i32
          %mul3A_339 = arith.muli %scan3A_227, %mul3A_338 : i32
          %add3A_340 = arith.constant 9 : i32
          %add3A_341 = arith.addi %mul3A_339, %add3A_340 : i32
          %add3A_342 = vector.broadcast %add3A_341 : i32 to vector<16xi32>
          %add3A_343 = arith.addi %broadcast_in_dim3A_337, %add3A_342 : vector<16xi32>
          %gather3A_344 = tpu.vector_load_idx %arg10[%add3A_192, %add3A_343] : memref<128x256xf32, #tpu.memory_space<vmem>>[vector<16xi32>, vector<16xi32>], vector<16xf32>,
          %gather3A_345 = tpu.vector_load_idx %arg11[%add3A_192, %add3A_343] : memref<128x256xf32, #tpu.memory_space<vmem>>[vector<16xi32>, vector<16xi32>], vector<16xf32>,
          %mul3A_346 = arith.mulf %gather3A_344, %gather3A_345 : vector<16xf32>
          %add3A_347 = arith.addf %add3A_335, %mul3A_346 : vector<16xf32>
          %broadcast_in_dim3A_348 = arith.constant 0 : i32
          %broadcast_in_dim3A_349 = vector.broadcast %broadcast_in_dim3A_348 : i32 to vector<16xi32>
          %mul3A_350 = arith.constant 16 : i32
          %mul3A_351 = arith.muli %scan3A_227, %mul3A_350 : i32
          %add3A_352 = arith.constant 10 : i32
          %add3A_353 = arith.addi %mul3A_351, %add3A_352 : i32
          %add3A_354 = vector.broadcast %add3A_353 : i32 to vector<16xi32>
          %add3A_355 = arith.addi %broadcast_in_dim3A_349, %add3A_354 : vector<16xi32>
          %gather3A_356 = tpu.vector_load_idx %arg10[%add3A_192, %add3A_355] : memref<128x256xf32, #tpu.memory_space<vmem>>[vector<16xi32>, vector<16xi32>], vector<16xf32>,
          %gather3A_357 = tpu.vector_load_idx %arg11[%add3A_192, %add3A_355] : memref<128x256xf32, #tpu.memory_space<vmem>>[vector<16xi32>, vector<16xi32>], vector<16xf32>,
          %mul3A_358 = arith.mulf %gather3A_356, %gather3A_357 : vector<16xf32>
          %add3A_359 = arith.addf %add3A_347, %mul3A_358 : vector<16xf32>
          %broadcast_in_dim3A_360 = arith.constant 0 : i32
          %broadcast_in_dim3A_361 = vector.broadcast %broadcast_in_dim3A_360 : i32 to vector<16xi32>
          %mul3A_362 = arith.constant 16 : i32
          %mul3A_363 = arith.muli %scan3A_227, %mul3A_362 : i32
          %add3A_364 = arith.constant 11 : i32
          %add3A_365 = arith.addi %mul3A_363, %add3A_364 : i32
          %add3A_366 = vector.broadcast %add3A_365 : i32 to vector<16xi32>
          %add3A_367 = arith.addi %broadcast_in_dim3A_361, %add3A_366 : vector<16xi32>
          %gather3A_368 = tpu.vector_load_idx %arg10[%add3A_192, %add3A_367] : memref<128x256xf32, #tpu.memory_space<vmem>>[vector<16xi32>, vector<16xi32>], vector<16xf32>,
          %gather3A_369 = tpu.vector_load_idx %arg11[%add3A_192, %add3A_367] : memref<128x256xf32, #tpu.memory_space<vmem>>[vector<16xi32>, vector<16xi32>], vector<16xf32>,
          %mul3A_370 = arith.mulf %gather3A_368, %gather3A_369 : vector<16xf32>
          %add3A_371 = arith.addf %add3A_359, %mul3A_370 : vector<16xf32>
          %broadcast_in_dim3A_372 = arith.constant 0 : i32
          %broadcast_in_dim3A_373 = vector.broadcast %broadcast_in_dim3A_372 : i32 to vector<16xi32>
          %mul3A_374 = arith.constant 16 : i32
          %mul3A_375 = arith.muli %scan3A_227, %mul3A_374 : i32
          %add3A_376 = arith.constant 12 : i32
          %add3A_377 = arith.addi %mul3A_375, %add3A_376 : i32
          %add3A_378 = vector.broadcast %add3A_377 : i32 to vector<16xi32>
          %add3A_379 = arith.addi %broadcast_in_dim3A_373, %add3A_378 : vector<16xi32>
          %gather3A_380 = tpu.vector_load_idx %arg10[%add3A_192, %add3A_379] : memref<128x256xf32, #tpu.memory_space<vmem>>[vector<16xi32>, vector<16xi32>], vector<16xf32>,
          %gather3A_381 = tpu.vector_load_idx %arg11[%add3A_192, %add3A_379] : memref<128x256xf32, #tpu.memory_space<vmem>>[vector<16xi32>, vector<16xi32>], vector<16xf32>,
          %mul3A_382 = arith.mulf %gather3A_380, %gather3A_381 : vector<16xf32>
          %add3A_383 = arith.addf %add3A_371, %mul3A_382 : vector<16xf32>
          %broadcast_in_dim3A_384 = arith.constant 0 : i32
          %broadcast_in_dim3A_385 = vector.broadcast %broadcast_in_dim3A_384 : i32 to vector<16xi32>
          %mul3A_386 = arith.constant 16 : i32
          %mul3A_387 = arith.muli %scan3A_227, %mul3A_386 : i32
          %add3A_388 = arith.constant 13 : i32
          %add3A_389 = arith.addi %mul3A_387, %add3A_388 : i32
          %add3A_390 = vector.broadcast %add3A_389 : i32 to vector<16xi32>
          %add3A_391 = arith.addi %broadcast_in_dim3A_385, %add3A_390 : vector<16xi32>
          %gather3A_392 = tpu.vector_load_idx %arg10[%add3A_192, %add3A_391] : memref<128x256xf32, #tpu.memory_space<vmem>>[vector<16xi32>, vector<16xi32>], vector<16xf32>,
          %gather3A_393 = tpu.vector_load_idx %arg11[%add3A_192, %add3A_391] : memref<128x256xf32, #tpu.memory_space<vmem>>[vector<16xi32>, vector<16xi32>], vector<16xf32>,
          %mul3A_394 = arith.mulf %gather3A_392, %gather3A_393 : vector<16xf32>
          %add3A_395 = arith.addf %add3A_383, %mul3A_394 : vector<16xf32>
          %broadcast_in_dim3A_396 = arith.constant 0 : i32
          %broadcast_in_dim3A_397 = vector.broadcast %broadcast_in_dim3A_396 : i32 to vector<16xi32>
          %mul3A_398 = arith.constant 16 : i32
          %mul3A_399 = arith.muli %scan3A_227, %mul3A_398 : i32
          %add3A_400 = arith.constant 14 : i32
          %add3A_401 = arith.addi %mul3A_399, %add3A_400 : i32
          %add3A_402 = vector.broadcast %add3A_401 : i32 to vector<16xi32>
          %add3A_403 = arith.addi %broadcast_in_dim3A_397, %add3A_402 : vector<16xi32>
          %gather3A_404 = tpu.vector_load_idx %arg10[%add3A_192, %add3A_403] : memref<128x256xf32, #tpu.memory_space<vmem>>[vector<16xi32>, vector<16xi32>], vector<16xf32>,
          %gather3A_405 = tpu.vector_load_idx %arg11[%add3A_192, %add3A_403] : memref<128x256xf32, #tpu.memory_space<vmem>>[vector<16xi32>, vector<16xi32>], vector<16xf32>,
          %mul3A_406 = arith.mulf %gather3A_404, %gather3A_405 : vector<16xf32>
          %add3A_407 = arith.addf %add3A_395, %mul3A_406 : vector<16xf32>
          %broadcast_in_dim3A_408 = arith.constant 0 : i32
          %broadcast_in_dim3A_409 = vector.broadcast %broadcast_in_dim3A_408 : i32 to vector<16xi32>
          %mul3A_410 = arith.constant 16 : i32
          %mul3A_411 = arith.muli %scan3A_227, %mul3A_410 : i32
          %add3A_412 = arith.constant 15 : i32
          %add3A_413 = arith.addi %mul3A_411, %add3A_412 : i32
          %add3A_414 = vector.broadcast %add3A_413 : i32 to vector<16xi32>
          %add3A_415 = arith.addi %broadcast_in_dim3A_409, %add3A_414 : vector<16xi32>
          %gather3A_416 = tpu.vector_load_idx %arg10[%add3A_192, %add3A_415] : memref<128x256xf32, #tpu.memory_space<vmem>>[vector<16xi32>, vector<16xi32>], vector<16xf32>,
          %gather3A_417 = tpu.vector_load_idx %arg11[%add3A_192, %add3A_415] : memref<128x256xf32, #tpu.memory_space<vmem>>[vector<16xi32>, vector<16xi32>], vector<16xf32>,
          %mul3A_418 = arith.mulf %gather3A_416, %gather3A_417 : vector<16xf32>
          %add3A_419 = arith.addf %add3A_407, %mul3A_418 : vector<16xf32>
          scf.yield %add3A_419 : vector<16xf32>
        }
        %scan3A_200 = arith.constant 16 : i32
        %swap3A_201 = arith.constant 96 : index
        %swap3A_202 = tpu.vector_load %arg12[%swap3A_201] {strides = array<i32>} : memref<128xf32, #tpu.memory_space<vmem>>, vector<16xf32>,
        tpu.vector_store %arg12[%swap3A_201], %scan3A_199 {strides = array<i32>} : memref<128xf32, #tpu.memory_space<vmem>>, vector<16xf32>,
        %get3A_203 = arith.constant 0 : index
        %get3A_204 = tpu.vector_load %arg13[%get3A_203] {strides = array<i32>} : memref<16xf32, #tpu.memory_space<vmem>>, vector<16xf32>,
        %max3A_205 = arith.maximumf %get3A_204, %scan3A_199 : vector<16xf32>
        %swap3A_206 = arith.constant 0 : index
        %swap3A_207 = tpu.vector_load %arg13[%swap3A_206] {strides = array<i32>} : memref<16xf32, #tpu.memory_space<vmem>>, vector<16xf32>,
        tpu.vector_store %arg13[%swap3A_206], %max3A_205 {strides = array<i32>} : memref<16xf32, #tpu.memory_space<vmem>>, vector<16xf32>,
        %iota3A_208 = tpu.iota {dimensions = array<i32: 0>} : vector<16xi32>
        %add3A_209 = arith.constant 112 : i32
        %add3A_210 = vector.broadcast %add3A_209 : i32 to vector<16xi32>
        %add3A_211 = arith.addi %iota3A_208, %add3A_210 : vector<16xi32>
        %broadcast_in_dim3A_212 = arith.constant 0.000000e+00 : f32
        %broadcast_in_dim3A_213 = vector.broadcast %broadcast_in_dim3A_212 : f32 to vector<16xf32>
        %scan3A_214 = arith.constant 0 : i32
        %scan3A_215 = arith.constant 16 : i32
        %scan3A_216 = arith.addi %scan3A_214, %scan3A_215 : i32
        %scan3A_217 = arith.constant 1 : i32
        %scan3A_218 = scf.for %scan3A_227 = %scan3A_214 to %scan3A_216 step %scan3A_217 iter_args(%scan3A_228 = %broadcast_in_dim3A_213) -> (vector<16xf32>)  : i32 {
          %broadcast_in_dim3A_229 = arith.constant 0 : i32
          %broadcast_in_dim3A_230 = vector.broadcast %broadcast_in_dim3A_229 : i32 to vector<16xi32>
          %mul3A_231 = arith.constant 16 : i32
          %mul3A_232 = arith.muli %scan3A_227, %mul3A_231 : i32
          %add3A_233 = arith.constant 0 : i32
          %add3A_234 = arith.addi %mul3A_232, %add3A_233 : i32
          %add3A_235 = vector.broadcast %add3A_234 : i32 to vector<16xi32>
          %add3A_236 = arith.addi %broadcast_in_dim3A_230, %add3A_235 : vector<16xi32>
          %gather3A = tpu.vector_load_idx %arg10[%add3A_211, %add3A_236] : memref<128x256xf32, #tpu.memory_space<vmem>>[vector<16xi32>, vector<16xi32>], vector<16xf32>,
          %gather3A_237 = tpu.vector_load_idx %arg11[%add3A_211, %add3A_236] : memref<128x256xf32, #tpu.memory_space<vmem>>[vector<16xi32>, vector<16xi32>], vector<16xf32>,
          %mul3A_238 = arith.mulf %gather3A, %gather3A_237 : vector<16xf32>
          %add3A_239 = arith.addf %scan3A_228, %mul3A_238 : vector<16xf32>
          %broadcast_in_dim3A_240 = arith.constant 0 : i32
          %broadcast_in_dim3A_241 = vector.broadcast %broadcast_in_dim3A_240 : i32 to vector<16xi32>
          %mul3A_242 = arith.constant 16 : i32
          %mul3A_243 = arith.muli %scan3A_227, %mul3A_242 : i32
          %add3A_244 = arith.constant 1 : i32
          %add3A_245 = arith.addi %mul3A_243, %add3A_244 : i32
          %add3A_246 = vector.broadcast %add3A_245 : i32 to vector<16xi32>
          %add3A_247 = arith.addi %broadcast_in_dim3A_241, %add3A_246 : vector<16xi32>
          %gather3A_248 = tpu.vector_load_idx %arg10[%add3A_211, %add3A_247] : memref<128x256xf32, #tpu.memory_space<vmem>>[vector<16xi32>, vector<16xi32>], vector<16xf32>,
          %gather3A_249 = tpu.vector_load_idx %arg11[%add3A_211, %add3A_247] : memref<128x256xf32, #tpu.memory_space<vmem>>[vector<16xi32>, vector<16xi32>], vector<16xf32>,
          %mul3A_250 = arith.mulf %gather3A_248, %gather3A_249 : vector<16xf32>
          %add3A_251 = arith.addf %add3A_239, %mul3A_250 : vector<16xf32>
          %broadcast_in_dim3A_252 = arith.constant 0 : i32
          %broadcast_in_dim3A_253 = vector.broadcast %broadcast_in_dim3A_252 : i32 to vector<16xi32>
          %mul3A_254 = arith.constant 16 : i32
          %mul3A_255 = arith.muli %scan3A_227, %mul3A_254 : i32
          %add3A_256 = arith.constant 2 : i32
          %add3A_257 = arith.addi %mul3A_255, %add3A_256 : i32
          %add3A_258 = vector.broadcast %add3A_257 : i32 to vector<16xi32>
          %add3A_259 = arith.addi %broadcast_in_dim3A_253, %add3A_258 : vector<16xi32>
          %gather3A_260 = tpu.vector_load_idx %arg10[%add3A_211, %add3A_259] : memref<128x256xf32, #tpu.memory_space<vmem>>[vector<16xi32>, vector<16xi32>], vector<16xf32>,
          %gather3A_261 = tpu.vector_load_idx %arg11[%add3A_211, %add3A_259] : memref<128x256xf32, #tpu.memory_space<vmem>>[vector<16xi32>, vector<16xi32>], vector<16xf32>,
          %mul3A_262 = arith.mulf %gather3A_260, %gather3A_261 : vector<16xf32>
          %add3A_263 = arith.addf %add3A_251, %mul3A_262 : vector<16xf32>
          %broadcast_in_dim3A_264 = arith.constant 0 : i32
          %broadcast_in_dim3A_265 = vector.broadcast %broadcast_in_dim3A_264 : i32 to vector<16xi32>
          %mul3A_266 = arith.constant 16 : i32
          %mul3A_267 = arith.muli %scan3A_227, %mul3A_266 : i32
          %add3A_268 = arith.constant 3 : i32
          %add3A_269 = arith.addi %mul3A_267, %add3A_268 : i32
          %add3A_270 = vector.broadcast %add3A_269 : i32 to vector<16xi32>
          %add3A_271 = arith.addi %broadcast_in_dim3A_265, %add3A_270 : vector<16xi32>
          %gather3A_272 = tpu.vector_load_idx %arg10[%add3A_211, %add3A_271] : memref<128x256xf32, #tpu.memory_space<vmem>>[vector<16xi32>, vector<16xi32>], vector<16xf32>,
          %gather3A_273 = tpu.vector_load_idx %arg11[%add3A_211, %add3A_271] : memref<128x256xf32, #tpu.memory_space<vmem>>[vector<16xi32>, vector<16xi32>], vector<16xf32>,
          %mul3A_274 = arith.mulf %gather3A_272, %gather3A_273 : vector<16xf32>
          %add3A_275 = arith.addf %add3A_263, %mul3A_274 : vector<16xf32>
          %broadcast_in_dim3A_276 = arith.constant 0 : i32
          %broadcast_in_dim3A_277 = vector.broadcast %broadcast_in_dim3A_276 : i32 to vector<16xi32>
          %mul3A_278 = arith.constant 16 : i32
          %mul3A_279 = arith.muli %scan3A_227, %mul3A_278 : i32
          %add3A_280 = arith.constant 4 : i32
          %add3A_281 = arith.addi %mul3A_279, %add3A_280 : i32
          %add3A_282 = vector.broadcast %add3A_281 : i32 to vector<16xi32>
          %add3A_283 = arith.addi %broadcast_in_dim3A_277, %add3A_282 : vector<16xi32>
          %gather3A_284 = tpu.vector_load_idx %arg10[%add3A_211, %add3A_283] : memref<128x256xf32, #tpu.memory_space<vmem>>[vector<16xi32>, vector<16xi32>], vector<16xf32>,
          %gather3A_285 = tpu.vector_load_idx %arg11[%add3A_211, %add3A_283] : memref<128x256xf32, #tpu.memory_space<vmem>>[vector<16xi32>, vector<16xi32>], vector<16xf32>,
          %mul3A_286 = arith.mulf %gather3A_284, %gather3A_285 : vector<16xf32>
          %add3A_287 = arith.addf %add3A_275, %mul3A_286 : vector<16xf32>
          %broadcast_in_dim3A_288 = arith.constant 0 : i32
          %broadcast_in_dim3A_289 = vector.broadcast %broadcast_in_dim3A_288 : i32 to vector<16xi32>
          %mul3A_290 = arith.constant 16 : i32
          %mul3A_291 = arith.muli %scan3A_227, %mul3A_290 : i32
          %add3A_292 = arith.constant 5 : i32
          %add3A_293 = arith.addi %mul3A_291, %add3A_292 : i32
          %add3A_294 = vector.broadcast %add3A_293 : i32 to vector<16xi32>
          %add3A_295 = arith.addi %broadcast_in_dim3A_289, %add3A_294 : vector<16xi32>
          %gather3A_296 = tpu.vector_load_idx %arg10[%add3A_211, %add3A_295] : memref<128x256xf32, #tpu.memory_space<vmem>>[vector<16xi32>, vector<16xi32>], vector<16xf32>,
          %gather3A_297 = tpu.vector_load_idx %arg11[%add3A_211, %add3A_295] : memref<128x256xf32, #tpu.memory_space<vmem>>[vector<16xi32>, vector<16xi32>], vector<16xf32>,
          %mul3A_298 = arith.mulf %gather3A_296, %gather3A_297 : vector<16xf32>
          %add3A_299 = arith.addf %add3A_287, %mul3A_298 : vector<16xf32>
          %broadcast_in_dim3A_300 = arith.constant 0 : i32
          %broadcast_in_dim3A_301 = vector.broadcast %broadcast_in_dim3A_300 : i32 to vector<16xi32>
          %mul3A_302 = arith.constant 16 : i32
          %mul3A_303 = arith.muli %scan3A_227, %mul3A_302 : i32
          %add3A_304 = arith.constant 6 : i32
          %add3A_305 = arith.addi %mul3A_303, %add3A_304 : i32
          %add3A_306 = vector.broadcast %add3A_305 : i32 to vector<16xi32>
          %add3A_307 = arith.addi %broadcast_in_dim3A_301, %add3A_306 : vector<16xi32>
          %gather3A_308 = tpu.vector_load_idx %arg10[%add3A_211, %add3A_307] : memref<128x256xf32, #tpu.memory_space<vmem>>[vector<16xi32>, vector<16xi32>], vector<16xf32>,
          %gather3A_309 = tpu.vector_load_idx %arg11[%add3A_211, %add3A_307] : memref<128x256xf32, #tpu.memory_space<vmem>>[vector<16xi32>, vector<16xi32>], vector<16xf32>,
          %mul3A_310 = arith.mulf %gather3A_308, %gather3A_309 : vector<16xf32>
          %add3A_311 = arith.addf %add3A_299, %mul3A_310 : vector<16xf32>
          %broadcast_in_dim3A_312 = arith.constant 0 : i32
          %broadcast_in_dim3A_313 = vector.broadcast %broadcast_in_dim3A_312 : i32 to vector<16xi32>
          %mul3A_314 = arith.constant 16 : i32
          %mul3A_315 = arith.muli %scan3A_227, %mul3A_314 : i32
          %add3A_316 = arith.constant 7 : i32
          %add3A_317 = arith.addi %mul3A_315, %add3A_316 : i32
          %add3A_318 = vector.broadcast %add3A_317 : i32 to vector<16xi32>
          %add3A_319 = arith.addi %broadcast_in_dim3A_313, %add3A_318 : vector<16xi32>
          %gather3A_320 = tpu.vector_load_idx %arg10[%add3A_211, %add3A_319] : memref<128x256xf32, #tpu.memory_space<vmem>>[vector<16xi32>, vector<16xi32>], vector<16xf32>,
          %gather3A_321 = tpu.vector_load_idx %arg11[%add3A_211, %add3A_319] : memref<128x256xf32, #tpu.memory_space<vmem>>[vector<16xi32>, vector<16xi32>], vector<16xf32>,
          %mul3A_322 = arith.mulf %gather3A_320, %gather3A_321 : vector<16xf32>
          %add3A_323 = arith.addf %add3A_311, %mul3A_322 : vector<16xf32>
          %broadcast_in_dim3A_324 = arith.constant 0 : i32
          %broadcast_in_dim3A_325 = vector.broadcast %broadcast_in_dim3A_324 : i32 to vector<16xi32>
          %mul3A_326 = arith.constant 16 : i32
          %mul3A_327 = arith.muli %scan3A_227, %mul3A_326 : i32
          %add3A_328 = arith.constant 8 : i32
          %add3A_329 = arith.addi %mul3A_327, %add3A_328 : i32
          %add3A_330 = vector.broadcast %add3A_329 : i32 to vector<16xi32>
          %add3A_331 = arith.addi %broadcast_in_dim3A_325, %add3A_330 : vector<16xi32>
          %gather3A_332 = tpu.vector_load_idx %arg10[%add3A_211, %add3A_331] : memref<128x256xf32, #tpu.memory_space<vmem>>[vector<16xi32>, vector<16xi32>], vector<16xf32>,
          %gather3A_333 = tpu.vector_load_idx %arg11[%add3A_211, %add3A_331] : memref<128x256xf32, #tpu.memory_space<vmem>>[vector<16xi32>, vector<16xi32>], vector<16xf32>,
          %mul3A_334 = arith.mulf %gather3A_332, %gather3A_333 : vector<16xf32>
          %add3A_335 = arith.addf %add3A_323, %mul3A_334 : vector<16xf32>
          %broadcast_in_dim3A_336 = arith.constant 0 : i32
          %broadcast_in_dim3A_337 = vector.broadcast %broadcast_in_dim3A_336 : i32 to vector<16xi32>
          %mul3A_338 = arith.constant 16 : i32
          %mul3A_339 = arith.muli %scan3A_227, %mul3A_338 : i32
          %add3A_340 = arith.constant 9 : i32
          %add3A_341 = arith.addi %mul3A_339, %add3A_340 : i32
          %add3A_342 = vector.broadcast %add3A_341 : i32 to vector<16xi32>
          %add3A_343 = arith.addi %broadcast_in_dim3A_337, %add3A_342 : vector<16xi32>
          %gather3A_344 = tpu.vector_load_idx %arg10[%add3A_211, %add3A_343] : memref<128x256xf32, #tpu.memory_space<vmem>>[vector<16xi32>, vector<16xi32>], vector<16xf32>,
          %gather3A_345 = tpu.vector_load_idx %arg11[%add3A_211, %add3A_343] : memref<128x256xf32, #tpu.memory_space<vmem>>[vector<16xi32>, vector<16xi32>], vector<16xf32>,
          %mul3A_346 = arith.mulf %gather3A_344, %gather3A_345 : vector<16xf32>
          %add3A_347 = arith.addf %add3A_335, %mul3A_346 : vector<16xf32>
          %broadcast_in_dim3A_348 = arith.constant 0 : i32
          %broadcast_in_dim3A_349 = vector.broadcast %broadcast_in_dim3A_348 : i32 to vector<16xi32>
          %mul3A_350 = arith.constant 16 : i32
          %mul3A_351 = arith.muli %scan3A_227, %mul3A_350 : i32
          %add3A_352 = arith.constant 10 : i32
          %add3A_353 = arith.addi %mul3A_351, %add3A_352 : i32
          %add3A_354 = vector.broadcast %add3A_353 : i32 to vector<16xi32>
          %add3A_355 = arith.addi %broadcast_in_dim3A_349, %add3A_354 : vector<16xi32>
          %gather3A_356 = tpu.vector_load_idx %arg10[%add3A_211, %add3A_355] : memref<128x256xf32, #tpu.memory_space<vmem>>[vector<16xi32>, vector<16xi32>], vector<16xf32>,
          %gather3A_357 = tpu.vector_load_idx %arg11[%add3A_211, %add3A_355] : memref<128x256xf32, #tpu.memory_space<vmem>>[vector<16xi32>, vector<16xi32>], vector<16xf32>,
          %mul3A_358 = arith.mulf %gather3A_356, %gather3A_357 : vector<16xf32>
          %add3A_359 = arith.addf %add3A_347, %mul3A_358 : vector<16xf32>
          %broadcast_in_dim3A_360 = arith.constant 0 : i32
          %broadcast_in_dim3A_361 = vector.broadcast %broadcast_in_dim3A_360 : i32 to vector<16xi32>
          %mul3A_362 = arith.constant 16 : i32
          %mul3A_363 = arith.muli %scan3A_227, %mul3A_362 : i32
          %add3A_364 = arith.constant 11 : i32
          %add3A_365 = arith.addi %mul3A_363, %add3A_364 : i32
          %add3A_366 = vector.broadcast %add3A_365 : i32 to vector<16xi32>
          %add3A_367 = arith.addi %broadcast_in_dim3A_361, %add3A_366 : vector<16xi32>
          %gather3A_368 = tpu.vector_load_idx %arg10[%add3A_211, %add3A_367] : memref<128x256xf32, #tpu.memory_space<vmem>>[vector<16xi32>, vector<16xi32>], vector<16xf32>,
          %gather3A_369 = tpu.vector_load_idx %arg11[%add3A_211, %add3A_367] : memref<128x256xf32, #tpu.memory_space<vmem>>[vector<16xi32>, vector<16xi32>], vector<16xf32>,
          %mul3A_370 = arith.mulf %gather3A_368, %gather3A_369 : vector<16xf32>
          %add3A_371 = arith.addf %add3A_359, %mul3A_370 : vector<16xf32>
          %broadcast_in_dim3A_372 = arith.constant 0 : i32
          %broadcast_in_dim3A_373 = vector.broadcast %broadcast_in_dim3A_372 : i32 to vector<16xi32>
          %mul3A_374 = arith.constant 16 : i32
          %mul3A_375 = arith.muli %scan3A_227, %mul3A_374 : i32
          %add3A_376 = arith.constant 12 : i32
          %add3A_377 = arith.addi %mul3A_375, %add3A_376 : i32
          %add3A_378 = vector.broadcast %add3A_377 : i32 to vector<16xi32>
          %add3A_379 = arith.addi %broadcast_in_dim3A_373, %add3A_378 : vector<16xi32>
          %gather3A_380 = tpu.vector_load_idx %arg10[%add3A_211, %add3A_379] : memref<128x256xf32, #tpu.memory_space<vmem>>[vector<16xi32>, vector<16xi32>], vector<16xf32>,
          %gather3A_381 = tpu.vector_load_idx %arg11[%add3A_211, %add3A_379] : memref<128x256xf32, #tpu.memory_space<vmem>>[vector<16xi32>, vector<16xi32>], vector<16xf32>,
          %mul3A_382 = arith.mulf %gather3A_380, %gather3A_381 : vector<16xf32>
          %add3A_383 = arith.addf %add3A_371, %mul3A_382 : vector<16xf32>
          %broadcast_in_dim3A_384 = arith.constant 0 : i32
          %broadcast_in_dim3A_385 = vector.broadcast %broadcast_in_dim3A_384 : i32 to vector<16xi32>
          %mul3A_386 = arith.constant 16 : i32
          %mul3A_387 = arith.muli %scan3A_227, %mul3A_386 : i32
          %add3A_388 = arith.constant 13 : i32
          %add3A_389 = arith.addi %mul3A_387, %add3A_388 : i32
          %add3A_390 = vector.broadcast %add3A_389 : i32 to vector<16xi32>
          %add3A_391 = arith.addi %broadcast_in_dim3A_385, %add3A_390 : vector<16xi32>
          %gather3A_392 = tpu.vector_load_idx %arg10[%add3A_211, %add3A_391] : memref<128x256xf32, #tpu.memory_space<vmem>>[vector<16xi32>, vector<16xi32>], vector<16xf32>,
          %gather3A_393 = tpu.vector_load_idx %arg11[%add3A_211, %add3A_391] : memref<128x256xf32, #tpu.memory_space<vmem>>[vector<16xi32>, vector<16xi32>], vector<16xf32>,
          %mul3A_394 = arith.mulf %gather3A_392, %gather3A_393 : vector<16xf32>
          %add3A_395 = arith.addf %add3A_383, %mul3A_394 : vector<16xf32>
          %broadcast_in_dim3A_396 = arith.constant 0 : i32
          %broadcast_in_dim3A_397 = vector.broadcast %broadcast_in_dim3A_396 : i32 to vector<16xi32>
          %mul3A_398 = arith.constant 16 : i32
          %mul3A_399 = arith.muli %scan3A_227, %mul3A_398 : i32
          %add3A_400 = arith.constant 14 : i32
          %add3A_401 = arith.addi %mul3A_399, %add3A_400 : i32
          %add3A_402 = vector.broadcast %add3A_401 : i32 to vector<16xi32>
          %add3A_403 = arith.addi %broadcast_in_dim3A_397, %add3A_402 : vector<16xi32>
          %gather3A_404 = tpu.vector_load_idx %arg10[%add3A_211, %add3A_403] : memref<128x256xf32, #tpu.memory_space<vmem>>[vector<16xi32>, vector<16xi32>], vector<16xf32>,
          %gather3A_405 = tpu.vector_load_idx %arg11[%add3A_211, %add3A_403] : memref<128x256xf32, #tpu.memory_space<vmem>>[vector<16xi32>, vector<16xi32>], vector<16xf32>,
          %mul3A_406 = arith.mulf %gather3A_404, %gather3A_405 : vector<16xf32>
          %add3A_407 = arith.addf %add3A_395, %mul3A_406 : vector<16xf32>
          %broadcast_in_dim3A_408 = arith.constant 0 : i32
          %broadcast_in_dim3A_409 = vector.broadcast %broadcast_in_dim3A_408 : i32 to vector<16xi32>
          %mul3A_410 = arith.constant 16 : i32
          %mul3A_411 = arith.muli %scan3A_227, %mul3A_410 : i32
          %add3A_412 = arith.constant 15 : i32
          %add3A_413 = arith.addi %mul3A_411, %add3A_412 : i32
          %add3A_414 = vector.broadcast %add3A_413 : i32 to vector<16xi32>
          %add3A_415 = arith.addi %broadcast_in_dim3A_409, %add3A_414 : vector<16xi32>
          %gather3A_416 = tpu.vector_load_idx %arg10[%add3A_211, %add3A_415] : memref<128x256xf32, #tpu.memory_space<vmem>>[vector<16xi32>, vector<16xi32>], vector<16xf32>,
          %gather3A_417 = tpu.vector_load_idx %arg11[%add3A_211, %add3A_415] : memref<128x256xf32, #tpu.memory_space<vmem>>[vector<16xi32>, vector<16xi32>], vector<16xf32>,
          %mul3A_418 = arith.mulf %gather3A_416, %gather3A_417 : vector<16xf32>
          %add3A_419 = arith.addf %add3A_407, %mul3A_418 : vector<16xf32>
          scf.yield %add3A_419 : vector<16xf32>
        }
        %scan3A_219 = arith.constant 16 : i32
        %swap3A_220 = arith.constant 112 : index
        %swap3A_221 = tpu.vector_load %arg12[%swap3A_220] {strides = array<i32>} : memref<128xf32, #tpu.memory_space<vmem>>, vector<16xf32>,
        tpu.vector_store %arg12[%swap3A_220], %scan3A_218 {strides = array<i32>} : memref<128xf32, #tpu.memory_space<vmem>>, vector<16xf32>,
        %get3A_222 = arith.constant 0 : index
        %get3A_223 = tpu.vector_load %arg13[%get3A_222] {strides = array<i32>} : memref<16xf32, #tpu.memory_space<vmem>>, vector<16xf32>,
        %max3A_224 = arith.maximumf %get3A_223, %scan3A_218 : vector<16xf32>
        %swap3A_225 = arith.constant 0 : index
        %swap3A_226 = tpu.vector_load %arg13[%swap3A_225] {strides = array<i32>} : memref<16xf32, #tpu.memory_space<vmem>>, vector<16xf32>,
        tpu.vector_store %arg13[%swap3A_225], %max3A_224 {strides = array<i32>} : memref<16xf32, #tpu.memory_space<vmem>>, vector<16xf32>,
        "tpu.region"() ({
          %run_scoped3A = tpu.sem_alloc : memref<!tpu.dma_semaphore, #tpu.memory_space<semaphore_mem>>
          %dma_start3A_227 = tpu.memref_slice %arg6[%mul3A_15] : memref<160000xf32, #tpu.memory_space<hbm>> -> memref<128xf32, #tpu.memory_space<hbm>>
          %dma_start3A_228 = tpu.memref_slice %arg6[%mul3A_15] : memref<160000xf32, #tpu.memory_space<hbm>> -> memref<128xf32, #tpu.memory_space<hbm>>
          tpu.enqueue_dma source(%arg12 : memref<128xf32, #tpu.memory_space<vmem>>) target(%dma_start3A_228 : memref<128xf32, #tpu.memory_space<hbm>>) target_semaphore(%run_scoped3A : memref<!tpu.dma_semaphore, #tpu.memory_space<semaphore_mem>>)
          %dma_wait3A_229 = tpu.memref_slice %arg6[%mul3A_15] : memref<160000xf32, #tpu.memory_space<hbm>> -> memref<128xf32, #tpu.memory_space<hbm>>
          %dma_wait3A_230 = tpu.memref_slice %arg6[%mul3A_15] : memref<160000xf32, #tpu.memory_space<hbm>> -> memref<128xf32, #tpu.memory_space<hbm>>
          tpu.wait_dma2 semaphore(%run_scoped3A : memref<!tpu.dma_semaphore, #tpu.memory_space<semaphore_mem>>) src(%arg12 : memref<128xf32, #tpu.memory_space<vmem>>) dst(%dma_wait3A_230 : memref<128xf32, #tpu.memory_space<hbm>>)
          tpu.yield
        }) : () -> ()
      } else {
      }
    }
    %scan3A_7 = arith.constant 40 : i32
    "tpu.region"() ({
      %run_scoped3A = tpu.sem_alloc : memref<!tpu.dma_semaphore, #tpu.memory_space<semaphore_mem>>
      %dma_start3A = arith.constant 0 : i32
      %dma_start3A_8 = tpu.memref_slice %arg7[%add3A, %dma_start3A] : memref<32x16xf32, #tpu.memory_space<hbm>> -> memref<1x16xf32, #tpu.memory_space<hbm>>
      %dma_start3A_9 = tpu.memref_squeeze %dma_start3A_8 : memref<1x16xf32, #tpu.memory_space<hbm>> -> memref<16xf32, #tpu.memory_space<hbm>>
      %dma_start3A_10 = arith.constant 0 : i32
      %dma_start3A_11 = tpu.memref_slice %arg7[%add3A, %dma_start3A_10] : memref<32x16xf32, #tpu.memory_space<hbm>> -> memref<1x16xf32, #tpu.memory_space<hbm>>
      %dma_start3A_12 = tpu.memref_squeeze %dma_start3A_11 : memref<1x16xf32, #tpu.memory_space<hbm>> -> memref<16xf32, #tpu.memory_space<hbm>>
      tpu.enqueue_dma source(%arg13 : memref<16xf32, #tpu.memory_space<vmem>>) target(%dma_start3A_12 : memref<16xf32, #tpu.memory_space<hbm>>) target_semaphore(%run_scoped3A : memref<!tpu.dma_semaphore, #tpu.memory_space<semaphore_mem>>)
      %dma_wait3A = arith.constant 0 : i32
      %dma_wait3A_13 = tpu.memref_slice %arg7[%add3A, %dma_wait3A] : memref<32x16xf32, #tpu.memory_space<hbm>> -> memref<1x16xf32, #tpu.memory_space<hbm>>
      %dma_wait3A_14 = tpu.memref_squeeze %dma_wait3A_13 : memref<1x16xf32, #tpu.memory_space<hbm>> -> memref<16xf32, #tpu.memory_space<hbm>>
      %dma_wait3A_15 = arith.constant 0 : i32
      %dma_wait3A_16 = tpu.memref_slice %arg7[%add3A, %dma_wait3A_15] : memref<32x16xf32, #tpu.memory_space<hbm>> -> memref<1x16xf32, #tpu.memory_space<hbm>>
      %dma_wait3A_17 = tpu.memref_squeeze %dma_wait3A_16 : memref<1x16xf32, #tpu.memory_space<hbm>> -> memref<16xf32, #tpu.memory_space<hbm>>
      tpu.wait_dma2 semaphore(%run_scoped3A : memref<!tpu.dma_semaphore, #tpu.memory_space<semaphore_mem>>) src(%arg13 : memref<16xf32, #tpu.memory_space<vmem>>) dst(%dma_wait3A_17 : memref<16xf32, #tpu.memory_space<hbm>>)
      tpu.yield
    }) : () -> ()
    return
  }
}

module attributes {stable_mosaic.version = 14 : i64} {
  func.func @_tc1_body(%arg0: i32, %arg1: memref<1000x1xf32, #tpu.memory_space<vmem>>, %arg2: memref<1000x256xf32, #tpu.memory_space<vmem>>, %arg3: memref<256x256xf32, #tpu.memory_space<vmem>>, %arg4: memref<256x256xf32, #tpu.memory_space<vmem>>, %arg5: memref<256x256xf32, #tpu.memory_space<vmem>>, %arg6: memref<1000x256xf32, #tpu.memory_space<vmem>>, %arg7: memref<1000x256xf32, #tpu.memory_space<vmem>>, %arg8: memref<1000x128xf32, #tpu.memory_space<vmem>>, %arg9: memref<1000x128xf32, #tpu.memory_space<vmem>>) attributes {dimension_semantics = [#tpu.dimension_semantics<arbitrary>], iteration_bounds = array<i64: 10>, scalar_prefetch = 0 : i64, scratch_operands = 0 : i64, tpu.core_type = #tpu.core_type<tc>, window_params = [{transform_indices = @transform_0, window_bounds = array<i64: 1000, 1>}, {transform_indices = @transform_1, window_bounds = array<i64: 1000, 256>}, {pipeline_mode = #tpu.pipeline_mode<synchronous>, transform_indices = @transform_2, window_bounds = array<i64: 256, 256>}, {pipeline_mode = #tpu.pipeline_mode<synchronous>, transform_indices = @transform_3, window_bounds = array<i64: 256, 256>}, {pipeline_mode = #tpu.pipeline_mode<synchronous>, transform_indices = @transform_4, window_bounds = array<i64: 256, 256>}, {transform_indices = @transform_5, window_bounds = array<i64: 1000, 256>}, {transform_indices = @transform_6, window_bounds = array<i64: 1000, 256>}, {transform_indices = @transform_7, window_bounds = array<i64: 1000, 128>}, {transform_indices = @transform_8, window_bounds = array<i64: 1000, 128>}]} {
    %get3A = arith.constant 0 : index
    %get3A_0 = arith.constant 0 : index
    %get3A_1 = vector.load %arg1[%get3A, %get3A_0] : memref<1000x1xf32, #tpu.memory_space<vmem>>, vector<1000x1xf32>
    %get3A_2 = arith.constant 0 : index
    %get3A_3 = arith.constant 0 : index
    %get3A_4 = vector.load %arg2[%get3A_2, %get3A_3] : memref<1000x256xf32, #tpu.memory_space<vmem>>, vector<1000x256xf32>
    %pow3A = arith.constant 1.000000e+00 : f32
    %pow3A_5 = arith.constant 5.000000e-01 : f32
    %pow3A_6 = math.powf %pow3A, %pow3A_5 : f32
    %mul3A = arith.mulf %get3A_4, %get3A_4 : vector<1000x256xf32>
    %reduce_sum3A = arith.constant dense<0.000000e+00> : vector<1000xf32>
    %reduce_sum3A_7 = vector.multi_reduction <add>, %mul3A, %reduce_sum3A [1] : vector<1000x256xf32> to vector<1000xf32>
    %broadcast_in_dim3A = vector.shape_cast %reduce_sum3A_7 : vector<1000xf32> to vector<1000x1xf32>
    %max3A = arith.constant 9.99999996E-13 : f32
    %max3A_8 = vector.broadcast %max3A : f32 to vector<1000x1xf32>
    %max3A_9 = arith.maximumf %broadcast_in_dim3A, %max3A_8 : vector<1000x1xf32>
    %sqrt3A = math.sqrt %max3A_9 : vector<1000x1xf32>
    %mul3A_10 = vector.broadcast %pow3A_6 : f32 to vector<1000x1xf32>
    %mul3A_11 = arith.mulf %mul3A_10, %get3A_1 : vector<1000x1xf32>
    %max3A_12 = arith.constant 1.00000012 : f32
    %max3A_13 = vector.broadcast %max3A_12 : f32 to vector<1000x1xf32>
    %max3A_14 = arith.maximumf %mul3A_11, %max3A_13 : vector<1000x1xf32>
    %mul3A_15 = arith.mulf %max3A_14, %max3A_14 : vector<1000x1xf32>
    %sub3A = arith.constant 1.000000e+00 : f32
    %sub3A_16 = vector.broadcast %sub3A : f32 to vector<1000x1xf32>
    %sub3A_17 = arith.subf %mul3A_15, %sub3A_16 : vector<1000x1xf32>
    %sqrt3A_18 = math.sqrt %sub3A_17 : vector<1000x1xf32>
    %add3A = arith.addf %max3A_14, %sqrt3A_18 : vector<1000x1xf32>
    %log3A = math.log %add3A : vector<1000x1xf32>
    %div3A = vector.broadcast %pow3A_6 : f32 to vector<1000x1xf32>
    %div3A_19 = arith.divf %log3A, %div3A : vector<1000x1xf32>
    %div3A_20 = arith.divf %div3A_19, %sqrt3A : vector<1000x1xf32>
    %mul3A_21 = vector.broadcast %div3A_20 : vector<1000x1xf32> to vector<1000x256xf32>
    %mul3A_22 = arith.mulf %mul3A_21, %get3A_4 : vector<1000x256xf32>
    %get3A_23 = arith.constant 0 : index
    %get3A_24 = arith.constant 0 : index
    %get3A_25 = vector.load %arg3[%get3A_23, %get3A_24] : memref<256x256xf32, #tpu.memory_space<vmem>>, vector<256x256xf32>
    %dot_general3A = arith.constant dense<0.000000e+00> : vector<1000x256xf32>
    %dot_general3A_26 = tpu.matmul %mul3A_22, %get3A_25, %dot_general3A {dimension_numbers = #tpu.dot_dimension_numbers<[1], [1], [0], [0], [0, 0, 1, 0], [], []>, transpose_lhs_hint = false} : vector<1000x256xf32>, vector<256x256xf32>, vector<1000x256xf32> -> vector<1000x256xf32>
    %get3A_27 = arith.constant 0 : index
    %get3A_28 = arith.constant 0 : index
    %get3A_29 = vector.load %arg4[%get3A_27, %get3A_28] : memref<256x256xf32, #tpu.memory_space<vmem>>, vector<256x256xf32>
    %dot_general3A_30 = arith.constant dense<0.000000e+00> : vector<1000x256xf32>
    %dot_general3A_31 = tpu.matmul %mul3A_22, %get3A_29, %dot_general3A_30 {dimension_numbers = #tpu.dot_dimension_numbers<[1], [1], [0], [0], [0, 0, 1, 0], [], []>, transpose_lhs_hint = false} : vector<1000x256xf32>, vector<256x256xf32>, vector<1000x256xf32> -> vector<1000x256xf32>
    %get3A_32 = arith.constant 0 : index
    %get3A_33 = arith.constant 0 : index
    %get3A_34 = vector.load %arg5[%get3A_32, %get3A_33] : memref<256x256xf32, #tpu.memory_space<vmem>>, vector<256x256xf32>
    %dot_general3A_35 = arith.constant dense<0.000000e+00> : vector<1000x256xf32>
    %dot_general3A_36 = tpu.matmul %mul3A_22, %get3A_34, %dot_general3A_35 {dimension_numbers = #tpu.dot_dimension_numbers<[1], [1], [0], [0], [0, 0, 1, 0], [], []>, transpose_lhs_hint = false} : vector<1000x256xf32>, vector<256x256xf32>, vector<1000x256xf32> -> vector<1000x256xf32>
    %mul3A_37 = arith.constant 0.0623782873 : f32
    %mul3A_38 = vector.broadcast %mul3A_37 : f32 to vector<1000x256xf32>
    %mul3A_39 = arith.mulf %dot_general3A_26, %mul3A_38 : vector<1000x256xf32>
    %swap3A = arith.constant 0 : index
    %swap3A_40 = arith.constant 0 : index
    %swap3A_41 = vector.load %arg6[%swap3A, %swap3A_40] : memref<1000x256xf32, #tpu.memory_space<vmem>>, vector<1000x256xf32>
    tpu.vector_store %arg6[%swap3A, %swap3A_40], %mul3A_39 {strides = array<i32>} : memref<1000x256xf32, #tpu.memory_space<vmem>>, vector<1000x256xf32>,
    %swap3A_42 = arith.constant 0 : index
    %swap3A_43 = arith.constant 0 : index
    %swap3A_44 = vector.load %arg7[%swap3A_42, %swap3A_43] : memref<1000x256xf32, #tpu.memory_space<vmem>>, vector<1000x256xf32>
    tpu.vector_store %arg7[%swap3A_42, %swap3A_43], %dot_general3A_31 {strides = array<i32>} : memref<1000x256xf32, #tpu.memory_space<vmem>>, vector<1000x256xf32>,
    %slice3A = vector.extract_strided_slice %dot_general3A_36 {offsets = [0, 0], sizes = [1000, 128], strides = [1, 1]} : vector<1000x256xf32> to vector<1000x128xf32>
    %swap3A_45 = arith.constant 0 : index
    %swap3A_46 = arith.constant 0 : index
    %swap3A_47 = vector.load %arg8[%swap3A_45, %swap3A_46] : memref<1000x128xf32, #tpu.memory_space<vmem>>, vector<1000x128xf32>
    tpu.vector_store %arg8[%swap3A_45, %swap3A_46], %slice3A {strides = array<i32>} : memref<1000x128xf32, #tpu.memory_space<vmem>>, vector<1000x128xf32>,
    %slice3A_48 = vector.extract_strided_slice %dot_general3A_36 {offsets = [0, 128], sizes = [1000, 128], strides = [1, 1]} : vector<1000x256xf32> to vector<1000x128xf32>
    %swap3A_49 = arith.constant 0 : index
    %swap3A_50 = arith.constant 0 : index
    %swap3A_51 = vector.load %arg9[%swap3A_49, %swap3A_50] : memref<1000x128xf32, #tpu.memory_space<vmem>>, vector<1000x128xf32>
    tpu.vector_store %arg9[%swap3A_49, %swap3A_50], %slice3A_48 {strides = array<i32>} : memref<1000x128xf32, #tpu.memory_space<vmem>>, vector<1000x128xf32>,
    return
  }
  func.func @transform_0(%arg0: i32) -> (i32, i32) {
    %c0_i32 = arith.constant 0 : i32
    %c0_i32_0 = arith.constant 0 : i32
    return %arg0, %c0_i32 : i32, i32
  }
  func.func @transform_1(%arg0: i32) -> (i32, i32) {
    %c0_i32 = arith.constant 0 : i32
    %c0_i32_0 = arith.constant 0 : i32
    return %arg0, %c0_i32 : i32, i32
  }
  func.func @transform_2(%arg0: i32) -> (i32, i32) {
    %c0_i32 = arith.constant 0 : i32
    %c0_i32_0 = arith.constant 0 : i32
    %c0_i32_1 = arith.constant 0 : i32
    return %c0_i32, %c0_i32_0 : i32, i32
  }
  func.func @transform_3(%arg0: i32) -> (i32, i32) {
    %c0_i32 = arith.constant 0 : i32
    %c0_i32_0 = arith.constant 0 : i32
    %c0_i32_1 = arith.constant 0 : i32
    return %c0_i32, %c0_i32_0 : i32, i32
  }
  func.func @transform_4(%arg0: i32) -> (i32, i32) {
    %c0_i32 = arith.constant 0 : i32
    %c0_i32_0 = arith.constant 0 : i32
    %c0_i32_1 = arith.constant 0 : i32
    return %c0_i32, %c0_i32_0 : i32, i32
  }
  func.func @transform_5(%arg0: i32) -> (i32, i32) {
    %c0_i32 = arith.constant 0 : i32
    %c0_i32_0 = arith.constant 0 : i32
    return %arg0, %c0_i32 : i32, i32
  }
  func.func @transform_6(%arg0: i32) -> (i32, i32) {
    %c0_i32 = arith.constant 0 : i32
    %c0_i32_0 = arith.constant 0 : i32
    return %arg0, %c0_i32 : i32, i32
  }
  func.func @transform_7(%arg0: i32) -> (i32, i32) {
    %c0_i32 = arith.constant 0 : i32
    %c0_i32_0 = arith.constant 0 : i32
    return %arg0, %c0_i32 : i32, i32
  }
  func.func @transform_8(%arg0: i32) -> (i32, i32) {
    %c0_i32 = arith.constant 0 : i32
    %c0_i32_0 = arith.constant 0 : i32
    return %arg0, %c0_i32 : i32, i32
  }
}

module attributes {stable_mosaic.version = 14 : i64} {
  func.func @_tc2_body(%arg0: i32, %arg1: memref<2x1000x128xf32, #tpu.memory_space<vmem>>, %arg2: memref<1000x16xf32, #tpu.memory_space<vmem>>, %arg3: memref<256x256xf32, #tpu.memory_space<vmem>>, %arg4: memref<1x256xf32, #tpu.memory_space<vmem>>, %arg5: memref<1000x1xf32, #tpu.memory_space<vmem>>, %arg6: memref<1000x256xf32, #tpu.memory_space<vmem>>) attributes {dimension_semantics = [#tpu.dimension_semantics<arbitrary>], iteration_bounds = array<i64: 10>, scalar_prefetch = 0 : i64, scratch_operands = 0 : i64, tpu.core_type = #tpu.core_type<tc>, window_params = [{transform_indices = @transform_0, window_bounds = array<i64: 2, 1000, 128>}, {transform_indices = @transform_1, window_bounds = array<i64: 1000, 16>}, {pipeline_mode = #tpu.pipeline_mode<synchronous>, transform_indices = @transform_2, window_bounds = array<i64: 256, 256>}, {pipeline_mode = #tpu.pipeline_mode<synchronous>, transform_indices = @transform_3, window_bounds = array<i64: 1, 256>}, {transform_indices = @transform_4, window_bounds = array<i64: 1000, 1>}, {transform_indices = @transform_5, window_bounds = array<i64: 1000, 256>}]} {
    %get3A = arith.constant 0 : index
    %get3A_0 = arith.constant 0 : index
    %get3A_1 = arith.constant 0 : index
    %get3A_2 = vector.load %arg1[%get3A, %get3A_0, %get3A_1] : memref<2x1000x128xf32, #tpu.memory_space<vmem>>, vector<2x1000x128xf32>
    %slice3A = vector.extract_strided_slice %get3A_2 {offsets = [0, 0, 0], sizes = [1, 1000, 128], strides = [1, 1, 1]} : vector<2x1000x128xf32> to vector<1x1000x128xf32>
    %squeeze3A = vector.shape_cast %slice3A : vector<1x1000x128xf32> to vector<1000x128xf32>
    %slice3A_3 = vector.extract_strided_slice %get3A_2 {offsets = [1, 0, 0], sizes = [1, 1000, 128], strides = [1, 1, 1]} : vector<2x1000x128xf32> to vector<1x1000x128xf32>
    %squeeze3A_4 = vector.shape_cast %slice3A_3 : vector<1x1000x128xf32> to vector<1000x128xf32>
    %concatenate3A = tpu.concatenate %squeeze3A, %squeeze3A_4 in 1 : vector<1000x128xf32>, vector<1000x128xf32> -> vector<1000x256xf32>
    %get3A_5 = arith.constant 0 : index
    %get3A_6 = arith.constant 0 : index
    %get3A_7 = vector.load %arg2[%get3A_5, %get3A_6] : memref<1000x16xf32, #tpu.memory_space<vmem>>, vector<1000x16xf32>
    %slice3A_8 = vector.extract_strided_slice %get3A_7 {offsets = [0, 0], sizes = [1000, 1], strides = [1, 1]} : vector<1000x16xf32> to vector<1000x1xf32>
    %add3A = arith.constant 1.000000e-16 : f32
    %add3A_9 = vector.broadcast %add3A : f32 to vector<1000x1xf32>
    %add3A_10 = arith.addf %slice3A_8, %add3A_9 : vector<1000x1xf32>
    %div3A = vector.broadcast %add3A_10 : vector<1000x1xf32> to vector<1000x256xf32>
    %div3A_11 = arith.divf %concatenate3A, %div3A : vector<1000x256xf32>
    %get3A_12 = arith.constant 0 : index
    %get3A_13 = arith.constant 0 : index
    %get3A_14 = vector.load %arg3[%get3A_12, %get3A_13] : memref<256x256xf32, #tpu.memory_space<vmem>>, vector<256x256xf32>
    %dot_general3A = arith.constant dense<0.000000e+00> : vector<1000x256xf32>
    %dot_general3A_15 = tpu.matmul %div3A_11, %get3A_14, %dot_general3A {dimension_numbers = #tpu.dot_dimension_numbers<[1], [1], [0], [0], [0, 0, 1, 0], [], []>, transpose_lhs_hint = false} : vector<1000x256xf32>, vector<256x256xf32>, vector<1000x256xf32> -> vector<1000x256xf32>
    %get3A_16 = arith.constant 0 : index
    %get3A_17 = arith.constant 0 : index
    %get3A_18 = vector.load %arg4[%get3A_16, %get3A_17] : memref<1x256xf32, #tpu.memory_space<vmem>>, vector<1x256xf32>
    %add3A_19 = vector.broadcast %get3A_18 : vector<1x256xf32> to vector<1000x256xf32>
    %add3A_20 = arith.addf %dot_general3A_15, %add3A_19 : vector<1000x256xf32>
    %pow3A = arith.constant 1.000000e+00 : f32
    %pow3A_21 = arith.constant 5.000000e-01 : f32
    %pow3A_22 = math.powf %pow3A, %pow3A_21 : f32
    %mul3A = arith.mulf %add3A_20, %add3A_20 : vector<1000x256xf32>
    %reduce_sum3A = arith.constant dense<0.000000e+00> : vector<1000xf32>
    %reduce_sum3A_23 = vector.multi_reduction <add>, %mul3A, %reduce_sum3A [1] : vector<1000x256xf32> to vector<1000xf32>
    %broadcast_in_dim3A = vector.shape_cast %reduce_sum3A_23 : vector<1000xf32> to vector<1000x1xf32>
    %max3A = arith.constant 9.99999996E-13 : f32
    %max3A_24 = vector.broadcast %max3A : f32 to vector<1000x1xf32>
    %max3A_25 = arith.maximumf %broadcast_in_dim3A, %max3A_24 : vector<1000x1xf32>
    %sqrt3A = math.sqrt %max3A_25 : vector<1000x1xf32>
    %mul3A_26 = vector.broadcast %pow3A_22 : f32 to vector<1000x1xf32>
    %mul3A_27 = arith.mulf %mul3A_26, %sqrt3A : vector<1000x1xf32>
    %exp3A = math.exp %mul3A_27 : vector<1000x1xf32>
    %div3A_28 = arith.constant 1.000000e+00 : f32
    %div3A_29 = vector.broadcast %div3A_28 : f32 to vector<1000x1xf32>
    %div3A_30 = arith.divf %div3A_29, %exp3A : vector<1000x1xf32>
    %add3A_31 = arith.addf %exp3A, %div3A_30 : vector<1000x1xf32>
    %mul3A_32 = arith.constant 5.000000e-01 : f32
    %mul3A_33 = vector.broadcast %mul3A_32 : f32 to vector<1000x1xf32>
    %mul3A_34 = arith.mulf %mul3A_33, %add3A_31 : vector<1000x1xf32>
    %div3A_35 = vector.broadcast %pow3A_22 : f32 to vector<1000x1xf32>
    %div3A_36 = arith.divf %mul3A_34, %div3A_35 : vector<1000x1xf32>
    %swap3A = arith.constant 0 : index
    %swap3A_37 = arith.constant 0 : index
    %swap3A_38 = vector.load %arg5[%swap3A, %swap3A_37] : memref<1000x1xf32, #tpu.memory_space<vmem>>, vector<1000x1xf32>
    tpu.vector_store %arg5[%swap3A, %swap3A_37], %div3A_36 {strides = array<i32>} : memref<1000x1xf32, #tpu.memory_space<vmem>>, vector<1000x1xf32>,
    %sub3A = arith.subf %exp3A, %div3A_30 : vector<1000x1xf32>
    %mul3A_39 = arith.constant 5.000000e-01 : f32
    %mul3A_40 = vector.broadcast %mul3A_39 : f32 to vector<1000x1xf32>
    %mul3A_41 = arith.mulf %mul3A_40, %sub3A : vector<1000x1xf32>
    %mul3A_42 = vector.broadcast %mul3A_41 : vector<1000x1xf32> to vector<1000x256xf32>
    %mul3A_43 = arith.mulf %mul3A_42, %add3A_20 : vector<1000x256xf32>
    %mul3A_44 = vector.broadcast %pow3A_22 : f32 to vector<1000x1xf32>
    %mul3A_45 = arith.mulf %mul3A_44, %sqrt3A : vector<1000x1xf32>
    %div3A_46 = vector.broadcast %mul3A_45 : vector<1000x1xf32> to vector<1000x256xf32>
    %div3A_47 = arith.divf %mul3A_43, %div3A_46 : vector<1000x256xf32>
    %swap3A_48 = arith.constant 0 : index
    %swap3A_49 = arith.constant 0 : index
    %swap3A_50 = vector.load %arg6[%swap3A_48, %swap3A_49] : memref<1000x256xf32, #tpu.memory_space<vmem>>, vector<1000x256xf32>
    tpu.vector_store %arg6[%swap3A_48, %swap3A_49], %div3A_47 {strides = array<i32>} : memref<1000x256xf32, #tpu.memory_space<vmem>>, vector<1000x256xf32>,
    return
  }
  func.func @transform_0(%arg0: i32) -> (i32, i32, i32) {
    %c0_i32 = arith.constant 0 : i32
    %c0_i32_0 = arith.constant 0 : i32
    %c0_i32_1 = arith.constant 0 : i32
    return %c0_i32, %arg0, %c0_i32_0 : i32, i32, i32
  }
  func.func @transform_1(%arg0: i32) -> (i32, i32) {
    %c0_i32 = arith.constant 0 : i32
    %c0_i32_0 = arith.constant 0 : i32
    return %arg0, %c0_i32 : i32, i32
  }
  func.func @transform_2(%arg0: i32) -> (i32, i32) {
    %c0_i32 = arith.constant 0 : i32
    %c0_i32_0 = arith.constant 0 : i32
    %c0_i32_1 = arith.constant 0 : i32
    return %c0_i32, %c0_i32_0 : i32, i32
  }
  func.func @transform_3(%arg0: i32) -> (i32, i32) {
    %c0_i32 = arith.constant 0 : i32
    %c0_i32_0 = arith.constant 0 : i32
    %c0_i32_1 = arith.constant 0 : i32
    return %c0_i32, %c0_i32_0 : i32, i32
  }
  func.func @transform_4(%arg0: i32) -> (i32, i32) {
    %c0_i32 = arith.constant 0 : i32
    %c0_i32_0 = arith.constant 0 : i32
    return %arg0, %c0_i32 : i32, i32
  }
  func.func @transform_5(%arg0: i32) -> (i32, i32) {
    %c0_i32 = arith.constant 0 : i32
    %c0_i32_0 = arith.constant 0 : i32
    return %arg0, %c0_i32 : i32, i32
  }
}

</mosaic_0001>

<sc_bundles>
// kernel: kernel.6.cloned.1.call-start
scs
__scs_entry_jumppad:
0x0: {  	(pc) =	sbr.rel $0x88, $3  }
0x1: {  	(tag) =	ssettag $0x0;
	lr =	simm.s32 $0x1  }
0x2: {  	[smem:$0x3F9A] =	sst lr;
	_ =	strace $0xD0000000  }
0x3: {  	_ = 	snop  }
0x4: {  	_ = 	snop  }
0x5: {  	_ = 	snop  }
0x6: {  	_ = 	snop  }
0x7: {  	_ = 	snop  }
__scs_overlays_trampoline_lowered:
0x8: {  	[smem:$0x3FA9] =	sst s0  }
0x9: {  	[smem:$0x3FAA] =	sst s1  }
0xa: {  	[smem:$0x3FAB] =	sst s2  }
0xb: {  	[smem:$0x3FAC] =	sst s3  }
0xc: {  	[smem:$0x3FAD] =	sst s4  }
0xd: {  	[smem:$0x3FAE] =	sst s5  }
0xe: {  	[smem:$0x3FAF] =	sst s6  }
0xf: {  	[smem:$0x3FB0] =	sst s7  }
0x10: {  	[smem:$0x3FB1] =	sst s8  }
0x11: {  	[smem:$0x3FB2] =	sst s9;
	s0 =	simm.s32 @!p0 $0x0  }
0x12: {  	s1 =	sld [smem:$0x3F98];
	s0 =	simm.s32 @p0 $0x1  }
0x13: {  	[smem:$0x3FB3] =	sst s0;
	s0 =	simm.s32 @!p1 $0x0  }
0x14: {  	s2 =	sld [smem:$0x3F97];
	s0 =	simm.s32 @p1 $0x1  }
0x15: {  	[smem:$0x3FB4] =	sst s0;
	s0 =	simm.s32 @!p2 $0x0  }
0x16: {  	s3 =	sld [smem:$0x3FDB];
	s0 =	simm.s32 @p2 $0x1  }
0x17: {  	s4 =	simm.s32 $0x1BF5;
	[smem:$0x3FB6] =	sst s0  }
0x18: {  	s0 =	sld [smem:$0x3F99];
	_ =	swait.ge [sflag:s4], $0x0  }
0x19: {  	s7 =	sld [smem:$0x3F9A]  }
0x1a: {  	s8 =	sadd.s32 $0xFFFFE003, lr  }
0x1b: {  	s9 =	sadd.s32 $0xFFFFFEF7, lr;
	s5 =	simm.s32 $0xFFFFFFFF;
	p2 =	slt.u32 s8, $0xFFFFF086  }
0x1c: {  	p1 =	slt.u32 s9, $0xF7A;
	s5 =	simm.s32 @!p2 $0x0  }
0x1d: {  	s5 =	simm.s32 @p1 $0x1;
	p0 =	seq.s32 s7, s2  }
0x1e: {  	s7 =	smul.u32 @!p0 $0xF7A, s2;
	p2 =	seq.s32 @!p0 s5, $0x0  }
0x1f: {  	s9 =	smul.u32 $0xF7A, s1;
	s8 =	simm.s32 @!p0 $0x1BF5;
	p2 =	por !p2, p0  }
0x20: {  	[sflag:s8] =	ssyncset.s32 @!p0 $0xFFFFF086;
	s6 =	sadd.s32 @!p0 s3, s7;
	s7 =	simm.s32 @!p0 $0x108  }
0x21: {  	s3 =	sadd.s32 s3, s9;
	s6 =	sadd.s32 @!p0 $0x88, s6;
	s7 =	simm.s32 @p2 $0x1082  }
0x22: {  	[simem:s7], [sflag:s8] =	dma.local @!p0 [hbm:s6], $0xF7A  }
0x23: {  	s9 =	sor.u32 $0xD0000000, s2;
	s6 =	simm.s32 $0x108;
	_ =	swait.ge @!p0 [sflag:s8], $0x0  }
0x24: {  	s3 =	sadd.s32 $0x88, s3;
	s6 =	simm.s32 @!p1 $0x1082;
	[sflag:s4] =	ssyncset.s32 $0xFFFFF086  }
0x25: {  	[simem:s6], [sflag:s4] =	dma.local [hbm:s3], $0xF7A  }
0x26: {  	[smem:$0x3F9A] =	sst s1;
	(tag) =	ssettag s2;
	_ =	strace s9  }
0x27: {  	s1 =	sld [smem:$0x3FAA]  }
0x28: {  	s2 =	sld [smem:$0x3FAB]  }
0x29: {  	s4 =	sld [smem:$0x3FAD]  }
0x2a: {  	p0 =	seq.s32 s5, $0x0;
	s5 =	sld [smem:$0x3FAE]  }
0x2b: {  	s6 =	sld [smem:$0x3FAF]  }
0x2c: {  	s7 =	sld [smem:$0x3FB0]  }
0x2d: {  	s3 =	simm.s32 $0x108;
	s8 =	sld [smem:$0x3FB1]  }
0x2e: {  	s3 =	simm.s32 @!p0 $0x1082;
	s9 =	sld [smem:$0x3FB2]  }
0x2f: {  	lr =	sadd.s32 s0, s3;
	s0 =	sld [smem:$0x3FA9]  }
0x30: {  	s3 =	sld [smem:$0x3FAC]  }
0x31: {  	[smem:$0x3FB5] =	sst s10  }
0x32: {  	s10 =	sld [smem:$0x3FB3];
	_ =	sdelay $0x3  }
0x33: {  	p0 =	seq.s32 s10, $0x1;
	s10 =	sld [smem:$0x3FB5];
	_ =	sdelay $0x3  }
0x34: {  	[smem:$0x3FB5] =	sst s10  }
0x35: {  	s10 =	sld [smem:$0x3FB4];
	_ =	sdelay $0x3  }
0x36: {  	p1 =	seq.s32 s10, $0x1;
	s10 =	sld [smem:$0x3FB5];
	_ =	sdelay $0x3  }
0x37: {  	[smem:$0x3FB5] =	sst s10  }
0x38: {  	s10 =	sld [smem:$0x3FB6]  }
0x39: {  	_ = 	snop;
	(pc) =	sbr.ind lr, $3  }
0x3a: {  	_ = 	snop  }
0x3b: {  	_ = 	snop  }
0x3c: {  	p2 =	seq.s32 s10, $0x1;
	s10 =	sld [smem:$0x3FB5]  }
0x3d: {  	_ =	shalt  }
0x3e: {  	_ =	shalt  }
0x3f: {  	_ =	shalt  }
0x40: {  	_ =	shalt  }
0x41: {  	_ =	shalt  }
0x42: {  	_ =	shalt  }
0x43: {  	_ =	shalt  }
0x44: {  	_ =	shalt  }
0x45: {  	_ =	shalt  }
0x46: {  	_ =	shalt  }
0x47: {  	_ =	shalt  }
0x48: {  	_ =	shalt  }
0x49: {  	_ =	shalt  }
0x4a: {  	_ =	shalt  }
0x4b: {  	_ =	shalt  }
0x4c: {  	_ =	shalt  }
0x4d: {  	_ =	shalt  }
0x4e: {  	_ =	shalt  }
0x4f: {  	_ =	shalt  }
0x50: {  	_ =	shalt  }
0x51: {  	_ =	shalt  }
0x52: {  	_ =	shalt  }
0x53: {  	_ =	shalt  }
0x54: {  	_ =	shalt  }
0x55: {  	_ =	shalt  }
0x56: {  	_ =	shalt  }
0x57: {  	_ =	shalt  }
0x58: {  	_ =	shalt  }
0x59: {  	_ =	shalt  }
0x5a: {  	_ =	shalt  }
0x5b: {  	_ =	shalt  }
0x5c: {  	_ =	shalt  }
0x5d: {  	_ =	shalt  }
0x5e: {  	_ =	shalt  }
0x5f: {  	_ =	shalt  }
0x60: {  	_ =	shalt  }
0x61: {  	_ =	shalt  }
0x62: {  	_ =	shalt  }
0x63: {  	_ =	shalt  }
0x64: {  	_ =	shalt  }
0x65: {  	_ =	shalt  }
0x66: {  	_ =	shalt  }
0x67: {  	_ =	shalt  }
0x68: {  	_ =	shalt  }
0x69: {  	_ =	shalt  }
0x6a: {  	_ =	shalt  }
0x6b: {  	_ =	shalt  }
0x6c: {  	_ =	shalt  }
0x6d: {  	_ =	shalt  }
0x6e: {  	_ =	shalt  }
0x6f: {  	_ =	shalt  }
0x70: {  	_ =	shalt  }
0x71: {  	_ =	shalt  }
0x72: {  	_ =	shalt  }
0x73: {  	_ =	shalt  }
0x74: {  	_ =	shalt  }
0x75: {  	_ =	shalt  }
0x76: {  	_ =	shalt  }
0x77: {  	_ =	shalt  }
0x78: {  	_ =	shalt  }
0x79: {  	_ =	shalt  }
0x7a: {  	_ =	shalt  }
0x7b: {  	_ =	shalt  }
0x7c: {  	_ =	shalt  }
0x7d: {  	_ =	shalt  }
0x7e: {  	_ =	shalt  }
0x7f: {  	_ =	shalt  }
0x80: {  	_ =	shalt  }
0x81: {  	_ =	shalt  }
0x82: {  	_ =	shalt  }
0x83: {  	_ =	shalt  }
0x84: {  	_ =	shalt  }
0x85: {  	_ =	shalt  }
0x86: {  	_ =	shalt  }
0x87: {  	_ =	shalt  }
.Lfunc_end0:
.L_simem_size_0:
called_computation_lowered:
.L_overlay_start_0:
0x88: {  	s2 =	sld [smem:$0x3FD9]  }
0x89: {  	s3 =	sld [smem:$0x3FFE];
	_ =	sdelay $0x1  }
0x8a: {  	s1 =	srdreg.scid  }
0x8b: {  	s0 =	sand.u32 $0x1, s1  }
0x8c: {  	s17 =	sshll.u32 s0, $0xA;
	s2 =	sadd.s32 s3, s2  }
0x8d: {  	s2 =	sadd.s32 s2, s17  }
0x8e: {  	[smem:$0x3FC1] =	sst s2  }
0x8f: {  	_ = 	snop  }
0x90: {  	s2 =	sld [smem:$0x3FD0];
	(tm) =	ssettm $0x1  }
0x91: {  	s18 =	sld [smem:$0x3FFB];
	_ =	sdelay $0x3  }
0x92: {  	_ =	strace s18  }
0x93: {  	s3 =	sld [smem:$0x3FFC];
	_ =	sdelay $0x3  }
0x94: {  	_ =	strace s3  }
0x95: {  	s3 =	sld [smem:$0x3FFD];
	_ =	sdelay $0x3  }
0x96: {  	_ =	strace s3  }
0x97: {  	_ =	strace $0x8FFFFFFF  }
0x98: {  	s19 =	sld [smem:$0x3FDB];
	_ =	sdelay $0x1  }
0x99: {  	s4 =	simm.s32 $_scs_section_size  }
0x9a: {  	s5 =	simm.s32 $_size__tile_overlayer_lowered;
	s6 =	simm.s32 $_tile_overlayer_lowered  }
0x9b: {  	s22 =	simm.s32 $0x1BFF;
	s21 =	sshll.u32 s6, $0x1;
	s3 =	sadd.s32 s4, s19  }
0x9c: {  	s7 =	simm.s32 $0x0;
	s20 =	sshll.u32 s5, $0x1;
	s5 =	sadd.s32 s21, s3  }
0x9d: {  	[timem:s7], [sflag:s22] =	dma.local [hbm:s5], s20  }
0x9e: {  	_ =	swait.ge [sflag:s22], s20  }
0x9f: {  	s4 =	ssub.s32 $0x0, s20;
	[sflag:s22] =	ssyncset.done $0x0  }
0xa0: {  	[sflag:s22] =	ssyncadd.s32 s4;
	_ =	sdelay $0x1  }
0xa1: {  	s23 =	simm.s32 $0x1B8B  }
0xa2: {  	_ =	swait.ge [sflag:s23], $0x1  }
0xa3: {  	[sflag:s23] =	ssyncset.done $0x0  }
0xa4: {  	s25 =	simm.s32 $0x1B8E;
	s24 =	sld [smem:$0x3FFE];
	[sflag:s23] =	ssyncadd.s32 $0xFFFFFFFF  }
0xa5: {  	s26 =	simm.s32 $execute0_lowered;
	[smem:$0x3FD2] =	sst s25  }
0xa6: {  	s5 =	sshll.u32 s26, $0x1;
	_ =	strace $0x80000046;
	[dreg:$0x1] =	wrdreg $0xFFFFFFFF  }
0xa7: {  	s28 =	simm.s32 $_size_execute0_lowered;
	s3 =	sadd.s32 s3, s5;
	[dreg:$0x0] =	wrdreg $0x0  }
0xa8: {  	s5 =	sshll.u32 s28, $0x1;
	[dreg:$0x2] =	wrdreg s3  }
0xa9: {  	[dreg:$0x3] =	wrdreg s5  }
0xaa: {  	[dreg:$0x4] =	wrdreg $0xC0  }
0xab: {  	_ =	task [dreg:s7], $0x5FFFF  }
0xac: {  	[dreg:$0x1] =	wrdreg $0xFFFFFFFF  }
0xad: {  	[dreg:$0x0] =	wrdreg $0x60  }
0xae: {  	[dreg:$0x2] =	wrdreg s2  }
0xaf: {  	[dreg:$0x3] =	wrdreg s24  }
0xb0: {  	[dreg:$0x4] =	wrdreg $0x9  }
0xb1: {  	_ =	task.clear_ibuf [dreg:s7], $0x5FFFF;
	_ =	strace $0x90000046  }
0xb2: {  	s29 =	simm.s32 $0x9;
	_ =	strace $0x80000048  }
0xb3: {  	_ =	swait.ge [sflag:s29], $0x1  }
0xb4: {  	[sflag:s29] =	ssyncadd.s32 $0xFFFFFFFF  }
0xb5: {  	_ =	strace $0x90000048  }
0xb6: {  	_ =	sfence  }
0xb7: {  	s30 =	sld [smem:$0x0];
	_ =	sdelay $0x2  }
0xb8: {  	s31 =	sshll.u32 s1, $0xD;
	s1 =	sshrl.u32 s1, $0x2  }
0xb9: {  	s3 =	sand.u32 $0x4000, s31;
	s1 =	sadd.s32 s1, s30  }
0xba: {  	s0 =	sor.u32 s3, s0;
	s1 =	sshll.u32 s1, $0x11  }
0xbb: {  	s0 =	sor.u32 s1, s0  }
0xbc: {  	s0 =	sadd.s32 $0x8F2B, s0  }
0xbd: {  	[sflag:s0] =	ssyncadd.remote.s32 $0x1  }
0xbe: {  	_ =	sfence.sel $0xFFFF  }
0xbf: {  	[dreg:$0x0] =	wrdreg $0xFFFFFFFF;
	(pc) =	sbr.abs _section_cstart, $3  }
0xc0: {  	[dreg:$0x1] =	wrdreg $0xFFFFFFFF  }
0xc1: {  	_ =	task.clear_ibuf [dreg:s7], $0x2FFFF;
	_ =	strace $0x9FFFFFFF  }
0xc2: {  	(tm) =	ssettm $0x7FFFFFFF  }
0xc3: {  	_ =	shalt  }
tec
execute0_lowered:
.L_overlay_start_1:
0x0: {  	(tag) =	ssettag $0x1  }
0x1: {  	s1 =	rddreg [dreg:$0x0]  }
0x2: {  	s8 =	rddreg [dreg:$0x1];
	s3 =	simm.s32 $0x0  }
0x3: {  	s4 =	srdreg.scid;
	s2 =	stileid.u32;
	v0 =	vlaneseq.u32;
	s12 =	simm.s32 $0x80  }
0x4: {  	v1 =	vimm.f32 $-9.999999680e+37;
	s13 =	simm.s32 $0x40;
	s14 =	simm.s32 $0x8100;
	s15 =	simm.s32 $0x100;
	v0 =	vmul.u32 $0x100, v0  }
0x5: {  	v2 =	vimm.s32 $0x0;
	vm0 =	vcmask $0x300;
	s16 =	simm.s32 $0xC100;
	s17 =	simm.s32 $0xC0;
	s18 =	simm.s32 $0x4100  }
0x6: {  	s19 =	simm.s32 $0x1;
	s20 =	simm.s32 $0x2;
	s21 =	simm.s32 $0x10100;
	v2 =	vsel vm0, $0x3, v2;
	v3 =	vor.u32 $0x1, v0;
	v4 =	vor.u32 $0x2, v0  }
0x7: {  	s22 =	simm.s32 $0x3;
	s23 =	simm.s32 $0x10180;
	s24 =	simm.s32 $0x0;
	v5 =	vor.u32 $0x3, v0;
	v6 =	vor.u32 $0x4, v0;
	v7 =	vor.u32 $0x5, v0  }
0x8: {  	[smem:$0x7FF] =	sst s3;
	s7 =	sand.u32 $0x1, s4;
	s5 =	sshll.u32 s2, $0x1;
	v8 =	vor.u32 $0x6, v0;
	v9 =	vor.u32 $0x7, v0;
	v10 =	vor.u32 $0x1000, v0  }
.Ltmp0:
0x9: {  	s4 =	sadd.s32 $0x1E00, s8;
	s6 =	sadd.s32 $0x55000, s8;
	v11 =	vor.u32 $0x1001, v0;
	v12 =	vor.u32 $0x1002, v0;
	v13 =	vor.u32 $0x1003, v0;
	(pc) =	sbr.rel .LBB2_1-.Ltmp0, $4  }
0xa: {  	_ =	strace $0x80000047;
	s5 =	sor.u32 s7, s5;
	s10 =	ssub.s32 $0x2, s7;
	v14 =	vor.u32 $0x1004, v0;
	v15 =	vor.u32 $0x1005, v0;
	v16 =	vor.u32 $0x1006, v0  }
0xb: {  	s7 =	sadd.s32 $0x50000, s8;
	s9 =	sshll.u32 s5, $0x1;
	s11 =	sshrl.u32 s10, $0x1;
	v17 =	vor.u32 $0x1007, v0;
	v18 =	vor.u32 $0x2000, v0;
	v19 =	vor.u32 $0x2001, v0  }
0xc: {  	v20 =	vor.u32 $0x2002, v0;
	v21 =	vor.u32 $0x2003, v0;
	v22 =	vor.u32 $0x2004, v0;
	s9 =	sadd.s32 s9, s8;
	s8 =	sadd.s32 $0x5A000, s8;
	s10 =	ssub.s32 s10, s11  }
0xd: {  	v23 =	vor.u32 $0x2005, v0;
	v24 =	vor.u32 $0x2006, v0;
	v25 =	vor.u32 $0x2007, v0;
	s11 =	simm.s32 $0x4;
	s9 =	sadd.s32 $0x5F000, s9;
	s10 =	smax.u32 s10, $0x1  }
.LBB2_21:
0xe: {  	s24 =	sadd.s32 $0x1, s24  }
0xf: {  	p0 =	sne.s32 s24, s10  }
.Ltmp1:
0x10: {  	_ = 	snop;
	(pc) =	sbr.rel @!p0 .LBB2_22-.Ltmp1, $4  }
0x11: {  	[hbm4b:s9+s3] =	stream.linear.scatter [tilespmem:s23], [sflag:$0x3], $0x10, $0x38;
	[tilespmem:$0x10190] =	vst v63  }
0x12: {  	_ =	swait.ge [sflag:s22], $0x10  }
0x13: {  	[sflag:s22] =	ssyncset.done $0x0  }
0x14: {  	[sflag:s22] =	ssyncadd.s32 $0xFFFFFFF0  }
.LBB2_1:
.Ltmp2:
0x15: {  	(pc) =	sbr.rel .LBB2_2-.Ltmp2, $2  }
0x16: {  	_ =	sdelay $0x2  }
0x17: {  	[tilespmem:$0x10180] =	vst v1;
	s25 =	simm.s32 $0x0  }
.LBB2_20:
0x18: {  	s25 =	sadd.s32 $0x1, s25  }
0x19: {  	p0 =	sne.s32 s25, $0x28  }
.Ltmp3:
0x1a: {  	_ = 	snop;
	(pc) =	sbr.rel @!p0 .LBB2_21-.Ltmp3, $1  }
0x1b: {  	_ =	sdelay $0x3  }
.LBB2_2:
0x1c: {  	s26 =	sshll.u32 s25, $0x5  }
0x1d: {  	s26 =	sor.u32 s5, s26  }
0x1e: {  	p0 =	sgt.u32 s26, $0x4E1  }
.Ltmp4:
0x1f: {  	_ = 	snop;
	(pc) =	sbr.rel @p0 .LBB2_20-.Ltmp4, $1  }
0x20: {  	_ =	sdelay $0x3  }
0x21: {  	s26 =	sshll.u32 s26, $0x4  }
0x22: {  	s28 =	sadd.s32 s6, s26  }
0x23: {  	[tilespmem:s3], [sflag:$0x4] =	stream.linear.gather [hbm4b:s28+s3], $0x80, $0x38;
	[tilespmem:$0x10190] =	vst v63  }
0x24: {  	_ =	swait.ge [sflag:s11], $0x80  }
0x25: {  	[sflag:s11] =	ssyncset.done $0x0  }
0x26: {  	s28 =	sadd.s32 s7, s26;
	[sflag:s11] =	ssyncadd.s32 $0xFFFFFF80  }
0x27: {  	[tilespmem:s12], [sflag:$0x4] =	stream.linear.gather [hbm4b:s28+s3], $0x80, $0x38;
	[tilespmem:$0x10190] =	vst v63  }
0x28: {  	_ =	swait.ge [sflag:s11], $0x80  }
0x29: {  	[sflag:s11] =	ssyncset.done $0x0  }
0x2a: {  	[sflag:s11] =	ssyncadd.s32 $0xFFFFFF80  }
0x2b: {  	[tilespmem:s14], [sflag:$0x1] =	stream.indirect.gather [hbm4b:s4+s13], $0x100, s3, s13, $0xb8;
	[tilespmem:$0x10190] =	vst v63  }
0x2c: {  	_ = 	snop  }
0x2d: {  	[tilespmem:s15], [sflag:$0x2] =	stream.indirect.gather [hbm4b:s1+s13], $0x100, s12, s13, $0xb8;
	[tilespmem:$0x10190] =	vst v63  }
0x2e: {  	_ = 	snop  }
0x2f: {  	[tilespmem:s16], [sflag:$0x1] =	stream.indirect.gather [hbm4b:s4+s13], $0x100, s13, s13, $0xb8;
	[tilespmem:$0x10190] =	vst v63  }
0x30: {  	_ = 	snop  }
0x31: {  	[tilespmem:s18], [sflag:$0x2] =	stream.indirect.gather [hbm4b:s1+s13], $0x100, s17, s13, $0xb8;
	[tilespmem:$0x10190] =	vst v63  }
0x32: {  	_ =	swait.ge [sflag:s19], $0x4000  }
0x33: {  	s28 =	simm.s32 $0x0;
	[sflag:s19] =	ssyncset.done $0x0  }
0x34: {  	v26 =	vmov s28;
	[sflag:s19] =	ssyncadd.s32 $0xFFFFC000  }
0x35: {  	v26 =	vshrl.u32 v26, $0x3;
	_ =	swait.ge [sflag:s20], $0x4000  }
0x36: {  	v26 =	vshll.u32 v26, v2;
	[sflag:s20] =	ssyncset.done $0x0  }
0x37: {  	v26 =	vbroadcast v26, $0x0;
	[sflag:s20] =	ssyncadd.s32 $0xFFFFC000  }
0x38: {  	_ =	swait.ge [sflag:s19], $0x4000  }
0x39: {  	v27 =	vor.u32 v0, v26;
	[sflag:s19] =	ssyncset.done $0x0  }
0x3a: {  	[sflag:s19] =	ssyncadd.s32 $0xFFFFC000  }
0x3b: {  	v28 =	vadd.s32 v3, v26;
	_ =	swait.ge [sflag:s20], $0x4000  }
0x3c: {  	[sflag:s20] =	ssyncset.done $0x0  }
0x3d: {  	s28 =	simm.s32 $0xF;
	v29 =	vadd.s32 v4, v26;
	[sflag:s20] =	ssyncadd.s32 $0xFFFFC000  }
0x3e: {  	v34 =	vmov s28;
	s28 =	simm.s32 $0x8;
	v30 =	vld.idx.msk [tilespmem:v27+s15+$0x0], $0xffff  }
0x3f: {  	v37 =	vmov s28;
	s28 =	simm.s32 $0x9;
	v36 =	vadd.s32 v6, v26;
	v27 =	vld.idx.msk [tilespmem:v27+s14+$0x0], $0xffff  }
0x40: {  	v41 =	vmov s28;
	v33 =	vld.idx.msk [tilespmem:v28+s15+$0x0], $0xffff  }
0x41: {  	v41 =	vshrl.u32 v41, $0x3;
	v31 =	vadd.s32 v5, v26;
	v28 =	vld.idx.msk [tilespmem:v28+s14+$0x0], $0xffff  }
0x42: {  	v41 =	vshll.u32 v41, v2;
	v40 =	vld.idx.msk [tilespmem:v29+s15+$0x0], $0xffff  }
0x43: {  	v32 =	vimm.f32 $0.0e+00;
	s29 =	simm.s32 $0xE;
	s30 =	simm.s32 $0xD;
	v53 =	vbroadcast v41, $0x0;
	v29 =	vld.idx.msk [tilespmem:v29+s14+$0x0], $0xffff  }
0x44: {  	v35 =	vmov s29;
	s29 =	simm.s32 $0xC;
	v39 =	vmov s30;
	v42 =	vadd.s32 v7, v26;
	v46 =	vld.idx.msk [tilespmem:v36+s15+$0x0], $0xffff  }
0x45: {  	v38 =	vmov s29;
	v39 =	vshrl.u32 v39, $0x3;
	v51 =	vld.idx.msk [tilespmem:v36+s14+$0x0], $0xffff;
	v36 =	vadd.s32 v3, v53  }
0x46: {  	s29 =	simm.s32 $0xB;
	v35 =	vshrl.u32 v35, $0x3;
	v37 =	vshrl.u32 v37, $0x3;
	v44 =	vld.idx.msk [tilespmem:v31+s15+$0x0], $0xffff;
	v27 =	vmul.f32 v27, v30  }
0x47: {  	v43 =	vmov s29;
	s28 =	simm.s32 $0xA;
	v37 =	vshll.u32 v37, v2;
	v30 =	vld.idx.msk [tilespmem:v31+s14+$0x0], $0xffff;
	v31 =	vadd.s32 v8, v26  }
0x48: {  	v45 =	vmov s28;
	v28 =	vmul.f32 v28, v33;
	v27 =	vadd.f32 v27, v32  }
0x49: {  	v37 =	vbroadcast v37, $0x0;
	v45 =	vshrl.u32 v45, $0x3;
	v52 =	vld.idx.msk [tilespmem:v42+s15+$0x0], $0xffff;
	v26 =	vadd.s32 v9, v26  }
0x4a: {  	v54 =	vshll.u32 v45, v2;
	v32 =	vld.idx.msk [tilespmem:v36+s14+$0x0], $0xffff;
	v27 =	vadd.f32 v28, v27;
	v28 =	vmul.f32 v29, v40  }
0x4b: {  	v38 =	vshrl.u32 v38, $0x3;
	v37 =	vadd.s32 v0, v37;
	v41 =	vbroadcast v54, $0x0;
	v29 =	vld.idx.msk [tilespmem:v42+s14+$0x0], $0xffff  }
0x4c: {  	v43 =	vshrl.u32 v43, $0x3;
	v55 =	vld.idx.msk [tilespmem:v31+s15+$0x0], $0xffff;
	v27 =	vadd.f32 v28, v27;
	v28 =	vmul.f32 v30, v44  }
0x4d: {  	v38 =	vshll.u32 v38, v2;
	v56 =	vshll.u32 v43, v2;
	v41 =	vadd.s32 v4, v41;
	v31 =	vld.idx.msk [tilespmem:v31+s14+$0x0], $0xffff  }
0x4e: {  	v57 =	vld.idx.msk [tilespmem:v26+s15+$0x0], $0xffff;
	v30 =	vbroadcast v56, $0x0;
	v27 =	vadd.f32 v28, v27;
	v28 =	vmul.f32 v51, v46  }
0x4f: {  	v59 =	vshll.u32 v39, v2;
	v38 =	vbroadcast v38, $0x0;
	v34 =	vshrl.u32 v34, $0x3;
	v58 =	vld.idx.msk [tilespmem:v26+s14+$0x0], $0xffff  }
0x50: {  	v26 =	vld.idx.msk [tilespmem:v37+s15+$0x0], $0xffff;
	v30 =	vadd.s32 v5, v30;
	v33 =	vmul.f32 v29, v52;
	v28 =	vadd.f32 v28, v27  }
0x51: {  	v35 =	vshll.u32 v35, v2;
	v61 =	vbroadcast v59, $0x0;
	v63 =	vshll.u32 v34, v2;
	v29 =	vld.idx.msk [tilespmem:v37+s14+$0x0], $0xffff  }
0x52: {  	s28 =	simm.s32 $0x10;
	v27 =	vld.idx.msk [tilespmem:v36+s15+$0x0], $0xffff;
	v62 =	vmul.f32 v31, v55;
	v31 =	vadd.s32 v6, v38;
	v33 =	vadd.f32 v33, v28  }
0x53: {  	v34 =	vadd.s32 v7, v61;
	v60 =	vmov s28;
	v36 =	vbroadcast v35, $0x0;
	v35 =	vld.idx.msk [tilespmem:v41+s14+$0x0], $0xffff  }
0x54: {  	v37 =	vshrl.u32 v60, $0x3;
	v40 =	vmul.f32 v58, v57;
	v28 =	vld.idx.msk [tilespmem:v41+s15+$0x0], $0xffff;
	v39 =	vadd.f32 v62, v33  }
0x55: {  	s29 =	simm.s32 $0x2F;
	s28 =	simm.s32 $0x1F;
	v38 =	vshll.u32 v37, v2;
	v37 =	vbroadcast v63, $0x0;
	v33 =	vld.idx.msk [tilespmem:v30+s15+$0x0], $0xffff  }
.LBB2_4:
0x56: {  	p0 =	sne.s32 s29, $0xFF;
	v39 =	vadd.f32 v40, v39;
	v26 =	vmul.f32 v29, v26;
	v29 =	vld.idx.msk [tilespmem:v30+s14+$0x0], $0xffff;
	v30 =	vadd.s32 v8, v36  }
0x57: {  	v36 =	vbroadcast v38, $0x0;
	v38 =	vld.idx.msk [tilespmem:v31+s15+$0x0], $0xffff  }
0x58: {  	v27 =	vmul.f32 v32, v27;
	v32 =	vadd.s32 v9, v37;
	v26 =	vadd.f32 v26, v39;
	v31 =	vld.idx.msk [tilespmem:v31+s14+$0x0], $0xffff  }
0x59: {  	v37 =	vld.idx.msk [tilespmem:v34+s15+$0x0], $0xffff  }
0x5a: {  	v39 =	vor.u32 v0, v36;
	v26 =	vadd.f32 v27, v26;
	v27 =	vmul.f32 v35, v28;
	v28 =	vld.idx.msk [tilespmem:v34+s14+$0x0], $0xffff  }
0x5b: {  	v34 =	vld.idx.msk [tilespmem:v30+s15+$0x0], $0xffff  }
0x5c: {  	v35 =	vadd.s32 v3, v36;
	v26 =	vadd.f32 v27, v26;
	v27 =	vmul.f32 v29, v33;
	v29 =	vld.idx.msk [tilespmem:v30+s14+$0x0], $0xffff  }
0x5d: {  	v30 =	vmov s28;
	v33 =	vld.idx.msk [tilespmem:v32+s15+$0x0], $0xffff  }
0x5e: {  	s30 =	sadd.s32 $0xFFFFFFFF, s28;
	v40 =	vadd.s32 v4, v36;
	v26 =	vadd.f32 v27, v26;
	v27 =	vmul.f32 v31, v38;
	v31 =	vld.idx.msk [tilespmem:v32+s14+$0x0], $0xffff  }
0x5f: {  	v41 =	vshrl.u32 v30, $0x3;
	v38 =	vmov s30;
	v32 =	vld.idx.msk [tilespmem:v39+s15+$0x0], $0xffff  }
0x60: {  	s31 =	sadd.s32 $0xFFFFFFFD, s28;
	s0 =	sadd.s32 $0xFFFFFFFE, s28;
	s30 =	sadd.s32 $0xFFFFFFF9, s28;
	v30 =	vld.idx.msk [tilespmem:v39+s14+$0x0], $0xffff;
	v39 =	vadd.s32 v5, v36;
	v26 =	vadd.f32 v27, v26;
	v27 =	vmul.f32 v28, v37  }
0x61: {  	v42 =	vmov s31;
	v43 =	vmov s0;
	v37 =	vmov s30;
	v28 =	vld.idx.msk [tilespmem:v35+s15+$0x0], $0xffff  }
0x62: {  	s0 =	sadd.s32 $0xFFFFFFFA, s28;
	v44 =	vadd.s32 v6, v36;
	s30 =	sadd.s32 $0xFFFFFFFC, s28;
	v35 =	vld.idx.msk [tilespmem:v35+s14+$0x0], $0xffff;
	v26 =	vadd.f32 v27, v26;
	v27 =	vmul.f32 v29, v34  }
0x63: {  	v45 =	vmov s30;
	v34 =	vshrl.u32 v37, $0x3;
	v37 =	vmov s0;
	v29 =	vld.idx.msk [tilespmem:v40+s15+$0x0], $0xffff  }
0x64: {  	v46 =	vadd.s32 v7, v36;
	s0 =	sadd.s32 $0xFFFFFFFB, s28;
	s28 =	smov.u32 s29;
	v40 =	vld.idx.msk [tilespmem:v40+s14+$0x0], $0xffff;
	v26 =	vadd.f32 v27, v26;
	v27 =	vmul.f32 v31, v33  }
0x65: {  	v33 =	vshll.u32 v34, v2;
	v34 =	vshrl.u32 v37, $0x3;
	v37 =	vmov s0;
	v31 =	vld.idx.msk [tilespmem:v39+s15+$0x0], $0xffff  }
0x66: {  	v30 =	vmul.f32 v30, v32;
	v32 =	vld.idx.msk [tilespmem:v39+s14+$0x0], $0xffff;
	v39 =	vadd.s32 v8, v36;
	v26 =	vadd.f32 v27, v26  }
0x67: {  	v33 =	vbroadcast v33, $0x0;
	v34 =	vshll.u32 v34, v2;
	v37 =	vshrl.u32 v37, $0x3;
	v27 =	vld.idx.msk [tilespmem:v44+s15+$0x0], $0xffff  }
0x68: {  	v28 =	vmul.f32 v35, v28;
	v35 =	vadd.s32 v9, v36;
	v26 =	vadd.f32 v30, v26;
	v30 =	vld.idx.msk [tilespmem:v44+s14+$0x0], $0xffff  }
0x69: {  	v34 =	vbroadcast v34, $0x0;
	v37 =	vshll.u32 v37, v2;
	v44 =	vshrl.u32 v45, $0x3;
	v36 =	vld.idx.msk [tilespmem:v46+s15+$0x0], $0xffff  }
0x6a: {  	v33 =	vadd.s32 v0, v33;
	v26 =	vadd.f32 v28, v26;
	v28 =	vmul.f32 v40, v29;
	v29 =	vld.idx.msk [tilespmem:v46+s14+$0x0], $0xffff  }
0x6b: {  	v42 =	vshrl.u32 v42, $0x3;
	v37 =	vbroadcast v37, $0x0;
	v44 =	vshll.u32 v44, v2;
	v40 =	vld.idx.msk [tilespmem:v39+s15+$0x0], $0xffff  }
0x6c: {  	v26 =	vadd.f32 v28, v26;
	v28 =	vmul.f32 v32, v31;
	v31 =	vld.idx.msk [tilespmem:v39+s14+$0x0], $0xffff;
	v32 =	vadd.s32 v3, v34  }
0x6d: {  	v43 =	vshrl.u32 v43, $0x3;
	v42 =	vshll.u32 v42, v2;
	v39 =	vbroadcast v44, $0x0;
	v34 =	vld.idx.msk [tilespmem:v35+s15+$0x0], $0xffff  }
0x6e: {  	v37 =	vadd.s32 v4, v37;
	v27 =	vmul.f32 v30, v27;
	v28 =	vadd.f32 v28, v26;
	v35 =	vld.idx.msk [tilespmem:v35+s14+$0x0], $0xffff  }
0x6f: {  	v43 =	vshll.u32 v43, v2;
	v42 =	vbroadcast v42, $0x0;
	v38 =	vshrl.u32 v38, $0x3;
	v26 =	vld.idx.msk [tilespmem:v33+s15+$0x0], $0xffff  }
0x70: {  	s0 =	sadd.s32 $0xFFFFFFF1, s29;
	v30 =	vadd.s32 v5, v39;
	v36 =	vmul.f32 v29, v36;
	v28 =	vadd.f32 v27, v28;
	v29 =	vld.idx.msk [tilespmem:v33+s14+$0x0], $0xffff  }
.Ltmp5:
0x71: {  	v43 =	vbroadcast v43, $0x0;
	v38 =	vshll.u32 v38, v2;
	v33 =	vmov s0;
	v27 =	vld.idx.msk [tilespmem:v32+s15+$0x0], $0xffff;
	(pc) =	sbr.rel @p0 .LBB2_4-.Ltmp5, $4  }
0x72: {  	v40 =	vmul.f32 v31, v40;
	v31 =	vadd.s32 v6, v42;
	v39 =	vadd.f32 v36, v28;
	v32 =	vld.idx.msk [tilespmem:v32+s14+$0x0], $0xffff  }
0x73: {  	v41 =	vshll.u32 v41, v2;
	v33 =	vshrl.u32 v33, $0x3;
	v36 =	vbroadcast v38, $0x0;
	v28 =	vld.idx.msk [tilespmem:v37+s15+$0x0], $0xffff  }
0x74: {  	v39 =	vadd.f32 v40, v39;
	v40 =	vmul.f32 v35, v34;
	v35 =	vld.idx.msk [tilespmem:v37+s14+$0x0], $0xffff;
	v34 =	vadd.s32 v7, v43  }
0x75: {  	s29 =	sadd.s32 $0x10, s29;
	v38 =	vshll.u32 v33, v2;
	v37 =	vbroadcast v41, $0x0;
	v33 =	vld.idx.msk [tilespmem:v30+s15+$0x0], $0xffff  }
0x76: {  	_ =	sdelay $0x2  }
0x77: {  	v39 =	vadd.f32 v40, v39;
	v26 =	vmul.f32 v29, v26  }
0x78: {  	v29 =	vld.idx.msk [tilespmem:v30+s14+$0x0], $0xffff;
	v30 =	vadd.s32 v8, v36  }
0x79: {  	v62 =	vld.idx.msk [tilespmem:v31+s15+$0x0], $0xffff;
	v27 =	vmul.f32 v32, v27;
	v26 =	vadd.f32 v26, v39  }
0x7a: {  	v63 =	vbroadcast v38, $0x0;
	v31 =	vld.idx.msk [tilespmem:v31+s14+$0x0], $0xffff;
	v37 =	vadd.s32 v9, v37  }
0x7b: {  	v45 =	vld.idx.msk [tilespmem:v34+s15+$0x0], $0xffff;
	v26 =	vadd.f32 v27, v26;
	v27 =	vmul.f32 v35, v28  }
0x7c: {  	v46 =	vld.idx.msk [tilespmem:v34+s14+$0x0], $0xffff;
	v28 =	vor.u32 v0, v63  }
0x7d: {  	v47 =	vld.idx.msk [tilespmem:v30+s15+$0x0], $0xffff;
	v26 =	vadd.f32 v27, v26;
	v27 =	vmul.f32 v29, v33  }
0x7e: {  	v30 =	vld.idx.msk [tilespmem:v30+s14+$0x0], $0xffff;
	v29 =	vadd.s32 v3, v63  }
0x7f: {  	v48 =	vld.idx.msk [tilespmem:v37+s15+$0x0], $0xffff;
	v26 =	vadd.f32 v27, v26;
	v27 =	vmul.f32 v31, v62  }
0x80: {  	v49 =	vld.idx.msk [tilespmem:v37+s14+$0x0], $0xffff;
	v31 =	vadd.s32 v4, v63  }
0x81: {  	v50 =	vld.idx.msk [tilespmem:v28+s15+$0x0], $0xffff;
	v26 =	vadd.f32 v27, v26;
	v27 =	vmul.f32 v46, v45  }
0x82: {  	v51 =	vadd.s32 v5, v63;
	v28 =	vld.idx.msk [tilespmem:v28+s14+$0x0], $0xffff  }
0x83: {  	v52 =	vmov s28;
	s29 =	sadd.s32 $0xFFFFFFF9, s28;
	s31 =	sadd.s32 $0xFFFFFFFD, s28;
	v53 =	vld.idx.msk [tilespmem:v29+s15+$0x0], $0xffff;
	v26 =	vadd.f32 v27, v26;
	v27 =	vmul.f32 v30, v47  }
0x84: {  	s30 =	sadd.s32 $0xFFFFFFFA, s28;
	v54 =	vmov s29;
	v41 =	vmov s31;
	v55 =	vadd.s32 v6, v63;
	v29 =	vld.idx.msk [tilespmem:v29+s14+$0x0], $0xffff  }
0x85: {  	s29 =	sadd.s32 $0xFFFFFFFE, s28;
	v43 =	vmov s30;
	v42 =	vld.idx.msk [tilespmem:v31+s15+$0x0], $0xffff;
	v26 =	vadd.f32 v27, v26;
	v27 =	vmul.f32 v49, v48  }
0x86: {  	v56 =	vmov s29;
	v57 =	vadd.s32 v7, v63;
	v35 =	vshrl.u32 v54, $0x3;
	v31 =	vld.idx.msk [tilespmem:v31+s14+$0x0], $0xffff  }
0x87: {  	v35 =	vshll.u32 v35, v2;
	v44 =	vld.idx.msk [tilespmem:v51+s15+$0x0], $0xffff;
	v28 =	vmul.f32 v28, v50;
	v26 =	vadd.f32 v27, v26  }
0x88: {  	v58 =	vadd.s32 v8, v63;
	v43 =	vshrl.u32 v43, $0x3;
	v35 =	vbroadcast v35, $0x0;
	v34 =	vld.idx.msk [tilespmem:v51+s14+$0x0], $0xffff  }
0x89: {  	v32 =	vadd.s32 v9, v63;
	v59 =	vld.idx.msk [tilespmem:v55+s14+$0x0], $0xffff;
	v26 =	vadd.f32 v28, v26;
	v28 =	vmul.f32 v29, v53  }
0x8a: {  	s31 =	sadd.s32 $0xFFFFFFFB, s28;
	v60 =	vshll.u32 v43, v2;
	v33 =	vshrl.u32 v56, $0x3;
	v35 =	vadd.s32 v0, v35;
	v45 =	vld.idx.msk [tilespmem:v55+s15+$0x0], $0xffff  }
0x8b: {  	s29 =	sadd.s32 $0xFFFFFFFC, s28;
	v61 =	vld.idx.msk [tilespmem:v57+s15+$0x0], $0xffff;
	v29 =	vmov s31;
	v26 =	vadd.f32 v28, v26;
	v28 =	vmul.f32 v31, v42  }
0x8c: {  	v36 =	vld.idx.msk [tilespmem:v57+s14+$0x0], $0xffff;
	v27 =	vmov s29;
	v29 =	vshrl.u32 v29, $0x3;
	v31 =	vbroadcast v60, $0x0  }
0x8d: {  	v62 =	vld.idx.msk [tilespmem:v58+s15+$0x0], $0xffff;
	v29 =	vshll.u32 v29, v2;
	v26 =	vadd.f32 v28, v26;
	v28 =	vmul.f32 v34, v44  }
0x8e: {  	v63 =	vld.idx.msk [tilespmem:v58+s14+$0x0], $0xffff;
	v27 =	vshrl.u32 v27, $0x3;
	v29 =	vbroadcast v29, $0x0;
	v31 =	vadd.s32 v3, v31  }
0x8f: {  	v27 =	vshll.u32 v27, v2;
	v44 =	vld.idx.msk [tilespmem:v32+s15+$0x0], $0xffff;
	v26 =	vadd.f32 v28, v26;
	v28 =	vmul.f32 v59, v45  }
0x90: {  	v27 =	vbroadcast v27, $0x0;
	v32 =	vld.idx.msk [tilespmem:v32+s14+$0x0], $0xffff;
	v29 =	vadd.s32 v4, v29;
	v45 =	vshrl.u32 v41, $0x3  }
0x91: {  	v46 =	vld.idx.msk [tilespmem:v35+s15+$0x0], $0xffff;
	v39 =	vshll.u32 v45, v2;
	v26 =	vadd.f32 v28, v26;
	v28 =	vmul.f32 v36, v61  }
0x92: {  	s0 =	sadd.s32 $0xFFFFFFFF, s28;
	v33 =	vshll.u32 v33, v2;
	v35 =	vld.idx.msk [tilespmem:v35+s14+$0x0], $0xffff;
	v27 =	vadd.s32 v5, v27;
	v47 =	vbroadcast v39, $0x0  }
0x93: {  	v30 =	vmov s0;
	v48 =	vld.idx.msk [tilespmem:v31+s15+$0x0], $0xffff;
	v26 =	vadd.f32 v28, v26;
	v28 =	vmul.f32 v63, v62  }
0x94: {  	v33 =	vbroadcast v33, $0x0;
	v30 =	vshrl.u32 v30, $0x3;
	v31 =	vld.idx.msk [tilespmem:v31+s14+$0x0], $0xffff;
	v49 =	vadd.s32 v6, v47  }
0x95: {  	v30 =	vshll.u32 v30, v2;
	v50 =	vld.idx.msk [tilespmem:v29+s15+$0x0], $0xffff;
	v26 =	vadd.f32 v28, v26;
	v28 =	vmul.f32 v32, v44  }
0x96: {  	v51 =	vshrl.u32 v52, $0x3;
	v33 =	vadd.s32 v7, v33;
	v30 =	vbroadcast v30, $0x0;
	v29 =	vld.idx.msk [tilespmem:v29+s14+$0x0], $0xffff  }
0x97: {  	v52 =	vld.idx.msk [tilespmem:v27+s15+$0x0], $0xffff;
	v32 =	vshll.u32 v51, v2;
	v26 =	vadd.f32 v28, v26;
	v28 =	vmul.f32 v35, v46  }
0x98: {  	v30 =	vadd.s32 v8, v30;
	v27 =	vld.idx.msk [tilespmem:v27+s14+$0x0], $0xffff;
	v32 =	vbroadcast v32, $0x0  }
0x99: {  	v53 =	vld.idx.msk [tilespmem:v49+s15+$0x0], $0xffff;
	v26 =	vadd.f32 v28, v26;
	v28 =	vmul.f32 v31, v48  }
0x9a: {  	v32 =	vadd.s32 v9, v32;
	v31 =	vld.idx.msk [tilespmem:v49+s14+$0x0], $0xffff  }
0x9b: {  	v54 =	vld.idx.msk [tilespmem:v33+s15+$0x0], $0xffff;
	v26 =	vadd.f32 v28, v26;
	v28 =	vmul.f32 v29, v50  }
0x9c: {  	v29 =	vld.idx.msk [tilespmem:v33+s14+$0x0], $0xffff  }
0x9d: {  	v55 =	vld.idx.msk [tilespmem:v30+s15+$0x0], $0xffff;
	v27 =	vmul.f32 v27, v52;
	v26 =	vadd.f32 v28, v26  }
0x9e: {  	v28 =	vld.idx.msk [tilespmem:v30+s14+$0x0], $0xffff  }
0x9f: {  	v30 =	vld.idx.msk [tilespmem:v32+s15+$0x0], $0xffff;
	v26 =	vadd.f32 v27, v26;
	v27 =	vmul.f32 v31, v53  }
0xa0: {  	s30 =	simm.s32 $0x0;
	v31 =	vld.idx.msk [tilespmem:v32+s14+$0x0], $0xffff  }
0xa1: {  	v26 =	vadd.f32 v27, v26;
	v27 =	vmul.f32 v29, v54;
	v29 =	vmov s30  }
0xa2: {  	v29 =	vshrl.u32 v29, $0x3  }
0xa3: {  	v26 =	vadd.f32 v27, v26;
	v27 =	vmul.f32 v28, v55;
	v28 =	vshll.u32 v29, v2  }
0xa4: {  	v29 =	vld [tilespmem:$0x10180];
	v28 =	vbroadcast v28, $0x0  }
0xa5: {  	v26 =	vadd.f32 v27, v26;
	v27 =	vmul.f32 v31, v30  }
0xa6: {  	v30 =	vor.u32 v10, v28  }
0xa7: {  	v26 =	vadd.f32 v27, v26  }
0xa8: {  	v31 =	vadd.s32 v13, v28  }
0xa9: {  	v27 =	vadd.s32 v11, v28;
	[tilespmem:$0x10100] =	vst v26;
	v26 =	vmax.f32 v29, v26  }
0xaa: {  	[tilespmem:$0x10180] =	vst v26  }
0xab: {  	v26 =	vadd.s32 v12, v28;
	v29 =	vld.idx.msk [tilespmem:v30+s15+$0x0], $0xffff  }
0xac: {  	s31 =	simm.s32 $0xF;
	v30 =	vld.idx.msk [tilespmem:v30+s14+$0x0], $0xffff  }
0xad: {  	v56 =	vimm.f32 $0.0e+00;
	s29 =	simm.s32 $0xD;
	v34 =	vmov s31;
	s31 =	simm.s32 $0x9;
	v50 =	vld.idx.msk [tilespmem:v31+s15+$0x0], $0xffff  }
0xae: {  	v61 =	vmov s29;
	v63 =	vmov s31;
	v58 =	vadd.s32 v14, v28;
	v57 =	vld.idx.msk [tilespmem:v27+s15+$0x0], $0xffff  }
0xaf: {  	v34 =	vshrl.u32 v34, $0x3;
	v39 =	vshrl.u32 v61, $0x3;
	v41 =	vshrl.u32 v63, $0x3;
	s30 =	simm.s32 $0x8;
	v27 =	vld.idx.msk [tilespmem:v27+s14+$0x0], $0xffff  }
0xb0: {  	s28 =	simm.s32 $0xE;
	v41 =	vshll.u32 v41, v2;
	v59 =	vmov s30;
	s30 =	simm.s32 $0xA;
	v48 =	vadd.s32 v15, v28;
	v62 =	vld.idx.msk [tilespmem:v26+s15+$0x0], $0xffff  }
0xb1: {  	v35 =	vmov s28;
	v37 =	vshrl.u32 v59, $0x3;
	v51 =	vmov s30;
	v26 =	vld.idx.msk [tilespmem:v26+s14+$0x0], $0xffff  }
0xb2: {  	s28 =	simm.s32 $0xC;
	v37 =	vshll.u32 v37, v2;
	v29 =	vmul.f32 v30, v29;
	v30 =	vld.idx.msk [tilespmem:v31+s14+$0x0], $0xffff;
	v31 =	vadd.s32 v16, v28  }
0xb3: {  	v60 =	vmov s28;
	v45 =	vshrl.u32 v51, $0x3;
	v37 =	vbroadcast v37, $0x0;
	v46 =	vld.idx.msk [tilespmem:v58+s15+$0x0], $0xffff  }
0xb4: {  	s28 =	simm.s32 $0xB;
	v52 =	vld.idx.msk [tilespmem:v58+s14+$0x0], $0xffff;
	v28 =	vadd.s32 v17, v28;
	v27 =	vmul.f32 v27, v57;
	v29 =	vadd.f32 v29, v56  }
0xb5: {  	v49 =	vmov s28;
	v54 =	vbroadcast v41, $0x0;
	v55 =	vshll.u32 v45, v2;
	v53 =	vld.idx.msk [tilespmem:v48+s15+$0x0], $0xffff  }
0xb6: {  	v37 =	vadd.s32 v10, v37;
	v27 =	vadd.f32 v27, v29;
	v26 =	vmul.f32 v26, v62;
	v29 =	vld.idx.msk [tilespmem:v48+s14+$0x0], $0xffff  }
0xb7: {  	v38 =	vshrl.u32 v60, $0x3;
	v43 =	vshrl.u32 v49, $0x3;
	v41 =	vbroadcast v55, $0x0;
	v56 =	vld.idx.msk [tilespmem:v31+s15+$0x0], $0xffff  }
0xb8: {  	v36 =	vadd.s32 v11, v54;
	v31 =	vld.idx.msk [tilespmem:v31+s14+$0x0], $0xffff;
	v26 =	vadd.f32 v26, v27;
	v27 =	vmul.f32 v30, v50  }
0xb9: {  	v38 =	vshll.u32 v38, v2;
	v41 =	vadd.s32 v12, v41;
	v57 =	vshll.u32 v43, v2;
	v58 =	vld.idx.msk [tilespmem:v28+s15+$0x0], $0xffff  }
0xba: {  	s31 =	simm.s32 $0x10;
	v32 =	vmul.f32 v52, v46;
	v59 =	vld.idx.msk [tilespmem:v28+s14+$0x0], $0xffff;
	v30 =	vbroadcast v57, $0x0;
	v27 =	vadd.f32 v27, v26  }
0xbb: {  	v61 =	vmov s31;
	v60 =	vshll.u32 v39, v2;
	v28 =	vbroadcast v38, $0x0;
	v26 =	vld.idx.msk [tilespmem:v37+s15+$0x0], $0xffff  }
0xbc: {  	v30 =	vadd.s32 v13, v30;
	v33 =	vmul.f32 v29, v53;
	v29 =	vld.idx.msk [tilespmem:v37+s14+$0x0], $0xffff;
	v32 =	vadd.f32 v32, v27  }
0xbd: {  	v63 =	vshll.u32 v34, v2;
	v35 =	vshrl.u32 v35, $0x3;
	v38 =	vbroadcast v60, $0x0;
	v27 =	vld.idx.msk [tilespmem:v36+s15+$0x0], $0xffff  }
0xbe: {  	v62 =	vmul.f32 v31, v56;
	v31 =	vadd.s32 v14, v28;
	v28 =	vld.idx.msk [tilespmem:v41+s15+$0x0], $0xffff;
	v33 =	vadd.f32 v33, v32  }
0xbf: {  	v35 =	vshll.u32 v35, v2;
	v34 =	vadd.s32 v15, v38;
	v37 =	vshrl.u32 v61, $0x3;
	v32 =	vld.idx.msk [tilespmem:v36+s14+$0x0], $0xffff  }
0xc0: {  	v40 =	vmul.f32 v59, v58;
	v36 =	vbroadcast v35, $0x0;
	v35 =	vld.idx.msk [tilespmem:v41+s14+$0x0], $0xffff;
	v39 =	vadd.f32 v62, v33  }
0xc1: {  	s29 =	simm.s32 $0x2F;
	s28 =	simm.s32 $0x1F;
	v38 =	vshll.u32 v37, v2;
	v37 =	vbroadcast v63, $0x0;
	v33 =	vld.idx.msk [tilespmem:v30+s15+$0x0], $0xffff  }
.LBB2_6:
0xc2: {  	p0 =	sne.s32 s29, $0xFF;
	v39 =	vadd.f32 v40, v39;
	v26 =	vmul.f32 v29, v26;
	v29 =	vld.idx.msk [tilespmem:v30+s14+$0x0], $0xffff;
	v30 =	vadd.s32 v16, v36  }
0xc3: {  	v36 =	vbroadcast v38, $0x0;
	v38 =	vld.idx.msk [tilespmem:v31+s15+$0x0], $0xffff  }
0xc4: {  	v27 =	vmul.f32 v32, v27;
	v32 =	vadd.s32 v17, v37;
	v26 =	vadd.f32 v26, v39;
	v31 =	vld.idx.msk [tilespmem:v31+s14+$0x0], $0xffff  }
0xc5: {  	v37 =	vld.idx.msk [tilespmem:v34+s15+$0x0], $0xffff  }
0xc6: {  	v39 =	vor.u32 v10, v36;
	v26 =	vadd.f32 v27, v26;
	v27 =	vmul.f32 v35, v28;
	v28 =	vld.idx.msk [tilespmem:v34+s14+$0x0], $0xffff  }
0xc7: {  	v34 =	vld.idx.msk [tilespmem:v30+s15+$0x0], $0xffff  }
0xc8: {  	v35 =	vadd.s32 v11, v36;
	v26 =	vadd.f32 v27, v26;
	v27 =	vmul.f32 v29, v33;
	v29 =	vld.idx.msk [tilespmem:v30+s14+$0x0], $0xffff  }
0xc9: {  	v30 =	vmov s28;
	v33 =	vld.idx.msk [tilespmem:v32+s15+$0x0], $0xffff  }
0xca: {  	s0 =	sadd.s32 $0xFFFFFFFF, s28;
	v40 =	vadd.s32 v12, v36;
	v26 =	vadd.f32 v27, v26;
	v27 =	vmul.f32 v31, v38;
	v31 =	vld.idx.msk [tilespmem:v32+s14+$0x0], $0xffff  }
0xcb: {  	v41 =	vshrl.u32 v30, $0x3;
	v38 =	vmov s0;
	v32 =	vld.idx.msk [tilespmem:v39+s15+$0x0], $0xffff  }
0xcc: {  	s30 =	sadd.s32 $0xFFFFFFFD, s28;
	s31 =	sadd.s32 $0xFFFFFFFE, s28;
	s0 =	sadd.s32 $0xFFFFFFF9, s28;
	v30 =	vld.idx.msk [tilespmem:v39+s14+$0x0], $0xffff;
	v39 =	vadd.s32 v13, v36;
	v26 =	vadd.f32 v27, v26;
	v27 =	vmul.f32 v28, v37  }
0xcd: {  	v42 =	vmov s30;
	v43 =	vmov s31;
	v37 =	vmov s0;
	v28 =	vld.idx.msk [tilespmem:v35+s15+$0x0], $0xffff  }
0xce: {  	s30 =	sadd.s32 $0xFFFFFFFC, s28;
	v44 =	vadd.s32 v14, v36;
	s0 =	sadd.s32 $0xFFFFFFFA, s28;
	v35 =	vld.idx.msk [tilespmem:v35+s14+$0x0], $0xffff;
	v26 =	vadd.f32 v27, v26;
	v27 =	vmul.f32 v29, v34  }
0xcf: {  	v45 =	vmov s30;
	v34 =	vshrl.u32 v37, $0x3;
	v37 =	vmov s0;
	v29 =	vld.idx.msk [tilespmem:v40+s15+$0x0], $0xffff  }
0xd0: {  	v46 =	vadd.s32 v15, v36;
	s0 =	sadd.s32 $0xFFFFFFFB, s28;
	s28 =	smov.u32 s29;
	v40 =	vld.idx.msk [tilespmem:v40+s14+$0x0], $0xffff;
	v26 =	vadd.f32 v27, v26;
	v27 =	vmul.f32 v31, v33  }
0xd1: {  	v33 =	vshll.u32 v34, v2;
	v34 =	vshrl.u32 v37, $0x3;
	v37 =	vmov s0;
	v31 =	vld.idx.msk [tilespmem:v39+s15+$0x0], $0xffff  }
0xd2: {  	v30 =	vmul.f32 v30, v32;
	v32 =	vld.idx.msk [tilespmem:v39+s14+$0x0], $0xffff;
	v39 =	vadd.s32 v16, v36;
	v26 =	vadd.f32 v27, v26  }
0xd3: {  	v33 =	vbroadcast v33, $0x0;
	v34 =	vshll.u32 v34, v2;
	v37 =	vshrl.u32 v37, $0x3;
	v27 =	vld.idx.msk [tilespmem:v44+s15+$0x0], $0xffff  }
0xd4: {  	v28 =	vmul.f32 v35, v28;
	v35 =	vadd.s32 v17, v36;
	v26 =	vadd.f32 v30, v26;
	v30 =	vld.idx.msk [tilespmem:v44+s14+$0x0], $0xffff  }
0xd5: {  	v34 =	vbroadcast v34, $0x0;
	v37 =	vshll.u32 v37, v2;
	v44 =	vshrl.u32 v45, $0x3;
	v36 =	vld.idx.msk [tilespmem:v46+s15+$0x0], $0xffff  }
0xd6: {  	v33 =	vadd.s32 v10, v33;
	v26 =	vadd.f32 v28, v26;
	v28 =	vmul.f32 v40, v29;
	v29 =	vld.idx.msk [tilespmem:v46+s14+$0x0], $0xffff  }
0xd7: {  	v42 =	vshrl.u32 v42, $0x3;
	v37 =	vbroadcast v37, $0x0;
	v44 =	vshll.u32 v44, v2;
	v40 =	vld.idx.msk [tilespmem:v39+s15+$0x0], $0xffff  }
0xd8: {  	v26 =	vadd.f32 v28, v26;
	v28 =	vmul.f32 v32, v31;
	v31 =	vld.idx.msk [tilespmem:v39+s14+$0x0], $0xffff;
	v32 =	vadd.s32 v11, v34  }
0xd9: {  	v43 =	vshrl.u32 v43, $0x3;
	v42 =	vshll.u32 v42, v2;
	v39 =	vbroadcast v44, $0x0;
	v34 =	vld.idx.msk [tilespmem:v35+s15+$0x0], $0xffff  }
0xda: {  	v37 =	vadd.s32 v12, v37;
	v27 =	vmul.f32 v30, v27;
	v28 =	vadd.f32 v28, v26;
	v35 =	vld.idx.msk [tilespmem:v35+s14+$0x0], $0xffff  }
0xdb: {  	v43 =	vshll.u32 v43, v2;
	v42 =	vbroadcast v42, $0x0;
	v38 =	vshrl.u32 v38, $0x3;
	v26 =	vld.idx.msk [tilespmem:v33+s15+$0x0], $0xffff  }
0xdc: {  	s0 =	sadd.s32 $0xFFFFFFF1, s29;
	v30 =	vadd.s32 v13, v39;
	v36 =	vmul.f32 v29, v36;
	v28 =	vadd.f32 v27, v28;
	v29 =	vld.idx.msk [tilespmem:v33+s14+$0x0], $0xffff  }
.Ltmp6:
0xdd: {  	v43 =	vbroadcast v43, $0x0;
	v38 =	vshll.u32 v38, v2;
	v33 =	vmov s0;
	v27 =	vld.idx.msk [tilespmem:v32+s15+$0x0], $0xffff;
	(pc) =	sbr.rel @p0 .LBB2_6-.Ltmp6, $4  }
0xde: {  	v40 =	vmul.f32 v31, v40;
	v31 =	vadd.s32 v14, v42;
	v39 =	vadd.f32 v36, v28;
	v32 =	vld.idx.msk [tilespmem:v32+s14+$0x0], $0xffff  }
0xdf: {  	v41 =	vshll.u32 v41, v2;
	v33 =	vshrl.u32 v33, $0x3;
	v36 =	vbroadcast v38, $0x0;
	v28 =	vld.idx.msk [tilespmem:v37+s15+$0x0], $0xffff  }
0xe0: {  	v39 =	vadd.f32 v40, v39;
	v40 =	vmul.f32 v35, v34;
	v35 =	vld.idx.msk [tilespmem:v37+s14+$0x0], $0xffff;
	v34 =	vadd.s32 v15, v43  }
0xe1: {  	s29 =	sadd.s32 $0x10, s29;
	v38 =	vshll.u32 v33, v2;
	v37 =	vbroadcast v41, $0x0;
	v33 =	vld.idx.msk [tilespmem:v30+s15+$0x0], $0xffff  }
0xe2: {  	_ =	sdelay $0x2  }
0xe3: {  	v39 =	vadd.f32 v40, v39;
	v26 =	vmul.f32 v29, v26  }
0xe4: {  	v29 =	vld.idx.msk [tilespmem:v30+s14+$0x0], $0xffff;
	v30 =	vadd.s32 v16, v36  }
0xe5: {  	v62 =	vld.idx.msk [tilespmem:v31+s15+$0x0], $0xffff;
	v27 =	vmul.f32 v32, v27;
	v26 =	vadd.f32 v26, v39  }
0xe6: {  	v63 =	vbroadcast v38, $0x0;
	v31 =	vld.idx.msk [tilespmem:v31+s14+$0x0], $0xffff;
	v37 =	vadd.s32 v17, v37  }
0xe7: {  	v45 =	vld.idx.msk [tilespmem:v34+s15+$0x0], $0xffff;
	v26 =	vadd.f32 v27, v26;
	v27 =	vmul.f32 v35, v28  }
0xe8: {  	v46 =	vld.idx.msk [tilespmem:v34+s14+$0x0], $0xffff;
	v28 =	vor.u32 v10, v63  }
0xe9: {  	v47 =	vld.idx.msk [tilespmem:v30+s15+$0x0], $0xffff;
	v26 =	vadd.f32 v27, v26;
	v27 =	vmul.f32 v29, v33  }
0xea: {  	v30 =	vld.idx.msk [tilespmem:v30+s14+$0x0], $0xffff;
	v29 =	vadd.s32 v11, v63  }
0xeb: {  	v48 =	vld.idx.msk [tilespmem:v37+s15+$0x0], $0xffff;
	v26 =	vadd.f32 v27, v26;
	v27 =	vmul.f32 v31, v62  }
0xec: {  	v49 =	vld.idx.msk [tilespmem:v37+s14+$0x0], $0xffff;
	v31 =	vadd.s32 v12, v63  }
0xed: {  	v50 =	vld.idx.msk [tilespmem:v28+s15+$0x0], $0xffff;
	v26 =	vadd.f32 v27, v26;
	v27 =	vmul.f32 v46, v45  }
0xee: {  	v51 =	vadd.s32 v13, v63;
	v28 =	vld.idx.msk [tilespmem:v28+s14+$0x0], $0xffff  }
0xef: {  	v52 =	vmov s28;
	s29 =	sadd.s32 $0xFFFFFFF9, s28;
	s31 =	sadd.s32 $0xFFFFFFFD, s28;
	v53 =	vld.idx.msk [tilespmem:v29+s15+$0x0], $0xffff;
	v26 =	vadd.f32 v27, v26;
	v27 =	vmul.f32 v30, v47  }
0xf0: {  	s30 =	sadd.s32 $0xFFFFFFFA, s28;
	v54 =	vmov s29;
	v41 =	vmov s31;
	v55 =	vadd.s32 v14, v63;
	v29 =	vld.idx.msk [tilespmem:v29+s14+$0x0], $0xffff  }
0xf1: {  	s29 =	sadd.s32 $0xFFFFFFFE, s28;
	v43 =	vmov s30;
	v42 =	vld.idx.msk [tilespmem:v31+s15+$0x0], $0xffff;
	v26 =	vadd.f32 v27, v26;
	v27 =	vmul.f32 v49, v48  }
0xf2: {  	v56 =	vmov s29;
	v57 =	vadd.s32 v15, v63;
	v35 =	vshrl.u32 v54, $0x3;
	v31 =	vld.idx.msk [tilespmem:v31+s14+$0x0], $0xffff  }
0xf3: {  	v35 =	vshll.u32 v35, v2;
	v44 =	vld.idx.msk [tilespmem:v51+s15+$0x0], $0xffff;
	v28 =	vmul.f32 v28, v50;
	v26 =	vadd.f32 v27, v26  }
0xf4: {  	v58 =	vadd.s32 v16, v63;
	v43 =	vshrl.u32 v43, $0x3;
	v35 =	vbroadcast v35, $0x0;
	v34 =	vld.idx.msk [tilespmem:v51+s14+$0x0], $0xffff  }
0xf5: {  	v32 =	vadd.s32 v17, v63;
	v59 =	vld.idx.msk [tilespmem:v55+s14+$0x0], $0xffff;
	v26 =	vadd.f32 v28, v26;
	v28 =	vmul.f32 v29, v53  }
0xf6: {  	s31 =	sadd.s32 $0xFFFFFFFB, s28;
	v60 =	vshll.u32 v43, v2;
	v33 =	vshrl.u32 v56, $0x3;
	v35 =	vadd.s32 v10, v35;
	v45 =	vld.idx.msk [tilespmem:v55+s15+$0x0], $0xffff  }
0xf7: {  	s29 =	sadd.s32 $0xFFFFFFFC, s28;
	v61 =	vld.idx.msk [tilespmem:v57+s15+$0x0], $0xffff;
	v29 =	vmov s31;
	v26 =	vadd.f32 v28, v26;
	v28 =	vmul.f32 v31, v42  }
0xf8: {  	v36 =	vld.idx.msk [tilespmem:v57+s14+$0x0], $0xffff;
	v27 =	vmov s29;
	v29 =	vshrl.u32 v29, $0x3;
	v31 =	vbroadcast v60, $0x0  }
0xf9: {  	v62 =	vld.idx.msk [tilespmem:v58+s15+$0x0], $0xffff;
	v29 =	vshll.u32 v29, v2;
	v26 =	vadd.f32 v28, v26;
	v28 =	vmul.f32 v34, v44  }
0xfa: {  	v63 =	vld.idx.msk [tilespmem:v58+s14+$0x0], $0xffff;
	v27 =	vshrl.u32 v27, $0x3;
	v29 =	vbroadcast v29, $0x0;
	v31 =	vadd.s32 v11, v31  }
0xfb: {  	v27 =	vshll.u32 v27, v2;
	v44 =	vld.idx.msk [tilespmem:v32+s15+$0x0], $0xffff;
	v26 =	vadd.f32 v28, v26;
	v28 =	vmul.f32 v59, v45  }
0xfc: {  	v27 =	vbroadcast v27, $0x0;
	v32 =	vld.idx.msk [tilespmem:v32+s14+$0x0], $0xffff;
	v29 =	vadd.s32 v12, v29;
	v45 =	vshrl.u32 v41, $0x3  }
0xfd: {  	v46 =	vld.idx.msk [tilespmem:v35+s15+$0x0], $0xffff;
	v39 =	vshll.u32 v45, v2;
	v26 =	vadd.f32 v28, v26;
	v28 =	vmul.f32 v36, v61  }
0xfe: {  	s0 =	sadd.s32 $0xFFFFFFFF, s28;
	v33 =	vshll.u32 v33, v2;
	v35 =	vld.idx.msk [tilespmem:v35+s14+$0x0], $0xffff;
	v27 =	vadd.s32 v13, v27;
	v47 =	vbroadcast v39, $0x0  }
0xff: {  	v30 =	vmov s0;
	v48 =	vld.idx.msk [tilespmem:v31+s15+$0x0], $0xffff;
	v26 =	vadd.f32 v28, v26;
	v28 =	vmul.f32 v63, v62  }
0x100: {  	v33 =	vbroadcast v33, $0x0;
	v30 =	vshrl.u32 v30, $0x3;
	v31 =	vld.idx.msk [tilespmem:v31+s14+$0x0], $0xffff;
	v49 =	vadd.s32 v14, v47  }
0x101: {  	v30 =	vshll.u32 v30, v2;
	v50 =	vld.idx.msk [tilespmem:v29+s15+$0x0], $0xffff;
	v26 =	vadd.f32 v28, v26;
	v28 =	vmul.f32 v32, v44  }
0x102: {  	v51 =	vshrl.u32 v52, $0x3;
	v33 =	vadd.s32 v15, v33;
	v30 =	vbroadcast v30, $0x0;
	v29 =	vld.idx.msk [tilespmem:v29+s14+$0x0], $0xffff  }
0x103: {  	v52 =	vld.idx.msk [tilespmem:v27+s15+$0x0], $0xffff;
	v32 =	vshll.u32 v51, v2;
	v26 =	vadd.f32 v28, v26;
	v28 =	vmul.f32 v35, v46  }
0x104: {  	v30 =	vadd.s32 v16, v30;
	v27 =	vld.idx.msk [tilespmem:v27+s14+$0x0], $0xffff;
	v32 =	vbroadcast v32, $0x0  }
0x105: {  	v53 =	vld.idx.msk [tilespmem:v49+s15+$0x0], $0xffff;
	v26 =	vadd.f32 v28, v26;
	v28 =	vmul.f32 v31, v48  }
0x106: {  	v32 =	vadd.s32 v17, v32;
	v31 =	vld.idx.msk [tilespmem:v49+s14+$0x0], $0xffff  }
0x107: {  	v54 =	vld.idx.msk [tilespmem:v33+s15+$0x0], $0xffff;
	v26 =	vadd.f32 v28, v26;
	v28 =	vmul.f32 v29, v50  }
0x108: {  	v29 =	vld.idx.msk [tilespmem:v33+s14+$0x0], $0xffff  }
0x109: {  	v55 =	vld.idx.msk [tilespmem:v30+s15+$0x0], $0xffff;
	v27 =	vmul.f32 v27, v52;
	v26 =	vadd.f32 v28, v26  }
0x10a: {  	v28 =	vld.idx.msk [tilespmem:v30+s14+$0x0], $0xffff  }
0x10b: {  	v30 =	vld.idx.msk [tilespmem:v32+s15+$0x0], $0xffff;
	v26 =	vadd.f32 v27, v26;
	v27 =	vmul.f32 v31, v53  }
0x10c: {  	s30 =	simm.s32 $0x0;
	v31 =	vld.idx.msk [tilespmem:v32+s14+$0x0], $0xffff  }
0x10d: {  	v26 =	vadd.f32 v27, v26;
	v27 =	vmul.f32 v29, v54;
	v29 =	vmov s30  }
0x10e: {  	v29 =	vshrl.u32 v29, $0x3  }
0x10f: {  	v26 =	vadd.f32 v27, v26;
	v27 =	vmul.f32 v28, v55;
	v28 =	vshll.u32 v29, v2  }
0x110: {  	v29 =	vld [tilespmem:$0x10180];
	v28 =	vbroadcast v28, $0x0  }
0x111: {  	v26 =	vadd.f32 v27, v26;
	v27 =	vmul.f32 v31, v30  }
0x112: {  	v30 =	vor.u32 v18, v28  }
0x113: {  	v26 =	vadd.f32 v27, v26  }
0x114: {  	v31 =	vadd.s32 v21, v28  }
0x115: {  	v27 =	vadd.s32 v19, v28;
	[tilespmem:$0x10110] =	vst v26;
	v26 =	vmax.f32 v29, v26  }
0x116: {  	[tilespmem:$0x10180] =	vst v26  }
0x117: {  	v26 =	vadd.s32 v20, v28;
	v29 =	vld.idx.msk [tilespmem:v30+s15+$0x0], $0xffff  }
0x118: {  	s31 =	simm.s32 $0xF;
	v30 =	vld.idx.msk [tilespmem:v30+s14+$0x0], $0xffff  }
0x119: {  	v56 =	vimm.f32 $0.0e+00;
	s29 =	simm.s32 $0xD;
	v34 =	vmov s31;
	s31 =	simm.s32 $0x9;
	v50 =	vld.idx.msk [tilespmem:v31+s15+$0x0], $0xffff  }
0x11a: {  	v61 =	vmov s29;
	v63 =	vmov s31;
	v58 =	vadd.s32 v22, v28;
	v57 =	vld.idx.msk [tilespmem:v27+s15+$0x0], $0xffff  }
0x11b: {  	v34 =	vshrl.u32 v34, $0x3;
	v39 =	vshrl.u32 v61, $0x3;
	v41 =	vshrl.u32 v63, $0x3;
	s30 =	simm.s32 $0x8;
	v27 =	vld.idx.msk [tilespmem:v27+s14+$0x0], $0xffff  }
0x11c: {  	s28 =	simm.s32 $0xE;
	v41 =	vshll.u32 v41, v2;
	v59 =	vmov s30;
	s30 =	simm.s32 $0xA;
	v48 =	vadd.s32 v23, v28;
	v62 =	vld.idx.msk [tilespmem:v26+s15+$0x0], $0xffff  }
0x11d: {  	v35 =	vmov s28;
	v37 =	vshrl.u32 v59, $0x3;
	v51 =	vmov s30;
	v26 =	vld.idx.msk [tilespmem:v26+s14+$0x0], $0xffff  }
0x11e: {  	s28 =	simm.s32 $0xC;
	v37 =	vshll.u32 v37, v2;
	v29 =	vmul.f32 v30, v29;
	v30 =	vld.idx.msk [tilespmem:v31+s14+$0x0], $0xffff;
	v31 =	vadd.s32 v24, v28  }
0x11f: {  	v60 =	vmov s28;
	v45 =	vshrl.u32 v51, $0x3;
	v37 =	vbroadcast v37, $0x0;
	v46 =	vld.idx.msk [tilespmem:v58+s15+$0x0], $0xffff  }
0x120: {  	s28 =	simm.s32 $0xB;
	v52 =	vld.idx.msk [tilespmem:v58+s14+$0x0], $0xffff;
	v28 =	vadd.s32 v25, v28;
	v27 =	vmul.f32 v27, v57;
	v29 =	vadd.f32 v29, v56  }
0x121: {  	v49 =	vmov s28;
	v54 =	vbroadcast v41, $0x0;
	v55 =	vshll.u32 v45, v2;
	v53 =	vld.idx.msk [tilespmem:v48+s15+$0x0], $0xffff  }
0x122: {  	v37 =	vadd.s32 v18, v37;
	v27 =	vadd.f32 v27, v29;
	v26 =	vmul.f32 v26, v62;
	v29 =	vld.idx.msk [tilespmem:v48+s14+$0x0], $0xffff  }
0x123: {  	v38 =	vshrl.u32 v60, $0x3;
	v43 =	vshrl.u32 v49, $0x3;
	v41 =	vbroadcast v55, $0x0;
	v56 =	vld.idx.msk [tilespmem:v31+s15+$0x0], $0xffff  }
0x124: {  	v36 =	vadd.s32 v19, v54;
	v31 =	vld.idx.msk [tilespmem:v31+s14+$0x0], $0xffff;
	v26 =	vadd.f32 v26, v27;
	v27 =	vmul.f32 v30, v50  }
0x125: {  	v38 =	vshll.u32 v38, v2;
	v41 =	vadd.s32 v20, v41;
	v57 =	vshll.u32 v43, v2;
	v58 =	vld.idx.msk [tilespmem:v28+s15+$0x0], $0xffff  }
0x126: {  	s31 =	simm.s32 $0x10;
	v32 =	vmul.f32 v52, v46;
	v59 =	vld.idx.msk [tilespmem:v28+s14+$0x0], $0xffff;
	v30 =	vbroadcast v57, $0x0;
	v27 =	vadd.f32 v27, v26  }
0x127: {  	v61 =	vmov s31;
	v60 =	vshll.u32 v39, v2;
	v28 =	vbroadcast v38, $0x0;
	v26 =	vld.idx.msk [tilespmem:v37+s15+$0x0], $0xffff  }
0x128: {  	v30 =	vadd.s32 v21, v30;
	v33 =	vmul.f32 v29, v53;
	v29 =	vld.idx.msk [tilespmem:v37+s14+$0x0], $0xffff;
	v32 =	vadd.f32 v32, v27  }
0x129: {  	v63 =	vshll.u32 v34, v2;
	v35 =	vshrl.u32 v35, $0x3;
	v38 =	vbroadcast v60, $0x0;
	v27 =	vld.idx.msk [tilespmem:v36+s15+$0x0], $0xffff  }
0x12a: {  	v62 =	vmul.f32 v31, v56;
	v31 =	vadd.s32 v22, v28;
	v28 =	vld.idx.msk [tilespmem:v41+s15+$0x0], $0xffff;
	v33 =	vadd.f32 v33, v32  }
0x12b: {  	v35 =	vshll.u32 v35, v2;
	v34 =	vadd.s32 v23, v38;
	v37 =	vshrl.u32 v61, $0x3;
	v32 =	vld.idx.msk [tilespmem:v36+s14+$0x0], $0xffff  }
0x12c: {  	v40 =	vmul.f32 v59, v58;
	v36 =	vbroadcast v35, $0x0;
	v35 =	vld.idx.msk [tilespmem:v41+s14+$0x0], $0xffff;
	v39 =	vadd.f32 v62, v33  }
0x12d: {  	s29 =	simm.s32 $0x2F;
	s28 =	simm.s32 $0x1F;
	v38 =	vshll.u32 v37, v2;
	v37 =	vbroadcast v63, $0x0;
	v33 =	vld.idx.msk [tilespmem:v30+s15+$0x0], $0xffff  }
.LBB2_8:
0x12e: {  	p0 =	sne.s32 s29, $0xFF;
	v39 =	vadd.f32 v40, v39;
	v26 =	vmul.f32 v29, v26;
	v29 =	vld.idx.msk [tilespmem:v30+s14+$0x0], $0xffff;
	v30 =	vadd.s32 v24, v36  }
0x12f: {  	v36 =	vbroadcast v38, $0x0;
	v38 =	vld.idx.msk [tilespmem:v31+s15+$0x0], $0xffff  }
0x130: {  	v27 =	vmul.f32 v32, v27;
	v32 =	vadd.s32 v25, v37;
	v26 =	vadd.f32 v26, v39;
	v31 =	vld.idx.msk [tilespmem:v31+s14+$0x0], $0xffff  }
0x131: {  	v37 =	vld.idx.msk [tilespmem:v34+s15+$0x0], $0xffff  }
0x132: {  	v39 =	vor.u32 v18, v36;
	v26 =	vadd.f32 v27, v26;
	v27 =	vmul.f32 v35, v28;
	v28 =	vld.idx.msk [tilespmem:v34+s14+$0x0], $0xffff  }
0x133: {  	v34 =	vld.idx.msk [tilespmem:v30+s15+$0x0], $0xffff  }
0x134: {  	v35 =	vadd.s32 v19, v36;
	v26 =	vadd.f32 v27, v26;
	v27 =	vmul.f32 v29, v33;
	v29 =	vld.idx.msk [tilespmem:v30+s14+$0x0], $0xffff  }
0x135: {  	v30 =	vmov s28;
	v33 =	vld.idx.msk [tilespmem:v32+s15+$0x0], $0xffff  }
0x136: {  	s0 =	sadd.s32 $0xFFFFFFFF, s28;
	v40 =	vadd.s32 v20, v36;
	v26 =	vadd.f32 v27, v26;
	v27 =	vmul.f32 v31, v38;
	v31 =	vld.idx.msk [tilespmem:v32+s14+$0x0], $0xffff  }
0x137: {  	v41 =	vshrl.u32 v30, $0x3;
	v38 =	vmov s0;
	v32 =	vld.idx.msk [tilespmem:v39+s15+$0x0], $0xffff  }
0x138: {  	s30 =	sadd.s32 $0xFFFFFFFD, s28;
	s31 =	sadd.s32 $0xFFFFFFFE, s28;
	s0 =	sadd.s32 $0xFFFFFFF9, s28;
	v30 =	vld.idx.msk [tilespmem:v39+s14+$0x0], $0xffff;
	v39 =	vadd.s32 v21, v36;
	v26 =	vadd.f32 v27, v26;
	v27 =	vmul.f32 v28, v37  }
0x139: {  	v42 =	vmov s30;
	v43 =	vmov s31;
	v37 =	vmov s0;
	v28 =	vld.idx.msk [tilespmem:v35+s15+$0x0], $0xffff  }
0x13a: {  	s30 =	sadd.s32 $0xFFFFFFFC, s28;
	v44 =	vadd.s32 v22, v36;
	s0 =	sadd.s32 $0xFFFFFFFA, s28;
	v35 =	vld.idx.msk [tilespmem:v35+s14+$0x0], $0xffff;
	v26 =	vadd.f32 v27, v26;
	v27 =	vmul.f32 v29, v34  }
0x13b: {  	v45 =	vmov s30;
	v34 =	vshrl.u32 v37, $0x3;
	v37 =	vmov s0;
	v29 =	vld.idx.msk [tilespmem:v40+s15+$0x0], $0xffff  }
0x13c: {  	v46 =	vadd.s32 v23, v36;
	s0 =	sadd.s32 $0xFFFFFFFB, s28;
	s28 =	smov.u32 s29;
	v40 =	vld.idx.msk [tilespmem:v40+s14+$0x0], $0xffff;
	v26 =	vadd.f32 v27, v26;
	v27 =	vmul.f32 v31, v33  }
0x13d: {  	v33 =	vshll.u32 v34, v2;
	v34 =	vshrl.u32 v37, $0x3;
	v37 =	vmov s0;
	v31 =	vld.idx.msk [tilespmem:v39+s15+$0x0], $0xffff  }
0x13e: {  	v30 =	vmul.f32 v30, v32;
	v32 =	vld.idx.msk [tilespmem:v39+s14+$0x0], $0xffff;
	v39 =	vadd.s32 v24, v36;
	v26 =	vadd.f32 v27, v26  }
0x13f: {  	v33 =	vbroadcast v33, $0x0;
	v34 =	vshll.u32 v34, v2;
	v37 =	vshrl.u32 v37, $0x3;
	v27 =	vld.idx.msk [tilespmem:v44+s15+$0x0], $0xffff  }
0x140: {  	v28 =	vmul.f32 v35, v28;
	v35 =	vadd.s32 v25, v36;
	v26 =	vadd.f32 v30, v26;
	v30 =	vld.idx.msk [tilespmem:v44+s14+$0x0], $0xffff  }
0x141: {  	v34 =	vbroadcast v34, $0x0;
	v37 =	vshll.u32 v37, v2;
	v44 =	vshrl.u32 v45, $0x3;
	v36 =	vld.idx.msk [tilespmem:v46+s15+$0x0], $0xffff  }
0x142: {  	v33 =	vadd.s32 v18, v33;
	v26 =	vadd.f32 v28, v26;
	v28 =	vmul.f32 v40, v29;
	v29 =	vld.idx.msk [tilespmem:v46+s14+$0x0], $0xffff  }
0x143: {  	v42 =	vshrl.u32 v42, $0x3;
	v37 =	vbroadcast v37, $0x0;
	v44 =	vshll.u32 v44, v2;
	v40 =	vld.idx.msk [tilespmem:v39+s15+$0x0], $0xffff  }
0x144: {  	v26 =	vadd.f32 v28, v26;
	v28 =	vmul.f32 v32, v31;
	v31 =	vld.idx.msk [tilespmem:v39+s14+$0x0], $0xffff;
	v32 =	vadd.s32 v19, v34  }
0x145: {  	v43 =	vshrl.u32 v43, $0x3;
	v42 =	vshll.u32 v42, v2;
	v39 =	vbroadcast v44, $0x0;
	v34 =	vld.idx.msk [tilespmem:v35+s15+$0x0], $0xffff  }
0x146: {  	v37 =	vadd.s32 v20, v37;
	v27 =	vmul.f32 v30, v27;
	v28 =	vadd.f32 v28, v26;
	v35 =	vld.idx.msk [tilespmem:v35+s14+$0x0], $0xffff  }
0x147: {  	v43 =	vshll.u32 v43, v2;
	v42 =	vbroadcast v42, $0x0;
	v38 =	vshrl.u32 v38, $0x3;
	v26 =	vld.idx.msk [tilespmem:v33+s15+$0x0], $0xffff  }
0x148: {  	s0 =	sadd.s32 $0xFFFFFFF1, s29;
	v30 =	vadd.s32 v21, v39;
	v36 =	vmul.f32 v29, v36;
	v28 =	vadd.f32 v27, v28;
	v29 =	vld.idx.msk [tilespmem:v33+s14+$0x0], $0xffff  }
.Ltmp7:
0x149: {  	v43 =	vbroadcast v43, $0x0;
	v38 =	vshll.u32 v38, v2;
	v33 =	vmov s0;
	v27 =	vld.idx.msk [tilespmem:v32+s15+$0x0], $0xffff;
	(pc) =	sbr.rel @p0 .LBB2_8-.Ltmp7, $4  }
0x14a: {  	v40 =	vmul.f32 v31, v40;
	v31 =	vadd.s32 v22, v42;
	v39 =	vadd.f32 v36, v28;
	v32 =	vld.idx.msk [tilespmem:v32+s14+$0x0], $0xffff  }
0x14b: {  	v41 =	vshll.u32 v41, v2;
	v33 =	vshrl.u32 v33, $0x3;
	v36 =	vbroadcast v38, $0x0;
	v28 =	vld.idx.msk [tilespmem:v37+s15+$0x0], $0xffff  }
0x14c: {  	v39 =	vadd.f32 v40, v39;
	v40 =	vmul.f32 v35, v34;
	v35 =	vld.idx.msk [tilespmem:v37+s14+$0x0], $0xffff;
	v34 =	vadd.s32 v23, v43  }
0x14d: {  	s29 =	sadd.s32 $0x10, s29;
	v38 =	vshll.u32 v33, v2;
	v37 =	vbroadcast v41, $0x0;
	v33 =	vld.idx.msk [tilespmem:v30+s15+$0x0], $0xffff  }
0x14e: {  	_ =	sdelay $0x2  }
0x14f: {  	v39 =	vadd.f32 v40, v39;
	v26 =	vmul.f32 v29, v26  }
0x150: {  	v29 =	vld.idx.msk [tilespmem:v30+s14+$0x0], $0xffff;
	v30 =	vadd.s32 v24, v36  }
0x151: {  	v62 =	vld.idx.msk [tilespmem:v31+s15+$0x0], $0xffff;
	v27 =	vmul.f32 v32, v27;
	v26 =	vadd.f32 v26, v39  }
0x152: {  	v63 =	vbroadcast v38, $0x0;
	v31 =	vld.idx.msk [tilespmem:v31+s14+$0x0], $0xffff;
	v37 =	vadd.s32 v25, v37  }
0x153: {  	v44 =	vld.idx.msk [tilespmem:v34+s15+$0x0], $0xffff;
	v26 =	vadd.f32 v27, v26;
	v27 =	vmul.f32 v35, v28  }
0x154: {  	v45 =	vld.idx.msk [tilespmem:v34+s14+$0x0], $0xffff;
	v28 =	vor.u32 v18, v63  }
0x155: {  	v46 =	vld.idx.msk [tilespmem:v30+s15+$0x0], $0xffff;
	v26 =	vadd.f32 v27, v26;
	v27 =	vmul.f32 v29, v33  }
0x156: {  	v30 =	vld.idx.msk [tilespmem:v30+s14+$0x0], $0xffff;
	v29 =	vadd.s32 v19, v63  }
0x157: {  	v47 =	vld.idx.msk [tilespmem:v37+s15+$0x0], $0xffff;
	v26 =	vadd.f32 v27, v26;
	v27 =	vmul.f32 v31, v62  }
0x158: {  	v48 =	vld.idx.msk [tilespmem:v37+s14+$0x0], $0xffff;
	v31 =	vadd.s32 v20, v63  }
0x159: {  	v49 =	vld.idx.msk [tilespmem:v28+s15+$0x0], $0xffff;
	v26 =	vadd.f32 v27, v26;
	v27 =	vmul.f32 v45, v44  }
0x15a: {  	v50 =	vadd.s32 v21, v63;
	v28 =	vld.idx.msk [tilespmem:v28+s14+$0x0], $0xffff  }
0x15b: {  	v51 =	vmov s28;
	s29 =	sadd.s32 $0xFFFFFFF9, s28;
	s30 =	sadd.s32 $0xFFFFFFFD, s28;
	v52 =	vld.idx.msk [tilespmem:v29+s15+$0x0], $0xffff;
	v26 =	vadd.f32 v27, v26;
	v27 =	vmul.f32 v30, v46  }
0x15c: {  	s31 =	sadd.s32 $0xFFFFFFFA, s28;
	v53 =	vmov s29;
	v41 =	vmov s30;
	v54 =	vadd.s32 v22, v63;
	v29 =	vld.idx.msk [tilespmem:v29+s14+$0x0], $0xffff  }
0x15d: {  	s29 =	sadd.s32 $0xFFFFFFFE, s28;
	v43 =	vmov s31;
	v42 =	vld.idx.msk [tilespmem:v31+s15+$0x0], $0xffff;
	v26 =	vadd.f32 v27, v26;
	v27 =	vmul.f32 v48, v47  }
0x15e: {  	v55 =	vmov s29;
	v56 =	vadd.s32 v23, v63;
	v35 =	vshrl.u32 v53, $0x3;
	v31 =	vld.idx.msk [tilespmem:v31+s14+$0x0], $0xffff  }
0x15f: {  	v35 =	vshll.u32 v35, v2;
	v34 =	vld.idx.msk [tilespmem:v50+s14+$0x0], $0xffff;
	v28 =	vmul.f32 v28, v49;
	v26 =	vadd.f32 v27, v26  }
0x160: {  	v57 =	vadd.s32 v24, v63;
	v43 =	vshrl.u32 v43, $0x3;
	v35 =	vbroadcast v35, $0x0;
	v44 =	vld.idx.msk [tilespmem:v50+s15+$0x0], $0xffff  }
0x161: {  	v32 =	vadd.s32 v25, v63;
	v58 =	vld.idx.msk [tilespmem:v54+s14+$0x0], $0xffff;
	v26 =	vadd.f32 v28, v26;
	v28 =	vmul.f32 v29, v52  }
0x162: {  	s30 =	sadd.s32 $0xFFFFFFFB, s28;
	v59 =	vshll.u32 v43, v2;
	v33 =	vshrl.u32 v55, $0x3;
	v35 =	vadd.s32 v18, v35;
	v45 =	vld.idx.msk [tilespmem:v54+s15+$0x0], $0xffff  }
0x163: {  	s29 =	sadd.s32 $0xFFFFFFFC, s28;
	v60 =	vld.idx.msk [tilespmem:v56+s15+$0x0], $0xffff;
	v29 =	vmov s30;
	v26 =	vadd.f32 v28, v26;
	v28 =	vmul.f32 v31, v42  }
0x164: {  	v36 =	vld.idx.msk [tilespmem:v56+s14+$0x0], $0xffff;
	v27 =	vmov s29;
	v29 =	vshrl.u32 v29, $0x3;
	v31 =	vbroadcast v59, $0x0  }
0x165: {  	v61 =	vld.idx.msk [tilespmem:v57+s15+$0x0], $0xffff;
	v29 =	vshll.u32 v29, v2;
	v26 =	vadd.f32 v28, v26;
	v28 =	vmul.f32 v34, v44  }
0x166: {  	v62 =	vld.idx.msk [tilespmem:v57+s14+$0x0], $0xffff;
	v27 =	vshrl.u32 v27, $0x3;
	v29 =	vbroadcast v29, $0x0;
	v31 =	vadd.s32 v19, v31  }
0x167: {  	v63 =	vld.idx.msk [tilespmem:v32+s15+$0x0], $0xffff;
	v27 =	vshll.u32 v27, v2;
	v26 =	vadd.f32 v28, v26;
	v28 =	vmul.f32 v58, v45  }
0x168: {  	v32 =	vld.idx.msk [tilespmem:v32+s14+$0x0], $0xffff;
	v27 =	vbroadcast v27, $0x0;
	v42 =	vshrl.u32 v41, $0x3;
	v29 =	vadd.s32 v20, v29  }
0x169: {  	v39 =	vshll.u32 v42, v2;
	v44 =	vld.idx.msk [tilespmem:v35+s15+$0x0], $0xffff;
	v26 =	vadd.f32 v28, v26;
	v28 =	vmul.f32 v36, v60  }
0x16a: {  	s0 =	sadd.s32 $0xFFFFFFFF, s28;
	v33 =	vshll.u32 v33, v2;
	v27 =	vadd.s32 v21, v27;
	v35 =	vld.idx.msk [tilespmem:v35+s14+$0x0], $0xffff;
	v45 =	vbroadcast v39, $0x0  }
0x16b: {  	v30 =	vmov s0;
	v46 =	vld.idx.msk [tilespmem:v31+s15+$0x0], $0xffff;
	v26 =	vadd.f32 v28, v26;
	v28 =	vmul.f32 v62, v61  }
0x16c: {  	v33 =	vbroadcast v33, $0x0;
	v30 =	vshrl.u32 v30, $0x3;
	v47 =	vadd.s32 v22, v45;
	v31 =	vld.idx.msk [tilespmem:v31+s14+$0x0], $0xffff  }
0x16d: {  	v30 =	vshll.u32 v30, v2;
	v48 =	vld.idx.msk [tilespmem:v29+s15+$0x0], $0xffff;
	v26 =	vadd.f32 v28, v26;
	v28 =	vmul.f32 v32, v63  }
0x16e: {  	v33 =	vadd.s32 v23, v33;
	v49 =	vshrl.u32 v51, $0x3;
	v30 =	vbroadcast v30, $0x0;
	v29 =	vld.idx.msk [tilespmem:v29+s14+$0x0], $0xffff  }
0x16f: {  	v50 =	vld.idx.msk [tilespmem:v27+s15+$0x0], $0xffff;
	v32 =	vshll.u32 v49, v2;
	v26 =	vadd.f32 v28, v26;
	v28 =	vmul.f32 v35, v44  }
0x170: {  	v30 =	vadd.s32 v24, v30;
	v27 =	vld.idx.msk [tilespmem:v27+s14+$0x0], $0xffff;
	v32 =	vbroadcast v32, $0x0  }
0x171: {  	v51 =	vld.idx.msk [tilespmem:v47+s15+$0x0], $0xffff;
	v26 =	vadd.f32 v28, v26;
	v28 =	vmul.f32 v31, v46  }
0x172: {  	v32 =	vadd.s32 v25, v32;
	v31 =	vld.idx.msk [tilespmem:v47+s14+$0x0], $0xffff  }
0x173: {  	v52 =	vld.idx.msk [tilespmem:v33+s15+$0x0], $0xffff;
	v26 =	vadd.f32 v28, v26;
	v28 =	vmul.f32 v29, v48  }
0x174: {  	v29 =	vld.idx.msk [tilespmem:v33+s14+$0x0], $0xffff  }
0x175: {  	v53 =	vld.idx.msk [tilespmem:v30+s15+$0x0], $0xffff;
	v27 =	vmul.f32 v27, v50;
	v26 =	vadd.f32 v28, v26  }
0x176: {  	v28 =	vld.idx.msk [tilespmem:v30+s14+$0x0], $0xffff  }
0x177: {  	v30 =	vld.idx.msk [tilespmem:v32+s15+$0x0], $0xffff;
	v26 =	vadd.f32 v27, v26;
	v27 =	vmul.f32 v31, v51  }
0x178: {  	s31 =	simm.s32 $0x0;
	v31 =	vld.idx.msk [tilespmem:v32+s14+$0x0], $0xffff  }
0x179: {  	v26 =	vadd.f32 v27, v26;
	v27 =	vmul.f32 v29, v52;
	v29 =	vmov s31  }
0x17a: {  	v29 =	vshrl.u32 v29, $0x3  }
0x17b: {  	v26 =	vadd.f32 v27, v26;
	v27 =	vmul.f32 v28, v53;
	v28 =	vshll.u32 v29, v2  }
0x17c: {  	v29 =	vld [tilespmem:$0x10180];
	v34 =	vbroadcast v28, $0x0  }
0x17d: {  	v33 =	vor.u32 $0x3000, v0;
	v26 =	vadd.f32 v27, v26;
	v27 =	vmul.f32 v31, v30  }
0x17e: {  	v28 =	vor.u32 v33, v34  }
0x17f: {  	v32 =	vor.u32 $0x3001, v0;
	v26 =	vadd.f32 v27, v26  }
0x180: {  	v54 =	vadd.s32 v32, v34  }
0x181: {  	v31 =	vor.u32 $0x3002, v0;
	[tilespmem:$0x10120] =	vst v26;
	v26 =	vmax.f32 v29, v26  }
0x182: {  	v55 =	vadd.s32 v31, v34;
	[tilespmem:$0x10180] =	vst v26  }
0x183: {  	s30 =	simm.s32 $0xF;
	v30 =	vor.u32 $0x3003, v0;
	v56 =	vld.idx.msk [tilespmem:v28+s15+$0x0], $0xffff  }
0x184: {  	v39 =	vmov s30;
	s30 =	simm.s32 $0x8;
	v58 =	vadd.s32 v30, v34;
	v57 =	vld.idx.msk [tilespmem:v28+s14+$0x0], $0xffff  }
0x185: {  	v61 =	vmov s30;
	v27 =	vor.u32 $0x3006, v0;
	v59 =	vld.idx.msk [tilespmem:v54+s15+$0x0], $0xffff  }
0x186: {  	v45 =	vshrl.u32 v61, $0x3;
	v63 =	vadd.s32 v27, v34;
	v29 =	vor.u32 $0x3004, v0;
	v35 =	vld.idx.msk [tilespmem:v54+s14+$0x0], $0xffff  }
0x187: {  	v38 =	vimm.f32 $0.0e+00;
	s28 =	simm.s32 $0xC;
	s29 =	simm.s32 $0xD;
	v45 =	vshll.u32 v45, v2;
	v60 =	vadd.s32 v29, v34;
	v48 =	vld.idx.msk [tilespmem:v55+s15+$0x0], $0xffff  }
0x188: {  	v45 =	vbroadcast v45, $0x0;
	v46 =	vmov s28;
	v47 =	vmov s29;
	s31 =	simm.s32 $0xE;
	v36 =	vld.idx.msk [tilespmem:v55+s14+$0x0], $0xffff  }
0x189: {  	v46 =	vshrl.u32 v46, $0x3;
	v43 =	vmov s31;
	s31 =	simm.s32 $0x9;
	v28 =	vor.u32 $0x3005, v0;
	v52 =	vld.idx.msk [tilespmem:v58+s15+$0x0], $0xffff  }
0x18a: {  	v47 =	vshrl.u32 v47, $0x3;
	v49 =	vmov s31;
	v62 =	vld.idx.msk [tilespmem:v58+s14+$0x0], $0xffff;
	v50 =	vadd.s32 v28, v34  }
0x18b: {  	s30 =	simm.s32 $0xA;
	v45 =	vadd.s32 v33, v45;
	v49 =	vshrl.u32 v49, $0x3;
	v40 =	vld.idx.msk [tilespmem:v63+s14+$0x0], $0xffff;
	v37 =	vmul.f32 v57, v56  }
0x18c: {  	v53 =	vmov s30;
	v49 =	vshll.u32 v49, v2;
	v26 =	vor.u32 $0x3007, v0;
	v54 =	vld.idx.msk [tilespmem:v60+s15+$0x0], $0xffff  }
0x18d: {  	v34 =	vadd.s32 v26, v34;
	v35 =	vmul.f32 v35, v59;
	v57 =	vld.idx.msk [tilespmem:v60+s14+$0x0], $0xffff;
	v37 =	vadd.f32 v37, v38  }
0x18e: {  	s28 =	simm.s32 $0xB;
	v53 =	vshrl.u32 v53, $0x3;
	v58 =	vbroadcast v49, $0x0;
	v36 =	vmul.f32 v36, v48;
	v48 =	vld.idx.msk [tilespmem:v63+s15+$0x0], $0xffff  }
0x18f: {  	v51 =	vmov s28;
	v59 =	vshll.u32 v53, v2;
	v42 =	vld.idx.msk [tilespmem:v50+s15+$0x0], $0xffff;
	v35 =	vadd.f32 v35, v37  }
0x190: {  	v51 =	vshrl.u32 v51, $0x3;
	v41 =	vadd.s32 v32, v58;
	v49 =	vbroadcast v59, $0x0;
	v37 =	vld.idx.msk [tilespmem:v50+s14+$0x0], $0xffff  }
0x191: {  	v60 =	vshll.u32 v51, v2;
	v61 =	vmul.f32 v62, v52;
	v35 =	vadd.f32 v36, v35  }
0x192: {  	v46 =	vshll.u32 v46, v2;
	v51 =	vld.idx.msk [tilespmem:v34+s15+$0x0], $0xffff;
	v62 =	vbroadcast v60, $0x0;
	v49 =	vadd.s32 v31, v49  }
0x193: {  	v43 =	vshrl.u32 v43, $0x3;
	v56 =	vld.idx.msk [tilespmem:v34+s14+$0x0], $0xffff;
	v63 =	vmul.f32 v57, v54;
	v35 =	vadd.f32 v61, v35  }
0x194: {  	v43 =	vshll.u32 v43, v2;
	v58 =	vbroadcast v46, $0x0;
	v34 =	vld.idx.msk [tilespmem:v45+s15+$0x0], $0xffff;
	v38 =	vadd.s32 v30, v62  }
0x195: {  	v62 =	vmul.f32 v40, v48;
	v40 =	vld.idx.msk [tilespmem:v41+s14+$0x0], $0xffff;
	v42 =	vmul.f32 v37, v42;
	v36 =	vadd.f32 v63, v35  }
0x196: {  	v44 =	vbroadcast v43, $0x0;
	v59 =	vshll.u32 v47, v2;
	v57 =	vshrl.u32 v39, $0x3;
	v37 =	vld.idx.msk [tilespmem:v45+s14+$0x0], $0xffff  }
0x197: {  	s31 =	simm.s32 $0x10;
	v39 =	vadd.s32 v29, v58;
	v61 =	vbroadcast v59, $0x0;
	v43 =	vld.idx.msk [tilespmem:v49+s14+$0x0], $0xffff;
	v42 =	vadd.f32 v42, v36  }
0x198: {  	v60 =	vmov s31;
	v52 =	vshll.u32 v57, v2;
	v48 =	vmul.f32 v56, v51;
	v35 =	vld.idx.msk [tilespmem:v41+s15+$0x0], $0xffff  }
0x199: {  	v63 =	vshrl.u32 v60, $0x3;
	v41 =	vld.idx.msk [tilespmem:v38+s15+$0x0], $0xffff;
	v47 =	vadd.f32 v62, v42;
	v42 =	vadd.s32 v28, v61  }
0x19a: {  	s29 =	simm.s32 $0x2F;
	s28 =	simm.s32 $0x1F;
	v45 =	vbroadcast v52, $0x0;
	v46 =	vshll.u32 v63, v2;
	v36 =	vld.idx.msk [tilespmem:v49+s15+$0x0], $0xffff  }
.LBB2_10:
0x19b: {  	p0 =	sne.s32 s29, $0xFF;
	v47 =	vadd.f32 v48, v47;
	v34 =	vmul.f32 v37, v34;
	v37 =	vld.idx.msk [tilespmem:v38+s14+$0x0], $0xffff;
	v38 =	vadd.s32 v27, v44  }
0x19c: {  	v44 =	vbroadcast v46, $0x0;
	v46 =	vld.idx.msk [tilespmem:v39+s15+$0x0], $0xffff  }
0x19d: {  	v35 =	vmul.f32 v40, v35;
	v40 =	vadd.s32 v26, v45;
	v34 =	vadd.f32 v34, v47;
	v39 =	vld.idx.msk [tilespmem:v39+s14+$0x0], $0xffff  }
0x19e: {  	v45 =	vmov s28;
	v47 =	vld.idx.msk [tilespmem:v42+s15+$0x0], $0xffff  }
0x19f: {  	v48 =	vor.u32 v33, v44;
	v34 =	vadd.f32 v35, v34;
	v35 =	vmul.f32 v43, v36;
	v36 =	vld.idx.msk [tilespmem:v42+s14+$0x0], $0xffff  }
0x1a0: {  	v42 =	vld.idx.msk [tilespmem:v38+s15+$0x0], $0xffff  }
0x1a1: {  	v43 =	vadd.s32 v32, v44;
	v34 =	vadd.f32 v35, v34;
	v35 =	vmul.f32 v37, v41;
	v37 =	vld.idx.msk [tilespmem:v38+s14+$0x0], $0xffff  }
0x1a2: {  	v38 =	vld.idx.msk [tilespmem:v40+s15+$0x0], $0xffff  }
0x1a3: {  	s0 =	sadd.s32 $0xFFFFFFFF, s28;
	v41 =	vadd.s32 v31, v44;
	v34 =	vadd.f32 v35, v34;
	v35 =	vmul.f32 v39, v46;
	v39 =	vld.idx.msk [tilespmem:v40+s14+$0x0], $0xffff  }
0x1a4: {  	v45 =	vshrl.u32 v45, $0x3;
	v46 =	vmov s0;
	v40 =	vld.idx.msk [tilespmem:v48+s15+$0x0], $0xffff  }
0x1a5: {  	s30 =	sadd.s32 $0xFFFFFFFD, s28;
	s31 =	sadd.s32 $0xFFFFFFFE, s28;
	v49 =	vadd.s32 v30, v44;
	s0 =	sadd.s32 $0xFFFFFFF9, s28;
	v48 =	vld.idx.msk [tilespmem:v48+s14+$0x0], $0xffff;
	v34 =	vadd.f32 v35, v34;
	v35 =	vmul.f32 v36, v47  }
0x1a6: {  	v50 =	vmov s30;
	v51 =	vmov s31;
	v47 =	vmov s0;
	v36 =	vld.idx.msk [tilespmem:v43+s15+$0x0], $0xffff  }
0x1a7: {  	s30 =	sadd.s32 $0xFFFFFFFC, s28;
	v52 =	vadd.s32 v29, v44;
	s0 =	sadd.s32 $0xFFFFFFFA, s28;
	v43 =	vld.idx.msk [tilespmem:v43+s14+$0x0], $0xffff;
	v34 =	vadd.f32 v35, v34;
	v35 =	vmul.f32 v37, v42  }
0x1a8: {  	v53 =	vmov s30;
	v42 =	vshrl.u32 v47, $0x3;
	v47 =	vmov s0;
	v37 =	vld.idx.msk [tilespmem:v41+s15+$0x0], $0xffff  }
0x1a9: {  	v54 =	vadd.s32 v28, v44;
	s0 =	sadd.s32 $0xFFFFFFFB, s28;
	s28 =	smov.u32 s29;
	v41 =	vld.idx.msk [tilespmem:v41+s14+$0x0], $0xffff;
	v34 =	vadd.f32 v35, v34;
	v35 =	vmul.f32 v39, v38  }
0x1aa: {  	v39 =	vshll.u32 v42, v2;
	v42 =	vshrl.u32 v47, $0x3;
	v47 =	vmov s0;
	v38 =	vld.idx.msk [tilespmem:v49+s15+$0x0], $0xffff  }
0x1ab: {  	v40 =	vmul.f32 v48, v40;
	v48 =	vld.idx.msk [tilespmem:v49+s14+$0x0], $0xffff;
	v49 =	vadd.s32 v27, v44;
	v34 =	vadd.f32 v35, v34  }
0x1ac: {  	v39 =	vbroadcast v39, $0x0;
	v42 =	vshll.u32 v42, v2;
	v47 =	vshrl.u32 v47, $0x3;
	v35 =	vld.idx.msk [tilespmem:v52+s15+$0x0], $0xffff  }
0x1ad: {  	v36 =	vmul.f32 v43, v36;
	v43 =	vadd.s32 v26, v44;
	v34 =	vadd.f32 v40, v34;
	v40 =	vld.idx.msk [tilespmem:v52+s14+$0x0], $0xffff  }
0x1ae: {  	v42 =	vbroadcast v42, $0x0;
	v47 =	vshll.u32 v47, v2;
	v52 =	vshrl.u32 v53, $0x3;
	v44 =	vld.idx.msk [tilespmem:v54+s15+$0x0], $0xffff  }
0x1af: {  	v39 =	vadd.s32 v33, v39;
	v34 =	vadd.f32 v36, v34;
	v36 =	vmul.f32 v41, v37;
	v37 =	vld.idx.msk [tilespmem:v54+s14+$0x0], $0xffff  }
0x1b0: {  	v50 =	vshrl.u32 v50, $0x3;
	v47 =	vbroadcast v47, $0x0;
	v52 =	vshll.u32 v52, v2;
	v41 =	vld.idx.msk [tilespmem:v49+s15+$0x0], $0xffff  }
0x1b1: {  	v42 =	vadd.s32 v32, v42;
	v34 =	vadd.f32 v36, v34;
	v36 =	vmul.f32 v48, v38;
	v48 =	vld.idx.msk [tilespmem:v49+s14+$0x0], $0xffff  }
0x1b2: {  	v51 =	vshrl.u32 v51, $0x3;
	v50 =	vshll.u32 v50, v2;
	v38 =	vbroadcast v52, $0x0;
	v49 =	vld.idx.msk [tilespmem:v43+s15+$0x0], $0xffff  }
0x1b3: {  	v52 =	vadd.s32 v31, v47;
	v35 =	vmul.f32 v40, v35;
	v36 =	vadd.f32 v36, v34;
	v43 =	vld.idx.msk [tilespmem:v43+s14+$0x0], $0xffff  }
0x1b4: {  	v46 =	vshrl.u32 v46, $0x3;
	v47 =	vbroadcast v50, $0x0;
	v40 =	vshll.u32 v51, v2;
	v34 =	vld.idx.msk [tilespmem:v39+s15+$0x0], $0xffff  }
0x1b5: {  	s0 =	sadd.s32 $0xFFFFFFF1, s29;
	v38 =	vadd.s32 v30, v38;
	v44 =	vmul.f32 v37, v44;
	v36 =	vadd.f32 v35, v36;
	v37 =	vld.idx.msk [tilespmem:v39+s14+$0x0], $0xffff  }
.Ltmp8:
0x1b6: {  	v46 =	vshll.u32 v46, v2;
	v50 =	vmov s0;
	v51 =	vbroadcast v40, $0x0;
	v35 =	vld.idx.msk [tilespmem:v42+s15+$0x0], $0xffff;
	(pc) =	sbr.rel @p0 .LBB2_10-.Ltmp8, $4  }
0x1b7: {  	v39 =	vadd.s32 v29, v47;
	v41 =	vmul.f32 v48, v41;
	v53 =	vadd.f32 v44, v36;
	v40 =	vld.idx.msk [tilespmem:v42+s14+$0x0], $0xffff  }
0x1b8: {  	v45 =	vshll.u32 v45, v2;
	v50 =	vshrl.u32 v50, $0x3;
	v44 =	vbroadcast v46, $0x0;
	v36 =	vld.idx.msk [tilespmem:v52+s15+$0x0], $0xffff  }
0x1b9: {  	v42 =	vadd.s32 v28, v51;
	v48 =	vmul.f32 v43, v49;
	v47 =	vadd.f32 v41, v53;
	v43 =	vld.idx.msk [tilespmem:v52+s14+$0x0], $0xffff  }
0x1ba: {  	v45 =	vbroadcast v45, $0x0;
	s29 =	sadd.s32 $0x10, s29;
	v46 =	vshll.u32 v50, v2;
	v41 =	vld.idx.msk [tilespmem:v38+s15+$0x0], $0xffff  }
0x1bb: {  	_ =	sdelay $0x2  }
0x1bc: {  	v47 =	vadd.f32 v48, v47;
	v34 =	vmul.f32 v37, v34  }
0x1bd: {  	v59 =	vld.idx.msk [tilespmem:v38+s14+$0x0], $0xffff;
	v60 =	vadd.s32 v27, v44  }
0x1be: {  	v61 =	vld.idx.msk [tilespmem:v39+s15+$0x0], $0xffff;
	v35 =	vmul.f32 v40, v35;
	v34 =	vadd.f32 v34, v47  }
0x1bf: {  	v62 =	vld.idx.msk [tilespmem:v39+s14+$0x0], $0xffff;
	v40 =	vbroadcast v46, $0x0;
	v45 =	vadd.s32 v26, v45  }
0x1c0: {  	v63 =	vld.idx.msk [tilespmem:v42+s15+$0x0], $0xffff;
	v47 =	vmul.f32 v43, v36;
	v34 =	vadd.f32 v35, v34  }
0x1c1: {  	v49 =	vld.idx.msk [tilespmem:v42+s14+$0x0], $0xffff;
	v48 =	vor.u32 v33, v40  }
0x1c2: {  	v50 =	vld.idx.msk [tilespmem:v60+s15+$0x0], $0xffff;
	v51 =	vmul.f32 v59, v41;
	v34 =	vadd.f32 v47, v34  }
0x1c3: {  	v52 =	vadd.s32 v32, v40;
	v38 =	vld.idx.msk [tilespmem:v60+s14+$0x0], $0xffff  }
0x1c4: {  	v54 =	vmul.f32 v62, v61;
	v53 =	vld.idx.msk [tilespmem:v45+s15+$0x0], $0xffff;
	v34 =	vadd.f32 v51, v34  }
0x1c5: {  	v55 =	vadd.s32 v31, v40;
	v56 =	vld.idx.msk [tilespmem:v45+s14+$0x0], $0xffff  }
0x1c6: {  	v57 =	vmul.f32 v49, v63;
	v45 =	vld.idx.msk [tilespmem:v48+s15+$0x0], $0xffff;
	v34 =	vadd.f32 v54, v34  }
0x1c7: {  	v58 =	vadd.s32 v30, v40;
	v36 =	vld.idx.msk [tilespmem:v48+s14+$0x0], $0xffff  }
0x1c8: {  	s29 =	sadd.s32 $0xFFFFFFF9, s28;
	s30 =	sadd.s32 $0xFFFFFFFD, s28;
	v46 =	vmov s28;
	v59 =	vld.idx.msk [tilespmem:v52+s15+$0x0], $0xffff;
	v60 =	vmul.f32 v38, v50;
	v34 =	vadd.f32 v57, v34  }
0x1c9: {  	v61 =	vmov s29;
	v62 =	vadd.s32 v29, v40;
	v49 =	vmov s30;
	v37 =	vld.idx.msk [tilespmem:v52+s14+$0x0], $0xffff  }
0x1ca: {  	s29 =	sadd.s32 $0xFFFFFFFE, s28;
	v43 =	vshrl.u32 v61, $0x3;
	v39 =	vld.idx.msk [tilespmem:v55+s14+$0x0], $0xffff;
	v63 =	vmul.f32 v56, v53;
	v34 =	vadd.f32 v60, v34  }
0x1cb: {  	v41 =	vmov s29;
	v43 =	vshll.u32 v43, v2;
	v50 =	vld.idx.msk [tilespmem:v55+s15+$0x0], $0xffff;
	v56 =	vadd.s32 v28, v40  }
0x1cc: {  	s31 =	sadd.s32 $0xFFFFFFFA, s28;
	v41 =	vshrl.u32 v41, $0x3;
	v52 =	vld.idx.msk [tilespmem:v58+s15+$0x0], $0xffff;
	v36 =	vmul.f32 v36, v45;
	v34 =	vadd.f32 v63, v34  }
0x1cd: {  	v51 =	vmov s31;
	v42 =	vld.idx.msk [tilespmem:v58+s14+$0x0], $0xffff;
	v58 =	vadd.s32 v27, v40;
	v43 =	vbroadcast v43, $0x0  }
0x1ce: {  	v51 =	vshrl.u32 v51, $0x3;
	v61 =	vld.idx.msk [tilespmem:v62+s14+$0x0], $0xffff;
	v59 =	vmul.f32 v37, v59;
	v34 =	vadd.f32 v36, v34  }
0x1cf: {  	s30 =	sadd.s32 $0xFFFFFFFB, s28;
	v54 =	vadd.s32 v33, v43;
	v53 =	vld.idx.msk [tilespmem:v62+s15+$0x0], $0xffff;
	v40 =	vadd.s32 v26, v40;
	v62 =	vshll.u32 v51, v2  }
0x1d0: {  	s29 =	sadd.s32 $0xFFFFFFFC, s28;
	v60 =	vmov s30;
	v51 =	vld.idx.msk [tilespmem:v56+s15+$0x0], $0xffff;
	v63 =	vmul.f32 v39, v50;
	v34 =	vadd.f32 v59, v34  }
0x1d1: {  	v57 =	vmov s29;
	v37 =	vshrl.u32 v60, $0x3;
	v50 =	vbroadcast v62, $0x0;
	v44 =	vld.idx.msk [tilespmem:v56+s14+$0x0], $0xffff  }
0x1d2: {  	v55 =	vld.idx.msk [tilespmem:v58+s15+$0x0], $0xffff;
	v37 =	vshll.u32 v37, v2;
	v56 =	vmul.f32 v42, v52;
	v34 =	vadd.f32 v63, v34  }
0x1d3: {  	v35 =	vshrl.u32 v57, $0x3;
	v57 =	vld.idx.msk [tilespmem:v58+s14+$0x0], $0xffff;
	v37 =	vbroadcast v37, $0x0;
	v58 =	vadd.s32 v32, v50  }
0x1d4: {  	v35 =	vshll.u32 v35, v2;
	v60 =	vmul.f32 v61, v53;
	v59 =	vld.idx.msk [tilespmem:v40+s15+$0x0], $0xffff;
	v34 =	vadd.f32 v56, v34  }
0x1d5: {  	v35 =	vbroadcast v35, $0x0;
	v61 =	vshrl.u32 v49, $0x3;
	v31 =	vadd.s32 v31, v37;
	v40 =	vld.idx.msk [tilespmem:v40+s14+$0x0], $0xffff  }
0x1d6: {  	v33 =	vld.idx.msk [tilespmem:v54+s14+$0x0], $0xffff;
	v62 =	vshll.u32 v61, v2;
	v44 =	vmul.f32 v44, v51;
	v34 =	vadd.f32 v60, v34  }
0x1d7: {  	s0 =	sadd.s32 $0xFFFFFFFF, s28;
	v47 =	vshll.u32 v41, v2;
	v30 =	vadd.s32 v30, v35;
	v37 =	vbroadcast v62, $0x0;
	v63 =	vld.idx.msk [tilespmem:v54+s15+$0x0], $0xffff  }
0x1d8: {  	v38 =	vmov s0;
	v49 =	vmul.f32 v57, v55;
	v48 =	vld.idx.msk [tilespmem:v58+s15+$0x0], $0xffff;
	v34 =	vadd.f32 v44, v34  }
0x1d9: {  	v38 =	vshrl.u32 v38, $0x3;
	v35 =	vbroadcast v47, $0x0;
	v29 =	vadd.s32 v29, v37;
	v32 =	vld.idx.msk [tilespmem:v58+s14+$0x0], $0xffff  }
0x1da: {  	v50 =	vshll.u32 v38, v2;
	v51 =	vld.idx.msk [tilespmem:v31+s15+$0x0], $0xffff;
	v52 =	vmul.f32 v40, v59;
	v34 =	vadd.f32 v49, v34  }
0x1db: {  	v53 =	vshrl.u32 v46, $0x3;
	v28 =	vadd.s32 v28, v35;
	v37 =	vbroadcast v50, $0x0;
	v31 =	vld.idx.msk [tilespmem:v31+s14+$0x0], $0xffff  }
0x1dc: {  	v54 =	vshll.u32 v53, v2;
	v55 =	vld.idx.msk [tilespmem:v30+s15+$0x0], $0xffff;
	v33 =	vmul.f32 v33, v63;
	v34 =	vadd.f32 v52, v34  }
0x1dd: {  	v30 =	vld.idx.msk [tilespmem:v30+s14+$0x0], $0xffff;
	v35 =	vbroadcast v54, $0x0;
	v27 =	vadd.s32 v27, v37  }
0x1de: {  	v56 =	vld.idx.msk [tilespmem:v29+s15+$0x0], $0xffff;
	v32 =	vmul.f32 v32, v48;
	v33 =	vadd.f32 v33, v34  }
0x1df: {  	v26 =	vadd.s32 v26, v35;
	v29 =	vld.idx.msk [tilespmem:v29+s14+$0x0], $0xffff  }
0x1e0: {  	v57 =	vld.idx.msk [tilespmem:v28+s15+$0x0], $0xffff;
	v31 =	vmul.f32 v31, v51;
	v32 =	vadd.f32 v32, v33  }
0x1e1: {  	v28 =	vld.idx.msk [tilespmem:v28+s14+$0x0], $0xffff  }
0x1e2: {  	v30 =	vmul.f32 v30, v55;
	v58 =	vld.idx.msk [tilespmem:v27+s15+$0x0], $0xffff;
	v31 =	vadd.f32 v31, v32  }
0x1e3: {  	v27 =	vld.idx.msk [tilespmem:v27+s14+$0x0], $0xffff  }
0x1e4: {  	v59 =	vld.idx.msk [tilespmem:v26+s15+$0x0], $0xffff;
	v29 =	vmul.f32 v29, v56;
	v30 =	vadd.f32 v30, v31  }
0x1e5: {  	s31 =	simm.s32 $0x0;
	v26 =	vld.idx.msk [tilespmem:v26+s14+$0x0], $0xffff  }
0x1e6: {  	v28 =	vmul.f32 v28, v57;
	v29 =	vadd.f32 v29, v30;
	v30 =	vmov s31  }
0x1e7: {  	v30 =	vshrl.u32 v30, $0x3  }
0x1e8: {  	v27 =	vmul.f32 v27, v58;
	v28 =	vadd.f32 v28, v29;
	v29 =	vshll.u32 v30, v2  }
0x1e9: {  	v30 =	vld [tilespmem:$0x10180];
	v34 =	vbroadcast v29, $0x0  }
0x1ea: {  	v26 =	vmul.f32 v26, v59;
	v33 =	vor.u32 $0x4000, v0;
	v27 =	vadd.f32 v27, v28  }
0x1eb: {  	v28 =	vor.u32 v33, v34  }
0x1ec: {  	v32 =	vor.u32 $0x4001, v0;
	v26 =	vadd.f32 v26, v27  }
0x1ed: {  	v60 =	vadd.s32 v32, v34  }
0x1ee: {  	v31 =	vor.u32 $0x4002, v0;
	[tilespmem:$0x10130] =	vst v26;
	v26 =	vmax.f32 v30, v26  }
0x1ef: {  	s28 =	simm.s32 $0xC;
	s30 =	simm.s32 $0xF;
	v61 =	vadd.s32 v31, v34;
	[tilespmem:$0x10180] =	vst v26  }
0x1f0: {  	s29 =	simm.s32 $0xD;
	v39 =	vmov s30;
	v46 =	vmov s28;
	v29 =	vor.u32 $0x4004, v0;
	v62 =	vld.idx.msk [tilespmem:v28+s15+$0x0], $0xffff  }
0x1f1: {  	s30 =	simm.s32 $0x8;
	v47 =	vmov s29;
	v57 =	vadd.s32 v29, v34;
	v30 =	vor.u32 $0x4003, v0;
	v63 =	vld.idx.msk [tilespmem:v28+s14+$0x0], $0xffff  }
0x1f2: {  	v46 =	vshrl.u32 v46, $0x3;
	v58 =	vmov s30;
	v56 =	vadd.s32 v30, v34;
	v42 =	vld.idx.msk [tilespmem:v60+s15+$0x0], $0xffff  }
0x1f3: {  	v38 =	vimm.f32 $0.0e+00;
	v46 =	vshll.u32 v46, v2;
	v45 =	vshrl.u32 v58, $0x3;
	s31 =	simm.s32 $0xE;
	v35 =	vld.idx.msk [tilespmem:v60+s14+$0x0], $0xffff  }
0x1f4: {  	v45 =	vshll.u32 v45, v2;
	v43 =	vmov s31;
	s31 =	simm.s32 $0x9;
	v28 =	vor.u32 $0x4005, v0;
	v48 =	vld.idx.msk [tilespmem:v61+s15+$0x0], $0xffff  }
0x1f5: {  	s30 =	simm.s32 $0xA;
	v45 =	vbroadcast v45, $0x0;
	v59 =	vmov s31;
	v36 =	vld.idx.msk [tilespmem:v61+s14+$0x0], $0xffff;
	v50 =	vadd.s32 v28, v34  }
0x1f6: {  	v49 =	vshrl.u32 v59, $0x3;
	v27 =	vor.u32 $0x4006, v0;
	v61 =	vmov s30;
	v54 =	vld.idx.msk [tilespmem:v57+s15+$0x0], $0xffff  }
0x1f7: {  	v53 =	vshrl.u32 v61, $0x3;
	v52 =	vld.idx.msk [tilespmem:v56+s15+$0x0], $0xffff;
	v37 =	vmul.f32 v63, v62;
	v63 =	vadd.s32 v27, v34  }
0x1f8: {  	v49 =	vshll.u32 v49, v2;
	v26 =	vor.u32 $0x4007, v0;
	v59 =	vshll.u32 v53, v2;
	v62 =	vld.idx.msk [tilespmem:v56+s14+$0x0], $0xffff  }
0x1f9: {  	v57 =	vld.idx.msk [tilespmem:v57+s14+$0x0], $0xffff;
	v35 =	vmul.f32 v35, v42;
	v34 =	vadd.s32 v26, v34;
	v37 =	vadd.f32 v37, v38  }
0x1fa: {  	v47 =	vshrl.u32 v47, $0x3;
	v58 =	vbroadcast v49, $0x0;
	v49 =	vbroadcast v59, $0x0;
	v42 =	vld.idx.msk [tilespmem:v50+s15+$0x0], $0xffff  }
0x1fb: {  	s28 =	simm.s32 $0xB;
	v45 =	vadd.s32 v33, v45;
	v36 =	vmul.f32 v36, v48;
	v35 =	vadd.f32 v35, v37;
	v37 =	vld.idx.msk [tilespmem:v50+s14+$0x0], $0xffff  }
0x1fc: {  	v43 =	vshrl.u32 v43, $0x3;
	v60 =	vmov s28;
	v49 =	vadd.s32 v31, v49;
	v48 =	vld.idx.msk [tilespmem:v63+s15+$0x0], $0xffff  }
0x1fd: {  	v51 =	vshrl.u32 v60, $0x3;
	v61 =	vmul.f32 v62, v52;
	v40 =	vld.idx.msk [tilespmem:v63+s14+$0x0], $0xffff;
	v35 =	vadd.f32 v36, v35  }
0x1fe: {  	v43 =	vshll.u32 v43, v2;
	v41 =	vadd.s32 v32, v58;
	v60 =	vshll.u32 v51, v2;
	v51 =	vld.idx.msk [tilespmem:v34+s15+$0x0], $0xffff  }
0x1ff: {  	v62 =	vbroadcast v60, $0x0;
	v63 =	vmul.f32 v57, v54;
	v56 =	vld.idx.msk [tilespmem:v34+s14+$0x0], $0xffff;
	v35 =	vadd.f32 v61, v35  }
0x200: {  	v44 =	vbroadcast v43, $0x0;
	v58 =	vbroadcast v46, $0x0;
	v59 =	vshll.u32 v47, v2;
	v34 =	vld.idx.msk [tilespmem:v45+s15+$0x0], $0xffff  }
0x201: {  	s31 =	simm.s32 $0x10;
	v43 =	vld.idx.msk [tilespmem:v49+s14+$0x0], $0xffff;
	v38 =	vadd.s32 v30, v62;
	v42 =	vmul.f32 v37, v42;
	v36 =	vadd.f32 v63, v35  }
0x202: {  	v57 =	vshrl.u32 v39, $0x3;
	v60 =	vmov s31;
	v39 =	vadd.s32 v29, v58;
	v37 =	vld.idx.msk [tilespmem:v45+s14+$0x0], $0xffff  }
0x203: {  	v61 =	vbroadcast v59, $0x0;
	v35 =	vld.idx.msk [tilespmem:v41+s15+$0x0], $0xffff;
	v62 =	vmul.f32 v40, v48;
	v42 =	vadd.f32 v42, v36  }
0x204: {  	v52 =	vshll.u32 v57, v2;
	v40 =	vld.idx.msk [tilespmem:v41+s14+$0x0], $0xffff;
	v63 =	vshrl.u32 v60, $0x3  }
0x205: {  	v48 =	vmul.f32 v56, v51;
	v36 =	vld.idx.msk [tilespmem:v49+s15+$0x0], $0xffff;
	v47 =	vadd.f32 v62, v42;
	v42 =	vadd.s32 v28, v61  }
0x206: {  	s29 =	simm.s32 $0x2F;
	s28 =	simm.s32 $0x1F;
	v45 =	vbroadcast v52, $0x0;
	v46 =	vshll.u32 v63, v2;
	v41 =	vld.idx.msk [tilespmem:v38+s15+$0x0], $0xffff  }
.LBB2_12:
0x207: {  	p0 =	sne.s32 s29, $0xFF;
	v47 =	vadd.f32 v48, v47;
	v34 =	vmul.f32 v37, v34;
	v37 =	vld.idx.msk [tilespmem:v38+s14+$0x0], $0xffff;
	v38 =	vadd.s32 v27, v44  }
0x208: {  	v44 =	vbroadcast v46, $0x0;
	v46 =	vld.idx.msk [tilespmem:v39+s15+$0x0], $0xffff  }
0x209: {  	v35 =	vmul.f32 v40, v35;
	v40 =	vadd.s32 v26, v45;
	v34 =	vadd.f32 v34, v47;
	v39 =	vld.idx.msk [tilespmem:v39+s14+$0x0], $0xffff  }
0x20a: {  	v45 =	vmov s28;
	v47 =	vld.idx.msk [tilespmem:v42+s15+$0x0], $0xffff  }
0x20b: {  	v48 =	vor.u32 v33, v44;
	v34 =	vadd.f32 v35, v34;
	v35 =	vmul.f32 v43, v36;
	v36 =	vld.idx.msk [tilespmem:v42+s14+$0x0], $0xffff  }
0x20c: {  	v42 =	vld.idx.msk [tilespmem:v38+s15+$0x0], $0xffff  }
0x20d: {  	v43 =	vadd.s32 v32, v44;
	v34 =	vadd.f32 v35, v34;
	v35 =	vmul.f32 v37, v41;
	v37 =	vld.idx.msk [tilespmem:v38+s14+$0x0], $0xffff  }
0x20e: {  	v38 =	vld.idx.msk [tilespmem:v40+s15+$0x0], $0xffff  }
0x20f: {  	s0 =	sadd.s32 $0xFFFFFFFF, s28;
	v41 =	vadd.s32 v31, v44;
	v34 =	vadd.f32 v35, v34;
	v35 =	vmul.f32 v39, v46;
	v39 =	vld.idx.msk [tilespmem:v40+s14+$0x0], $0xffff  }
0x210: {  	v45 =	vshrl.u32 v45, $0x3;
	v46 =	vmov s0;
	v40 =	vld.idx.msk [tilespmem:v48+s15+$0x0], $0xffff  }
0x211: {  	s30 =	sadd.s32 $0xFFFFFFFD, s28;
	s31 =	sadd.s32 $0xFFFFFFFE, s28;
	v49 =	vadd.s32 v30, v44;
	s0 =	sadd.s32 $0xFFFFFFF9, s28;
	v48 =	vld.idx.msk [tilespmem:v48+s14+$0x0], $0xffff;
	v34 =	vadd.f32 v35, v34;
	v35 =	vmul.f32 v36, v47  }
0x212: {  	v50 =	vmov s30;
	v51 =	vmov s31;
	v47 =	vmov s0;
	v36 =	vld.idx.msk [tilespmem:v43+s15+$0x0], $0xffff  }
0x213: {  	s30 =	sadd.s32 $0xFFFFFFFC, s28;
	v52 =	vadd.s32 v29, v44;
	s0 =	sadd.s32 $0xFFFFFFFA, s28;
	v43 =	vld.idx.msk [tilespmem:v43+s14+$0x0], $0xffff;
	v34 =	vadd.f32 v35, v34;
	v35 =	vmul.f32 v37, v42  }
0x214: {  	v53 =	vmov s30;
	v42 =	vshrl.u32 v47, $0x3;
	v47 =	vmov s0;
	v37 =	vld.idx.msk [tilespmem:v41+s15+$0x0], $0xffff  }
0x215: {  	v54 =	vadd.s32 v28, v44;
	s0 =	sadd.s32 $0xFFFFFFFB, s28;
	s28 =	smov.u32 s29;
	v41 =	vld.idx.msk [tilespmem:v41+s14+$0x0], $0xffff;
	v34 =	vadd.f32 v35, v34;
	v35 =	vmul.f32 v39, v38  }
0x216: {  	v39 =	vshll.u32 v42, v2;
	v42 =	vshrl.u32 v47, $0x3;
	v47 =	vmov s0;
	v38 =	vld.idx.msk [tilespmem:v49+s15+$0x0], $0xffff  }
0x217: {  	v40 =	vmul.f32 v48, v40;
	v48 =	vld.idx.msk [tilespmem:v49+s14+$0x0], $0xffff;
	v49 =	vadd.s32 v27, v44;
	v34 =	vadd.f32 v35, v34  }
0x218: {  	v39 =	vbroadcast v39, $0x0;
	v42 =	vshll.u32 v42, v2;
	v47 =	vshrl.u32 v47, $0x3;
	v35 =	vld.idx.msk [tilespmem:v52+s15+$0x0], $0xffff  }
0x219: {  	v36 =	vmul.f32 v43, v36;
	v43 =	vadd.s32 v26, v44;
	v34 =	vadd.f32 v40, v34;
	v40 =	vld.idx.msk [tilespmem:v52+s14+$0x0], $0xffff  }
0x21a: {  	v42 =	vbroadcast v42, $0x0;
	v47 =	vshll.u32 v47, v2;
	v52 =	vshrl.u32 v53, $0x3;
	v44 =	vld.idx.msk [tilespmem:v54+s15+$0x0], $0xffff  }
0x21b: {  	v39 =	vadd.s32 v33, v39;
	v34 =	vadd.f32 v36, v34;
	v36 =	vmul.f32 v41, v37;
	v37 =	vld.idx.msk [tilespmem:v54+s14+$0x0], $0xffff  }
0x21c: {  	v50 =	vshrl.u32 v50, $0x3;
	v47 =	vbroadcast v47, $0x0;
	v52 =	vshll.u32 v52, v2;
	v41 =	vld.idx.msk [tilespmem:v49+s15+$0x0], $0xffff  }
0x21d: {  	v42 =	vadd.s32 v32, v42;
	v34 =	vadd.f32 v36, v34;
	v36 =	vmul.f32 v48, v38;
	v48 =	vld.idx.msk [tilespmem:v49+s14+$0x0], $0xffff  }
0x21e: {  	v51 =	vshrl.u32 v51, $0x3;
	v50 =	vshll.u32 v50, v2;
	v38 =	vbroadcast v52, $0x0;
	v49 =	vld.idx.msk [tilespmem:v43+s15+$0x0], $0xffff  }
0x21f: {  	v52 =	vadd.s32 v31, v47;
	v35 =	vmul.f32 v40, v35;
	v36 =	vadd.f32 v36, v34;
	v43 =	vld.idx.msk [tilespmem:v43+s14+$0x0], $0xffff  }
0x220: {  	v46 =	vshrl.u32 v46, $0x3;
	v47 =	vbroadcast v50, $0x0;
	v40 =	vshll.u32 v51, v2;
	v34 =	vld.idx.msk [tilespmem:v39+s15+$0x0], $0xffff  }
0x221: {  	s0 =	sadd.s32 $0xFFFFFFF1, s29;
	v38 =	vadd.s32 v30, v38;
	v44 =	vmul.f32 v37, v44;
	v36 =	vadd.f32 v35, v36;
	v37 =	vld.idx.msk [tilespmem:v39+s14+$0x0], $0xffff  }
.Ltmp9:
0x222: {  	v46 =	vshll.u32 v46, v2;
	v50 =	vmov s0;
	v51 =	vbroadcast v40, $0x0;
	v35 =	vld.idx.msk [tilespmem:v42+s15+$0x0], $0xffff;
	(pc) =	sbr.rel @p0 .LBB2_12-.Ltmp9, $4  }
0x223: {  	v39 =	vadd.s32 v29, v47;
	v41 =	vmul.f32 v48, v41;
	v53 =	vadd.f32 v44, v36;
	v40 =	vld.idx.msk [tilespmem:v42+s14+$0x0], $0xffff  }
0x224: {  	v45 =	vshll.u32 v45, v2;
	v50 =	vshrl.u32 v50, $0x3;
	v44 =	vbroadcast v46, $0x0;
	v36 =	vld.idx.msk [tilespmem:v52+s15+$0x0], $0xffff  }
0x225: {  	v42 =	vadd.s32 v28, v51;
	v48 =	vmul.f32 v43, v49;
	v47 =	vadd.f32 v41, v53;
	v43 =	vld.idx.msk [tilespmem:v52+s14+$0x0], $0xffff  }
0x226: {  	v45 =	vbroadcast v45, $0x0;
	s29 =	sadd.s32 $0x10, s29;
	v46 =	vshll.u32 v50, v2;
	v41 =	vld.idx.msk [tilespmem:v38+s15+$0x0], $0xffff  }
0x227: {  	_ =	sdelay $0x2  }
0x228: {  	v47 =	vadd.f32 v48, v47;
	v34 =	vmul.f32 v37, v34  }
0x229: {  	v59 =	vld.idx.msk [tilespmem:v38+s14+$0x0], $0xffff;
	v60 =	vadd.s32 v27, v44  }
0x22a: {  	v61 =	vld.idx.msk [tilespmem:v39+s15+$0x0], $0xffff;
	v35 =	vmul.f32 v40, v35;
	v34 =	vadd.f32 v34, v47  }
0x22b: {  	v62 =	vld.idx.msk [tilespmem:v39+s14+$0x0], $0xffff;
	v40 =	vbroadcast v46, $0x0;
	v45 =	vadd.s32 v26, v45  }
0x22c: {  	v63 =	vld.idx.msk [tilespmem:v42+s15+$0x0], $0xffff;
	v47 =	vmul.f32 v43, v36;
	v34 =	vadd.f32 v35, v34  }
0x22d: {  	v49 =	vld.idx.msk [tilespmem:v42+s14+$0x0], $0xffff;
	v48 =	vor.u32 v33, v40  }
0x22e: {  	v50 =	vld.idx.msk [tilespmem:v60+s15+$0x0], $0xffff;
	v51 =	vmul.f32 v59, v41;
	v34 =	vadd.f32 v47, v34  }
0x22f: {  	v52 =	vadd.s32 v32, v40;
	v38 =	vld.idx.msk [tilespmem:v60+s14+$0x0], $0xffff  }
0x230: {  	v54 =	vmul.f32 v62, v61;
	v53 =	vld.idx.msk [tilespmem:v45+s15+$0x0], $0xffff;
	v34 =	vadd.f32 v51, v34  }
0x231: {  	v55 =	vadd.s32 v31, v40;
	v56 =	vld.idx.msk [tilespmem:v45+s14+$0x0], $0xffff  }
0x232: {  	v57 =	vmul.f32 v49, v63;
	v45 =	vld.idx.msk [tilespmem:v48+s15+$0x0], $0xffff;
	v34 =	vadd.f32 v54, v34  }
0x233: {  	v58 =	vadd.s32 v30, v40;
	v36 =	vld.idx.msk [tilespmem:v48+s14+$0x0], $0xffff  }
0x234: {  	s29 =	sadd.s32 $0xFFFFFFF9, s28;
	s30 =	sadd.s32 $0xFFFFFFFD, s28;
	v46 =	vmov s28;
	v59 =	vld.idx.msk [tilespmem:v52+s15+$0x0], $0xffff;
	v60 =	vmul.f32 v38, v50;
	v34 =	vadd.f32 v57, v34  }
0x235: {  	v61 =	vmov s29;
	v62 =	vadd.s32 v29, v40;
	v49 =	vmov s30;
	v37 =	vld.idx.msk [tilespmem:v52+s14+$0x0], $0xffff  }
0x236: {  	s29 =	sadd.s32 $0xFFFFFFFE, s28;
	v43 =	vshrl.u32 v61, $0x3;
	v39 =	vld.idx.msk [tilespmem:v55+s14+$0x0], $0xffff;
	v63 =	vmul.f32 v56, v53;
	v34 =	vadd.f32 v60, v34  }
0x237: {  	v41 =	vmov s29;
	v43 =	vshll.u32 v43, v2;
	v50 =	vld.idx.msk [tilespmem:v55+s15+$0x0], $0xffff;
	v56 =	vadd.s32 v28, v40  }
0x238: {  	s31 =	sadd.s32 $0xFFFFFFFA, s28;
	v41 =	vshrl.u32 v41, $0x3;
	v52 =	vld.idx.msk [tilespmem:v58+s15+$0x0], $0xffff;
	v36 =	vmul.f32 v36, v45;
	v34 =	vadd.f32 v63, v34  }
0x239: {  	v51 =	vmov s31;
	v42 =	vld.idx.msk [tilespmem:v58+s14+$0x0], $0xffff;
	v58 =	vadd.s32 v27, v40;
	v43 =	vbroadcast v43, $0x0  }
0x23a: {  	v51 =	vshrl.u32 v51, $0x3;
	v61 =	vld.idx.msk [tilespmem:v62+s14+$0x0], $0xffff;
	v59 =	vmul.f32 v37, v59;
	v34 =	vadd.f32 v36, v34  }
0x23b: {  	s30 =	sadd.s32 $0xFFFFFFFB, s28;
	v54 =	vadd.s32 v33, v43;
	v53 =	vld.idx.msk [tilespmem:v62+s15+$0x0], $0xffff;
	v40 =	vadd.s32 v26, v40;
	v62 =	vshll.u32 v51, v2  }
0x23c: {  	s29 =	sadd.s32 $0xFFFFFFFC, s28;
	v60 =	vmov s30;
	v51 =	vld.idx.msk [tilespmem:v56+s15+$0x0], $0xffff;
	v63 =	vmul.f32 v39, v50;
	v34 =	vadd.f32 v59, v34  }
0x23d: {  	v57 =	vmov s29;
	v37 =	vshrl.u32 v60, $0x3;
	v50 =	vbroadcast v62, $0x0;
	v44 =	vld.idx.msk [tilespmem:v56+s14+$0x0], $0xffff  }
0x23e: {  	v55 =	vld.idx.msk [tilespmem:v58+s15+$0x0], $0xffff;
	v37 =	vshll.u32 v37, v2;
	v56 =	vmul.f32 v42, v52;
	v34 =	vadd.f32 v63, v34  }
0x23f: {  	v35 =	vshrl.u32 v57, $0x3;
	v57 =	vld.idx.msk [tilespmem:v58+s14+$0x0], $0xffff;
	v37 =	vbroadcast v37, $0x0;
	v58 =	vadd.s32 v32, v50  }
0x240: {  	v35 =	vshll.u32 v35, v2;
	v60 =	vmul.f32 v61, v53;
	v59 =	vld.idx.msk [tilespmem:v40+s15+$0x0], $0xffff;
	v34 =	vadd.f32 v56, v34  }
0x241: {  	v35 =	vbroadcast v35, $0x0;
	v61 =	vshrl.u32 v49, $0x3;
	v31 =	vadd.s32 v31, v37;
	v40 =	vld.idx.msk [tilespmem:v40+s14+$0x0], $0xffff  }
0x242: {  	v33 =	vld.idx.msk [tilespmem:v54+s14+$0x0], $0xffff;
	v62 =	vshll.u32 v61, v2;
	v44 =	vmul.f32 v44, v51;
	v34 =	vadd.f32 v60, v34  }
0x243: {  	s0 =	sadd.s32 $0xFFFFFFFF, s28;
	v47 =	vshll.u32 v41, v2;
	v30 =	vadd.s32 v30, v35;
	v37 =	vbroadcast v62, $0x0;
	v63 =	vld.idx.msk [tilespmem:v54+s15+$0x0], $0xffff  }
0x244: {  	v38 =	vmov s0;
	v49 =	vmul.f32 v57, v55;
	v48 =	vld.idx.msk [tilespmem:v58+s15+$0x0], $0xffff;
	v34 =	vadd.f32 v44, v34  }
0x245: {  	v38 =	vshrl.u32 v38, $0x3;
	v35 =	vbroadcast v47, $0x0;
	v29 =	vadd.s32 v29, v37;
	v32 =	vld.idx.msk [tilespmem:v58+s14+$0x0], $0xffff  }
0x246: {  	v50 =	vshll.u32 v38, v2;
	v51 =	vld.idx.msk [tilespmem:v31+s15+$0x0], $0xffff;
	v52 =	vmul.f32 v40, v59;
	v34 =	vadd.f32 v49, v34  }
0x247: {  	v53 =	vshrl.u32 v46, $0x3;
	v28 =	vadd.s32 v28, v35;
	v37 =	vbroadcast v50, $0x0;
	v31 =	vld.idx.msk [tilespmem:v31+s14+$0x0], $0xffff  }
0x248: {  	v54 =	vshll.u32 v53, v2;
	v55 =	vld.idx.msk [tilespmem:v30+s15+$0x0], $0xffff;
	v33 =	vmul.f32 v33, v63;
	v34 =	vadd.f32 v52, v34  }
0x249: {  	v30 =	vld.idx.msk [tilespmem:v30+s14+$0x0], $0xffff;
	v35 =	vbroadcast v54, $0x0;
	v27 =	vadd.s32 v27, v37  }
0x24a: {  	v56 =	vld.idx.msk [tilespmem:v29+s15+$0x0], $0xffff;
	v32 =	vmul.f32 v32, v48;
	v33 =	vadd.f32 v33, v34  }
0x24b: {  	v26 =	vadd.s32 v26, v35;
	v29 =	vld.idx.msk [tilespmem:v29+s14+$0x0], $0xffff  }
0x24c: {  	v57 =	vld.idx.msk [tilespmem:v28+s15+$0x0], $0xffff;
	v31 =	vmul.f32 v31, v51;
	v32 =	vadd.f32 v32, v33  }
0x24d: {  	v28 =	vld.idx.msk [tilespmem:v28+s14+$0x0], $0xffff  }
0x24e: {  	v30 =	vmul.f32 v30, v55;
	v58 =	vld.idx.msk [tilespmem:v27+s15+$0x0], $0xffff;
	v31 =	vadd.f32 v31, v32  }
0x24f: {  	v27 =	vld.idx.msk [tilespmem:v27+s14+$0x0], $0xffff  }
0x250: {  	v59 =	vld.idx.msk [tilespmem:v26+s15+$0x0], $0xffff;
	v29 =	vmul.f32 v29, v56;
	v30 =	vadd.f32 v30, v31  }
0x251: {  	s31 =	simm.s32 $0x0;
	v26 =	vld.idx.msk [tilespmem:v26+s14+$0x0], $0xffff  }
0x252: {  	v28 =	vmul.f32 v28, v57;
	v29 =	vadd.f32 v29, v30;
	v30 =	vmov s31  }
0x253: {  	v30 =	vshrl.u32 v30, $0x3  }
0x254: {  	v27 =	vmul.f32 v27, v58;
	v28 =	vadd.f32 v28, v29;
	v29 =	vshll.u32 v30, v2  }
0x255: {  	v30 =	vld [tilespmem:$0x10180];
	v34 =	vbroadcast v29, $0x0  }
0x256: {  	v26 =	vmul.f32 v26, v59;
	v33 =	vor.u32 $0x5000, v0;
	v27 =	vadd.f32 v27, v28  }
0x257: {  	v28 =	vor.u32 v33, v34  }
0x258: {  	v32 =	vor.u32 $0x5001, v0;
	v26 =	vadd.f32 v26, v27  }
0x259: {  	v60 =	vadd.s32 v32, v34  }
0x25a: {  	v31 =	vor.u32 $0x5002, v0;
	[tilespmem:$0x10140] =	vst v26;
	v26 =	vmax.f32 v30, v26  }
0x25b: {  	s28 =	simm.s32 $0xC;
	s30 =	simm.s32 $0xF;
	v61 =	vadd.s32 v31, v34;
	[tilespmem:$0x10180] =	vst v26  }
0x25c: {  	s29 =	simm.s32 $0xD;
	v39 =	vmov s30;
	v46 =	vmov s28;
	v29 =	vor.u32 $0x5004, v0;
	v62 =	vld.idx.msk [tilespmem:v28+s15+$0x0], $0xffff  }
0x25d: {  	s30 =	simm.s32 $0x8;
	v47 =	vmov s29;
	v57 =	vadd.s32 v29, v34;
	v30 =	vor.u32 $0x5003, v0;
	v63 =	vld.idx.msk [tilespmem:v28+s14+$0x0], $0xffff  }
0x25e: {  	v46 =	vshrl.u32 v46, $0x3;
	v58 =	vmov s30;
	v56 =	vadd.s32 v30, v34;
	v42 =	vld.idx.msk [tilespmem:v60+s15+$0x0], $0xffff  }
0x25f: {  	v38 =	vimm.f32 $0.0e+00;
	v46 =	vshll.u32 v46, v2;
	v45 =	vshrl.u32 v58, $0x3;
	s31 =	simm.s32 $0xE;
	v35 =	vld.idx.msk [tilespmem:v60+s14+$0x0], $0xffff  }
0x260: {  	v45 =	vshll.u32 v45, v2;
	v43 =	vmov s31;
	s31 =	simm.s32 $0x9;
	v28 =	vor.u32 $0x5005, v0;
	v48 =	vld.idx.msk [tilespmem:v61+s15+$0x0], $0xffff  }
0x261: {  	s30 =	simm.s32 $0xA;
	v45 =	vbroadcast v45, $0x0;
	v59 =	vmov s31;
	v36 =	vld.idx.msk [tilespmem:v61+s14+$0x0], $0xffff;
	v50 =	vadd.s32 v28, v34  }
0x262: {  	v49 =	vshrl.u32 v59, $0x3;
	v27 =	vor.u32 $0x5006, v0;
	v61 =	vmov s30;
	v54 =	vld.idx.msk [tilespmem:v57+s15+$0x0], $0xffff  }
0x263: {  	v53 =	vshrl.u32 v61, $0x3;
	v52 =	vld.idx.msk [tilespmem:v56+s15+$0x0], $0xffff;
	v37 =	vmul.f32 v63, v62;
	v63 =	vadd.s32 v27, v34  }
0x264: {  	v49 =	vshll.u32 v49, v2;
	v26 =	vor.u32 $0x5007, v0;
	v59 =	vshll.u32 v53, v2;
	v62 =	vld.idx.msk [tilespmem:v56+s14+$0x0], $0xffff  }
0x265: {  	v57 =	vld.idx.msk [tilespmem:v57+s14+$0x0], $0xffff;
	v35 =	vmul.f32 v35, v42;
	v34 =	vadd.s32 v26, v34;
	v37 =	vadd.f32 v37, v38  }
0x266: {  	v47 =	vshrl.u32 v47, $0x3;
	v58 =	vbroadcast v49, $0x0;
	v49 =	vbroadcast v59, $0x0;
	v42 =	vld.idx.msk [tilespmem:v50+s15+$0x0], $0xffff  }
0x267: {  	s28 =	simm.s32 $0xB;
	v45 =	vadd.s32 v33, v45;
	v36 =	vmul.f32 v36, v48;
	v35 =	vadd.f32 v35, v37;
	v37 =	vld.idx.msk [tilespmem:v50+s14+$0x0], $0xffff  }
0x268: {  	v43 =	vshrl.u32 v43, $0x3;
	v60 =	vmov s28;
	v49 =	vadd.s32 v31, v49;
	v48 =	vld.idx.msk [tilespmem:v63+s15+$0x0], $0xffff  }
0x269: {  	v51 =	vshrl.u32 v60, $0x3;
	v61 =	vmul.f32 v62, v52;
	v40 =	vld.idx.msk [tilespmem:v63+s14+$0x0], $0xffff;
	v35 =	vadd.f32 v36, v35  }
0x26a: {  	v43 =	vshll.u32 v43, v2;
	v41 =	vadd.s32 v32, v58;
	v60 =	vshll.u32 v51, v2;
	v51 =	vld.idx.msk [tilespmem:v34+s15+$0x0], $0xffff  }
0x26b: {  	v62 =	vbroadcast v60, $0x0;
	v63 =	vmul.f32 v57, v54;
	v56 =	vld.idx.msk [tilespmem:v34+s14+$0x0], $0xffff;
	v35 =	vadd.f32 v61, v35  }
0x26c: {  	v44 =	vbroadcast v43, $0x0;
	v58 =	vbroadcast v46, $0x0;
	v59 =	vshll.u32 v47, v2;
	v34 =	vld.idx.msk [tilespmem:v45+s15+$0x0], $0xffff  }
0x26d: {  	s31 =	simm.s32 $0x10;
	v43 =	vld.idx.msk [tilespmem:v49+s14+$0x0], $0xffff;
	v38 =	vadd.s32 v30, v62;
	v42 =	vmul.f32 v37, v42;
	v36 =	vadd.f32 v63, v35  }
0x26e: {  	v57 =	vshrl.u32 v39, $0x3;
	v60 =	vmov s31;
	v39 =	vadd.s32 v29, v58;
	v37 =	vld.idx.msk [tilespmem:v45+s14+$0x0], $0xffff  }
0x26f: {  	v61 =	vbroadcast v59, $0x0;
	v35 =	vld.idx.msk [tilespmem:v41+s15+$0x0], $0xffff;
	v62 =	vmul.f32 v40, v48;
	v42 =	vadd.f32 v42, v36  }
0x270: {  	v52 =	vshll.u32 v57, v2;
	v40 =	vld.idx.msk [tilespmem:v41+s14+$0x0], $0xffff;
	v63 =	vshrl.u32 v60, $0x3  }
0x271: {  	v48 =	vmul.f32 v56, v51;
	v36 =	vld.idx.msk [tilespmem:v49+s15+$0x0], $0xffff;
	v47 =	vadd.f32 v62, v42;
	v42 =	vadd.s32 v28, v61  }
0x272: {  	s29 =	simm.s32 $0x2F;
	s28 =	simm.s32 $0x1F;
	v45 =	vbroadcast v52, $0x0;
	v46 =	vshll.u32 v63, v2;
	v41 =	vld.idx.msk [tilespmem:v38+s15+$0x0], $0xffff  }
.LBB2_14:
0x273: {  	p0 =	sne.s32 s29, $0xFF;
	v47 =	vadd.f32 v48, v47;
	v34 =	vmul.f32 v37, v34;
	v37 =	vld.idx.msk [tilespmem:v38+s14+$0x0], $0xffff;
	v38 =	vadd.s32 v27, v44  }
0x274: {  	v44 =	vbroadcast v46, $0x0;
	v46 =	vld.idx.msk [tilespmem:v39+s15+$0x0], $0xffff  }
0x275: {  	v35 =	vmul.f32 v40, v35;
	v40 =	vadd.s32 v26, v45;
	v34 =	vadd.f32 v34, v47;
	v39 =	vld.idx.msk [tilespmem:v39+s14+$0x0], $0xffff  }
0x276: {  	v45 =	vmov s28;
	v47 =	vld.idx.msk [tilespmem:v42+s15+$0x0], $0xffff  }
0x277: {  	v48 =	vor.u32 v33, v44;
	v34 =	vadd.f32 v35, v34;
	v35 =	vmul.f32 v43, v36;
	v36 =	vld.idx.msk [tilespmem:v42+s14+$0x0], $0xffff  }
0x278: {  	v42 =	vld.idx.msk [tilespmem:v38+s15+$0x0], $0xffff  }
0x279: {  	v43 =	vadd.s32 v32, v44;
	v34 =	vadd.f32 v35, v34;
	v35 =	vmul.f32 v37, v41;
	v37 =	vld.idx.msk [tilespmem:v38+s14+$0x0], $0xffff  }
0x27a: {  	v38 =	vld.idx.msk [tilespmem:v40+s15+$0x0], $0xffff  }
0x27b: {  	s0 =	sadd.s32 $0xFFFFFFFF, s28;
	v41 =	vadd.s32 v31, v44;
	v34 =	vadd.f32 v35, v34;
	v35 =	vmul.f32 v39, v46;
	v39 =	vld.idx.msk [tilespmem:v40+s14+$0x0], $0xffff  }
0x27c: {  	v45 =	vshrl.u32 v45, $0x3;
	v46 =	vmov s0;
	v40 =	vld.idx.msk [tilespmem:v48+s15+$0x0], $0xffff  }
0x27d: {  	s30 =	sadd.s32 $0xFFFFFFFD, s28;
	s31 =	sadd.s32 $0xFFFFFFFE, s28;
	v49 =	vadd.s32 v30, v44;
	s0 =	sadd.s32 $0xFFFFFFF9, s28;
	v48 =	vld.idx.msk [tilespmem:v48+s14+$0x0], $0xffff;
	v34 =	vadd.f32 v35, v34;
	v35 =	vmul.f32 v36, v47  }
0x27e: {  	v50 =	vmov s30;
	v51 =	vmov s31;
	v47 =	vmov s0;
	v36 =	vld.idx.msk [tilespmem:v43+s15+$0x0], $0xffff  }
0x27f: {  	s30 =	sadd.s32 $0xFFFFFFFC, s28;
	v52 =	vadd.s32 v29, v44;
	s0 =	sadd.s32 $0xFFFFFFFA, s28;
	v43 =	vld.idx.msk [tilespmem:v43+s14+$0x0], $0xffff;
	v34 =	vadd.f32 v35, v34;
	v35 =	vmul.f32 v37, v42  }
0x280: {  	v53 =	vmov s30;
	v42 =	vshrl.u32 v47, $0x3;
	v47 =	vmov s0;
	v37 =	vld.idx.msk [tilespmem:v41+s15+$0x0], $0xffff  }
0x281: {  	v54 =	vadd.s32 v28, v44;
	s0 =	sadd.s32 $0xFFFFFFFB, s28;
	s28 =	smov.u32 s29;
	v41 =	vld.idx.msk [tilespmem:v41+s14+$0x0], $0xffff;
	v34 =	vadd.f32 v35, v34;
	v35 =	vmul.f32 v39, v38  }
0x282: {  	v39 =	vshll.u32 v42, v2;
	v42 =	vshrl.u32 v47, $0x3;
	v47 =	vmov s0;
	v38 =	vld.idx.msk [tilespmem:v49+s15+$0x0], $0xffff  }
0x283: {  	v40 =	vmul.f32 v48, v40;
	v48 =	vld.idx.msk [tilespmem:v49+s14+$0x0], $0xffff;
	v49 =	vadd.s32 v27, v44;
	v34 =	vadd.f32 v35, v34  }
0x284: {  	v39 =	vbroadcast v39, $0x0;
	v42 =	vshll.u32 v42, v2;
	v47 =	vshrl.u32 v47, $0x3;
	v35 =	vld.idx.msk [tilespmem:v52+s15+$0x0], $0xffff  }
0x285: {  	v36 =	vmul.f32 v43, v36;
	v43 =	vadd.s32 v26, v44;
	v34 =	vadd.f32 v40, v34;
	v40 =	vld.idx.msk [tilespmem:v52+s14+$0x0], $0xffff  }
0x286: {  	v42 =	vbroadcast v42, $0x0;
	v47 =	vshll.u32 v47, v2;
	v52 =	vshrl.u32 v53, $0x3;
	v44 =	vld.idx.msk [tilespmem:v54+s15+$0x0], $0xffff  }
0x287: {  	v39 =	vadd.s32 v33, v39;
	v34 =	vadd.f32 v36, v34;
	v36 =	vmul.f32 v41, v37;
	v37 =	vld.idx.msk [tilespmem:v54+s14+$0x0], $0xffff  }
0x288: {  	v50 =	vshrl.u32 v50, $0x3;
	v47 =	vbroadcast v47, $0x0;
	v52 =	vshll.u32 v52, v2;
	v41 =	vld.idx.msk [tilespmem:v49+s15+$0x0], $0xffff  }
0x289: {  	v42 =	vadd.s32 v32, v42;
	v34 =	vadd.f32 v36, v34;
	v36 =	vmul.f32 v48, v38;
	v48 =	vld.idx.msk [tilespmem:v49+s14+$0x0], $0xffff  }
0x28a: {  	v51 =	vshrl.u32 v51, $0x3;
	v50 =	vshll.u32 v50, v2;
	v38 =	vbroadcast v52, $0x0;
	v49 =	vld.idx.msk [tilespmem:v43+s15+$0x0], $0xffff  }
0x28b: {  	v52 =	vadd.s32 v31, v47;
	v35 =	vmul.f32 v40, v35;
	v36 =	vadd.f32 v36, v34;
	v43 =	vld.idx.msk [tilespmem:v43+s14+$0x0], $0xffff  }
0x28c: {  	v46 =	vshrl.u32 v46, $0x3;
	v47 =	vbroadcast v50, $0x0;
	v40 =	vshll.u32 v51, v2;
	v34 =	vld.idx.msk [tilespmem:v39+s15+$0x0], $0xffff  }
0x28d: {  	s0 =	sadd.s32 $0xFFFFFFF1, s29;
	v38 =	vadd.s32 v30, v38;
	v44 =	vmul.f32 v37, v44;
	v36 =	vadd.f32 v35, v36;
	v37 =	vld.idx.msk [tilespmem:v39+s14+$0x0], $0xffff  }
.Ltmp10:
0x28e: {  	v46 =	vshll.u32 v46, v2;
	v50 =	vmov s0;
	v51 =	vbroadcast v40, $0x0;
	v35 =	vld.idx.msk [tilespmem:v42+s15+$0x0], $0xffff;
	(pc) =	sbr.rel @p0 .LBB2_14-.Ltmp10, $4  }
0x28f: {  	v39 =	vadd.s32 v29, v47;
	v41 =	vmul.f32 v48, v41;
	v53 =	vadd.f32 v44, v36;
	v40 =	vld.idx.msk [tilespmem:v42+s14+$0x0], $0xffff  }
0x290: {  	v45 =	vshll.u32 v45, v2;
	v50 =	vshrl.u32 v50, $0x3;
	v44 =	vbroadcast v46, $0x0;
	v36 =	vld.idx.msk [tilespmem:v52+s15+$0x0], $0xffff  }
0x291: {  	v42 =	vadd.s32 v28, v51;
	v48 =	vmul.f32 v43, v49;
	v47 =	vadd.f32 v41, v53;
	v43 =	vld.idx.msk [tilespmem:v52+s14+$0x0], $0xffff  }
0x292: {  	v45 =	vbroadcast v45, $0x0;
	s29 =	sadd.s32 $0x10, s29;
	v46 =	vshll.u32 v50, v2;
	v41 =	vld.idx.msk [tilespmem:v38+s15+$0x0], $0xffff  }
0x293: {  	_ =	sdelay $0x2  }
0x294: {  	v47 =	vadd.f32 v48, v47;
	v34 =	vmul.f32 v37, v34  }
0x295: {  	v59 =	vld.idx.msk [tilespmem:v38+s14+$0x0], $0xffff;
	v60 =	vadd.s32 v27, v44  }
0x296: {  	v61 =	vld.idx.msk [tilespmem:v39+s15+$0x0], $0xffff;
	v35 =	vmul.f32 v40, v35;
	v34 =	vadd.f32 v34, v47  }
0x297: {  	v62 =	vld.idx.msk [tilespmem:v39+s14+$0x0], $0xffff;
	v40 =	vbroadcast v46, $0x0;
	v45 =	vadd.s32 v26, v45  }
0x298: {  	v63 =	vld.idx.msk [tilespmem:v42+s15+$0x0], $0xffff;
	v47 =	vmul.f32 v43, v36;
	v34 =	vadd.f32 v35, v34  }
0x299: {  	v49 =	vld.idx.msk [tilespmem:v42+s14+$0x0], $0xffff;
	v48 =	vor.u32 v33, v40  }
0x29a: {  	v50 =	vld.idx.msk [tilespmem:v60+s15+$0x0], $0xffff;
	v51 =	vmul.f32 v59, v41;
	v34 =	vadd.f32 v47, v34  }
0x29b: {  	v52 =	vadd.s32 v32, v40;
	v38 =	vld.idx.msk [tilespmem:v60+s14+$0x0], $0xffff  }
0x29c: {  	v54 =	vmul.f32 v62, v61;
	v53 =	vld.idx.msk [tilespmem:v45+s15+$0x0], $0xffff;
	v34 =	vadd.f32 v51, v34  }
0x29d: {  	v55 =	vadd.s32 v31, v40;
	v56 =	vld.idx.msk [tilespmem:v45+s14+$0x0], $0xffff  }
0x29e: {  	v57 =	vmul.f32 v49, v63;
	v45 =	vld.idx.msk [tilespmem:v48+s15+$0x0], $0xffff;
	v34 =	vadd.f32 v54, v34  }
0x29f: {  	v58 =	vadd.s32 v30, v40;
	v36 =	vld.idx.msk [tilespmem:v48+s14+$0x0], $0xffff  }
0x2a0: {  	s29 =	sadd.s32 $0xFFFFFFF9, s28;
	s30 =	sadd.s32 $0xFFFFFFFD, s28;
	v46 =	vmov s28;
	v59 =	vld.idx.msk [tilespmem:v52+s15+$0x0], $0xffff;
	v60 =	vmul.f32 v38, v50;
	v34 =	vadd.f32 v57, v34  }
0x2a1: {  	v61 =	vmov s29;
	v62 =	vadd.s32 v29, v40;
	v49 =	vmov s30;
	v37 =	vld.idx.msk [tilespmem:v52+s14+$0x0], $0xffff  }
0x2a2: {  	s29 =	sadd.s32 $0xFFFFFFFE, s28;
	v43 =	vshrl.u32 v61, $0x3;
	v39 =	vld.idx.msk [tilespmem:v55+s14+$0x0], $0xffff;
	v63 =	vmul.f32 v56, v53;
	v34 =	vadd.f32 v60, v34  }
0x2a3: {  	v41 =	vmov s29;
	v43 =	vshll.u32 v43, v2;
	v50 =	vld.idx.msk [tilespmem:v55+s15+$0x0], $0xffff;
	v56 =	vadd.s32 v28, v40  }
0x2a4: {  	s31 =	sadd.s32 $0xFFFFFFFA, s28;
	v41 =	vshrl.u32 v41, $0x3;
	v52 =	vld.idx.msk [tilespmem:v58+s15+$0x0], $0xffff;
	v36 =	vmul.f32 v36, v45;
	v34 =	vadd.f32 v63, v34  }
0x2a5: {  	v51 =	vmov s31;
	v42 =	vld.idx.msk [tilespmem:v58+s14+$0x0], $0xffff;
	v58 =	vadd.s32 v27, v40;
	v43 =	vbroadcast v43, $0x0  }
0x2a6: {  	v51 =	vshrl.u32 v51, $0x3;
	v61 =	vld.idx.msk [tilespmem:v62+s14+$0x0], $0xffff;
	v59 =	vmul.f32 v37, v59;
	v34 =	vadd.f32 v36, v34  }
0x2a7: {  	s30 =	sadd.s32 $0xFFFFFFFB, s28;
	v54 =	vadd.s32 v33, v43;
	v53 =	vld.idx.msk [tilespmem:v62+s15+$0x0], $0xffff;
	v40 =	vadd.s32 v26, v40;
	v62 =	vshll.u32 v51, v2  }
0x2a8: {  	s29 =	sadd.s32 $0xFFFFFFFC, s28;
	v60 =	vmov s30;
	v51 =	vld.idx.msk [tilespmem:v56+s15+$0x0], $0xffff;
	v63 =	vmul.f32 v39, v50;
	v34 =	vadd.f32 v59, v34  }
0x2a9: {  	v57 =	vmov s29;
	v37 =	vshrl.u32 v60, $0x3;
	v50 =	vbroadcast v62, $0x0;
	v44 =	vld.idx.msk [tilespmem:v56+s14+$0x0], $0xffff  }
0x2aa: {  	v55 =	vld.idx.msk [tilespmem:v58+s15+$0x0], $0xffff;
	v37 =	vshll.u32 v37, v2;
	v56 =	vmul.f32 v42, v52;
	v34 =	vadd.f32 v63, v34  }
0x2ab: {  	v35 =	vshrl.u32 v57, $0x3;
	v57 =	vld.idx.msk [tilespmem:v58+s14+$0x0], $0xffff;
	v37 =	vbroadcast v37, $0x0;
	v58 =	vadd.s32 v32, v50  }
0x2ac: {  	v35 =	vshll.u32 v35, v2;
	v60 =	vmul.f32 v61, v53;
	v59 =	vld.idx.msk [tilespmem:v40+s15+$0x0], $0xffff;
	v34 =	vadd.f32 v56, v34  }
0x2ad: {  	v35 =	vbroadcast v35, $0x0;
	v61 =	vshrl.u32 v49, $0x3;
	v31 =	vadd.s32 v31, v37;
	v40 =	vld.idx.msk [tilespmem:v40+s14+$0x0], $0xffff  }
0x2ae: {  	v33 =	vld.idx.msk [tilespmem:v54+s14+$0x0], $0xffff;
	v62 =	vshll.u32 v61, v2;
	v44 =	vmul.f32 v44, v51;
	v34 =	vadd.f32 v60, v34  }
0x2af: {  	s0 =	sadd.s32 $0xFFFFFFFF, s28;
	v47 =	vshll.u32 v41, v2;
	v30 =	vadd.s32 v30, v35;
	v37 =	vbroadcast v62, $0x0;
	v63 =	vld.idx.msk [tilespmem:v54+s15+$0x0], $0xffff  }
0x2b0: {  	v38 =	vmov s0;
	v49 =	vmul.f32 v57, v55;
	v48 =	vld.idx.msk [tilespmem:v58+s15+$0x0], $0xffff;
	v34 =	vadd.f32 v44, v34  }
0x2b1: {  	v38 =	vshrl.u32 v38, $0x3;
	v35 =	vbroadcast v47, $0x0;
	v29 =	vadd.s32 v29, v37;
	v32 =	vld.idx.msk [tilespmem:v58+s14+$0x0], $0xffff  }
0x2b2: {  	v50 =	vshll.u32 v38, v2;
	v51 =	vld.idx.msk [tilespmem:v31+s15+$0x0], $0xffff;
	v52 =	vmul.f32 v40, v59;
	v34 =	vadd.f32 v49, v34  }
0x2b3: {  	v53 =	vshrl.u32 v46, $0x3;
	v28 =	vadd.s32 v28, v35;
	v37 =	vbroadcast v50, $0x0;
	v31 =	vld.idx.msk [tilespmem:v31+s14+$0x0], $0xffff  }
0x2b4: {  	v54 =	vshll.u32 v53, v2;
	v55 =	vld.idx.msk [tilespmem:v30+s15+$0x0], $0xffff;
	v33 =	vmul.f32 v33, v63;
	v34 =	vadd.f32 v52, v34  }
0x2b5: {  	v30 =	vld.idx.msk [tilespmem:v30+s14+$0x0], $0xffff;
	v35 =	vbroadcast v54, $0x0;
	v27 =	vadd.s32 v27, v37  }
0x2b6: {  	v56 =	vld.idx.msk [tilespmem:v29+s15+$0x0], $0xffff;
	v32 =	vmul.f32 v32, v48;
	v33 =	vadd.f32 v33, v34  }
0x2b7: {  	v26 =	vadd.s32 v26, v35;
	v29 =	vld.idx.msk [tilespmem:v29+s14+$0x0], $0xffff  }
0x2b8: {  	v57 =	vld.idx.msk [tilespmem:v28+s15+$0x0], $0xffff;
	v31 =	vmul.f32 v31, v51;
	v32 =	vadd.f32 v32, v33  }
0x2b9: {  	v28 =	vld.idx.msk [tilespmem:v28+s14+$0x0], $0xffff  }
0x2ba: {  	v30 =	vmul.f32 v30, v55;
	v58 =	vld.idx.msk [tilespmem:v27+s15+$0x0], $0xffff;
	v31 =	vadd.f32 v31, v32  }
0x2bb: {  	v27 =	vld.idx.msk [tilespmem:v27+s14+$0x0], $0xffff  }
0x2bc: {  	v59 =	vld.idx.msk [tilespmem:v26+s15+$0x0], $0xffff;
	v29 =	vmul.f32 v29, v56;
	v30 =	vadd.f32 v30, v31  }
0x2bd: {  	s31 =	simm.s32 $0x0;
	v26 =	vld.idx.msk [tilespmem:v26+s14+$0x0], $0xffff  }
0x2be: {  	v28 =	vmul.f32 v28, v57;
	v29 =	vadd.f32 v29, v30;
	v30 =	vmov s31  }
0x2bf: {  	v30 =	vshrl.u32 v30, $0x3  }
0x2c0: {  	v27 =	vmul.f32 v27, v58;
	v28 =	vadd.f32 v28, v29;
	v29 =	vshll.u32 v30, v2  }
0x2c1: {  	v30 =	vld [tilespmem:$0x10180];
	v34 =	vbroadcast v29, $0x0  }
0x2c2: {  	v26 =	vmul.f32 v26, v59;
	v33 =	vor.u32 $0x6000, v0;
	v27 =	vadd.f32 v27, v28  }
0x2c3: {  	v28 =	vor.u32 v33, v34  }
0x2c4: {  	v32 =	vor.u32 $0x6001, v0;
	v26 =	vadd.f32 v26, v27  }
0x2c5: {  	v60 =	vadd.s32 v32, v34  }
0x2c6: {  	v31 =	vor.u32 $0x6002, v0;
	[tilespmem:$0x10150] =	vst v26;
	v26 =	vmax.f32 v30, v26  }
0x2c7: {  	s28 =	simm.s32 $0xC;
	s30 =	simm.s32 $0xF;
	v61 =	vadd.s32 v31, v34;
	[tilespmem:$0x10180] =	vst v26  }
0x2c8: {  	s29 =	simm.s32 $0xD;
	v39 =	vmov s30;
	v46 =	vmov s28;
	v29 =	vor.u32 $0x6004, v0;
	v62 =	vld.idx.msk [tilespmem:v28+s15+$0x0], $0xffff  }
0x2c9: {  	s30 =	simm.s32 $0x8;
	v47 =	vmov s29;
	v57 =	vadd.s32 v29, v34;
	v30 =	vor.u32 $0x6003, v0;
	v63 =	vld.idx.msk [tilespmem:v28+s14+$0x0], $0xffff  }
0x2ca: {  	v46 =	vshrl.u32 v46, $0x3;
	v58 =	vmov s30;
	v56 =	vadd.s32 v30, v34;
	v42 =	vld.idx.msk [tilespmem:v60+s15+$0x0], $0xffff  }
0x2cb: {  	v38 =	vimm.f32 $0.0e+00;
	v46 =	vshll.u32 v46, v2;
	v45 =	vshrl.u32 v58, $0x3;
	s31 =	simm.s32 $0xE;
	v35 =	vld.idx.msk [tilespmem:v60+s14+$0x0], $0xffff  }
0x2cc: {  	v45 =	vshll.u32 v45, v2;
	v43 =	vmov s31;
	s31 =	simm.s32 $0x9;
	v28 =	vor.u32 $0x6005, v0;
	v48 =	vld.idx.msk [tilespmem:v61+s15+$0x0], $0xffff  }
0x2cd: {  	s30 =	simm.s32 $0xA;
	v45 =	vbroadcast v45, $0x0;
	v59 =	vmov s31;
	v36 =	vld.idx.msk [tilespmem:v61+s14+$0x0], $0xffff;
	v50 =	vadd.s32 v28, v34  }
0x2ce: {  	v49 =	vshrl.u32 v59, $0x3;
	v27 =	vor.u32 $0x6006, v0;
	v61 =	vmov s30;
	v54 =	vld.idx.msk [tilespmem:v57+s15+$0x0], $0xffff  }
0x2cf: {  	v53 =	vshrl.u32 v61, $0x3;
	v52 =	vld.idx.msk [tilespmem:v56+s15+$0x0], $0xffff;
	v37 =	vmul.f32 v63, v62;
	v63 =	vadd.s32 v27, v34  }
0x2d0: {  	v49 =	vshll.u32 v49, v2;
	v26 =	vor.u32 $0x6007, v0;
	v59 =	vshll.u32 v53, v2;
	v62 =	vld.idx.msk [tilespmem:v56+s14+$0x0], $0xffff  }
0x2d1: {  	v57 =	vld.idx.msk [tilespmem:v57+s14+$0x0], $0xffff;
	v35 =	vmul.f32 v35, v42;
	v34 =	vadd.s32 v26, v34;
	v37 =	vadd.f32 v37, v38  }
0x2d2: {  	v47 =	vshrl.u32 v47, $0x3;
	v58 =	vbroadcast v49, $0x0;
	v49 =	vbroadcast v59, $0x0;
	v42 =	vld.idx.msk [tilespmem:v50+s15+$0x0], $0xffff  }
0x2d3: {  	s28 =	simm.s32 $0xB;
	v45 =	vadd.s32 v33, v45;
	v36 =	vmul.f32 v36, v48;
	v35 =	vadd.f32 v35, v37;
	v37 =	vld.idx.msk [tilespmem:v50+s14+$0x0], $0xffff  }
0x2d4: {  	v43 =	vshrl.u32 v43, $0x3;
	v60 =	vmov s28;
	v49 =	vadd.s32 v31, v49;
	v48 =	vld.idx.msk [tilespmem:v63+s15+$0x0], $0xffff  }
0x2d5: {  	v51 =	vshrl.u32 v60, $0x3;
	v61 =	vmul.f32 v62, v52;
	v40 =	vld.idx.msk [tilespmem:v63+s14+$0x0], $0xffff;
	v35 =	vadd.f32 v36, v35  }
0x2d6: {  	v43 =	vshll.u32 v43, v2;
	v41 =	vadd.s32 v32, v58;
	v60 =	vshll.u32 v51, v2;
	v51 =	vld.idx.msk [tilespmem:v34+s15+$0x0], $0xffff  }
0x2d7: {  	v62 =	vbroadcast v60, $0x0;
	v63 =	vmul.f32 v57, v54;
	v56 =	vld.idx.msk [tilespmem:v34+s14+$0x0], $0xffff;
	v35 =	vadd.f32 v61, v35  }
0x2d8: {  	v44 =	vbroadcast v43, $0x0;
	v58 =	vbroadcast v46, $0x0;
	v59 =	vshll.u32 v47, v2;
	v34 =	vld.idx.msk [tilespmem:v45+s15+$0x0], $0xffff  }
0x2d9: {  	s31 =	simm.s32 $0x10;
	v43 =	vld.idx.msk [tilespmem:v49+s14+$0x0], $0xffff;
	v38 =	vadd.s32 v30, v62;
	v42 =	vmul.f32 v37, v42;
	v36 =	vadd.f32 v63, v35  }
0x2da: {  	v57 =	vshrl.u32 v39, $0x3;
	v60 =	vmov s31;
	v39 =	vadd.s32 v29, v58;
	v37 =	vld.idx.msk [tilespmem:v45+s14+$0x0], $0xffff  }
0x2db: {  	v61 =	vbroadcast v59, $0x0;
	v35 =	vld.idx.msk [tilespmem:v41+s15+$0x0], $0xffff;
	v62 =	vmul.f32 v40, v48;
	v42 =	vadd.f32 v42, v36  }
0x2dc: {  	v52 =	vshll.u32 v57, v2;
	v40 =	vld.idx.msk [tilespmem:v41+s14+$0x0], $0xffff;
	v63 =	vshrl.u32 v60, $0x3  }
0x2dd: {  	v48 =	vmul.f32 v56, v51;
	v36 =	vld.idx.msk [tilespmem:v49+s15+$0x0], $0xffff;
	v47 =	vadd.f32 v62, v42;
	v42 =	vadd.s32 v28, v61  }
0x2de: {  	s29 =	simm.s32 $0x2F;
	s28 =	simm.s32 $0x1F;
	v45 =	vbroadcast v52, $0x0;
	v46 =	vshll.u32 v63, v2;
	v41 =	vld.idx.msk [tilespmem:v38+s15+$0x0], $0xffff  }
.LBB2_16:
0x2df: {  	p0 =	sne.s32 s29, $0xFF;
	v47 =	vadd.f32 v48, v47;
	v34 =	vmul.f32 v37, v34;
	v37 =	vld.idx.msk [tilespmem:v38+s14+$0x0], $0xffff;
	v38 =	vadd.s32 v27, v44  }
0x2e0: {  	v44 =	vbroadcast v46, $0x0;
	v46 =	vld.idx.msk [tilespmem:v39+s15+$0x0], $0xffff  }
0x2e1: {  	v35 =	vmul.f32 v40, v35;
	v40 =	vadd.s32 v26, v45;
	v34 =	vadd.f32 v34, v47;
	v39 =	vld.idx.msk [tilespmem:v39+s14+$0x0], $0xffff  }
0x2e2: {  	v45 =	vmov s28;
	v47 =	vld.idx.msk [tilespmem:v42+s15+$0x0], $0xffff  }
0x2e3: {  	v48 =	vor.u32 v33, v44;
	v34 =	vadd.f32 v35, v34;
	v35 =	vmul.f32 v43, v36;
	v36 =	vld.idx.msk [tilespmem:v42+s14+$0x0], $0xffff  }
0x2e4: {  	v42 =	vld.idx.msk [tilespmem:v38+s15+$0x0], $0xffff  }
0x2e5: {  	v43 =	vadd.s32 v32, v44;
	v34 =	vadd.f32 v35, v34;
	v35 =	vmul.f32 v37, v41;
	v37 =	vld.idx.msk [tilespmem:v38+s14+$0x0], $0xffff  }
0x2e6: {  	v38 =	vld.idx.msk [tilespmem:v40+s15+$0x0], $0xffff  }
0x2e7: {  	s0 =	sadd.s32 $0xFFFFFFFF, s28;
	v41 =	vadd.s32 v31, v44;
	v34 =	vadd.f32 v35, v34;
	v35 =	vmul.f32 v39, v46;
	v39 =	vld.idx.msk [tilespmem:v40+s14+$0x0], $0xffff  }
0x2e8: {  	v45 =	vshrl.u32 v45, $0x3;
	v46 =	vmov s0;
	v40 =	vld.idx.msk [tilespmem:v48+s15+$0x0], $0xffff  }
0x2e9: {  	s30 =	sadd.s32 $0xFFFFFFFD, s28;
	s31 =	sadd.s32 $0xFFFFFFFE, s28;
	v49 =	vadd.s32 v30, v44;
	s0 =	sadd.s32 $0xFFFFFFF9, s28;
	v48 =	vld.idx.msk [tilespmem:v48+s14+$0x0], $0xffff;
	v34 =	vadd.f32 v35, v34;
	v35 =	vmul.f32 v36, v47  }
0x2ea: {  	v50 =	vmov s30;
	v51 =	vmov s31;
	v47 =	vmov s0;
	v36 =	vld.idx.msk [tilespmem:v43+s15+$0x0], $0xffff  }
0x2eb: {  	s30 =	sadd.s32 $0xFFFFFFFC, s28;
	v52 =	vadd.s32 v29, v44;
	s0 =	sadd.s32 $0xFFFFFFFA, s28;
	v43 =	vld.idx.msk [tilespmem:v43+s14+$0x0], $0xffff;
	v34 =	vadd.f32 v35, v34;
	v35 =	vmul.f32 v37, v42  }
0x2ec: {  	v53 =	vmov s30;
	v42 =	vshrl.u32 v47, $0x3;
	v47 =	vmov s0;
	v37 =	vld.idx.msk [tilespmem:v41+s15+$0x0], $0xffff  }
0x2ed: {  	v54 =	vadd.s32 v28, v44;
	s0 =	sadd.s32 $0xFFFFFFFB, s28;
	s28 =	smov.u32 s29;
	v41 =	vld.idx.msk [tilespmem:v41+s14+$0x0], $0xffff;
	v34 =	vadd.f32 v35, v34;
	v35 =	vmul.f32 v39, v38  }
0x2ee: {  	v39 =	vshll.u32 v42, v2;
	v42 =	vshrl.u32 v47, $0x3;
	v47 =	vmov s0;
	v38 =	vld.idx.msk [tilespmem:v49+s15+$0x0], $0xffff  }
0x2ef: {  	v40 =	vmul.f32 v48, v40;
	v48 =	vld.idx.msk [tilespmem:v49+s14+$0x0], $0xffff;
	v49 =	vadd.s32 v27, v44;
	v34 =	vadd.f32 v35, v34  }
0x2f0: {  	v39 =	vbroadcast v39, $0x0;
	v42 =	vshll.u32 v42, v2;
	v47 =	vshrl.u32 v47, $0x3;
	v35 =	vld.idx.msk [tilespmem:v52+s15+$0x0], $0xffff  }
0x2f1: {  	v36 =	vmul.f32 v43, v36;
	v43 =	vadd.s32 v26, v44;
	v34 =	vadd.f32 v40, v34;
	v40 =	vld.idx.msk [tilespmem:v52+s14+$0x0], $0xffff  }
0x2f2: {  	v42 =	vbroadcast v42, $0x0;
	v47 =	vshll.u32 v47, v2;
	v52 =	vshrl.u32 v53, $0x3;
	v44 =	vld.idx.msk [tilespmem:v54+s15+$0x0], $0xffff  }
0x2f3: {  	v39 =	vadd.s32 v33, v39;
	v34 =	vadd.f32 v36, v34;
	v36 =	vmul.f32 v41, v37;
	v37 =	vld.idx.msk [tilespmem:v54+s14+$0x0], $0xffff  }
0x2f4: {  	v50 =	vshrl.u32 v50, $0x3;
	v47 =	vbroadcast v47, $0x0;
	v52 =	vshll.u32 v52, v2;
	v41 =	vld.idx.msk [tilespmem:v49+s15+$0x0], $0xffff  }
0x2f5: {  	v42 =	vadd.s32 v32, v42;
	v34 =	vadd.f32 v36, v34;
	v36 =	vmul.f32 v48, v38;
	v48 =	vld.idx.msk [tilespmem:v49+s14+$0x0], $0xffff  }
0x2f6: {  	v51 =	vshrl.u32 v51, $0x3;
	v50 =	vshll.u32 v50, v2;
	v38 =	vbroadcast v52, $0x0;
	v49 =	vld.idx.msk [tilespmem:v43+s15+$0x0], $0xffff  }
0x2f7: {  	v52 =	vadd.s32 v31, v47;
	v35 =	vmul.f32 v40, v35;
	v36 =	vadd.f32 v36, v34;
	v43 =	vld.idx.msk [tilespmem:v43+s14+$0x0], $0xffff  }
0x2f8: {  	v46 =	vshrl.u32 v46, $0x3;
	v47 =	vbroadcast v50, $0x0;
	v40 =	vshll.u32 v51, v2;
	v34 =	vld.idx.msk [tilespmem:v39+s15+$0x0], $0xffff  }
0x2f9: {  	s0 =	sadd.s32 $0xFFFFFFF1, s29;
	v38 =	vadd.s32 v30, v38;
	v44 =	vmul.f32 v37, v44;
	v36 =	vadd.f32 v35, v36;
	v37 =	vld.idx.msk [tilespmem:v39+s14+$0x0], $0xffff  }
.Ltmp11:
0x2fa: {  	v46 =	vshll.u32 v46, v2;
	v50 =	vmov s0;
	v51 =	vbroadcast v40, $0x0;
	v35 =	vld.idx.msk [tilespmem:v42+s15+$0x0], $0xffff;
	(pc) =	sbr.rel @p0 .LBB2_16-.Ltmp11, $4  }
0x2fb: {  	v39 =	vadd.s32 v29, v47;
	v41 =	vmul.f32 v48, v41;
	v53 =	vadd.f32 v44, v36;
	v40 =	vld.idx.msk [tilespmem:v42+s14+$0x0], $0xffff  }
0x2fc: {  	v45 =	vshll.u32 v45, v2;
	v50 =	vshrl.u32 v50, $0x3;
	v44 =	vbroadcast v46, $0x0;
	v36 =	vld.idx.msk [tilespmem:v52+s15+$0x0], $0xffff  }
0x2fd: {  	v42 =	vadd.s32 v28, v51;
	v48 =	vmul.f32 v43, v49;
	v47 =	vadd.f32 v41, v53;
	v43 =	vld.idx.msk [tilespmem:v52+s14+$0x0], $0xffff  }
0x2fe: {  	v45 =	vbroadcast v45, $0x0;
	s29 =	sadd.s32 $0x10, s29;
	v46 =	vshll.u32 v50, v2;
	v41 =	vld.idx.msk [tilespmem:v38+s15+$0x0], $0xffff  }
0x2ff: {  	_ =	sdelay $0x2  }
0x300: {  	v47 =	vadd.f32 v48, v47;
	v34 =	vmul.f32 v37, v34  }
0x301: {  	v59 =	vld.idx.msk [tilespmem:v38+s14+$0x0], $0xffff;
	v60 =	vadd.s32 v27, v44  }
0x302: {  	v61 =	vld.idx.msk [tilespmem:v39+s15+$0x0], $0xffff;
	v35 =	vmul.f32 v40, v35;
	v34 =	vadd.f32 v34, v47  }
0x303: {  	v62 =	vld.idx.msk [tilespmem:v39+s14+$0x0], $0xffff;
	v40 =	vbroadcast v46, $0x0;
	v45 =	vadd.s32 v26, v45  }
0x304: {  	v63 =	vld.idx.msk [tilespmem:v42+s15+$0x0], $0xffff;
	v47 =	vmul.f32 v43, v36;
	v34 =	vadd.f32 v35, v34  }
0x305: {  	v49 =	vld.idx.msk [tilespmem:v42+s14+$0x0], $0xffff;
	v48 =	vor.u32 v33, v40  }
0x306: {  	v50 =	vld.idx.msk [tilespmem:v60+s15+$0x0], $0xffff;
	v51 =	vmul.f32 v59, v41;
	v34 =	vadd.f32 v47, v34  }
0x307: {  	v52 =	vadd.s32 v32, v40;
	v38 =	vld.idx.msk [tilespmem:v60+s14+$0x0], $0xffff  }
0x308: {  	v54 =	vmul.f32 v62, v61;
	v53 =	vld.idx.msk [tilespmem:v45+s15+$0x0], $0xffff;
	v34 =	vadd.f32 v51, v34  }
0x309: {  	v55 =	vadd.s32 v31, v40;
	v56 =	vld.idx.msk [tilespmem:v45+s14+$0x0], $0xffff  }
0x30a: {  	v57 =	vmul.f32 v49, v63;
	v45 =	vld.idx.msk [tilespmem:v48+s15+$0x0], $0xffff;
	v34 =	vadd.f32 v54, v34  }
0x30b: {  	v58 =	vadd.s32 v30, v40;
	v36 =	vld.idx.msk [tilespmem:v48+s14+$0x0], $0xffff  }
0x30c: {  	s29 =	sadd.s32 $0xFFFFFFF9, s28;
	s30 =	sadd.s32 $0xFFFFFFFD, s28;
	v46 =	vmov s28;
	v59 =	vld.idx.msk [tilespmem:v52+s15+$0x0], $0xffff;
	v60 =	vmul.f32 v38, v50;
	v34 =	vadd.f32 v57, v34  }
0x30d: {  	v61 =	vmov s29;
	v62 =	vadd.s32 v29, v40;
	v49 =	vmov s30;
	v37 =	vld.idx.msk [tilespmem:v52+s14+$0x0], $0xffff  }
0x30e: {  	s29 =	sadd.s32 $0xFFFFFFFE, s28;
	v43 =	vshrl.u32 v61, $0x3;
	v39 =	vld.idx.msk [tilespmem:v55+s14+$0x0], $0xffff;
	v63 =	vmul.f32 v56, v53;
	v34 =	vadd.f32 v60, v34  }
0x30f: {  	v41 =	vmov s29;
	v43 =	vshll.u32 v43, v2;
	v50 =	vld.idx.msk [tilespmem:v55+s15+$0x0], $0xffff;
	v56 =	vadd.s32 v28, v40  }
0x310: {  	s31 =	sadd.s32 $0xFFFFFFFA, s28;
	v41 =	vshrl.u32 v41, $0x3;
	v52 =	vld.idx.msk [tilespmem:v58+s15+$0x0], $0xffff;
	v36 =	vmul.f32 v36, v45;
	v34 =	vadd.f32 v63, v34  }
0x311: {  	v51 =	vmov s31;
	v42 =	vld.idx.msk [tilespmem:v58+s14+$0x0], $0xffff;
	v58 =	vadd.s32 v27, v40;
	v43 =	vbroadcast v43, $0x0  }
0x312: {  	v51 =	vshrl.u32 v51, $0x3;
	v61 =	vld.idx.msk [tilespmem:v62+s14+$0x0], $0xffff;
	v59 =	vmul.f32 v37, v59;
	v34 =	vadd.f32 v36, v34  }
0x313: {  	s30 =	sadd.s32 $0xFFFFFFFB, s28;
	v54 =	vadd.s32 v33, v43;
	v53 =	vld.idx.msk [tilespmem:v62+s15+$0x0], $0xffff;
	v40 =	vadd.s32 v26, v40;
	v62 =	vshll.u32 v51, v2  }
0x314: {  	s29 =	sadd.s32 $0xFFFFFFFC, s28;
	v60 =	vmov s30;
	v51 =	vld.idx.msk [tilespmem:v56+s15+$0x0], $0xffff;
	v63 =	vmul.f32 v39, v50;
	v34 =	vadd.f32 v59, v34  }
0x315: {  	v57 =	vmov s29;
	v37 =	vshrl.u32 v60, $0x3;
	v50 =	vbroadcast v62, $0x0;
	v44 =	vld.idx.msk [tilespmem:v56+s14+$0x0], $0xffff  }
0x316: {  	v55 =	vld.idx.msk [tilespmem:v58+s15+$0x0], $0xffff;
	v37 =	vshll.u32 v37, v2;
	v56 =	vmul.f32 v42, v52;
	v34 =	vadd.f32 v63, v34  }
0x317: {  	v35 =	vshrl.u32 v57, $0x3;
	v57 =	vld.idx.msk [tilespmem:v58+s14+$0x0], $0xffff;
	v37 =	vbroadcast v37, $0x0;
	v58 =	vadd.s32 v32, v50  }
0x318: {  	v35 =	vshll.u32 v35, v2;
	v60 =	vmul.f32 v61, v53;
	v59 =	vld.idx.msk [tilespmem:v40+s15+$0x0], $0xffff;
	v34 =	vadd.f32 v56, v34  }
0x319: {  	v35 =	vbroadcast v35, $0x0;
	v61 =	vshrl.u32 v49, $0x3;
	v31 =	vadd.s32 v31, v37;
	v40 =	vld.idx.msk [tilespmem:v40+s14+$0x0], $0xffff  }
0x31a: {  	v33 =	vld.idx.msk [tilespmem:v54+s14+$0x0], $0xffff;
	v62 =	vshll.u32 v61, v2;
	v44 =	vmul.f32 v44, v51;
	v34 =	vadd.f32 v60, v34  }
0x31b: {  	s0 =	sadd.s32 $0xFFFFFFFF, s28;
	v47 =	vshll.u32 v41, v2;
	v30 =	vadd.s32 v30, v35;
	v37 =	vbroadcast v62, $0x0;
	v63 =	vld.idx.msk [tilespmem:v54+s15+$0x0], $0xffff  }
0x31c: {  	v38 =	vmov s0;
	v49 =	vmul.f32 v57, v55;
	v48 =	vld.idx.msk [tilespmem:v58+s15+$0x0], $0xffff;
	v34 =	vadd.f32 v44, v34  }
0x31d: {  	v38 =	vshrl.u32 v38, $0x3;
	v35 =	vbroadcast v47, $0x0;
	v29 =	vadd.s32 v29, v37;
	v32 =	vld.idx.msk [tilespmem:v58+s14+$0x0], $0xffff  }
0x31e: {  	v50 =	vshll.u32 v38, v2;
	v51 =	vld.idx.msk [tilespmem:v31+s15+$0x0], $0xffff;
	v52 =	vmul.f32 v40, v59;
	v34 =	vadd.f32 v49, v34  }
0x31f: {  	v53 =	vshrl.u32 v46, $0x3;
	v28 =	vadd.s32 v28, v35;
	v37 =	vbroadcast v50, $0x0;
	v31 =	vld.idx.msk [tilespmem:v31+s14+$0x0], $0xffff  }
0x320: {  	v54 =	vshll.u32 v53, v2;
	v55 =	vld.idx.msk [tilespmem:v30+s15+$0x0], $0xffff;
	v33 =	vmul.f32 v33, v63;
	v34 =	vadd.f32 v52, v34  }
0x321: {  	v30 =	vld.idx.msk [tilespmem:v30+s14+$0x0], $0xffff;
	v35 =	vbroadcast v54, $0x0;
	v27 =	vadd.s32 v27, v37  }
0x322: {  	v56 =	vld.idx.msk [tilespmem:v29+s15+$0x0], $0xffff;
	v32 =	vmul.f32 v32, v48;
	v33 =	vadd.f32 v33, v34  }
0x323: {  	v26 =	vadd.s32 v26, v35;
	v29 =	vld.idx.msk [tilespmem:v29+s14+$0x0], $0xffff  }
0x324: {  	v57 =	vld.idx.msk [tilespmem:v28+s15+$0x0], $0xffff;
	v31 =	vmul.f32 v31, v51;
	v32 =	vadd.f32 v32, v33  }
0x325: {  	v28 =	vld.idx.msk [tilespmem:v28+s14+$0x0], $0xffff  }
0x326: {  	v30 =	vmul.f32 v30, v55;
	v58 =	vld.idx.msk [tilespmem:v27+s15+$0x0], $0xffff;
	v31 =	vadd.f32 v31, v32  }
0x327: {  	v27 =	vld.idx.msk [tilespmem:v27+s14+$0x0], $0xffff  }
0x328: {  	v59 =	vld.idx.msk [tilespmem:v26+s15+$0x0], $0xffff;
	v29 =	vmul.f32 v29, v56;
	v30 =	vadd.f32 v30, v31  }
0x329: {  	s31 =	simm.s32 $0x0;
	v26 =	vld.idx.msk [tilespmem:v26+s14+$0x0], $0xffff  }
0x32a: {  	v28 =	vmul.f32 v28, v57;
	v29 =	vadd.f32 v29, v30;
	v30 =	vmov s31  }
0x32b: {  	v30 =	vshrl.u32 v30, $0x3  }
0x32c: {  	v27 =	vmul.f32 v27, v58;
	v28 =	vadd.f32 v28, v29;
	v29 =	vshll.u32 v30, v2  }
0x32d: {  	v30 =	vld [tilespmem:$0x10180];
	v34 =	vbroadcast v29, $0x0  }
0x32e: {  	v26 =	vmul.f32 v26, v59;
	v33 =	vor.u32 $0x7000, v0;
	v27 =	vadd.f32 v27, v28  }
0x32f: {  	v28 =	vor.u32 v33, v34  }
0x330: {  	v32 =	vor.u32 $0x7001, v0;
	v26 =	vadd.f32 v26, v27  }
0x331: {  	v60 =	vadd.s32 v32, v34  }
0x332: {  	v31 =	vor.u32 $0x7002, v0;
	[tilespmem:$0x10160] =	vst v26;
	v26 =	vmax.f32 v30, v26  }
0x333: {  	s28 =	simm.s32 $0xC;
	s30 =	simm.s32 $0xF;
	v61 =	vadd.s32 v31, v34;
	[tilespmem:$0x10180] =	vst v26  }
0x334: {  	s29 =	simm.s32 $0xD;
	v39 =	vmov s30;
	v46 =	vmov s28;
	v29 =	vor.u32 $0x7004, v0;
	v62 =	vld.idx.msk [tilespmem:v28+s15+$0x0], $0xffff  }
0x335: {  	s30 =	simm.s32 $0x8;
	v47 =	vmov s29;
	v57 =	vadd.s32 v29, v34;
	v30 =	vor.u32 $0x7003, v0;
	v63 =	vld.idx.msk [tilespmem:v28+s14+$0x0], $0xffff  }
0x336: {  	v46 =	vshrl.u32 v46, $0x3;
	v58 =	vmov s30;
	v56 =	vadd.s32 v30, v34;
	v42 =	vld.idx.msk [tilespmem:v60+s15+$0x0], $0xffff  }
0x337: {  	v38 =	vimm.f32 $0.0e+00;
	v46 =	vshll.u32 v46, v2;
	v45 =	vshrl.u32 v58, $0x3;
	s31 =	simm.s32 $0xE;
	v35 =	vld.idx.msk [tilespmem:v60+s14+$0x0], $0xffff  }
0x338: {  	v45 =	vshll.u32 v45, v2;
	v43 =	vmov s31;
	s31 =	simm.s32 $0x9;
	v28 =	vor.u32 $0x7005, v0;
	v48 =	vld.idx.msk [tilespmem:v61+s15+$0x0], $0xffff  }
0x339: {  	s30 =	simm.s32 $0xA;
	v45 =	vbroadcast v45, $0x0;
	v59 =	vmov s31;
	v36 =	vld.idx.msk [tilespmem:v61+s14+$0x0], $0xffff;
	v50 =	vadd.s32 v28, v34  }
0x33a: {  	v49 =	vshrl.u32 v59, $0x3;
	v27 =	vor.u32 $0x7006, v0;
	v61 =	vmov s30;
	v54 =	vld.idx.msk [tilespmem:v57+s15+$0x0], $0xffff  }
0x33b: {  	v53 =	vshrl.u32 v61, $0x3;
	v52 =	vld.idx.msk [tilespmem:v56+s15+$0x0], $0xffff;
	v37 =	vmul.f32 v63, v62;
	v63 =	vadd.s32 v27, v34  }
0x33c: {  	v49 =	vshll.u32 v49, v2;
	v26 =	vor.u32 $0x7007, v0;
	v59 =	vshll.u32 v53, v2;
	v62 =	vld.idx.msk [tilespmem:v56+s14+$0x0], $0xffff  }
0x33d: {  	v57 =	vld.idx.msk [tilespmem:v57+s14+$0x0], $0xffff;
	v35 =	vmul.f32 v35, v42;
	v34 =	vadd.s32 v26, v34;
	v37 =	vadd.f32 v37, v38  }
0x33e: {  	v47 =	vshrl.u32 v47, $0x3;
	v58 =	vbroadcast v49, $0x0;
	v49 =	vbroadcast v59, $0x0;
	v42 =	vld.idx.msk [tilespmem:v50+s15+$0x0], $0xffff  }
0x33f: {  	s28 =	simm.s32 $0xB;
	v45 =	vadd.s32 v33, v45;
	v36 =	vmul.f32 v36, v48;
	v35 =	vadd.f32 v35, v37;
	v37 =	vld.idx.msk [tilespmem:v50+s14+$0x0], $0xffff  }
0x340: {  	v43 =	vshrl.u32 v43, $0x3;
	v60 =	vmov s28;
	v49 =	vadd.s32 v31, v49;
	v48 =	vld.idx.msk [tilespmem:v63+s15+$0x0], $0xffff  }
0x341: {  	v51 =	vshrl.u32 v60, $0x3;
	v61 =	vmul.f32 v62, v52;
	v40 =	vld.idx.msk [tilespmem:v63+s14+$0x0], $0xffff;
	v35 =	vadd.f32 v36, v35  }
0x342: {  	v43 =	vshll.u32 v43, v2;
	v41 =	vadd.s32 v32, v58;
	v60 =	vshll.u32 v51, v2;
	v51 =	vld.idx.msk [tilespmem:v34+s15+$0x0], $0xffff  }
0x343: {  	v62 =	vbroadcast v60, $0x0;
	v63 =	vmul.f32 v57, v54;
	v56 =	vld.idx.msk [tilespmem:v34+s14+$0x0], $0xffff;
	v35 =	vadd.f32 v61, v35  }
0x344: {  	v44 =	vbroadcast v43, $0x0;
	v58 =	vbroadcast v46, $0x0;
	v59 =	vshll.u32 v47, v2;
	v34 =	vld.idx.msk [tilespmem:v45+s15+$0x0], $0xffff  }
0x345: {  	s31 =	simm.s32 $0x10;
	v43 =	vld.idx.msk [tilespmem:v49+s14+$0x0], $0xffff;
	v38 =	vadd.s32 v30, v62;
	v42 =	vmul.f32 v37, v42;
	v36 =	vadd.f32 v63, v35  }
0x346: {  	v57 =	vshrl.u32 v39, $0x3;
	v60 =	vmov s31;
	v39 =	vadd.s32 v29, v58;
	v37 =	vld.idx.msk [tilespmem:v45+s14+$0x0], $0xffff  }
0x347: {  	v61 =	vbroadcast v59, $0x0;
	v35 =	vld.idx.msk [tilespmem:v41+s15+$0x0], $0xffff;
	v62 =	vmul.f32 v40, v48;
	v42 =	vadd.f32 v42, v36  }
0x348: {  	v52 =	vshll.u32 v57, v2;
	v40 =	vld.idx.msk [tilespmem:v41+s14+$0x0], $0xffff;
	v63 =	vshrl.u32 v60, $0x3  }
0x349: {  	v48 =	vmul.f32 v56, v51;
	v36 =	vld.idx.msk [tilespmem:v49+s15+$0x0], $0xffff;
	v47 =	vadd.f32 v62, v42;
	v42 =	vadd.s32 v28, v61  }
0x34a: {  	s29 =	simm.s32 $0x2F;
	s28 =	simm.s32 $0x1F;
	v45 =	vbroadcast v52, $0x0;
	v46 =	vshll.u32 v63, v2;
	v41 =	vld.idx.msk [tilespmem:v38+s15+$0x0], $0xffff  }
.LBB2_18:
0x34b: {  	p0 =	sne.s32 s29, $0xFF;
	v47 =	vadd.f32 v48, v47;
	v34 =	vmul.f32 v37, v34;
	v37 =	vld.idx.msk [tilespmem:v38+s14+$0x0], $0xffff;
	v38 =	vadd.s32 v27, v44  }
0x34c: {  	v44 =	vbroadcast v46, $0x0;
	v46 =	vld.idx.msk [tilespmem:v39+s15+$0x0], $0xffff  }
0x34d: {  	v35 =	vmul.f32 v40, v35;
	v40 =	vadd.s32 v26, v45;
	v34 =	vadd.f32 v34, v47;
	v39 =	vld.idx.msk [tilespmem:v39+s14+$0x0], $0xffff  }
0x34e: {  	v45 =	vmov s28;
	v47 =	vld.idx.msk [tilespmem:v42+s15+$0x0], $0xffff  }
0x34f: {  	v48 =	vor.u32 v33, v44;
	v34 =	vadd.f32 v35, v34;
	v35 =	vmul.f32 v43, v36;
	v36 =	vld.idx.msk [tilespmem:v42+s14+$0x0], $0xffff  }
0x350: {  	v42 =	vld.idx.msk [tilespmem:v38+s15+$0x0], $0xffff  }
0x351: {  	v43 =	vadd.s32 v32, v44;
	v34 =	vadd.f32 v35, v34;
	v35 =	vmul.f32 v37, v41;
	v37 =	vld.idx.msk [tilespmem:v38+s14+$0x0], $0xffff  }
0x352: {  	v38 =	vld.idx.msk [tilespmem:v40+s15+$0x0], $0xffff  }
0x353: {  	s0 =	sadd.s32 $0xFFFFFFFF, s28;
	v41 =	vadd.s32 v31, v44;
	v34 =	vadd.f32 v35, v34;
	v35 =	vmul.f32 v39, v46;
	v39 =	vld.idx.msk [tilespmem:v40+s14+$0x0], $0xffff  }
0x354: {  	v45 =	vshrl.u32 v45, $0x3;
	v46 =	vmov s0;
	v40 =	vld.idx.msk [tilespmem:v48+s15+$0x0], $0xffff  }
0x355: {  	s30 =	sadd.s32 $0xFFFFFFFD, s28;
	s31 =	sadd.s32 $0xFFFFFFFE, s28;
	v49 =	vadd.s32 v30, v44;
	s0 =	sadd.s32 $0xFFFFFFF9, s28;
	v48 =	vld.idx.msk [tilespmem:v48+s14+$0x0], $0xffff;
	v34 =	vadd.f32 v35, v34;
	v35 =	vmul.f32 v36, v47  }
0x356: {  	v50 =	vmov s30;
	v51 =	vmov s31;
	v47 =	vmov s0;
	v36 =	vld.idx.msk [tilespmem:v43+s15+$0x0], $0xffff  }
0x357: {  	s30 =	sadd.s32 $0xFFFFFFFC, s28;
	v52 =	vadd.s32 v29, v44;
	s0 =	sadd.s32 $0xFFFFFFFA, s28;
	v43 =	vld.idx.msk [tilespmem:v43+s14+$0x0], $0xffff;
	v34 =	vadd.f32 v35, v34;
	v35 =	vmul.f32 v37, v42  }
0x358: {  	v53 =	vmov s30;
	v42 =	vshrl.u32 v47, $0x3;
	v47 =	vmov s0;
	v37 =	vld.idx.msk [tilespmem:v41+s15+$0x0], $0xffff  }
0x359: {  	v54 =	vadd.s32 v28, v44;
	s0 =	sadd.s32 $0xFFFFFFFB, s28;
	s28 =	smov.u32 s29;
	v41 =	vld.idx.msk [tilespmem:v41+s14+$0x0], $0xffff;
	v34 =	vadd.f32 v35, v34;
	v35 =	vmul.f32 v39, v38  }
0x35a: {  	v39 =	vshll.u32 v42, v2;
	v42 =	vshrl.u32 v47, $0x3;
	v47 =	vmov s0;
	v38 =	vld.idx.msk [tilespmem:v49+s15+$0x0], $0xffff  }
0x35b: {  	v40 =	vmul.f32 v48, v40;
	v48 =	vld.idx.msk [tilespmem:v49+s14+$0x0], $0xffff;
	v49 =	vadd.s32 v27, v44;
	v34 =	vadd.f32 v35, v34  }
0x35c: {  	v39 =	vbroadcast v39, $0x0;
	v42 =	vshll.u32 v42, v2;
	v47 =	vshrl.u32 v47, $0x3;
	v35 =	vld.idx.msk [tilespmem:v52+s15+$0x0], $0xffff  }
0x35d: {  	v36 =	vmul.f32 v43, v36;
	v43 =	vadd.s32 v26, v44;
	v34 =	vadd.f32 v40, v34;
	v40 =	vld.idx.msk [tilespmem:v52+s14+$0x0], $0xffff  }
0x35e: {  	v42 =	vbroadcast v42, $0x0;
	v47 =	vshll.u32 v47, v2;
	v52 =	vshrl.u32 v53, $0x3;
	v44 =	vld.idx.msk [tilespmem:v54+s15+$0x0], $0xffff  }
0x35f: {  	v39 =	vadd.s32 v33, v39;
	v34 =	vadd.f32 v36, v34;
	v36 =	vmul.f32 v41, v37;
	v37 =	vld.idx.msk [tilespmem:v54+s14+$0x0], $0xffff  }
0x360: {  	v50 =	vshrl.u32 v50, $0x3;
	v47 =	vbroadcast v47, $0x0;
	v52 =	vshll.u32 v52, v2;
	v41 =	vld.idx.msk [tilespmem:v49+s15+$0x0], $0xffff  }
0x361: {  	v42 =	vadd.s32 v32, v42;
	v34 =	vadd.f32 v36, v34;
	v36 =	vmul.f32 v48, v38;
	v48 =	vld.idx.msk [tilespmem:v49+s14+$0x0], $0xffff  }
0x362: {  	v51 =	vshrl.u32 v51, $0x3;
	v50 =	vshll.u32 v50, v2;
	v38 =	vbroadcast v52, $0x0;
	v49 =	vld.idx.msk [tilespmem:v43+s15+$0x0], $0xffff  }
0x363: {  	v52 =	vadd.s32 v31, v47;
	v35 =	vmul.f32 v40, v35;
	v36 =	vadd.f32 v36, v34;
	v43 =	vld.idx.msk [tilespmem:v43+s14+$0x0], $0xffff  }
0x364: {  	v46 =	vshrl.u32 v46, $0x3;
	v47 =	vbroadcast v50, $0x0;
	v40 =	vshll.u32 v51, v2;
	v34 =	vld.idx.msk [tilespmem:v39+s15+$0x0], $0xffff  }
0x365: {  	s0 =	sadd.s32 $0xFFFFFFF1, s29;
	v38 =	vadd.s32 v30, v38;
	v44 =	vmul.f32 v37, v44;
	v36 =	vadd.f32 v35, v36;
	v37 =	vld.idx.msk [tilespmem:v39+s14+$0x0], $0xffff  }
.Ltmp12:
0x366: {  	v46 =	vshll.u32 v46, v2;
	v50 =	vmov s0;
	v51 =	vbroadcast v40, $0x0;
	v35 =	vld.idx.msk [tilespmem:v42+s15+$0x0], $0xffff;
	(pc) =	sbr.rel @p0 .LBB2_18-.Ltmp12, $4  }
0x367: {  	v39 =	vadd.s32 v29, v47;
	v41 =	vmul.f32 v48, v41;
	v53 =	vadd.f32 v44, v36;
	v40 =	vld.idx.msk [tilespmem:v42+s14+$0x0], $0xffff  }
0x368: {  	v45 =	vshll.u32 v45, v2;
	v50 =	vshrl.u32 v50, $0x3;
	v44 =	vbroadcast v46, $0x0;
	v36 =	vld.idx.msk [tilespmem:v52+s15+$0x0], $0xffff  }
0x369: {  	v42 =	vadd.s32 v28, v51;
	v48 =	vmul.f32 v43, v49;
	v47 =	vadd.f32 v41, v53;
	v43 =	vld.idx.msk [tilespmem:v52+s14+$0x0], $0xffff  }
0x36a: {  	v45 =	vbroadcast v45, $0x0;
	s29 =	sadd.s32 $0x10, s29;
	v46 =	vshll.u32 v50, v2;
	v41 =	vld.idx.msk [tilespmem:v38+s15+$0x0], $0xffff  }
0x36b: {  	_ =	sdelay $0x2  }
0x36c: {  	v47 =	vadd.f32 v48, v47;
	v34 =	vmul.f32 v37, v34  }
0x36d: {  	v59 =	vld.idx.msk [tilespmem:v38+s14+$0x0], $0xffff;
	v60 =	vadd.s32 v27, v44  }
0x36e: {  	v61 =	vld.idx.msk [tilespmem:v39+s15+$0x0], $0xffff;
	v35 =	vmul.f32 v40, v35;
	v34 =	vadd.f32 v34, v47  }
0x36f: {  	v62 =	vld.idx.msk [tilespmem:v39+s14+$0x0], $0xffff;
	v40 =	vbroadcast v46, $0x0;
	v45 =	vadd.s32 v26, v45  }
0x370: {  	v63 =	vld.idx.msk [tilespmem:v42+s15+$0x0], $0xffff;
	v47 =	vmul.f32 v43, v36;
	v34 =	vadd.f32 v35, v34  }
0x371: {  	v49 =	vld.idx.msk [tilespmem:v42+s14+$0x0], $0xffff;
	v48 =	vor.u32 v33, v40  }
0x372: {  	v50 =	vld.idx.msk [tilespmem:v60+s15+$0x0], $0xffff;
	v51 =	vmul.f32 v59, v41;
	v34 =	vadd.f32 v47, v34  }
0x373: {  	v52 =	vadd.s32 v32, v40;
	v38 =	vld.idx.msk [tilespmem:v60+s14+$0x0], $0xffff  }
0x374: {  	v54 =	vmul.f32 v62, v61;
	v53 =	vld.idx.msk [tilespmem:v45+s15+$0x0], $0xffff;
	v34 =	vadd.f32 v51, v34  }
0x375: {  	v55 =	vadd.s32 v31, v40;
	v56 =	vld.idx.msk [tilespmem:v45+s14+$0x0], $0xffff  }
0x376: {  	v57 =	vmul.f32 v49, v63;
	v45 =	vld.idx.msk [tilespmem:v48+s15+$0x0], $0xffff;
	v34 =	vadd.f32 v54, v34  }
0x377: {  	v58 =	vadd.s32 v30, v40;
	v36 =	vld.idx.msk [tilespmem:v48+s14+$0x0], $0xffff  }
0x378: {  	s29 =	sadd.s32 $0xFFFFFFF9, s28;
	s30 =	sadd.s32 $0xFFFFFFFD, s28;
	v46 =	vmov s28;
	v59 =	vld.idx.msk [tilespmem:v52+s15+$0x0], $0xffff;
	v60 =	vmul.f32 v38, v50;
	v34 =	vadd.f32 v57, v34  }
0x379: {  	s31 =	sadd.s32 $0xFFFFFFFE, s28;
	v61 =	vmov s29;
	v62 =	vadd.s32 v29, v40;
	v49 =	vmov s30;
	v37 =	vld.idx.msk [tilespmem:v52+s14+$0x0], $0xffff  }
0x37a: {  	v41 =	vmov s31;
	v39 =	vld.idx.msk [tilespmem:v55+s14+$0x0], $0xffff;
	v63 =	vmul.f32 v56, v53;
	v34 =	vadd.f32 v60, v34  }
0x37b: {  	v43 =	vshrl.u32 v61, $0x3;
	v41 =	vshrl.u32 v41, $0x3;
	v50 =	vld.idx.msk [tilespmem:v55+s15+$0x0], $0xffff;
	v56 =	vadd.s32 v28, v40  }
0x37c: {  	s30 =	sadd.s32 $0xFFFFFFFA, s28;
	v43 =	vshll.u32 v43, v2;
	v52 =	vld.idx.msk [tilespmem:v58+s15+$0x0], $0xffff;
	v36 =	vmul.f32 v36, v45;
	v34 =	vadd.f32 v63, v34  }
0x37d: {  	v51 =	vmov s30;
	v42 =	vld.idx.msk [tilespmem:v58+s14+$0x0], $0xffff;
	v58 =	vadd.s32 v27, v40;
	v43 =	vbroadcast v43, $0x0  }
0x37e: {  	s31 =	sadd.s32 $0xFFFFFFFC, s28;
	v51 =	vshrl.u32 v51, $0x3;
	v61 =	vld.idx.msk [tilespmem:v62+s14+$0x0], $0xffff;
	v59 =	vmul.f32 v37, v59;
	v34 =	vadd.f32 v36, v34  }
0x37f: {  	s30 =	sadd.s32 $0xFFFFFFFB, s28;
	v53 =	vld.idx.msk [tilespmem:v62+s15+$0x0], $0xffff;
	v40 =	vadd.s32 v26, v40;
	v62 =	vshll.u32 v51, v2;
	v57 =	vmov s31  }
0x380: {  	v60 =	vmov s30;
	v51 =	vld.idx.msk [tilespmem:v56+s15+$0x0], $0xffff;
	v63 =	vmul.f32 v39, v50;
	v34 =	vadd.f32 v59, v34  }
0x381: {  	v48 =	vbroadcast v62, $0x0;
	v37 =	vshrl.u32 v60, $0x3;
	v44 =	vld.idx.msk [tilespmem:v56+s14+$0x0], $0xffff;
	v50 =	vadd.s32 v33, v43  }
0x382: {  	v54 =	vld.idx.msk [tilespmem:v58+s15+$0x0], $0xffff;
	v55 =	vmul.f32 v42, v52;
	v37 =	vshll.u32 v37, v2;
	v34 =	vadd.f32 v63, v34  }
0x383: {  	v35 =	vshrl.u32 v57, $0x3;
	v57 =	vadd.s32 v32, v48;
	v56 =	vld.idx.msk [tilespmem:v58+s14+$0x0], $0xffff;
	v37 =	vbroadcast v37, $0x0  }
0x384: {  	v35 =	vshll.u32 v35, v2;
	v58 =	vld.idx.msk [tilespmem:v40+s15+$0x0], $0xffff;
	v59 =	vmul.f32 v61, v53;
	v34 =	vadd.f32 v55, v34  }
0x385: {  	v60 =	vshrl.u32 v49, $0x3;
	v35 =	vbroadcast v35, $0x0;
	v40 =	vld.idx.msk [tilespmem:v40+s14+$0x0], $0xffff;
	v61 =	vadd.s32 v31, v37  }
0x386: {  	s0 =	sadd.s32 $0xFFFFFFFF, s28;
	v62 =	vshll.u32 v60, v2;
	v44 =	vmul.f32 v44, v51;
	v33 =	vld.idx.msk [tilespmem:v50+s14+$0x0], $0xffff;
	v34 =	vadd.f32 v59, v34  }
0x387: {  	v38 =	vmov s0;
	v47 =	vadd.s32 v30, v35;
	v37 =	vbroadcast v62, $0x0;
	v63 =	vld.idx.msk [tilespmem:v50+s15+$0x0], $0xffff  }
0x388: {  	v48 =	vshll.u32 v41, v2;
	v49 =	vld.idx.msk [tilespmem:v57+s15+$0x0], $0xffff;
	v50 =	vmul.f32 v56, v54;
	v34 =	vadd.f32 v44, v34  }
0x389: {  	v38 =	vshrl.u32 v38, $0x3;
	v35 =	vbroadcast v48, $0x0;
	v32 =	vld.idx.msk [tilespmem:v57+s14+$0x0], $0xffff;
	v51 =	vadd.s32 v29, v37  }
0x38a: {  	v52 =	vshll.u32 v38, v2;
	v54 =	vmul.f32 v40, v58;
	v53 =	vld.idx.msk [tilespmem:v61+s15+$0x0], $0xffff;
	v34 =	vadd.f32 v50, v34  }
0x38b: {  	v37 =	vbroadcast v52, $0x0;
	v56 =	vadd.s32 v28, v35;
	v55 =	vshrl.u32 v46, $0x3;
	v31 =	vld.idx.msk [tilespmem:v61+s14+$0x0], $0xffff  }
0x38c: {  	v58 =	vld.idx.msk [tilespmem:v47+s15+$0x0], $0xffff;
	v57 =	vshll.u32 v55, v2;
	v33 =	vmul.f32 v33, v63;
	v34 =	vadd.f32 v54, v34  }
0x38d: {  	v30 =	vld.idx.msk [tilespmem:v47+s14+$0x0], $0xffff;
	v27 =	vadd.s32 v27, v37;
	v35 =	vbroadcast v57, $0x0  }
0x38e: {  	v32 =	vmul.f32 v32, v49;
	v59 =	vld.idx.msk [tilespmem:v51+s15+$0x0], $0xffff;
	v33 =	vadd.f32 v33, v34  }
0x38f: {  	v29 =	vld.idx.msk [tilespmem:v51+s14+$0x0], $0xffff;
	v26 =	vadd.s32 v26, v35  }
0x390: {  	v60 =	vld.idx.msk [tilespmem:v56+s15+$0x0], $0xffff;
	v31 =	vmul.f32 v31, v53;
	v32 =	vadd.f32 v32, v33  }
0x391: {  	v28 =	vld.idx.msk [tilespmem:v56+s14+$0x0], $0xffff  }
0x392: {  	v30 =	vmul.f32 v30, v58;
	v61 =	vld.idx.msk [tilespmem:v27+s15+$0x0], $0xffff;
	v31 =	vadd.f32 v31, v32  }
0x393: {  	v27 =	vld.idx.msk [tilespmem:v27+s14+$0x0], $0xffff  }
0x394: {  	v29 =	vmul.f32 v29, v59;
	v62 =	vld.idx.msk [tilespmem:v26+s15+$0x0], $0xffff;
	v30 =	vadd.f32 v30, v31  }
0x395: {  	v26 =	vld.idx.msk [tilespmem:v26+s14+$0x0], $0xffff  }
0x396: {  	v28 =	vmul.f32 v28, v60;
	v29 =	vadd.f32 v29, v30;
	_ =	sdelay $0x1  }
0x397: {  	v27 =	vmul.f32 v27, v61;
	v28 =	vadd.f32 v28, v29  }
0x398: {  	v63 =	vld [tilespmem:$0x10180]  }
0x399: {  	v26 =	vmul.f32 v26, v62;
	v27 =	vadd.f32 v27, v28;
	_ =	sdelay $0x1  }
0x39a: {  	v26 =	vadd.f32 v26, v27;
	_ =	sdelay $0x1  }
0x39b: {  	[tilespmem:$0x10170] =	vst v26;
	v26 =	vmax.f32 v63, v26  }
.Ltmp13:
0x39c: {  	s31 =	sadd.s32 s8, s26;
	[tilespmem:$0x10180] =	vst v26;
	(pc) =	sbr.rel .LBB2_20-.Ltmp13, $4  }
0x39d: {  	[hbm4b:s31+s3] =	stream.linear.scatter [tilespmem:s21], [sflag:$0x3], $0x80, $0x38;
	[tilespmem:$0x10190] =	vst v63  }
0x39e: {  	_ =	swait.ge [sflag:s22], $0x80  }
0x39f: {  	[sflag:s22] =	ssyncset.done $0x0  }
0x3a0: {  	[sflag:s22] =	ssyncadd.s32 $0xFFFFFF80  }
.LBB2_22:
0x3a1: {  	_ =	sfence.sel $0x180000  }
0x3a2: {  	[bflag:$0x0] =	sbarrier.arrive $0xFFFF  }
0x3a3: {  	_ =	strace $0x90000047  }
0x3a4: {  	[bflag:$0x2] =	sbarrier.arrive $0xFFFF  }
0x3a5: {  	p0 =	sne.s32 s2, $0x0;
	s0 =	rddreg [dreg:$0x2]  }
0x3a6: {  	s0 =	sadd.s32 @!p0 $0x100000, s0  }
0x3a7: {  	[sflag:s0] =	ssyncadd.tile.s32 @!p0 $0x1;
	_ =	shalt  }
.Lfunc_end2:
_tile_overlayer_lowered:
.L_overlay_start_2:
0x3a8: {  	(tag) =	ssettag $0x2  }
0x3a9: {  	s0 =	rddreg [dreg:$0x0];
	s2 =	stileid.u32  }
0x3aa: {  	s1 =	rddreg [dreg:$0x1];
	p0 =	sne.s32 s2, $0x0  }
0x3ab: {  	s3 =	rddreg [dreg:$0x2];
	[bflag:$0x3] =	sbarrier.arrive $0xFFFF;
	s2 =	simm.s32 @!p0 $0x1C03  }
0x3ac: {  	[timem:s3], [sflag:s2] =	dma.local @!p0 [hbm:s0], s1  }
0x3ad: {  	s0 =	simm.s32 @!p0 $0x3  }
0x3ae: {  	_ =	swait.ge @!p0 [sflag:s0], s1  }
0x3af: {  	s1 =	ssub.s32 @!p0 $0x0, s1;
	[sflag:s0] =	ssyncset.done @!p0 $0x0  }
0x3b0: {  	[sflag:s0] =	ssyncadd.s32 @!p0 s1  }
0x3b1: {  	[bflag:$0x3] =	sbarrier.arrive $0xFFFF  }
0x3b2: {  	_ =	shalt  }

// kernel: kernel.9.cloned.1.call-start
scs
__scs_entry_jumppad:
0x0: {  	(pc) =	sbr.rel $0x88, $3  }
0x1: {  	(tag) =	ssettag $0x0;
	lr =	simm.s32 $0x1  }
0x2: {  	[smem:$0x3F9A] =	sst lr;
	_ =	strace $0xD0000000  }
0x3: {  	_ = 	snop  }
0x4: {  	_ = 	snop  }
0x5: {  	_ = 	snop  }
0x6: {  	_ = 	snop  }
0x7: {  	_ = 	snop  }
__scs_overlays_trampoline_lowered:
0x8: {  	[smem:$0x3FA9] =	sst s0  }
0x9: {  	[smem:$0x3FAA] =	sst s1  }
0xa: {  	[smem:$0x3FAB] =	sst s2  }
0xb: {  	[smem:$0x3FAC] =	sst s3  }
0xc: {  	[smem:$0x3FAD] =	sst s4  }
0xd: {  	[smem:$0x3FAE] =	sst s5  }
0xe: {  	[smem:$0x3FAF] =	sst s6  }
0xf: {  	[smem:$0x3FB0] =	sst s7  }
0x10: {  	[smem:$0x3FB1] =	sst s8  }
0x11: {  	[smem:$0x3FB2] =	sst s9;
	s0 =	simm.s32 @!p0 $0x0  }
0x12: {  	s1 =	sld [smem:$0x3F98];
	s0 =	simm.s32 @p0 $0x1  }
0x13: {  	[smem:$0x3FB3] =	sst s0;
	s0 =	simm.s32 @!p1 $0x0  }
0x14: {  	s2 =	sld [smem:$0x3F97];
	s0 =	simm.s32 @p1 $0x1  }
0x15: {  	[smem:$0x3FB4] =	sst s0;
	s0 =	simm.s32 @!p2 $0x0  }
0x16: {  	s3 =	sld [smem:$0x3FDB];
	s0 =	simm.s32 @p2 $0x1  }
0x17: {  	s4 =	simm.s32 $0x1BF5;
	[smem:$0x3FB6] =	sst s0  }
0x18: {  	s0 =	sld [smem:$0x3F99];
	_ =	swait.ge [sflag:s4], $0x0  }
0x19: {  	s7 =	sld [smem:$0x3F9A]  }
0x1a: {  	s8 =	sadd.s32 $0xFFFFE003, lr  }
0x1b: {  	s9 =	sadd.s32 $0xFFFFFEF7, lr;
	s5 =	simm.s32 $0xFFFFFFFF;
	p2 =	slt.u32 s8, $0xFFFFF086  }
0x1c: {  	p1 =	slt.u32 s9, $0xF7A;
	s5 =	simm.s32 @!p2 $0x0  }
0x1d: {  	s5 =	simm.s32 @p1 $0x1;
	p0 =	seq.s32 s7, s2  }
0x1e: {  	s7 =	smul.u32 @!p0 $0xF7A, s2;
	p2 =	seq.s32 @!p0 s5, $0x0  }
0x1f: {  	s9 =	smul.u32 $0xF7A, s1;
	s8 =	simm.s32 @!p0 $0x1BF5;
	p2 =	por !p2, p0  }
0x20: {  	[sflag:s8] =	ssyncset.s32 @!p0 $0xFFFFF086;
	s6 =	sadd.s32 @!p0 s3, s7;
	s7 =	simm.s32 @!p0 $0x108  }
0x21: {  	s3 =	sadd.s32 s3, s9;
	s6 =	sadd.s32 @!p0 $0x88, s6;
	s7 =	simm.s32 @p2 $0x1082  }
0x22: {  	[simem:s7], [sflag:s8] =	dma.local @!p0 [hbm:s6], $0xF7A  }
0x23: {  	s9 =	sor.u32 $0xD0000000, s2;
	s6 =	simm.s32 $0x108;
	_ =	swait.ge @!p0 [sflag:s8], $0x0  }
0x24: {  	s3 =	sadd.s32 $0x88, s3;
	s6 =	simm.s32 @!p1 $0x1082;
	[sflag:s4] =	ssyncset.s32 $0xFFFFF086  }
0x25: {  	[simem:s6], [sflag:s4] =	dma.local [hbm:s3], $0xF7A  }
0x26: {  	[smem:$0x3F9A] =	sst s1;
	(tag) =	ssettag s2;
	_ =	strace s9  }
0x27: {  	s1 =	sld [smem:$0x3FAA]  }
0x28: {  	s2 =	sld [smem:$0x3FAB]  }
0x29: {  	s4 =	sld [smem:$0x3FAD]  }
0x2a: {  	p0 =	seq.s32 s5, $0x0;
	s5 =	sld [smem:$0x3FAE]  }
0x2b: {  	s6 =	sld [smem:$0x3FAF]  }
0x2c: {  	s7 =	sld [smem:$0x3FB0]  }
0x2d: {  	s3 =	simm.s32 $0x108;
	s8 =	sld [smem:$0x3FB1]  }
0x2e: {  	s3 =	simm.s32 @!p0 $0x1082;
	s9 =	sld [smem:$0x3FB2]  }
0x2f: {  	lr =	sadd.s32 s0, s3;
	s0 =	sld [smem:$0x3FA9]  }
0x30: {  	s3 =	sld [smem:$0x3FAC]  }
0x31: {  	[smem:$0x3FB5] =	sst s10  }
0x32: {  	s10 =	sld [smem:$0x3FB3];
	_ =	sdelay $0x3  }
0x33: {  	p0 =	seq.s32 s10, $0x1;
	s10 =	sld [smem:$0x3FB5];
	_ =	sdelay $0x3  }
0x34: {  	[smem:$0x3FB5] =	sst s10  }
0x35: {  	s10 =	sld [smem:$0x3FB4];
	_ =	sdelay $0x3  }
0x36: {  	p1 =	seq.s32 s10, $0x1;
	s10 =	sld [smem:$0x3FB5];
	_ =	sdelay $0x3  }
0x37: {  	[smem:$0x3FB5] =	sst s10  }
0x38: {  	s10 =	sld [smem:$0x3FB6]  }
0x39: {  	_ = 	snop;
	(pc) =	sbr.ind lr, $3  }
0x3a: {  	_ = 	snop  }
0x3b: {  	_ = 	snop  }
0x3c: {  	p2 =	seq.s32 s10, $0x1;
	s10 =	sld [smem:$0x3FB5]  }
0x3d: {  	_ =	shalt  }
0x3e: {  	_ =	shalt  }
0x3f: {  	_ =	shalt  }
0x40: {  	_ =	shalt  }
0x41: {  	_ =	shalt  }
0x42: {  	_ =	shalt  }
0x43: {  	_ =	shalt  }
0x44: {  	_ =	shalt  }
0x45: {  	_ =	shalt  }
0x46: {  	_ =	shalt  }
0x47: {  	_ =	shalt  }
0x48: {  	_ =	shalt  }
0x49: {  	_ =	shalt  }
0x4a: {  	_ =	shalt  }
0x4b: {  	_ =	shalt  }
0x4c: {  	_ =	shalt  }
0x4d: {  	_ =	shalt  }
0x4e: {  	_ =	shalt  }
0x4f: {  	_ =	shalt  }
0x50: {  	_ =	shalt  }
0x51: {  	_ =	shalt  }
0x52: {  	_ =	shalt  }
0x53: {  	_ =	shalt  }
0x54: {  	_ =	shalt  }
0x55: {  	_ =	shalt  }
0x56: {  	_ =	shalt  }
0x57: {  	_ =	shalt  }
0x58: {  	_ =	shalt  }
0x59: {  	_ =	shalt  }
0x5a: {  	_ =	shalt  }
0x5b: {  	_ =	shalt  }
0x5c: {  	_ =	shalt  }
0x5d: {  	_ =	shalt  }
0x5e: {  	_ =	shalt  }
0x5f: {  	_ =	shalt  }
0x60: {  	_ =	shalt  }
0x61: {  	_ =	shalt  }
0x62: {  	_ =	shalt  }
0x63: {  	_ =	shalt  }
0x64: {  	_ =	shalt  }
0x65: {  	_ =	shalt  }
0x66: {  	_ =	shalt  }
0x67: {  	_ =	shalt  }
0x68: {  	_ =	shalt  }
0x69: {  	_ =	shalt  }
0x6a: {  	_ =	shalt  }
0x6b: {  	_ =	shalt  }
0x6c: {  	_ =	shalt  }
0x6d: {  	_ =	shalt  }
0x6e: {  	_ =	shalt  }
0x6f: {  	_ =	shalt  }
0x70: {  	_ =	shalt  }
0x71: {  	_ =	shalt  }
0x72: {  	_ =	shalt  }
0x73: {  	_ =	shalt  }
0x74: {  	_ =	shalt  }
0x75: {  	_ =	shalt  }
0x76: {  	_ =	shalt  }
0x77: {  	_ =	shalt  }
0x78: {  	_ =	shalt  }
0x79: {  	_ =	shalt  }
0x7a: {  	_ =	shalt  }
0x7b: {  	_ =	shalt  }
0x7c: {  	_ =	shalt  }
0x7d: {  	_ =	shalt  }
0x7e: {  	_ =	shalt  }
0x7f: {  	_ =	shalt  }
0x80: {  	_ =	shalt  }
0x81: {  	_ =	shalt  }
0x82: {  	_ =	shalt  }
0x83: {  	_ =	shalt  }
0x84: {  	_ =	shalt  }
0x85: {  	_ =	shalt  }
0x86: {  	_ =	shalt  }
0x87: {  	_ =	shalt  }
.Lfunc_end0:
.L_simem_size_0:
called_computation.1_lowered:
.L_overlay_start_0:
0x88: {  	s2 =	sld [smem:$0x3FD9]  }
0x89: {  	s3 =	sld [smem:$0x3FFE];
	_ =	sdelay $0x1  }
0x8a: {  	s1 =	srdreg.scid  }
0x8b: {  	s0 =	sand.u32 $0x1, s1  }
0x8c: {  	s17 =	sshll.u32 s0, $0xA;
	s2 =	sadd.s32 s3, s2  }
0x8d: {  	s2 =	sadd.s32 s2, s17  }
0x8e: {  	[smem:$0x3FC1] =	sst s2  }
0x8f: {  	_ = 	snop  }
0x90: {  	s2 =	sld [smem:$0x3FD0];
	(tm) =	ssettm $0x1  }
0x91: {  	s18 =	sld [smem:$0x3FFB];
	_ =	sdelay $0x3  }
0x92: {  	_ =	strace s18  }
0x93: {  	s3 =	sld [smem:$0x3FFC];
	_ =	sdelay $0x3  }
0x94: {  	_ =	strace s3  }
0x95: {  	s3 =	sld [smem:$0x3FFD];
	_ =	sdelay $0x3  }
0x96: {  	_ =	strace s3  }
0x97: {  	_ =	strace $0x8FFFFFFF  }
0x98: {  	s19 =	sld [smem:$0x3FDB];
	_ =	sdelay $0x1  }
0x99: {  	s4 =	simm.s32 $_scs_section_size  }
0x9a: {  	s5 =	simm.s32 $_size__tile_overlayer_lowered;
	s6 =	simm.s32 $_tile_overlayer_lowered  }
0x9b: {  	s22 =	simm.s32 $0x1BFF;
	s21 =	sshll.u32 s6, $0x1;
	s3 =	sadd.s32 s4, s19  }
0x9c: {  	s7 =	simm.s32 $0x0;
	s20 =	sshll.u32 s5, $0x1;
	s5 =	sadd.s32 s21, s3  }
0x9d: {  	[timem:s7], [sflag:s22] =	dma.local [hbm:s5], s20  }
0x9e: {  	_ =	swait.ge [sflag:s22], s20  }
0x9f: {  	s4 =	ssub.s32 $0x0, s20;
	[sflag:s22] =	ssyncset.done $0x0  }
0xa0: {  	[sflag:s22] =	ssyncadd.s32 s4;
	_ =	sdelay $0x1  }
0xa1: {  	s23 =	simm.s32 $0x1B8B  }
0xa2: {  	_ =	swait.ge [sflag:s23], $0x1  }
0xa3: {  	[sflag:s23] =	ssyncset.done $0x0  }
0xa4: {  	s25 =	simm.s32 $0x1B8E;
	s24 =	sld [smem:$0x3FFE];
	[sflag:s23] =	ssyncadd.s32 $0xFFFFFFFF  }
0xa5: {  	s26 =	simm.s32 $execute0_lowered;
	[smem:$0x3FD2] =	sst s25  }
0xa6: {  	s5 =	sshll.u32 s26, $0x1;
	_ =	strace $0x80000049;
	[dreg:$0x1] =	wrdreg $0xFFFFFFFF  }
0xa7: {  	s28 =	simm.s32 $_size_execute0_lowered;
	s3 =	sadd.s32 s3, s5;
	[dreg:$0x0] =	wrdreg $0x0  }
0xa8: {  	s5 =	sshll.u32 s28, $0x1;
	[dreg:$0x2] =	wrdreg s3  }
0xa9: {  	[dreg:$0x3] =	wrdreg s5  }
0xaa: {  	[dreg:$0x4] =	wrdreg $0xC0  }
0xab: {  	_ =	task [dreg:s7], $0x5FFFF  }
0xac: {  	[dreg:$0x1] =	wrdreg $0xFFFFFFFF  }
0xad: {  	[dreg:$0x0] =	wrdreg $0x60  }
0xae: {  	[dreg:$0x2] =	wrdreg s24  }
0xaf: {  	[dreg:$0x3] =	wrdreg s2  }
0xb0: {  	[dreg:$0x4] =	wrdreg $0x96000  }
0xb1: {  	[dreg:$0x5] =	wrdreg $0x1CE800  }
0xb2: {  	[dreg:$0x6] =	wrdreg $0x9  }
0xb3: {  	_ =	task.clear_ibuf [dreg:s7], $0x7FFFF;
	_ =	strace $0x90000049  }
0xb4: {  	s29 =	simm.s32 $0x9;
	_ =	strace $0x8000004B  }
0xb5: {  	_ =	swait.ge [sflag:s29], $0x1  }
0xb6: {  	[sflag:s29] =	ssyncadd.s32 $0xFFFFFFFF  }
0xb7: {  	_ =	strace $0x9000004B  }
0xb8: {  	_ =	sfence  }
0xb9: {  	s30 =	sld [smem:$0x0];
	_ =	sdelay $0x2  }
0xba: {  	s31 =	sshll.u32 s1, $0xD;
	s1 =	sshrl.u32 s1, $0x2  }
0xbb: {  	s3 =	sand.u32 $0x4000, s31;
	s1 =	sadd.s32 s1, s30  }
0xbc: {  	s0 =	sor.u32 s3, s0;
	s1 =	sshll.u32 s1, $0x11  }
0xbd: {  	s0 =	sor.u32 s1, s0  }
0xbe: {  	s0 =	sadd.s32 $0x8F2B, s0  }
0xbf: {  	[sflag:s0] =	ssyncadd.remote.s32 $0x1  }
0xc0: {  	_ =	sfence.sel $0xFFFF  }
0xc1: {  	[dreg:$0x0] =	wrdreg $0xFFFFFFFF;
	(pc) =	sbr.abs _section_cstart, $3  }
0xc2: {  	[dreg:$0x1] =	wrdreg $0xFFFFFFFF  }
0xc3: {  	_ =	task.clear_ibuf [dreg:s7], $0x2FFFF;
	_ =	strace $0x9FFFFFFF  }
0xc4: {  	(tm) =	ssettm $0x7FFFFFFF  }
0xc5: {  	_ =	shalt  }
tec
execute0_lowered:
.L_overlay_start_1:
0x0: {  	(tag) =	ssettag $0x1  }
0x1: {  	s0 =	rddreg [dreg:$0x0]  }
0x2: {  	s3 =	rddreg [dreg:$0x1]  }
0x3: {  	s1 =	rddreg [dreg:$0x2]  }
0x4: {  	s2 =	rddreg [dreg:$0x3]  }
0x5: {  	s4 =	simm.s32 $0x0;
	s6 =	srdreg.scid;
	s20 =	simm.s32 $0x4  }
0x6: {  	s28 =	simm.s32 $0x4400;
	s29 =	simm.s32 $0x2;
	s30 =	simm.s32 $0x300  }
0x7: {  	s31 =	simm.s32 $0x180;
	[smem:$0x7FF] =	sst s4;
	s4 =	stileid.u32  }
0x8: {  	s5 =	sadd.s32 $0x5A000, s0;
	s21 =	sadd.s32 $0x5F000, s0;
	s11 =	smul.u32 $0x2710, s4  }
0x9: {  	s7 =	sadd.s32 $0x55000, s0;
	s8 =	sadd.s32 $0x50000, s0;
	s12 =	smul.u32 $0x271, s4  }
0xa: {  	s6 =	sand.u32 $0x1, s6;
	s9 =	sadd.s32 $0x5F200, s0;
	s15 =	smul.u32 $0x13880, s4  }
0xb: {  	_ =	strace $0x8000004A;
	[dreg:$0x5] =	wrdreg s21;
	s17 =	smul.u32 $0x138800, s6  }
0xc: {  	s10 =	ssub.s32 $0x2, s6;
	s25 =	smul.u32 $0x2710, s6;
	s21 =	simm.s32 $0x400  }
0xd: {  	p0 =	sne.s32 s6, $0x0;
	s14 =	sshrl.u32 s10, $0x1;
	s13 =	sshrl.u32 s11, $0x3  }
0xe: {  	s22 =	ssub.s32 s10, s14;
	s23 =	sadd.s32 $0x100, s12;
	s10 =	sadd.s32 s15, s1  }
0xf: {  	s11 =	sadd.s32 s11, s2;
	s12 =	sadd.s32 $0x200, s12;
	s17 =	sadd.s32 s15, s17  }
0x10: {  	v0 =	vlaneseq.u32;
	v1 =	vmov s25;
	s25 =	simm.s32 $0x1;
	s0 =	sadd.s32 s13, s0;
	s16 =	sshll.u32 s23, $0x7  }
0x11: {  	v0 =	vmul.u32 $0x10, v0;
	s14 =	sshll.u32 s23, $0x4;
	s24 =	sshll.u32 s12, $0x7;
	s12 =	sshll.u32 s12, $0x4  }
0x12: {  	v2 =	vimm.f32 $0.0e+00;
	s26 =	sshrl.u32 s17, $0x3;
	s18 =	smax.u32 s22, $0x1;
	s22 =	simm.s32 $0x8400  }
.Ltmp0:
0x13: {  	v3 =	vor.u32 $0x100, v0;
	v4 =	vor.u32 $0x200, v0;
	v5 =	vor.u32 $0x300, v0;
	s23 =	simm.s32 $0x100;
	s16 =	sadd.s32 s16, s1;
	(pc) =	sbr.rel .LBB2_1-.Ltmp0, $4  }
0x14: {  	v6 =	vor.u32 $0x400, v0;
	v7 =	vor.u32 $0x500, v0;
	v8 =	vor.u32 $0x600, v0;
	s14 =	sadd.s32 s14, s2;
	s15 =	sadd.s32 s12, s2;
	[dreg:$0x6] =	wrdreg s16  }
0x15: {  	v9 =	vor.u32 $0x700, v0;
	v10 =	vor.u32 $0x800, v0;
	v11 =	vor.u32 $0x900, v0;
	s17 =	sadd.s32 $0x1E00, s0;
	s0 =	simm.s32 $0x3;
	[dreg:$0x7] =	wrdreg s14  }
0x16: {  	v12 =	vor.u32 $0xA00, v0;
	v13 =	vor.u32 $0xB00, v0;
	v14 =	vor.u32 $0xC00, v0;
	s14 =	sadd.s32 s24, s1;
	s16 =	sadd.s32 s3, s26;
	s24 =	simm.s32 $0x200  }
0x17: {  	v15 =	vor.u32 $0xD00, v0;
	v16 =	vor.u32 $0xE00, v0;
	v17 =	vor.u32 $0xF00, v0;
	s26 =	simm.s32 $0x80;
	s3 =	simm.s32 $0x0;
	[dreg:$0x8] =	wrdreg s14  }
.LBB2_9:
0x18: {  	s6 =	sshll.u32 s4, $0x6  }
0x19: {  	[bflag:$0x0] =	sbarrier.arrive $0xFFFF;
	s12 =	sshrl.u32 s10, $0x3;
	s6 =	sor.u32 $0x1C04, s6  }
0x1a: {  	[hbm:s16], [sflag:s6] =	dma.local [spmem:s12], $0x2710  }
0x1b: {  	_ =	swait.ge [sflag:s20], $0x2710  }
0x1c: {  	s3 =	sadd.s32 $0x1, s3;
	[sflag:s20] =	ssyncset.done $0x0  }
0x1d: {  	p1 =	sne.s32 s3, s18;
	s12 =	sshrl.u32 @!p0 s11, $0x3;
	[sflag:s20] =	ssyncadd.s32 $0xFFFFD8F0  }
0x1e: {  	[hbm:s17], [sflag:s6] =	dma.local @!p0 [spmem:s12], $0x4E2  }
.Ltmp1:
0x1f: {  	_ = 	snop;
	(pc) =	sbr.rel @!p1 .LBB2_10-.Ltmp1, $4  }
0x20: {  	s6 =	simm.s32 @!p0 $0x4  }
0x21: {  	_ =	swait.ge @!p0 [sflag:s6], $0x4E2  }
0x22: {  	[sflag:s6] =	ssyncset.done @!p0 $0x0  }
0x23: {  	[sflag:s6] =	ssyncadd.s32 @!p0 $0xFFFFFB1E  }
.LBB2_1:
0x24: {  	s6 =	simm.s32 $0x0;
	s12 =	rddreg [dreg:$0x5];
	s13 =	simm.s32 $0x9400  }
0x25: {  	[tilespmem:s13], [sflag:$0x4] =	stream.linear.gather [hbm4b:s12+s6], $0x200, $0x38;
	[tilespmem:$0x1F590] =	vst v63  }
0x26: {  	_ =	swait.ge [sflag:s20], $0x200  }
0x27: {  	[sflag:s20] =	ssyncset.done $0x0  }
0x28: {  	[sflag:s20] =	ssyncadd.s32 $0xFFFFFE00  }
0x29: {  	v18 =	vld [tilespmem:$0x9400]  }
0x2a: {  	v19 =	vld [tilespmem:$0x9410]  }
0x2b: {  	v20 =	vld [tilespmem:$0x9420]  }
0x2c: {  	v21 =	vld [tilespmem:$0x9430]  }
0x2d: {  	v22 =	vld [tilespmem:$0x9440]  }
0x2e: {  	v23 =	vld [tilespmem:$0x9450]  }
0x2f: {  	v24 =	vld [tilespmem:$0x9460]  }
0x30: {  	v25 =	vld [tilespmem:$0x9470]  }
0x31: {  	v26 =	vld [tilespmem:$0x9480]  }
0x32: {  	v27 =	vld [tilespmem:$0x9490]  }
0x33: {  	v28 =	vld [tilespmem:$0x94A0]  }
0x34: {  	v29 =	vld [tilespmem:$0x94B0]  }
0x35: {  	v30 =	vld [tilespmem:$0x94C0]  }
0x36: {  	v31 =	vld [tilespmem:$0x94D0]  }
0x37: {  	v32 =	vld [tilespmem:$0x94E0]  }
0x38: {  	v33 =	vld [tilespmem:$0x94F0]  }
0x39: {  	v34 =	vld [tilespmem:$0x9500]  }
0x3a: {  	v35 =	vld [tilespmem:$0x9510]  }
0x3b: {  	v36 =	vld [tilespmem:$0x9520]  }
0x3c: {  	v37 =	vld [tilespmem:$0x9530]  }
0x3d: {  	v38 =	vld [tilespmem:$0x9540]  }
0x3e: {  	v39 =	vld [tilespmem:$0x9550]  }
0x3f: {  	v40 =	vld [tilespmem:$0x9560]  }
0x40: {  	v41 =	vld [tilespmem:$0x9570]  }
0x41: {  	v42 =	vld [tilespmem:$0x9580]  }
0x42: {  	v43 =	vld [tilespmem:$0x9590]  }
0x43: {  	v44 =	vld [tilespmem:$0x95A0]  }
0x44: {  	v45 =	vld [tilespmem:$0x95B0]  }
0x45: {  	v46 =	vld [tilespmem:$0x95C0]  }
0x46: {  	v47 =	vld [tilespmem:$0x95D0]  }
0x47: {  	s12 =	simm.s32 $0x440;
	v48 =	vld [tilespmem:$0x95E0]  }
0x48: {  	v49 =	vld [tilespmem:$0x95F0];
	[tilespmem:s12+$0xFFFFFFD0] =	vst v2  }
0x49: {  	[tilespmem:s12+$0xFFFFFFE0] =	vst v2  }
0x4a: {  	[tilespmem:s12+$0xFFFFFFF0] =	vst v2  }
0x4b: {  	[tilespmem:s12+$0x0] =	vst v2  }
0x4c: {  	[tilespmem:s12+$0x10] =	vst v2  }
0x4d: {  	[tilespmem:s12+$0x20] =	vst v2  }
0x4e: {  	[tilespmem:s12+$0x30] =	vst v2  }
0x4f: {  	s6 =	simm.s32 $0x0;
	s13 =	simm.s32 $0x40;
	[tilespmem:s12+$0xFFFFFFC0] =	vst v2  }
.LBB2_2:
0x50: {  	p1 =	sne.s32 s13, $0x3FC0;
	[tilespmem:s6+$0x8400] =	vst v2;
	s12 =	sadd.s32 $0x80, s12  }
0x51: {  	[tilespmem:s12+$0xFFFFFFD0] =	vst v2  }
0x52: {  	[tilespmem:s12+$0xFFFFFFE0] =	vst v2  }
0x53: {  	[tilespmem:s12+$0xFFFFFFF0] =	vst v2  }
.Ltmp2:
0x54: {  	[tilespmem:s12+$0x0] =	vst v2;
	(pc) =	sbr.rel @p1 .LBB2_2-.Ltmp2, $4  }
0x55: {  	[tilespmem:s12+$0x10] =	vst v2  }
0x56: {  	[tilespmem:s12+$0x20] =	vst v2  }
0x57: {  	[tilespmem:s12+$0x30] =	vst v2  }
0x58: {  	s6 =	sshra.s32 s13, $0x2;
	s13 =	sadd.s32 $0x40, s13;
	[tilespmem:s12+$0xFFFFFFC0] =	vst v2  }
0x59: {  	v18 =	vmax.f32 v18, v19  }
0x5a: {  	v18 =	vmax.f32 v18, v20  }
0x5b: {  	v18 =	vmax.f32 v18, v21  }
0x5c: {  	v18 =	vmax.f32 v18, v22  }
0x5d: {  	v18 =	vmax.f32 v18, v23  }
0x5e: {  	v18 =	vmax.f32 v18, v24  }
0x5f: {  	v18 =	vmax.f32 v18, v25  }
0x60: {  	v18 =	vmax.f32 v18, v26  }
0x61: {  	v18 =	vmax.f32 v18, v27  }
0x62: {  	v18 =	vmax.f32 v18, v28  }
0x63: {  	v18 =	vmax.f32 v18, v29  }
0x64: {  	v18 =	vmax.f32 v18, v30  }
0x65: {  	v18 =	vmax.f32 v18, v31  }
0x66: {  	v18 =	vmax.f32 v18, v32  }
0x67: {  	v18 =	vmax.f32 v18, v33  }
0x68: {  	v18 =	vmax.f32 v18, v34  }
0x69: {  	v18 =	vmax.f32 v18, v35  }
0x6a: {  	v18 =	vmax.f32 v18, v36  }
0x6b: {  	v18 =	vmax.f32 v18, v37  }
0x6c: {  	v18 =	vmax.f32 v18, v38  }
0x6d: {  	v18 =	vmax.f32 v18, v39  }
0x6e: {  	v18 =	vmax.f32 v18, v40  }
0x6f: {  	v18 =	vmax.f32 v18, v41  }
0x70: {  	v18 =	vmax.f32 v18, v42  }
0x71: {  	v18 =	vmax.f32 v18, v43  }
0x72: {  	v18 =	vmax.f32 v18, v44  }
0x73: {  	v18 =	vmax.f32 v18, v45  }
0x74: {  	v18 =	vmax.f32 v18, v46  }
0x75: {  	v18 =	vmax.f32 v18, v47  }
0x76: {  	v18 =	vmax.f32 v18, v48  }
0x77: {  	v18 =	vmax.f32 v18, v49  }
0x78: {  	(xrf0) =	vmax.scan.msk.f32 $0xffff, v18;
	_ =	sdelay $0x4  }
0x79: {  	[tilespmem:s6+$0x8400] =	vst v2  }
0x7a: {  	[spmem:s10] =	stream.linear.scatter [tilespmem:s21], [sflag:$0x4], $0x8000, $0x38;
	v18, _, _ =	vpop (xrf0);
	[tilespmem:$0x1F590] =	vst v63  }
0x7b: {  	_ =	swait.ge [sflag:s20], $0x8000  }
0x7c: {  	[sflag:s20] =	ssyncset.done $0x0  }
0x7d: {  	[sflag:s20] =	ssyncadd.s32 $0xFFFF8000  }
0x7e: {  	[spmem:s11] =	stream.linear.scatter [tilespmem:s22], [sflag:$0x4], $0x1000, $0x38;
	[tilespmem:$0x1F590] =	vst v63  }
0x7f: {  	_ =	swait.ge [sflag:s20], $0x1000  }
0x80: {  	[sflag:s20] =	ssyncset.done $0x0  }
0x81: {  	s13 =	rddreg [dreg:$0x6];
	[sflag:s20] =	ssyncadd.s32 $0xFFFFF000  }
0x82: {  	[spmem:s13] =	stream.linear.scatter [tilespmem:s21], [sflag:$0x4], $0x8000, $0x38;
	[tilespmem:$0x1F590] =	vst v63  }
0x83: {  	_ =	swait.ge [sflag:s20], $0x8000  }
0x84: {  	[sflag:s20] =	ssyncset.done $0x0  }
0x85: {  	s14 =	rddreg [dreg:$0x7];
	[sflag:s20] =	ssyncadd.s32 $0xFFFF8000  }
0x86: {  	[spmem:s14] =	stream.linear.scatter [tilespmem:s22], [sflag:$0x4], $0x1000, $0x38;
	[tilespmem:$0x1F590] =	vst v63  }
0x87: {  	_ =	swait.ge [sflag:s20], $0x1000  }
0x88: {  	[sflag:s20] =	ssyncset.done $0x0  }
0x89: {  	s19 =	rddreg [dreg:$0x8];
	[sflag:s20] =	ssyncadd.s32 $0xFFFFF000  }
0x8a: {  	[spmem:s19] =	stream.linear.scatter [tilespmem:s21], [sflag:$0x4], $0x3880, $0x38;
	[tilespmem:$0x1F590] =	vst v63  }
0x8b: {  	_ =	swait.ge [sflag:s20], $0x3880  }
0x8c: {  	[sflag:s20] =	ssyncset.done $0x0  }
0x8d: {  	[sflag:s20] =	ssyncadd.s32 $0xFFFFC780  }
0x8e: {  	[spmem:s15] =	stream.linear.scatter [tilespmem:s22], [sflag:$0x4], $0x710, $0x38;
	[tilespmem:$0x1F590] =	vst v63  }
.Ltmp3:
0x8f: {  	_ =	swait.ge [sflag:s20], $0x710;
	(pc) =	sbr.rel .LBB2_4-.Ltmp3, $4  }
0x90: {  	[sflag:s20] =	ssyncset.done $0x0  }
0x91: {  	v18 =	vadd.f32 $0.0e+00, v18;
	[sflag:s20] =	ssyncadd.s32 $0xFFFFF8F0  }
0x92: {  	[bflag:$0x0] =	sbarrier.arrive $0xFFFF  }
0x93: {  	v18 =	vbroadcast v18, $0xF;
	s19 =	simm.s32 $0x0  }
.LBB2_8:
0x94: {  	s19 =	sadd.s32 $0x1, s19  }
0x95: {  	p1 =	sne.s32 s19, $0x28  }
.Ltmp4:
0x96: {  	_ = 	snop;
	(pc) =	sbr.rel @!p1 .LBB2_9-.Ltmp4, $1  }
0x97: {  	_ =	sdelay $0x3  }
.LBB2_4:
0x98: {  	s6 =	sshll.u32 s19, $0x4  }
0x99: {  	s6 =	sor.u32 s4, s6  }
0x9a: {  	p1 =	sgt.u32 s6, $0x270  }
.Ltmp5:
0x9b: {  	_ = 	snop;
	(pc) =	sbr.rel @p1 .LBB2_8-.Ltmp5, $1  }
0x9c: {  	_ =	sdelay $0x3  }
0x9d: {  	s12 =	sshll.u32 s6, $0x5  }
0x9e: {  	s6 =	simm.s32 $0x0;
	s13 =	sadd.s32 s7, s12  }
0x9f: {  	[tilespmem:s6], [sflag:$0x1] =	stream.linear.gather [hbm4b:s13+s6], $0x100, $0x38;
	[tilespmem:$0x1F590] =	vst v63  }
0xa0: {  	s14 =	sadd.s32 s8, s12  }
0xa1: {  	[tilespmem:s23], [sflag:$0x1] =	stream.linear.gather [hbm4b:s14+s6], $0x100, $0x38;
	[tilespmem:$0x1F590] =	vst v63  }
0xa2: {  	s12 =	sadd.s32 s5, s12  }
0xa3: {  	[tilespmem:s24], [sflag:$0x4] =	stream.linear.gather [hbm4b:s12+s6], $0x100, $0x38;
	[tilespmem:$0x1F590] =	vst v63  }
0xa4: {  	_ =	swait.ge [sflag:s20], $0x100  }
0xa5: {  	[sflag:s20] =	ssyncset.done $0x0  }
0xa6: {  	[sflag:s20] =	ssyncadd.s32 $0xFFFFFF00  }
0xa7: {  	_ =	swait.ge [sflag:s25], $0x100  }
0xa8: {  	[sflag:s25] =	ssyncset.done $0x0  }
0xa9: {  	[sflag:s25] =	ssyncadd.s32 $0xFFFFFF00  }
0xaa: {  	_ =	swait.ge [sflag:s25], $0x100  }
0xab: {  	[sflag:s25] =	ssyncset.done $0x0  }
0xac: {  	[sflag:s25] =	ssyncadd.s32 $0xFFFFFF00  }
0xad: {  	v19 =	vld [tilespmem:$0x0]  }
0xae: {  	v20 =	vld [tilespmem:$0x10]  }
0xaf: {  	v21 =	vld [tilespmem:$0x20]  }
0xb0: {  	v22 =	vld [tilespmem:$0x30]  }
0xb1: {  	v23 =	vld [tilespmem:$0x40]  }
0xb2: {  	v24 =	vld [tilespmem:$0x50];
	v19 =	vadd.s32 v1, v19  }
0xb3: {  	[tilespmem:$0x0] =	vst v19;
	v19 =	vadd.s32 v1, v20;
	v20 =	vld [tilespmem:$0x60]  }
0xb4: {  	[tilespmem:$0x10] =	vst v19;
	v19 =	vadd.s32 v1, v21;
	v21 =	vld [tilespmem:$0x70]  }
0xb5: {  	[tilespmem:$0x20] =	vst v19;
	v19 =	vadd.s32 v1, v22;
	v22 =	vld [tilespmem:$0x80]  }
0xb6: {  	[tilespmem:$0x30] =	vst v19;
	v19 =	vadd.s32 v1, v23;
	v23 =	vld [tilespmem:$0x90]  }
0xb7: {  	[tilespmem:$0x40] =	vst v19;
	v19 =	vadd.s32 v1, v24;
	v24 =	vld [tilespmem:$0xA0]  }
0xb8: {  	[tilespmem:$0x50] =	vst v19;
	v19 =	vadd.s32 v1, v20;
	v20 =	vld [tilespmem:$0xB0]  }
0xb9: {  	[tilespmem:$0x60] =	vst v19;
	v19 =	vadd.s32 v1, v21;
	v21 =	vld [tilespmem:$0xC0]  }
0xba: {  	[tilespmem:$0x70] =	vst v19;
	v19 =	vadd.s32 v1, v22;
	v22 =	vld [tilespmem:$0xD0]  }
0xbb: {  	[tilespmem:$0x80] =	vst v19;
	v19 =	vadd.s32 v1, v23;
	v23 =	vld [tilespmem:$0xE0]  }
0xbc: {  	[tilespmem:$0x90] =	vst v19;
	v19 =	vadd.s32 v1, v24;
	v24 =	vld [tilespmem:$0xF0]  }
0xbd: {  	[tilespmem:$0xA0] =	vst v19;
	v19 =	vadd.s32 v1, v20  }
0xbe: {  	[tilespmem:$0xB0] =	vst v19;
	v19 =	vadd.s32 v1, v21  }
0xbf: {  	[tilespmem:$0xC0] =	vst v19;
	v19 =	vadd.s32 v1, v22  }
0xc0: {  	[tilespmem:$0xD0] =	vst v19;
	v19 =	vadd.s32 v1, v23  }
0xc1: {  	[tilespmem:$0xE0] =	vst v19;
	v19 =	vadd.s32 v1, v24  }
0xc2: {  	[tilespmem:$0xF0] =	vst v19  }
0xc3: {  	[tilespmem:s21], [sflag:$0x2] =	stream.indirect.gather [hbm4b:s9+s26], $0x80, s6, s26, $0xb8;
	[tilespmem:$0x1F590] =	vst v63  }
0xc4: {  	_ = 	snop  }
0xc5: {  	[tilespmem:s28], [sflag:$0x2] =	stream.indirect.gather [hbm4b:s9+s26], $0x80, s26, s26, $0xb8;
	[tilespmem:$0x1F590] =	vst v63  }
0xc6: {  	v19 =	vld [tilespmem:$0x200];
	_ =	sdelay $0x4  }
0xc7: {  	v19 =	vsub.f32 v19, v18;
	_ =	sdelay $0x1  }
0xc8: {  	v19 =	vmul.f32 $1.442695020e+00, v19;
	_ =	sdelay $0x1  }
0xc9: {  	(erf) = vpow2.f32 v19;
	_ =	sdelay $0x8  }
0xca: {  	v19 =	vpop (erf)  }
0xcb: {  	[tilespmem:$0x300] =	vst v19  }
0xcc: {  	[tilespmem:v0+s22+$0x0] =	vst.idx.msk $0xffff, v19  }
0xcd: {  	v19 =	vld [tilespmem:$0x210];
	_ =	sdelay $0x4  }
0xce: {  	v19 =	vsub.f32 v19, v18;
	_ =	sdelay $0x1  }
0xcf: {  	v19 =	vmul.f32 $1.442695020e+00, v19;
	_ =	sdelay $0x1  }
0xd0: {  	(erf) = vpow2.f32 v19;
	_ =	sdelay $0x8  }
0xd1: {  	v19 =	vpop (erf)  }
0xd2: {  	[tilespmem:$0x310] =	vst v19  }
0xd3: {  	[tilespmem:v3+s22+$0x0] =	vst.idx.msk $0xffff, v19  }
0xd4: {  	v19 =	vld [tilespmem:$0x220];
	_ =	sdelay $0x4  }
0xd5: {  	v19 =	vsub.f32 v19, v18;
	_ =	sdelay $0x1  }
0xd6: {  	v19 =	vmul.f32 $1.442695020e+00, v19;
	_ =	sdelay $0x1  }
0xd7: {  	(erf) = vpow2.f32 v19;
	_ =	sdelay $0x8  }
0xd8: {  	v19 =	vpop (erf)  }
0xd9: {  	[tilespmem:$0x320] =	vst v19  }
0xda: {  	[tilespmem:v4+s22+$0x0] =	vst.idx.msk $0xffff, v19  }
0xdb: {  	v19 =	vld [tilespmem:$0x230];
	_ =	sdelay $0x4  }
0xdc: {  	v19 =	vsub.f32 v19, v18;
	_ =	sdelay $0x1  }
0xdd: {  	v19 =	vmul.f32 $1.442695020e+00, v19;
	_ =	sdelay $0x1  }
0xde: {  	(erf) = vpow2.f32 v19;
	_ =	sdelay $0x8  }
0xdf: {  	v19 =	vpop (erf)  }
0xe0: {  	[tilespmem:$0x330] =	vst v19  }
0xe1: {  	[tilespmem:v5+s22+$0x0] =	vst.idx.msk $0xffff, v19  }
0xe2: {  	v19 =	vld [tilespmem:$0x240];
	_ =	sdelay $0x4  }
0xe3: {  	v19 =	vsub.f32 v19, v18;
	_ =	sdelay $0x1  }
0xe4: {  	v19 =	vmul.f32 $1.442695020e+00, v19;
	_ =	sdelay $0x1  }
0xe5: {  	(erf) = vpow2.f32 v19;
	_ =	sdelay $0x8  }
0xe6: {  	v19 =	vpop (erf)  }
0xe7: {  	[tilespmem:$0x340] =	vst v19  }
0xe8: {  	[tilespmem:v6+s22+$0x0] =	vst.idx.msk $0xffff, v19  }
0xe9: {  	v19 =	vld [tilespmem:$0x250];
	_ =	sdelay $0x4  }
0xea: {  	v19 =	vsub.f32 v19, v18;
	_ =	sdelay $0x1  }
0xeb: {  	v19 =	vmul.f32 $1.442695020e+00, v19;
	_ =	sdelay $0x1  }
0xec: {  	(erf) = vpow2.f32 v19;
	_ =	sdelay $0x8  }
0xed: {  	v19 =	vpop (erf)  }
0xee: {  	[tilespmem:$0x350] =	vst v19  }
0xef: {  	[tilespmem:v7+s22+$0x0] =	vst.idx.msk $0xffff, v19  }
0xf0: {  	v19 =	vld [tilespmem:$0x260];
	_ =	sdelay $0x4  }
0xf1: {  	v19 =	vsub.f32 v19, v18;
	_ =	sdelay $0x1  }
0xf2: {  	v19 =	vmul.f32 $1.442695020e+00, v19;
	_ =	sdelay $0x1  }
0xf3: {  	(erf) = vpow2.f32 v19;
	_ =	sdelay $0x8  }
0xf4: {  	v19 =	vpop (erf)  }
0xf5: {  	[tilespmem:$0x360] =	vst v19  }
0xf6: {  	[tilespmem:v8+s22+$0x0] =	vst.idx.msk $0xffff, v19  }
0xf7: {  	v19 =	vld [tilespmem:$0x270];
	_ =	sdelay $0x4  }
0xf8: {  	v19 =	vsub.f32 v19, v18;
	_ =	sdelay $0x1  }
0xf9: {  	v19 =	vmul.f32 $1.442695020e+00, v19;
	_ =	sdelay $0x1  }
0xfa: {  	(erf) = vpow2.f32 v19;
	_ =	sdelay $0x8  }
0xfb: {  	v19 =	vpop (erf)  }
0xfc: {  	[tilespmem:$0x370] =	vst v19  }
0xfd: {  	[tilespmem:v9+s22+$0x0] =	vst.idx.msk $0xffff, v19  }
0xfe: {  	v19 =	vld [tilespmem:$0x280];
	_ =	sdelay $0x4  }
0xff: {  	v19 =	vsub.f32 v19, v18;
	_ =	sdelay $0x1  }
0x100: {  	v19 =	vmul.f32 $1.442695020e+00, v19;
	_ =	sdelay $0x1  }
0x101: {  	(erf) = vpow2.f32 v19;
	_ =	sdelay $0x8  }
0x102: {  	v19 =	vpop (erf)  }
0x103: {  	[tilespmem:$0x380] =	vst v19  }
0x104: {  	[tilespmem:v10+s22+$0x0] =	vst.idx.msk $0xffff, v19  }
0x105: {  	v19 =	vld [tilespmem:$0x290];
	_ =	sdelay $0x4  }
0x106: {  	v19 =	vsub.f32 v19, v18;
	_ =	sdelay $0x1  }
0x107: {  	v19 =	vmul.f32 $1.442695020e+00, v19;
	_ =	sdelay $0x1  }
0x108: {  	(erf) = vpow2.f32 v19;
	_ =	sdelay $0x8  }
0x109: {  	v19 =	vpop (erf)  }
0x10a: {  	[tilespmem:$0x390] =	vst v19  }
0x10b: {  	[tilespmem:v11+s22+$0x0] =	vst.idx.msk $0xffff, v19  }
0x10c: {  	v19 =	vld [tilespmem:$0x2A0];
	_ =	sdelay $0x4  }
0x10d: {  	v19 =	vsub.f32 v19, v18;
	_ =	sdelay $0x1  }
0x10e: {  	v19 =	vmul.f32 $1.442695020e+00, v19;
	_ =	sdelay $0x1  }
0x10f: {  	(erf) = vpow2.f32 v19;
	_ =	sdelay $0x8  }
0x110: {  	v19 =	vpop (erf)  }
0x111: {  	[tilespmem:$0x3A0] =	vst v19  }
0x112: {  	[tilespmem:v12+s22+$0x0] =	vst.idx.msk $0xffff, v19  }
0x113: {  	v19 =	vld [tilespmem:$0x2B0];
	_ =	sdelay $0x4  }
0x114: {  	v19 =	vsub.f32 v19, v18;
	_ =	sdelay $0x1  }
0x115: {  	v19 =	vmul.f32 $1.442695020e+00, v19;
	_ =	sdelay $0x1  }
0x116: {  	(erf) = vpow2.f32 v19;
	_ =	sdelay $0x8  }
0x117: {  	v19 =	vpop (erf)  }
0x118: {  	[tilespmem:$0x3B0] =	vst v19  }
0x119: {  	[tilespmem:v13+s22+$0x0] =	vst.idx.msk $0xffff, v19  }
0x11a: {  	v19 =	vld [tilespmem:$0x2C0];
	_ =	sdelay $0x4  }
0x11b: {  	v19 =	vsub.f32 v19, v18;
	_ =	sdelay $0x1  }
0x11c: {  	v19 =	vmul.f32 $1.442695020e+00, v19;
	_ =	sdelay $0x1  }
0x11d: {  	(erf) = vpow2.f32 v19;
	_ =	sdelay $0x8  }
0x11e: {  	v19 =	vpop (erf)  }
0x11f: {  	[tilespmem:$0x3C0] =	vst v19  }
0x120: {  	[tilespmem:v14+s22+$0x0] =	vst.idx.msk $0xffff, v19  }
0x121: {  	v19 =	vld [tilespmem:$0x2D0];
	_ =	sdelay $0x4  }
0x122: {  	v19 =	vsub.f32 v19, v18;
	_ =	sdelay $0x1  }
0x123: {  	v19 =	vmul.f32 $1.442695020e+00, v19;
	_ =	sdelay $0x1  }
0x124: {  	(erf) = vpow2.f32 v19;
	_ =	sdelay $0x8  }
0x125: {  	v19 =	vpop (erf)  }
0x126: {  	[tilespmem:$0x3D0] =	vst v19  }
0x127: {  	[tilespmem:v15+s22+$0x0] =	vst.idx.msk $0xffff, v19  }
0x128: {  	v19 =	vld [tilespmem:$0x2E0];
	_ =	sdelay $0x4  }
0x129: {  	v19 =	vsub.f32 v19, v18;
	_ =	sdelay $0x1  }
0x12a: {  	v19 =	vmul.f32 $1.442695020e+00, v19;
	_ =	sdelay $0x1  }
0x12b: {  	(erf) = vpow2.f32 v19;
	_ =	sdelay $0x8  }
0x12c: {  	v19 =	vpop (erf)  }
0x12d: {  	[tilespmem:$0x3E0] =	vst v19  }
0x12e: {  	[tilespmem:v16+s22+$0x0] =	vst.idx.msk $0xffff, v19  }
0x12f: {  	v19 =	vld [tilespmem:$0x2F0];
	_ =	sdelay $0x4  }
0x130: {  	v19 =	vsub.f32 v19, v18;
	_ =	sdelay $0x1  }
0x131: {  	v19 =	vmul.f32 $1.442695020e+00, v19;
	_ =	sdelay $0x1  }
0x132: {  	(erf) = vpow2.f32 v19;
	_ =	sdelay $0x8  }
0x133: {  	v19 =	vpop (erf)  }
0x134: {  	[tilespmem:$0x3F0] =	vst v19  }
0x135: {  	[tilespmem:v17+s22+$0x0] =	vst.idx.msk $0xffff, v19  }
0x136: {  	_ =	swait.ge [sflag:s29], $0x4000  }
0x137: {  	[sflag:s29] =	ssyncset.done $0x0  }
0x138: {  	[sflag:s29] =	ssyncadd.s32 $0xFFFFC000  }
0x139: {  	_ =	swait.ge [sflag:s29], $0x4000  }
0x13a: {  	v19 =	vmov s6;
	[sflag:s29] =	ssyncset.done $0x0  }
0x13b: {  	s6 =	simm.s32 $0x440;
	[sflag:s29] =	ssyncadd.s32 $0xFFFFC000  }
0x13c: {  	v23 =	vld [tilespmem:s6+$0x30]  }
0x13d: {  	v26 =	vld [tilespmem:s6+$0x10]  }
0x13e: {  	v24 =	vld [tilespmem:s6+$0xFFFFFFC0]  }
0x13f: {  	v20 =	vld.idx.msk [tilespmem:v19+s30+$0x0], $0xffff  }
0x140: {  	v28 =	vld [tilespmem:s6+$0xFFFFFFE0]  }
0x141: {  	v19 =	vld [tilespmem:s6+$0xFFFFFFF0]  }
0x142: {  	v21 =	vld [tilespmem:s6+$0x20]  }
0x143: {  	v22 =	vld [tilespmem:s6+$0xFFFFFFD0]  }
0x144: {  	v27 =	vmul.f32 v23, v20;
	v23 =	vld [tilespmem:s6+$0x0]  }
0x145: {  	v25 =	vmul.f32 v24, v20  }
0x146: {  	s13 =	simm.s32 $0x440;
	s12 =	simm.s32 $0x1;
	v24 =	vmul.f32 v28, v20;
	v26 =	vmul.f32 v26, v20  }
.LBB2_6:
0x147: {  	p1 =	sne.s32 s12, $0xFF  }
0x148: {  	v22 =	vmul.f32 v22, v20;
	v21 =	vmul.f32 v21, v20;
	[tilespmem:s6+$0x30] =	vst v27;
	s13 =	sadd.s32 $0x80, s13;
	s14 =	smov.u32 s12;
	s12 =	sadd.s32 $0x1, s12  }
0x149: {  	[tilespmem:s6+$0xFFFFFFC0] =	vst v25;
	v25 =	vmul.f32 v19, v20;
	v20 =	vmul.f32 v23, v20  }
0x14a: {  	[tilespmem:s6+$0x10] =	vst v26  }
0x14b: {  	v23 =	vmov s14;
	[tilespmem:s6+$0xFFFFFFE0] =	vst v24  }
0x14c: {  	v19 =	vld [tilespmem:s13+$0xFFFFFFF0];
	[tilespmem:s6+$0xFFFFFFF0] =	vst v25  }
0x14d: {  	v24 =	vld [tilespmem:s13+$0x30];
	[tilespmem:s6+$0x0] =	vst v20  }
0x14e: {  	v26 =	vld [tilespmem:s13+$0x10];
	[tilespmem:s6+$0x20] =	vst v21  }
0x14f: {  	v25 =	vld [tilespmem:s13+$0xFFFFFFC0];
	[tilespmem:s6+$0xFFFFFFD0] =	vst v22;
	s6 =	smov.u32 s13  }
0x150: {  	v20 =	vld.idx.msk [tilespmem:v23+s30+$0x0], $0xffff  }
0x151: {  	v28 =	vld [tilespmem:s13+$0xFFFFFFE0]  }
0x152: {  	v21 =	vld [tilespmem:s13+$0x20]  }
.Ltmp6:
0x153: {  	v22 =	vld [tilespmem:s13+$0xFFFFFFD0];
	(pc) =	sbr.rel @p1 .LBB2_6-.Ltmp6, $3  }
0x154: {  	v23 =	vld [tilespmem:s13+$0x0];
	_ =	sdelay $0x1  }
0x155: {  	v25 =	vmul.f32 v25, v20;
	v27 =	vmul.f32 v24, v20  }
0x156: {  	v26 =	vmul.f32 v26, v20;
	v24 =	vmul.f32 v28, v20  }
0x157: {  	[tilespmem:s6+$0x30] =	vst v27  }
0x158: {  	[tilespmem:s6+$0xFFFFFFC0] =	vst v25  }
0x159: {  	v19 =	vmul.f32 v19, v20;
	[tilespmem:s6+$0x10] =	vst v26  }
0x15a: {  	v21 =	vmul.f32 v21, v20;
	[tilespmem:s6+$0xFFFFFFE0] =	vst v24  }
0x15b: {  	v23 =	vmul.f32 v23, v20;
	[tilespmem:s6+$0xFFFFFFF0] =	vst v19  }
0x15c: {  	v19 =	vmul.f32 v22, v20;
	[tilespmem:s6+$0x20] =	vst v21  }
0x15d: {  	[tilespmem:s6+$0x0] =	vst v23  }
0x15e: {  	[tilespmem:s6+$0xFFFFFFD0] =	vst v19  }
0x15f: {  	[spmem:s1] =	stream.indirect.scatter.add.f32 [tilespmem:s21], [sflag:$0x3], $0x80, s23, s26, $0xb8;
	[tilespmem:$0x1F590] =	vst v63  }
0x160: {  	_ = 	snop  }
0x161: {  	[spmem:s1] =	stream.indirect.scatter.add.f32 [tilespmem:s28], [sflag:$0x3], $0x80, s31, s26, $0xb8;
	[tilespmem:$0x1F590] =	vst v63  }
0x162: {  	s12 =	simm.s32 @!p0 $0x100;
	s13 =	simm.s32 @!p0 $0x8400;
	s6 =	simm.s32 @!p0 $0x80  }
0x163: {  	[spmem:s2] =	stream.indirect.scatter.add.f32 @!p0 [tilespmem:s13], [sflag:$0x3], $0x10, s12, s6, $0xb8;
	[tilespmem:$0x1F590] =	vst v63  }
0x164: {  	s12 =	simm.s32 @!p0 $0x180;
	s13 =	simm.s32 @!p0 $0x8C00  }
0x165: {  	[spmem:s2] =	stream.indirect.scatter.add.f32 @!p0 [tilespmem:s13], [sflag:$0x3], $0x10, s12, s6, $0xb8;
	[tilespmem:$0x1F590] =	vst v63  }
0x166: {  	s6 =	simm.s32 @!p0 $0x3  }
0x167: {  	_ =	swait.ge @!p0 [sflag:s6], $0x800  }
0x168: {  	[sflag:s6] =	ssyncset.done @!p0 $0x0  }
0x169: {  	[sflag:s6] =	ssyncadd.s32 @!p0 $0xFFFFF800  }
0x16a: {  	_ =	swait.ge @!p0 [sflag:s6], $0x800  }
0x16b: {  	[sflag:s6] =	ssyncset.done @!p0 $0x0  }
0x16c: {  	[sflag:s6] =	ssyncadd.s32 @!p0 $0xFFFFF800  }
0x16d: {  	_ =	swait.ge [sflag:s0], $0x4000  }
.Ltmp7:
0x16e: {  	[sflag:s0] =	ssyncset.done $0x0;
	(pc) =	sbr.rel .LBB2_8-.Ltmp7, $4  }
0x16f: {  	[sflag:s0] =	ssyncadd.s32 $0xFFFFC000  }
0x170: {  	_ =	swait.ge [sflag:s0], $0x4000  }
0x171: {  	[sflag:s0] =	ssyncset.done $0x0  }
0x172: {  	[sflag:s0] =	ssyncadd.s32 $0xFFFFC000  }
.LBB2_10:
0x173: {  	_ =	sfence.sel $0x180000  }
0x174: {  	[bflag:$0x0] =	sbarrier.arrive $0xFFFF  }
0x175: {  	_ =	strace $0x9000004A  }
0x176: {  	[bflag:$0x2] =	sbarrier.arrive $0xFFFF  }
0x177: {  	p0 =	sne.s32 s4, $0x0;
	s0 =	rddreg [dreg:$0x4]  }
0x178: {  	s0 =	sadd.s32 @!p0 $0x100000, s0  }
0x179: {  	[sflag:s0] =	ssyncadd.tile.s32 @!p0 $0x1;
	_ =	shalt  }
.Lfunc_end2:
_tile_overlayer_lowered:
.L_overlay_start_2:
0x17a: {  	(tag) =	ssettag $0x2  }
0x17b: {  	s0 =	rddreg [dreg:$0x0];
	s2 =	stileid.u32  }
0x17c: {  	s1 =	rddreg [dreg:$0x1];
	p0 =	sne.s32 s2, $0x0  }
0x17d: {  	s3 =	rddreg [dreg:$0x2];
	[bflag:$0x3] =	sbarrier.arrive $0xFFFF;
	s2 =	simm.s32 @!p0 $0x1C04  }
0x17e: {  	[timem:s3], [sflag:s2] =	dma.local @!p0 [hbm:s0], s1  }
0x17f: {  	s0 =	simm.s32 @!p0 $0x4  }
0x180: {  	_ =	swait.ge @!p0 [sflag:s0], s1  }
0x181: {  	s1 =	ssub.s32 @!p0 $0x0, s1;
	[sflag:s0] =	ssyncset.done @!p0 $0x0  }
0x182: {  	[sflag:s0] =	ssyncadd.s32 @!p0 s1  }
0x183: {  	[bflag:$0x3] =	sbarrier.arrive $0xFFFF  }
0x184: {  	_ =	shalt  }

</sc_bundles>
